<compile_context>
chip_gen: v7x
topology: tpu7x:2x2x1
jax: 0.10.2.dev20260603
libtpu: 0.0.44.dev20260713+nightly
codegen_flags: <defaults>
</compile_context>

<pallas_src>
import functools

import jax
import jax.numpy as jnp
from jax import lax
from jax.experimental import pallas as pl
from jax.experimental.pallas import tpu as pltpu
from jax.experimental.pallas import tpu_sc as plsc

N = 10000
E = 320000
HID = 128
K = 5000

NC = 2
NS = 16
NW = NC * NS
CHUNK = 128
DUMMY = 512
NPAD = N + DUMMY
EPAD = 327680
PER_TEC = EPAD // NW
STEPS = PER_TEC // CHUNK
SUPER = 1024
STEPS_E = PER_TEC // SUPER

ROWS_LO = 624
ROWS_HI = N - 15 * ROWS_LO
Z_LO = 656
Z_HI = NPAD - 15 * Z_LO
ZROWS = 672

_mesh = plsc.VectorSubcoreMesh(core_axis_name="c", subcore_axis_name="s")


def _mp_pass(src3, dst3, table, zeros):
    d = table.shape[1]

    @functools.partial(
        pl.kernel,
        out_type=jax.ShapeDtypeStruct((NC, N, d), jnp.float32),
        mesh=_mesh,
        scratch_types=[
            pltpu.VMEM_SHARED((NPAD, d), jnp.float32),
            pltpu.VMEM((3, CHUNK), jnp.int32),
            pltpu.VMEM((3, CHUNK), jnp.int32),
            pltpu.VMEM((2, CHUNK, d), jnp.float32),
            pltpu.SemaphoreType.DMA((2,)),
            pltpu.SemaphoreType.DMA((2,)),
            pltpu.SemaphoreType.DMA((3,)),
            pltpu.SemaphoreType.DMA((3,)),
        ],
    )
    def k(src_hbm, dst_hbm, table_hbm, zeros_hbm, out_hbm,
          acc, sidx, didx, rows, sem_g, sem_s, sem_si, sem_di):
        cid = lax.axis_index("c")
        sid = lax.axis_index("s")
        wid = cid * NS + sid
        base = sid * ROWS_LO

        @pl.when(sid < NS - 1)
        def _():
            pltpu.sync_copy(zeros_hbm.at[pl.ds(0, Z_LO)],
                            acc.at[pl.ds(sid * Z_LO, Z_LO)])

        @pl.when(sid == NS - 1)
        def _():
            pltpu.sync_copy(zeros_hbm.at[pl.ds(0, Z_HI)],
                            acc.at[pl.ds(15 * Z_LO, Z_HI)])

        plsc.subcore_barrier()

        pltpu.async_copy(src_hbm.at[wid, 0], sidx.at[0], sem_si.at[0])
        pltpu.async_copy(dst_hbm.at[wid, 0], didx.at[0], sem_di.at[0])
        pltpu.async_copy(src_hbm.at[wid, 1], sidx.at[1], sem_si.at[1])
        pltpu.async_copy(dst_hbm.at[wid, 1], didx.at[1], sem_di.at[1])
        pltpu.make_async_copy(src_hbm.at[wid, 0], sidx.at[0], sem_si.at[0]).wait()
        pltpu.async_copy(table_hbm.at[sidx.at[0]], rows.at[0], sem_g.at[0])

        def body(i, carry):
            ib = lax.rem(i, 2)
            nb = 1 - ib
            s_cur = lax.rem(i, 3)
            s_nxt = lax.rem(i + 1, 3)
            s_pre = lax.rem(i + 2, 3)

            @pl.when(i >= 1)
            def _():
                pltpu.make_async_copy(rows.at[nb], acc.at[didx.at[lax.rem(i - 1, 3)]],
                                      sem_s.at[nb]).wait()

            @pl.when(i + 2 < STEPS)
            def _():
                pltpu.async_copy(src_hbm.at[wid, i + 2], sidx.at[s_pre],
                                 sem_si.at[s_pre])
                pltpu.async_copy(dst_hbm.at[wid, i + 2], didx.at[s_pre],
                                 sem_di.at[s_pre])

            @pl.when(i + 1 < STEPS)
            def _():
                pltpu.make_async_copy(src_hbm.at[wid, i + 1], sidx.at[s_nxt],
                                      sem_si.at[s_nxt]).wait()
                pltpu.async_copy(table_hbm.at[sidx.at[s_nxt]], rows.at[nb],
                                 sem_g.at[nb])

            pltpu.make_async_copy(table_hbm.at[sidx.at[s_cur]], rows.at[ib],
                                  sem_g.at[ib]).wait()
            pltpu.make_async_copy(dst_hbm.at[wid, i], didx.at[s_cur],
                                  sem_di.at[s_cur]).wait()
            pltpu.async_copy(rows.at[ib], acc.at[didx.at[s_cur]], sem_s.at[ib],
                             add=True)
            return carry

        lax.fori_loop(0, STEPS, body, 0)
        last = lax.rem(STEPS - 1, 2)
        pltpu.make_async_copy(rows.at[last], acc.at[didx.at[lax.rem(STEPS - 1, 3)]],
                              sem_s.at[last]).wait()
        plsc.subcore_barrier()

        @pl.when(sid < NS - 1)
        def _():
            pltpu.sync_copy(acc.at[pl.ds(base, ROWS_LO)],
                            out_hbm.at[cid, pl.ds(base, ROWS_LO)])

        @pl.when(sid == NS - 1)
        def _():
            pltpu.sync_copy(acc.at[pl.ds(15 * ROWS_LO, ROWS_HI)],
                            out_hbm.at[cid, pl.ds(15 * ROWS_LO, ROWS_HI)])

    return k(src3, dst3, table, zeros)


def _scalar_pass(src4, dst4, t1d, zeros1):

    @functools.partial(
        pl.kernel,
        out_type=jax.ShapeDtypeStruct((NC, N), jnp.float32),
        mesh=_mesh,
        compiler_params=pltpu.CompilerParams(use_tc_tiling_on_sc=False),
        scratch_types=[
            pltpu.VMEM_SHARED((NPAD,), jnp.float32),
            pltpu.VMEM((STEPS_E, SUPER), jnp.int32),
            pltpu.VMEM((STEPS_E, SUPER), jnp.int32),
            pltpu.VMEM((2, SUPER), jnp.float32),
            pltpu.SemaphoreType.DMA((2,)),
            pltpu.SemaphoreType.DMA((2,)),
        ],
    )
    def k(src_hbm, dst_hbm, t_hbm, zeros_hbm, out_hbm,
          acc, sidx, didx, rows, sem_g, sem_s):
        cid = lax.axis_index("c")
        sid = lax.axis_index("s")
        wid = cid * NS + sid
        base = sid * ROWS_LO

        @pl.when(sid < NS - 1)
        def _():
            pltpu.sync_copy(zeros_hbm.at[pl.ds(0, Z_LO)],
                            acc.at[pl.ds(sid * Z_LO, Z_LO)])

        @pl.when(sid == NS - 1)
        def _():
            pltpu.sync_copy(zeros_hbm.at[pl.ds(0, Z_HI)],
                            acc.at[pl.ds(15 * Z_LO, Z_HI)])

        pltpu.sync_copy(src_hbm.at[wid], sidx)
        pltpu.sync_copy(dst_hbm.at[wid], didx)
        plsc.subcore_barrier()

        pltpu.async_copy(t_hbm.at[sidx.at[0]], rows.at[0], sem_g.at[0])

        def body(i, carry):
            ib = lax.rem(i, 2)
            nb = 1 - ib

            @pl.when(i >= 1)
            def _():
                pltpu.make_async_copy(rows.at[nb], acc.at[didx.at[i - 1]],
                                      sem_s.at[nb]).wait()

            @pl.when(i + 1 < STEPS_E)
            def _():
                pltpu.async_copy(t_hbm.at[sidx.at[i + 1]], rows.at[nb],
                                 sem_g.at[nb])

            pltpu.make_async_copy(t_hbm.at[sidx.at[i]], rows.at[ib],
                                  sem_g.at[ib]).wait()
            pltpu.async_copy(rows.at[ib], acc.at[didx.at[i]], sem_s.at[ib],
                             add=True)
            return carry

        lax.fori_loop(0, STEPS_E, body, 0)
        last = lax.rem(STEPS_E - 1, 2)
        pltpu.make_async_copy(rows.at[last], acc.at[didx.at[STEPS_E - 1]],
                              sem_s.at[last]).wait()
        plsc.subcore_barrier()

        @pl.when(sid < NS - 1)
        def _():
            pltpu.sync_copy(acc.at[pl.ds(base, ROWS_LO)],
                            out_hbm.at[cid, pl.ds(base, ROWS_LO)])

        @pl.when(sid == NS - 1)
        def _():
            pltpu.sync_copy(acc.at[pl.ds(15 * ROWS_LO, ROWS_HI)],
                            out_hbm.at[cid, pl.ds(15 * ROWS_LO, ROWS_HI)])

    return k(src4, dst4, t1d, zeros1)


def _degrees(src4, dst4, ones, zeros1):

    @functools.partial(
        pl.kernel,
        out_type=(jax.ShapeDtypeStruct((NC, N), jnp.float32),
                  jax.ShapeDtypeStruct((NC, N), jnp.float32)),
        mesh=_mesh,
        compiler_params=pltpu.CompilerParams(use_tc_tiling_on_sc=False),
        scratch_types=[
            pltpu.VMEM_SHARED((NPAD,), jnp.float32),
            pltpu.VMEM_SHARED((NPAD,), jnp.float32),
            pltpu.VMEM((STEPS_E, SUPER), jnp.int32),
            pltpu.VMEM((STEPS_E, SUPER), jnp.int32),
            pltpu.VMEM((SUPER,), jnp.float32),
            pltpu.SemaphoreType.DMA((2,)),
            pltpu.SemaphoreType.DMA((2,)),
        ],
    )
    def k(src_hbm, dst_hbm, ones_hbm, zeros_hbm, outs_hbm, outd_hbm,
          acc_s, acc_d, sidx, didx, ones_v, sem_s, sem_d):
        cid = lax.axis_index("c")
        sid = lax.axis_index("s")
        wid = cid * NS + sid
        base = sid * ROWS_LO

        pltpu.sync_copy(ones_hbm, ones_v)

        @pl.when(sid < NS - 1)
        def _():
            pltpu.sync_copy(zeros_hbm.at[pl.ds(0, Z_LO)],
                            acc_s.at[pl.ds(sid * Z_LO, Z_LO)])
            pltpu.sync_copy(zeros_hbm.at[pl.ds(0, Z_LO)],
                            acc_d.at[pl.ds(sid * Z_LO, Z_LO)])

        @pl.when(sid == NS - 1)
        def _():
            pltpu.sync_copy(zeros_hbm.at[pl.ds(0, Z_HI)],
                            acc_s.at[pl.ds(15 * Z_LO, Z_HI)])
            pltpu.sync_copy(zeros_hbm.at[pl.ds(0, Z_HI)],
                            acc_d.at[pl.ds(15 * Z_LO, Z_HI)])

        pltpu.sync_copy(src_hbm.at[wid], sidx)
        pltpu.sync_copy(dst_hbm.at[wid], didx)
        plsc.subcore_barrier()

        def body(i, carry):
            ib = lax.rem(i, 2)
            nb = 1 - ib

            @pl.when(i >= 1)
            def _():
                pltpu.make_async_copy(ones_v, acc_s.at[sidx.at[i - 1]],
                                      sem_s.at[nb]).wait()
                pltpu.make_async_copy(ones_v, acc_d.at[didx.at[i - 1]],
                                      sem_d.at[nb]).wait()

            pltpu.async_copy(ones_v, acc_s.at[sidx.at[i]], sem_s.at[ib], add=True)
            pltpu.async_copy(ones_v, acc_d.at[didx.at[i]], sem_d.at[ib], add=True)
            return carry

        lax.fori_loop(0, STEPS_E, body, 0)
        last = lax.rem(STEPS_E - 1, 2)
        pltpu.make_async_copy(ones_v, acc_s.at[sidx.at[STEPS_E - 1]],
                              sem_s.at[last]).wait()
        pltpu.make_async_copy(ones_v, acc_d.at[didx.at[STEPS_E - 1]],
                              sem_d.at[last]).wait()
        plsc.subcore_barrier()

        @pl.when(sid < NS - 1)
        def _():
            pltpu.sync_copy(acc_s.at[pl.ds(base, ROWS_LO)],
                            outs_hbm.at[cid, pl.ds(base, ROWS_LO)])
            pltpu.sync_copy(acc_d.at[pl.ds(base, ROWS_LO)],
                            outd_hbm.at[cid, pl.ds(base, ROWS_LO)])

        @pl.when(sid == NS - 1)
        def _():
            pltpu.sync_copy(acc_s.at[pl.ds(15 * ROWS_LO, ROWS_HI)],
                            outs_hbm.at[cid, pl.ds(15 * ROWS_LO, ROWS_HI)])
            pltpu.sync_copy(acc_d.at[pl.ds(15 * ROWS_LO, ROWS_HI)],
                            outd_hbm.at[cid, pl.ds(15 * ROWS_LO, ROWS_HI)])

    return k(src4, dst4, ones, zeros1)



def _tc_norms_g0(dpo, dpi, x, w0):
    def body(dpo_ref, dpi_ref, x_ref, w_ref, ns_ref, nd_ref, g0_ref):
        deg_o = dpo_ref[0] + dpo_ref[1]
        deg_i = dpi_ref[0] + dpi_ref[1]
        ns = lax.rsqrt(jnp.maximum(deg_o, 1.0))
        nd = lax.rsqrt(jnp.maximum(deg_i, 1.0))
        ns_ref[...] = ns
        nd_ref[...] = nd
        y = jnp.dot(x_ref[...], w_ref[...], preferred_element_type=jnp.float32)
        g0_ref[0:N, :] = y * ns
        g0_ref[N:NPAD, :] = jnp.zeros((DUMMY, HID), jnp.float32)

    return pl.pallas_call(
        body,
        out_shape=(jax.ShapeDtypeStruct((N, 1), jnp.float32),
                   jax.ShapeDtypeStruct((N, 1), jnp.float32),
                   jax.ShapeDtypeStruct((NPAD, HID), jnp.float32)),
    )(dpo, dpi, x, w0)


def _tc_layer(aggp, nd, ns, b, w_next):
    def body(p_ref, nd_ref, ns_ref, b_ref, w_ref, h_ref, g_ref):
        h = (p_ref[0] + p_ref[1]) * nd_ref[...] + b_ref[...]
        h_ref[...] = h
        g_ref[0:N, :] = jnp.dot(h, w_ref[...], preferred_element_type=jnp.float32) * ns_ref[...]
        g_ref[N:NPAD, :] = jnp.zeros((DUMMY, HID), jnp.float32)

    return pl.pallas_call(
        body,
        out_shape=(jax.ShapeDtypeStruct((N, HID), jnp.float32),
                   jax.ShapeDtypeStruct((NPAD, HID), jnp.float32)),
    )(aggp, nd, ns, b, w_next)


def _tc_score_prep(aggp, nd, ns, b2, h1, h2, ws):
    def body(p_ref, nd_ref, ns_ref, b_ref, h1_ref, h2_ref, ws_ref, h3_ref, t_ref):
        h3 = (p_ref[0] + p_ref[1]) * nd_ref[...] + b_ref[...]
        h3_ref[...] = h3
        t = (jnp.dot(h1_ref[...], ws_ref[0:HID], preferred_element_type=jnp.float32)
             + jnp.dot(h2_ref[...], ws_ref[HID:2 * HID], preferred_element_type=jnp.float32)
             + jnp.dot(h3, ws_ref[2 * HID:3 * HID], preferred_element_type=jnp.float32))
        t_ref[...] = t * ns_ref[...]

    return pl.pallas_call(
        body,
        out_shape=(jax.ShapeDtypeStruct((N, HID), jnp.float32),
                   jax.ShapeDtypeStruct((N, 1), jnp.float32)),
    )(aggp, nd, ns, b2, h1, h2, ws)


def _tc_final(spr, spc, nd_row, nd, bs, h1, h2, h3, seq,
              wl1, bl1, wl2, bl2, wl3, bl3):
    def body(spr_ref, spc_ref, ndr_ref, nd_ref, bs_ref,
             h1_ref, h2_ref, h3_ref, seq_ref,
             wl1_ref, bl1_ref, wl2_ref, bl2_ref, wl3_ref, bl3_ref, out_ref):
        min_i32 = jnp.int32(-2147483648)
        mask7f = jnp.int32(0x7FFFFFFF)

        s_row = (spr_ref[0] + spr_ref[1]) * ndr_ref[...] + bs_ref[...]
        bits_r = lax.bitcast_convert_type(s_row, jnp.int32)
        key_r = bits_r ^ (mask7f & (bits_r >> 31))

        def bis_a(i, acc):
            cand = acc | (jnp.int32(1) << (31 - i))
            cnt = jnp.sum((key_r >= (cand ^ min_i32)).astype(jnp.int32))
            return jnp.where(cnt >= K, cand, acc)

        tau_u = lax.fori_loop(0, 32, bis_a, jnp.int32(0))
        tau_s = tau_u ^ min_i32

        cnt_gt = jnp.sum((key_r > tau_s).astype(jnp.int32))
        r = K - cnt_gt
        eq_r = key_r == tau_s
        idx_r = lax.broadcasted_iota(jnp.int32, (1, N), 1)

        def bis_b(i, acc):
            cand = acc | (jnp.int32(1) << (13 - i))
            f = jnp.sum((eq_r & (idx_r < cand)).astype(jnp.int32))
            return jnp.where(f <= r, cand, acc)

        m = lax.fori_loop(0, 14, bis_b, jnp.int32(0))

        s_col = (spc_ref[0] + spc_ref[1]) * nd_ref[...] + bs_ref[0, 0]
        bits_c = lax.bitcast_convert_type(s_col, jnp.int32)
        key_c = bits_c ^ (mask7f & (bits_c >> 31))
        idx_c = lax.broadcasted_iota(jnp.int32, (N, 1), 0)
        sel = (key_c > tau_s) | ((key_c == tau_s) & (idx_c < m))

        w1 = jnp.tanh(s_col) * sel.astype(jnp.float32)

        cat = jnp.concatenate([h1_ref[...], h2_ref[...], h3_ref[...]], axis=1)
        pooled = cat * w1
        avg = jnp.sum(pooled, axis=0, keepdims=True) * (1.0 / K)
        neg = jnp.float32(-jnp.inf)
        mx = jnp.max(jnp.where(sel, pooled, neg), axis=0, keepdims=True)

        feat = jnp.concatenate([avg, mx, seq_ref[...]], axis=1)
        a1 = jnp.maximum(
            jnp.dot(feat, wl1_ref[...], preferred_element_type=jnp.float32)
            + bl1_ref[...], 0.0)
        a2 = jnp.maximum(
            jnp.dot(a1, wl2_ref[...], preferred_element_type=jnp.float32)
            + bl2_ref[...], 0.0)
        out_ref[...] = (jnp.dot(a2, wl3_ref[...], preferred_element_type=jnp.float32)
                        + bl3_ref[...])

    return pl.pallas_call(
        body,
        out_shape=jax.ShapeDtypeStruct((1, 128), jnp.float32),
    )(spr, spc, nd_row, nd, bs, h1, h2, h3, seq, wl1, bl1, wl2, bl2, wl3, bl3)


def kernel(x, edge_index, sequence_feature, W0, b0, W1, b1, W2, b2, Ws, bs,
           Wl1, bl1, Wl2, bl2, Wl3, bl3):
    pad = (N + (jnp.arange(EPAD - E, dtype=jnp.int32) % DUMMY)).astype(jnp.int32)
    src_flat = jnp.concatenate([edge_index[0], pad])
    dst_flat = jnp.concatenate([edge_index[1], pad])
    src = src_flat.reshape(NW, STEPS, CHUNK)
    dst = dst_flat.reshape(NW, STEPS, CHUNK)
    src_e = src_flat.reshape(NW, STEPS_E, SUPER)
    dst_e = dst_flat.reshape(NW, STEPS_E, SUPER)

    zeros128 = jnp.zeros((ZROWS, HID), jnp.float32)
    zeros1 = jnp.zeros((ZROWS,), jnp.float32)
    ones_e = jnp.ones((SUPER,), jnp.float32)

    dpo, dpi = _degrees(src_e, dst_e, ones_e, zeros1)

    ns, nd, g0 = _tc_norms_g0(dpo.reshape(NC, N, 1), dpi.reshape(NC, N, 1), x, W0)

    p0 = _mp_pass(src, dst, g0, zeros128)
    h1, g1 = _tc_layer(p0, nd, ns, b0.reshape(1, HID), W1)
    p1 = _mp_pass(src, dst, g1, zeros128)
    h2, g2 = _tc_layer(p1, nd, ns, b1.reshape(1, HID), W2)
    p2 = _mp_pass(src, dst, g2, zeros128)
    h3, t = _tc_score_prep(p2, nd, ns, b2.reshape(1, HID), h1, h2, Ws)

    t1d = jnp.concatenate([t.reshape(N), jnp.zeros((DUMMY,), jnp.float32)])
    sp = _scalar_pass(src_e, dst_e, t1d, zeros1)

    return _tc_final(sp.reshape(NC, 1, N), sp.reshape(NC, N, 1),
                     nd.reshape(1, N), nd, bs.reshape(1, 1),
                     h1, h2, h3, sequence_feature,
                     Wl1, bl1, Wl2, bl2, Wl3, bl3)

# --- scband reference (transcript-rebuilt; emitter-appended) ---
"""Pipeline reference for scband-sagnetwork-global-22874995818685 (READ-ONLY COPY).

The authoritative reference and input builder live on the scoring server;
editing this copy changes nothing except your own understanding.
"""

import jax, jax.numpy as jnp
import numpy as np

N = 10000
E = 320000
IN_DIM = 128
HID = 128
OUT_DIM = 128
SEQ_DIM = 1024
RATIO = 0.5


def setup_inputs(seed: int = 0) -> dict:
    key = jax.random.key(seed)
    ks = jax.random.split(key, 12)
    s = 0.05
    inp = {}
    inp["x"] = jax.random.normal(ks[0], (N, IN_DIM), jnp.float32)
    inp["edge_index"] = jax.random.randint(ks[1], (2, E), 0, N, jnp.int32)
    inp["sequence_feature"] = jax.random.normal(ks[2], (1, SEQ_DIM), jnp.float32)
    inp["W0"] = jax.random.normal(ks[3], (IN_DIM, HID), jnp.float32) * s
    inp["b0"] = jnp.zeros((HID,), jnp.float32)
    inp["W1"] = jax.random.normal(ks[4], (HID, HID), jnp.float32) * s
    inp["b1"] = jnp.zeros((HID,), jnp.float32)
    inp["W2"] = jax.random.normal(ks[5], (HID, HID), jnp.float32) * s
    inp["b2"] = jnp.zeros((HID,), jnp.float32)
    inp["Ws"] = jax.random.normal(ks[6], (3 * HID, 1), jnp.float32) * s
    inp["bs"] = jnp.zeros((1,), jnp.float32)
    inp["Wl1"] = jax.random.normal(ks[7], (3 * HID * 2 + SEQ_DIM, HID), jnp.float32) * s
    inp["bl1"] = jnp.zeros((HID,), jnp.float32)
    inp["Wl2"] = jax.random.normal(ks[8], (HID, HID // 2), jnp.float32) * s
    inp["bl2"] = jnp.zeros((HID // 2,), jnp.float32)
    inp["Wl3"] = jax.random.normal(ks[9], (HID // 2, OUT_DIM), jnp.float32) * s
    inp["bl3"] = jnp.zeros((OUT_DIM,), jnp.float32)
    return inp


def _graph_conv(h, src, dst, W, b):
    # DGL GraphConv with norm='both': D_dst^{-1/2} A D_src^{-1/2} X W + b
    deg_out = jnp.zeros((N,), jnp.float32).at[src].add(1.0)
    deg_in = jnp.zeros((N,), jnp.float32).at[dst].add(1.0)
    norm_src = jax.lax.rsqrt(jnp.clip(deg_out, 1.0))
    norm_dst = jax.lax.rsqrt(jnp.clip(deg_in, 1.0))
    hs = h * norm_src[:, None]
    msg = jnp.take(hs, src, axis=0)
    agg = jax.ops.segment_sum(msg, dst, num_segments=N)
    agg = agg * norm_dst[:, None]
    return agg @ W + b


def reference(x, edge_index, sequence_feature, W0, b0, W1, b1, W2, b2, Ws, bs, Wl1, bl1, Wl2, bl2, Wl3, bl3):
    src = edge_index[0]
    dst = edge_index[1]
    h = x
    feats = []
    for W, b in ((W0, b0), (W1, b1), (W2, b2)):
        h = _graph_conv(h, src, dst, W, b)
        feats.append(h)
    cat = jnp.concatenate(feats, axis=-1)
    # SAGPool: GraphConv scorer -> top-k nodes -> gate by tanh(score)
    score = _graph_conv(cat, src, dst, Ws, bs)[:, 0]
    k = int(np.ceil(RATIO * N))
    topv, topi = jax.lax.top_k(score, k)
    pooled = jnp.take(cat, topi, axis=0) * jnp.tanh(topv)[:, None]
    # global avg + max readout over pooled nodes (single graph)
    avg = jnp.mean(pooled, axis=0, keepdims=True)
    mx = jnp.max(pooled, axis=0, keepdims=True)
    feat = jnp.concatenate([avg, mx, sequence_feature], axis=-1)
    h1 = jax.nn.relu(feat @ Wl1 + bl1)
    h2 = jax.nn.relu(h1 @ Wl2 + bl2)
    return h2 @ Wl3 + bl3

if __name__ == "__main__":
    import jax
    _d = setup_inputs()
    print(jax.jit(kernel)(*tuple(_d.values())))

</pallas_src>

<mosaic_0001>
#map = affine_map<(d0, d1) -> (0, 0, 0)>
#map1 = affine_map<(d0, d1) -> (0, 0)>
module attributes {stable_mosaic.version = 14 : i64} {
  func.func @k(%arg0: i32, %arg1: i32, %arg2: memref<32x80x128xi32, #tpu.memory_space<hbm>>, %arg3: memref<32x80x128xi32, #tpu.memory_space<hbm>>, %arg4: memref<10512x128xf32, #tpu.memory_space<hbm>>, %arg5: memref<672x128xf32, #tpu.memory_space<hbm>>, %arg6: memref<2x10000x128xf32, #tpu.memory_space<hbm>>, %arg7: memref<10512x128xf32, #tpu.memory_space<vmem_shared>>, %arg8: memref<3x128xi32, #tpu.memory_space<vmem>>, %arg9: memref<3x128xi32, #tpu.memory_space<vmem>>, %arg10: memref<2x128x128xf32, #tpu.memory_space<vmem>>, %arg11: memref<2x!tpu.dma_semaphore, #tpu.memory_space<semaphore_mem>>, %arg12: memref<2x!tpu.dma_semaphore, #tpu.memory_space<semaphore_mem>>, %arg13: memref<3x!tpu.dma_semaphore, #tpu.memory_space<semaphore_mem>>, %arg14: memref<3x!tpu.dma_semaphore, #tpu.memory_space<semaphore_mem>>) attributes {dimension_semantics = [#tpu.dimension_semantics<core_parallel>, #tpu.dimension_semantics<subcore_parallel>], iteration_bounds = array<i64: 2, 16>, scalar_prefetch = 0 : i64, scratch_operands = 8 : i64, tpu.core_type = #tpu.core_type<sc_vector_subcore>, window_params = [{transform_indices = #map}, {transform_indices = #map}, {transform_indices = #map1}, {transform_indices = #map1}, {transform_indices = #map}]} {
    %mul3A = arith.constant 16 : i32
    %mul3A_0 = arith.muli %arg0, %mul3A : i32
    %add3A = arith.addi %mul3A_0, %arg1 : i32
    %mul3A_1 = arith.constant 624 : i32
    %mul3A_2 = arith.muli %arg1, %mul3A_1 : i32
    %lt3A = arith.constant 15 : i32
    %lt3A_3 = arith.cmpi slt, %arg1, %lt3A : i32
    %convert_element_type3A = arith.extui %lt3A_3 : i1 to i32
    %cond3A = arith.constant 0 : i32
    %cond3A_4 = arith.cmpi ne, %convert_element_type3A, %cond3A : i32
    scf.if %cond3A_4 {
      %mul3A_140 = arith.constant 656 : i32
      %mul3A_141 = arith.muli %arg1, %mul3A_140 : i32
      "tpu.region"() ({
        %run_scoped3A = tpu.sem_alloc : memref<!tpu.dma_semaphore, #tpu.memory_space<semaphore_mem>>
        %dma_start3A_142 = arith.constant 0 : i32
        %dma_start3A_143 = tpu.memref_slice %arg7[%mul3A_141, %dma_start3A_142] : memref<10512x128xf32, #tpu.memory_space<vmem_shared>> -> memref<656x128xf32, #tpu.memory_space<vmem_shared>>
        %dma_start3A_144 = arith.constant 0 : i32
        %dma_start3A_145 = arith.constant 0 : i32
        %dma_start3A_146 = tpu.memref_slice %arg5[%dma_start3A_144, %dma_start3A_145] : memref<672x128xf32, #tpu.memory_space<hbm>> -> memref<656x128xf32, #tpu.memory_space<hbm>>
        tpu.enqueue_dma source(%dma_start3A_146 : memref<656x128xf32, #tpu.memory_space<hbm>>) target(%dma_start3A_143 : memref<656x128xf32, #tpu.memory_space<vmem_shared>>) target_semaphore(%run_scoped3A : memref<!tpu.dma_semaphore, #tpu.memory_space<semaphore_mem>>)
        %dma_wait3A_147 = arith.constant 0 : i32
        %dma_wait3A_148 = tpu.memref_slice %arg7[%mul3A_141, %dma_wait3A_147] : memref<10512x128xf32, #tpu.memory_space<vmem_shared>> -> memref<656x128xf32, #tpu.memory_space<vmem_shared>>
        %dma_wait3A_149 = arith.constant 0 : i32
        %dma_wait3A_150 = arith.constant 0 : i32
        %dma_wait3A_151 = tpu.memref_slice %arg5[%dma_wait3A_149, %dma_wait3A_150] : memref<672x128xf32, #tpu.memory_space<hbm>> -> memref<656x128xf32, #tpu.memory_space<hbm>>
        tpu.wait_dma2 semaphore(%run_scoped3A : memref<!tpu.dma_semaphore, #tpu.memory_space<semaphore_mem>>) src(%dma_wait3A_151 : memref<656x128xf32, #tpu.memory_space<hbm>>) dst(%dma_wait3A_148 : memref<656x128xf32, #tpu.memory_space<vmem_shared>>)
        tpu.yield
      }) : () -> ()
    } else {
    }
    %eq3A = arith.constant 15 : i32
    %eq3A_5 = arith.cmpi eq, %arg1, %eq3A : i32
    %convert_element_type3A_6 = arith.extui %eq3A_5 : i1 to i32
    %cond3A_7 = arith.constant 0 : i32
    %cond3A_8 = arith.cmpi ne, %convert_element_type3A_6, %cond3A_7 : i32
    scf.if %cond3A_8 {
      "tpu.region"() ({
        %run_scoped3A = tpu.sem_alloc : memref<!tpu.dma_semaphore, #tpu.memory_space<semaphore_mem>>
        %dma_start3A_140 = arith.constant 9840 : i32
        %dma_start3A_141 = arith.constant 0 : i32
        %dma_start3A_142 = tpu.memref_slice %arg7[%dma_start3A_140, %dma_start3A_141] : memref<10512x128xf32, #tpu.memory_space<vmem_shared>> -> memref<672x128xf32, #tpu.memory_space<vmem_shared>>
        %dma_start3A_143 = arith.constant 0 : i32
        %dma_start3A_144 = arith.constant 0 : i32
        %dma_start3A_145 = tpu.memref_slice %arg5[%dma_start3A_143, %dma_start3A_144] : memref<672x128xf32, #tpu.memory_space<hbm>> -> memref<672x128xf32, #tpu.memory_space<hbm>>
        tpu.enqueue_dma source(%dma_start3A_145 : memref<672x128xf32, #tpu.memory_space<hbm>>) target(%dma_start3A_142 : memref<672x128xf32, #tpu.memory_space<vmem_shared>>) target_semaphore(%run_scoped3A : memref<!tpu.dma_semaphore, #tpu.memory_space<semaphore_mem>>)
        %dma_wait3A_146 = arith.constant 9840 : i32
        %dma_wait3A_147 = arith.constant 0 : i32
        %dma_wait3A_148 = tpu.memref_slice %arg7[%dma_wait3A_146, %dma_wait3A_147] : memref<10512x128xf32, #tpu.memory_space<vmem_shared>> -> memref<672x128xf32, #tpu.memory_space<vmem_shared>>
        %dma_wait3A_149 = arith.constant 0 : i32
        %dma_wait3A_150 = arith.constant 0 : i32
        %dma_wait3A_151 = tpu.memref_slice %arg5[%dma_wait3A_149, %dma_wait3A_150] : memref<672x128xf32, #tpu.memory_space<hbm>> -> memref<672x128xf32, #tpu.memory_space<hbm>>
        tpu.wait_dma2 semaphore(%run_scoped3A : memref<!tpu.dma_semaphore, #tpu.memory_space<semaphore_mem>>) src(%dma_wait3A_151 : memref<672x128xf32, #tpu.memory_space<hbm>>) dst(%dma_wait3A_148 : memref<672x128xf32, #tpu.memory_space<vmem_shared>>)
        tpu.yield
      }) : () -> ()
    } else {
    }
    %barrier3A = arith.constant 0 : index
    tpu.barrier barrier_id(%barrier3A)
    %dma_start3A = arith.constant 0 : i32
    %dma_start3A_9 = arith.constant 0 : i32
    %dma_start3A_10 = arith.constant 0 : i32
    %dma_start3A_11 = arith.constant 0 : i32
    %dma_start3A_12 = tpu.memref_slice %arg8[%dma_start3A_9, %dma_start3A_11] : memref<3x128xi32, #tpu.memory_space<vmem>> -> memref<1x128xi32, #tpu.memory_space<vmem>>
    %dma_start3A_13 = tpu.memref_squeeze %dma_start3A_12 : memref<1x128xi32, #tpu.memory_space<vmem>> -> memref<128xi32, #tpu.memory_space<vmem>>
    %dma_start3A_14 = arith.constant 0 : i32
    %dma_start3A_15 = tpu.memref_slice %arg2[%add3A, %dma_start3A, %dma_start3A_14] : memref<32x80x128xi32, #tpu.memory_space<hbm>> -> memref<1x1x128xi32, #tpu.memory_space<hbm>>
    %dma_start3A_16 = tpu.memref_squeeze %dma_start3A_15 : memref<1x1x128xi32, #tpu.memory_space<hbm>> -> memref<128xi32, #tpu.memory_space<hbm>>
    %dma_start3A_17 = tpu.memref_slice %arg13[%dma_start3A_10] : memref<3x!tpu.dma_semaphore, #tpu.memory_space<semaphore_mem>> -> memref<1x!tpu.dma_semaphore, #tpu.memory_space<semaphore_mem>>
    %dma_start3A_18 = tpu.memref_squeeze %dma_start3A_17 : memref<1x!tpu.dma_semaphore, #tpu.memory_space<semaphore_mem>> -> memref<!tpu.dma_semaphore, #tpu.memory_space<semaphore_mem>>
    %dma_start3A_19 = arith.constant 0 : i32
    %dma_start3A_20 = tpu.memref_slice %arg8[%dma_start3A_9, %dma_start3A_19] : memref<3x128xi32, #tpu.memory_space<vmem>> -> memref<1x128xi32, #tpu.memory_space<vmem>>
    %dma_start3A_21 = tpu.memref_squeeze %dma_start3A_20 : memref<1x128xi32, #tpu.memory_space<vmem>> -> memref<128xi32, #tpu.memory_space<vmem>>
    %dma_start3A_22 = arith.constant 0 : i32
    %dma_start3A_23 = tpu.memref_slice %arg2[%add3A, %dma_start3A, %dma_start3A_22] : memref<32x80x128xi32, #tpu.memory_space<hbm>> -> memref<1x1x128xi32, #tpu.memory_space<hbm>>
    %dma_start3A_24 = tpu.memref_squeeze %dma_start3A_23 : memref<1x1x128xi32, #tpu.memory_space<hbm>> -> memref<128xi32, #tpu.memory_space<hbm>>
    tpu.enqueue_dma source(%dma_start3A_24 : memref<128xi32, #tpu.memory_space<hbm>>) target(%dma_start3A_21 : memref<128xi32, #tpu.memory_space<vmem>>) target_semaphore(%dma_start3A_18 : memref<!tpu.dma_semaphore, #tpu.memory_space<semaphore_mem>>)
    %dma_start3A_25 = arith.constant 0 : i32
    %dma_start3A_26 = arith.constant 0 : i32
    %dma_start3A_27 = arith.constant 0 : i32
    %dma_start3A_28 = arith.constant 0 : i32
    %dma_start3A_29 = tpu.memref_slice %arg9[%dma_start3A_26, %dma_start3A_28] : memref<3x128xi32, #tpu.memory_space<vmem>> -> memref<1x128xi32, #tpu.memory_space<vmem>>
    %dma_start3A_30 = tpu.memref_squeeze %dma_start3A_29 : memref<1x128xi32, #tpu.memory_space<vmem>> -> memref<128xi32, #tpu.memory_space<vmem>>
    %dma_start3A_31 = arith.constant 0 : i32
    %dma_start3A_32 = tpu.memref_slice %arg3[%add3A, %dma_start3A_25, %dma_start3A_31] : memref<32x80x128xi32, #tpu.memory_space<hbm>> -> memref<1x1x128xi32, #tpu.memory_space<hbm>>
    %dma_start3A_33 = tpu.memref_squeeze %dma_start3A_32 : memref<1x1x128xi32, #tpu.memory_space<hbm>> -> memref<128xi32, #tpu.memory_space<hbm>>
    %dma_start3A_34 = tpu.memref_slice %arg14[%dma_start3A_27] : memref<3x!tpu.dma_semaphore, #tpu.memory_space<semaphore_mem>> -> memref<1x!tpu.dma_semaphore, #tpu.memory_space<semaphore_mem>>
    %dma_start3A_35 = tpu.memref_squeeze %dma_start3A_34 : memref<1x!tpu.dma_semaphore, #tpu.memory_space<semaphore_mem>> -> memref<!tpu.dma_semaphore, #tpu.memory_space<semaphore_mem>>
    %dma_start3A_36 = arith.constant 0 : i32
    %dma_start3A_37 = tpu.memref_slice %arg9[%dma_start3A_26, %dma_start3A_36] : memref<3x128xi32, #tpu.memory_space<vmem>> -> memref<1x128xi32, #tpu.memory_space<vmem>>
    %dma_start3A_38 = tpu.memref_squeeze %dma_start3A_37 : memref<1x128xi32, #tpu.memory_space<vmem>> -> memref<128xi32, #tpu.memory_space<vmem>>
    %dma_start3A_39 = arith.constant 0 : i32
    %dma_start3A_40 = tpu.memref_slice %arg3[%add3A, %dma_start3A_25, %dma_start3A_39] : memref<32x80x128xi32, #tpu.memory_space<hbm>> -> memref<1x1x128xi32, #tpu.memory_space<hbm>>
    %dma_start3A_41 = tpu.memref_squeeze %dma_start3A_40 : memref<1x1x128xi32, #tpu.memory_space<hbm>> -> memref<128xi32, #tpu.memory_space<hbm>>
    tpu.enqueue_dma source(%dma_start3A_41 : memref<128xi32, #tpu.memory_space<hbm>>) target(%dma_start3A_38 : memref<128xi32, #tpu.memory_space<vmem>>) target_semaphore(%dma_start3A_35 : memref<!tpu.dma_semaphore, #tpu.memory_space<semaphore_mem>>)
    %dma_start3A_42 = arith.constant 1 : i32
    %dma_start3A_43 = arith.constant 1 : i32
    %dma_start3A_44 = arith.constant 1 : i32
    %dma_start3A_45 = arith.constant 0 : i32
    %dma_start3A_46 = tpu.memref_slice %arg8[%dma_start3A_43, %dma_start3A_45] : memref<3x128xi32, #tpu.memory_space<vmem>> -> memref<1x128xi32, #tpu.memory_space<vmem>>
    %dma_start3A_47 = tpu.memref_squeeze %dma_start3A_46 : memref<1x128xi32, #tpu.memory_space<vmem>> -> memref<128xi32, #tpu.memory_space<vmem>>
    %dma_start3A_48 = arith.constant 0 : i32
    %dma_start3A_49 = tpu.memref_slice %arg2[%add3A, %dma_start3A_42, %dma_start3A_48] : memref<32x80x128xi32, #tpu.memory_space<hbm>> -> memref<1x1x128xi32, #tpu.memory_space<hbm>>
    %dma_start3A_50 = tpu.memref_squeeze %dma_start3A_49 : memref<1x1x128xi32, #tpu.memory_space<hbm>> -> memref<128xi32, #tpu.memory_space<hbm>>
    %dma_start3A_51 = tpu.memref_slice %arg13[%dma_start3A_44] : memref<3x!tpu.dma_semaphore, #tpu.memory_space<semaphore_mem>> -> memref<1x!tpu.dma_semaphore, #tpu.memory_space<semaphore_mem>>
    %dma_start3A_52 = tpu.memref_squeeze %dma_start3A_51 : memref<1x!tpu.dma_semaphore, #tpu.memory_space<semaphore_mem>> -> memref<!tpu.dma_semaphore, #tpu.memory_space<semaphore_mem>>
    %dma_start3A_53 = arith.constant 0 : i32
    %dma_start3A_54 = tpu.memref_slice %arg8[%dma_start3A_43, %dma_start3A_53] : memref<3x128xi32, #tpu.memory_space<vmem>> -> memref<1x128xi32, #tpu.memory_space<vmem>>
    %dma_start3A_55 = tpu.memref_squeeze %dma_start3A_54 : memref<1x128xi32, #tpu.memory_space<vmem>> -> memref<128xi32, #tpu.memory_space<vmem>>
    %dma_start3A_56 = arith.constant 0 : i32
    %dma_start3A_57 = tpu.memref_slice %arg2[%add3A, %dma_start3A_42, %dma_start3A_56] : memref<32x80x128xi32, #tpu.memory_space<hbm>> -> memref<1x1x128xi32, #tpu.memory_space<hbm>>
    %dma_start3A_58 = tpu.memref_squeeze %dma_start3A_57 : memref<1x1x128xi32, #tpu.memory_space<hbm>> -> memref<128xi32, #tpu.memory_space<hbm>>
    tpu.enqueue_dma source(%dma_start3A_58 : memref<128xi32, #tpu.memory_space<hbm>>) target(%dma_start3A_55 : memref<128xi32, #tpu.memory_space<vmem>>) target_semaphore(%dma_start3A_52 : memref<!tpu.dma_semaphore, #tpu.memory_space<semaphore_mem>>)
    %dma_start3A_59 = arith.constant 1 : i32
    %dma_start3A_60 = arith.constant 1 : i32
    %dma_start3A_61 = arith.constant 1 : i32
    %dma_start3A_62 = arith.constant 0 : i32
    %dma_start3A_63 = tpu.memref_slice %arg9[%dma_start3A_60, %dma_start3A_62] : memref<3x128xi32, #tpu.memory_space<vmem>> -> memref<1x128xi32, #tpu.memory_space<vmem>>
    %dma_start3A_64 = tpu.memref_squeeze %dma_start3A_63 : memref<1x128xi32, #tpu.memory_space<vmem>> -> memref<128xi32, #tpu.memory_space<vmem>>
    %dma_start3A_65 = arith.constant 0 : i32
    %dma_start3A_66 = tpu.memref_slice %arg3[%add3A, %dma_start3A_59, %dma_start3A_65] : memref<32x80x128xi32, #tpu.memory_space<hbm>> -> memref<1x1x128xi32, #tpu.memory_space<hbm>>
    %dma_start3A_67 = tpu.memref_squeeze %dma_start3A_66 : memref<1x1x128xi32, #tpu.memory_space<hbm>> -> memref<128xi32, #tpu.memory_space<hbm>>
    %dma_start3A_68 = tpu.memref_slice %arg14[%dma_start3A_61] : memref<3x!tpu.dma_semaphore, #tpu.memory_space<semaphore_mem>> -> memref<1x!tpu.dma_semaphore, #tpu.memory_space<semaphore_mem>>
    %dma_start3A_69 = tpu.memref_squeeze %dma_start3A_68 : memref<1x!tpu.dma_semaphore, #tpu.memory_space<semaphore_mem>> -> memref<!tpu.dma_semaphore, #tpu.memory_space<semaphore_mem>>
    %dma_start3A_70 = arith.constant 0 : i32
    %dma_start3A_71 = tpu.memref_slice %arg9[%dma_start3A_60, %dma_start3A_70] : memref<3x128xi32, #tpu.memory_space<vmem>> -> memref<1x128xi32, #tpu.memory_space<vmem>>
    %dma_start3A_72 = tpu.memref_squeeze %dma_start3A_71 : memref<1x128xi32, #tpu.memory_space<vmem>> -> memref<128xi32, #tpu.memory_space<vmem>>
    %dma_start3A_73 = arith.constant 0 : i32
    %dma_start3A_74 = tpu.memref_slice %arg3[%add3A, %dma_start3A_59, %dma_start3A_73] : memref<32x80x128xi32, #tpu.memory_space<hbm>> -> memref<1x1x128xi32, #tpu.memory_space<hbm>>
    %dma_start3A_75 = tpu.memref_squeeze %dma_start3A_74 : memref<1x1x128xi32, #tpu.memory_space<hbm>> -> memref<128xi32, #tpu.memory_space<hbm>>
    tpu.enqueue_dma source(%dma_start3A_75 : memref<128xi32, #tpu.memory_space<hbm>>) target(%dma_start3A_72 : memref<128xi32, #tpu.memory_space<vmem>>) target_semaphore(%dma_start3A_69 : memref<!tpu.dma_semaphore, #tpu.memory_space<semaphore_mem>>)
    %dma_wait3A = arith.constant 0 : i32
    %dma_wait3A_76 = arith.constant 0 : i32
    %dma_wait3A_77 = arith.constant 0 : i32
    %dma_wait3A_78 = arith.constant 0 : i32
    %dma_wait3A_79 = tpu.memref_slice %arg8[%dma_wait3A_76, %dma_wait3A_78] : memref<3x128xi32, #tpu.memory_space<vmem>> -> memref<1x128xi32, #tpu.memory_space<vmem>>
    %dma_wait3A_80 = tpu.memref_squeeze %dma_wait3A_79 : memref<1x128xi32, #tpu.memory_space<vmem>> -> memref<128xi32, #tpu.memory_space<vmem>>
    %dma_wait3A_81 = arith.constant 0 : i32
    %dma_wait3A_82 = tpu.memref_slice %arg2[%add3A, %dma_wait3A, %dma_wait3A_81] : memref<32x80x128xi32, #tpu.memory_space<hbm>> -> memref<1x1x128xi32, #tpu.memory_space<hbm>>
    %dma_wait3A_83 = tpu.memref_squeeze %dma_wait3A_82 : memref<1x1x128xi32, #tpu.memory_space<hbm>> -> memref<128xi32, #tpu.memory_space<hbm>>
    %dma_wait3A_84 = tpu.memref_slice %arg13[%dma_wait3A_77] : memref<3x!tpu.dma_semaphore, #tpu.memory_space<semaphore_mem>> -> memref<1x!tpu.dma_semaphore, #tpu.memory_space<semaphore_mem>>
    %dma_wait3A_85 = tpu.memref_squeeze %dma_wait3A_84 : memref<1x!tpu.dma_semaphore, #tpu.memory_space<semaphore_mem>> -> memref<!tpu.dma_semaphore, #tpu.memory_space<semaphore_mem>>
    %dma_wait3A_86 = arith.constant 0 : i32
    %dma_wait3A_87 = tpu.memref_slice %arg8[%dma_wait3A_76, %dma_wait3A_86] : memref<3x128xi32, #tpu.memory_space<vmem>> -> memref<1x128xi32, #tpu.memory_space<vmem>>
    %dma_wait3A_88 = tpu.memref_squeeze %dma_wait3A_87 : memref<1x128xi32, #tpu.memory_space<vmem>> -> memref<128xi32, #tpu.memory_space<vmem>>
    %dma_wait3A_89 = arith.constant 0 : i32
    %dma_wait3A_90 = tpu.memref_slice %arg2[%add3A, %dma_wait3A, %dma_wait3A_89] : memref<32x80x128xi32, #tpu.memory_space<hbm>> -> memref<1x1x128xi32, #tpu.memory_space<hbm>>
    %dma_wait3A_91 = tpu.memref_squeeze %dma_wait3A_90 : memref<1x1x128xi32, #tpu.memory_space<hbm>> -> memref<128xi32, #tpu.memory_space<hbm>>
    tpu.wait_dma2 semaphore(%dma_wait3A_85 : memref<!tpu.dma_semaphore, #tpu.memory_space<semaphore_mem>>) src(%dma_wait3A_91 : memref<128xi32, #tpu.memory_space<hbm>>) dst(%dma_wait3A_88 : memref<128xi32, #tpu.memory_space<vmem>>)
    %dma_start3A_92 = arith.constant 0 : i32
    %dma_start3A_93 = arith.constant 0 : i32
    %dma_start3A_94 = arith.constant 0 : i32
    %dma_start3A_95 = arith.constant 0 : i32
    %dma_start3A_96 = arith.constant 0 : i32
    %dma_start3A_97 = tpu.memref_slice %arg10[%dma_start3A_93, %dma_start3A_95, %dma_start3A_96] : memref<2x128x128xf32, #tpu.memory_space<vmem>> -> memref<1x128x128xf32, #tpu.memory_space<vmem>>
    %dma_start3A_98 = tpu.memref_squeeze %dma_start3A_97 : memref<1x128x128xf32, #tpu.memory_space<vmem>> -> memref<128x128xf32, #tpu.memory_space<vmem>>
    %dma_start3A_99 = arith.constant 0 : i32
    %dma_start3A_100 = tpu.memref_slice %arg8[%dma_start3A_92, %dma_start3A_99] : memref<3x128xi32, #tpu.memory_space<vmem>> -> memref<1x128xi32, #tpu.memory_space<vmem>>
    %dma_start3A_101 = tpu.memref_squeeze %dma_start3A_100 : memref<1x128xi32, #tpu.memory_space<vmem>> -> memref<128xi32, #tpu.memory_space<vmem>>
    %dma_start3A_102 = arith.constant 0 : i32
    %dma_start3A_103 = arith.constant 0 : i32
    %dma_start3A_104 = tpu.memref_slice %arg4[%dma_start3A_102, %dma_start3A_103] : memref<10512x128xf32, #tpu.memory_space<hbm>> -> memref<10512x128xf32, #tpu.memory_space<hbm>>
    %dma_start3A_105 = tpu.memref_slice %arg11[%dma_start3A_94] : memref<2x!tpu.dma_semaphore, #tpu.memory_space<semaphore_mem>> -> memref<1x!tpu.dma_semaphore, #tpu.memory_space<semaphore_mem>>
    %dma_start3A_106 = tpu.memref_squeeze %dma_start3A_105 : memref<1x!tpu.dma_semaphore, #tpu.memory_space<semaphore_mem>> -> memref<!tpu.dma_semaphore, #tpu.memory_space<semaphore_mem>>
    tpu.enqueue_indirect_dma source(%dma_start3A_104 : memref<10512x128xf32, #tpu.memory_space<hbm>>) target(%dma_start3A_98 : memref<128x128xf32, #tpu.memory_space<vmem>>) offsets(%dma_start3A_101 : memref<128xi32, #tpu.memory_space<vmem>>) semaphore(%dma_start3A_106 : memref<!tpu.dma_semaphore, #tpu.memory_space<semaphore_mem>>)
    %scan3A = arith.constant 0 : i32
    %scan3A_107 = arith.constant 0 : i32
    %scan3A_108 = arith.constant 80 : i32
    %scan3A_109 = arith.addi %scan3A_107, %scan3A_108 : i32
    %scan3A_110 = arith.constant 1 : i32
    scf.for %scan3A_140 = %scan3A_107 to %scan3A_109 step %scan3A_110  : i32 {
      %rem3A_141 = arith.constant 2 : i32
      %rem3A_142 = arith.remsi %scan3A_140, %rem3A_141 : i32
      %sub3A = arith.constant 1 : i32
      %sub3A_143 = arith.subi %sub3A, %rem3A_142 : i32
      %rem3A_144 = arith.constant 3 : i32
      %rem3A_145 = arith.remsi %scan3A_140, %rem3A_144 : i32
      %add3A_146 = arith.constant 1 : i32
      %add3A_147 = arith.addi %scan3A_140, %add3A_146 : i32
      %rem3A_148 = arith.constant 3 : i32
      %rem3A_149 = arith.remsi %add3A_147, %rem3A_148 : i32
      %add3A_150 = arith.constant 2 : i32
      %add3A_151 = arith.addi %scan3A_140, %add3A_150 : i32
      %rem3A_152 = arith.constant 3 : i32
      %rem3A_153 = arith.remsi %add3A_151, %rem3A_152 : i32
      %ge3A = arith.constant 1 : i32
      %ge3A_154 = arith.cmpi sge, %scan3A_140, %ge3A : i32
      %convert_element_type3A_155 = arith.extui %ge3A_154 : i1 to i32
      %cond3A_156 = arith.constant 0 : i32
      %cond3A_157 = arith.cmpi ne, %convert_element_type3A_155, %cond3A_156 : i32
      scf.if %cond3A_157 {
        %sub3A_210 = arith.constant 1 : i32
        %sub3A_211 = arith.subi %scan3A_140, %sub3A_210 : i32
        %rem3A_212 = arith.constant 3 : i32
        %rem3A_213 = arith.remsi %sub3A_211, %rem3A_212 : i32
        %dma_wait3A_214 = arith.constant 0 : i32
        %dma_wait3A_215 = arith.constant 0 : i32
        %dma_wait3A_216 = tpu.memref_slice %arg10[%sub3A_143, %dma_wait3A_214, %dma_wait3A_215] : memref<2x128x128xf32, #tpu.memory_space<vmem>> -> memref<1x128x128xf32, #tpu.memory_space<vmem>>
        %dma_wait3A_217 = tpu.memref_squeeze %dma_wait3A_216 : memref<1x128x128xf32, #tpu.memory_space<vmem>> -> memref<128x128xf32, #tpu.memory_space<vmem>>
        %dma_wait3A_218 = arith.constant 0 : i32
        %dma_wait3A_219 = tpu.memref_slice %arg9[%rem3A_213, %dma_wait3A_218] : memref<3x128xi32, #tpu.memory_space<vmem>> -> memref<1x128xi32, #tpu.memory_space<vmem>>
        %dma_wait3A_220 = tpu.memref_squeeze %dma_wait3A_219 : memref<1x128xi32, #tpu.memory_space<vmem>> -> memref<128xi32, #tpu.memory_space<vmem>>
        %dma_wait3A_221 = arith.constant 0 : i32
        %dma_wait3A_222 = arith.constant 0 : i32
        %dma_wait3A_223 = tpu.memref_slice %arg7[%dma_wait3A_221, %dma_wait3A_222] : memref<10512x128xf32, #tpu.memory_space<vmem_shared>> -> memref<10512x128xf32, #tpu.memory_space<vmem_shared>>
        %dma_wait3A_224 = tpu.memref_slice %arg12[%sub3A_143] : memref<2x!tpu.dma_semaphore, #tpu.memory_space<semaphore_mem>> -> memref<1x!tpu.dma_semaphore, #tpu.memory_space<semaphore_mem>>
        %dma_wait3A_225 = tpu.memref_squeeze %dma_wait3A_224 : memref<1x!tpu.dma_semaphore, #tpu.memory_space<semaphore_mem>> -> memref<!tpu.dma_semaphore, #tpu.memory_space<semaphore_mem>>
        tpu.wait_indirect_dma semaphore(%dma_wait3A_225 : memref<!tpu.dma_semaphore, #tpu.memory_space<semaphore_mem>>) src(%dma_wait3A_217 : memref<128x128xf32, #tpu.memory_space<vmem>>) dst(%dma_wait3A_223 : memref<10512x128xf32, #tpu.memory_space<vmem_shared>>)
      } else {
      }
      %add3A_158 = arith.constant 2 : i32
      %add3A_159 = arith.addi %scan3A_140, %add3A_158 : i32
      %lt3A_160 = arith.constant 80 : i32
      %lt3A_161 = arith.cmpi slt, %add3A_159, %lt3A_160 : i32
      %convert_element_type3A_162 = arith.extui %lt3A_161 : i1 to i32
      %cond3A_163 = arith.constant 0 : i32
      %cond3A_164 = arith.cmpi ne, %convert_element_type3A_162, %cond3A_163 : i32
      scf.if %cond3A_164 {
        %add3A_210 = arith.constant 2 : i32
        %add3A_211 = arith.addi %scan3A_140, %add3A_210 : i32
        %dma_start3A_212 = arith.constant 0 : i32
        %dma_start3A_213 = tpu.memref_slice %arg8[%rem3A_153, %dma_start3A_212] : memref<3x128xi32, #tpu.memory_space<vmem>> -> memref<1x128xi32, #tpu.memory_space<vmem>>
        %dma_start3A_214 = tpu.memref_squeeze %dma_start3A_213 : memref<1x128xi32, #tpu.memory_space<vmem>> -> memref<128xi32, #tpu.memory_space<vmem>>
        %dma_start3A_215 = arith.constant 0 : i32
        %dma_start3A_216 = tpu.memref_slice %arg2[%add3A, %add3A_211, %dma_start3A_215] : memref<32x80x128xi32, #tpu.memory_space<hbm>> -> memref<1x1x128xi32, #tpu.memory_space<hbm>>
        %dma_start3A_217 = tpu.memref_squeeze %dma_start3A_216 : memref<1x1x128xi32, #tpu.memory_space<hbm>> -> memref<128xi32, #tpu.memory_space<hbm>>
        %dma_start3A_218 = tpu.memref_slice %arg13[%rem3A_153] : memref<3x!tpu.dma_semaphore, #tpu.memory_space<semaphore_mem>> -> memref<1x!tpu.dma_semaphore, #tpu.memory_space<semaphore_mem>>
        %dma_start3A_219 = tpu.memref_squeeze %dma_start3A_218 : memref<1x!tpu.dma_semaphore, #tpu.memory_space<semaphore_mem>> -> memref<!tpu.dma_semaphore, #tpu.memory_space<semaphore_mem>>
        %dma_start3A_220 = arith.constant 0 : i32
        %dma_start3A_221 = tpu.memref_slice %arg8[%rem3A_153, %dma_start3A_220] : memref<3x128xi32, #tpu.memory_space<vmem>> -> memref<1x128xi32, #tpu.memory_space<vmem>>
        %dma_start3A_222 = tpu.memref_squeeze %dma_start3A_221 : memref<1x128xi32, #tpu.memory_space<vmem>> -> memref<128xi32, #tpu.memory_space<vmem>>
        %dma_start3A_223 = arith.constant 0 : i32
        %dma_start3A_224 = tpu.memref_slice %arg2[%add3A, %add3A_211, %dma_start3A_223] : memref<32x80x128xi32, #tpu.memory_space<hbm>> -> memref<1x1x128xi32, #tpu.memory_space<hbm>>
        %dma_start3A_225 = tpu.memref_squeeze %dma_start3A_224 : memref<1x1x128xi32, #tpu.memory_space<hbm>> -> memref<128xi32, #tpu.memory_space<hbm>>
        tpu.enqueue_dma source(%dma_start3A_225 : memref<128xi32, #tpu.memory_space<hbm>>) target(%dma_start3A_222 : memref<128xi32, #tpu.memory_space<vmem>>) target_semaphore(%dma_start3A_219 : memref<!tpu.dma_semaphore, #tpu.memory_space<semaphore_mem>>)
        %add3A_226 = arith.constant 2 : i32
        %add3A_227 = arith.addi %scan3A_140, %add3A_226 : i32
        %dma_start3A_228 = arith.constant 0 : i32
        %dma_start3A_229 = tpu.memref_slice %arg9[%rem3A_153, %dma_start3A_228] : memref<3x128xi32, #tpu.memory_space<vmem>> -> memref<1x128xi32, #tpu.memory_space<vmem>>
        %dma_start3A_230 = tpu.memref_squeeze %dma_start3A_229 : memref<1x128xi32, #tpu.memory_space<vmem>> -> memref<128xi32, #tpu.memory_space<vmem>>
        %dma_start3A_231 = arith.constant 0 : i32
        %dma_start3A_232 = tpu.memref_slice %arg3[%add3A, %add3A_227, %dma_start3A_231] : memref<32x80x128xi32, #tpu.memory_space<hbm>> -> memref<1x1x128xi32, #tpu.memory_space<hbm>>
        %dma_start3A_233 = tpu.memref_squeeze %dma_start3A_232 : memref<1x1x128xi32, #tpu.memory_space<hbm>> -> memref<128xi32, #tpu.memory_space<hbm>>
        %dma_start3A_234 = tpu.memref_slice %arg14[%rem3A_153] : memref<3x!tpu.dma_semaphore, #tpu.memory_space<semaphore_mem>> -> memref<1x!tpu.dma_semaphore, #tpu.memory_space<semaphore_mem>>
        %dma_start3A_235 = tpu.memref_squeeze %dma_start3A_234 : memref<1x!tpu.dma_semaphore, #tpu.memory_space<semaphore_mem>> -> memref<!tpu.dma_semaphore, #tpu.memory_space<semaphore_mem>>
        %dma_start3A_236 = arith.constant 0 : i32
        %dma_start3A_237 = tpu.memref_slice %arg9[%rem3A_153, %dma_start3A_236] : memref<3x128xi32, #tpu.memory_space<vmem>> -> memref<1x128xi32, #tpu.memory_space<vmem>>
        %dma_start3A_238 = tpu.memref_squeeze %dma_start3A_237 : memref<1x128xi32, #tpu.memory_space<vmem>> -> memref<128xi32, #tpu.memory_space<vmem>>
        %dma_start3A_239 = arith.constant 0 : i32
        %dma_start3A_240 = tpu.memref_slice %arg3[%add3A, %add3A_227, %dma_start3A_239] : memref<32x80x128xi32, #tpu.memory_space<hbm>> -> memref<1x1x128xi32, #tpu.memory_space<hbm>>
        %dma_start3A_241 = tpu.memref_squeeze %dma_start3A_240 : memref<1x1x128xi32, #tpu.memory_space<hbm>> -> memref<128xi32, #tpu.memory_space<hbm>>
        tpu.enqueue_dma source(%dma_start3A_241 : memref<128xi32, #tpu.memory_space<hbm>>) target(%dma_start3A_238 : memref<128xi32, #tpu.memory_space<vmem>>) target_semaphore(%dma_start3A_235 : memref<!tpu.dma_semaphore, #tpu.memory_space<semaphore_mem>>)
      } else {
      }
      %add3A_165 = arith.constant 1 : i32
      %add3A_166 = arith.addi %scan3A_140, %add3A_165 : i32
      %lt3A_167 = arith.constant 80 : i32
      %lt3A_168 = arith.cmpi slt, %add3A_166, %lt3A_167 : i32
      %convert_element_type3A_169 = arith.extui %lt3A_168 : i1 to i32
      %cond3A_170 = arith.constant 0 : i32
      %cond3A_171 = arith.cmpi ne, %convert_element_type3A_169, %cond3A_170 : i32
      scf.if %cond3A_171 {
        %add3A_210 = arith.constant 1 : i32
        %add3A_211 = arith.addi %scan3A_140, %add3A_210 : i32
        %dma_wait3A_212 = arith.constant 0 : i32
        %dma_wait3A_213 = tpu.memref_slice %arg8[%rem3A_149, %dma_wait3A_212] : memref<3x128xi32, #tpu.memory_space<vmem>> -> memref<1x128xi32, #tpu.memory_space<vmem>>
        %dma_wait3A_214 = tpu.memref_squeeze %dma_wait3A_213 : memref<1x128xi32, #tpu.memory_space<vmem>> -> memref<128xi32, #tpu.memory_space<vmem>>
        %dma_wait3A_215 = arith.constant 0 : i32
        %dma_wait3A_216 = tpu.memref_slice %arg2[%add3A, %add3A_211, %dma_wait3A_215] : memref<32x80x128xi32, #tpu.memory_space<hbm>> -> memref<1x1x128xi32, #tpu.memory_space<hbm>>
        %dma_wait3A_217 = tpu.memref_squeeze %dma_wait3A_216 : memref<1x1x128xi32, #tpu.memory_space<hbm>> -> memref<128xi32, #tpu.memory_space<hbm>>
        %dma_wait3A_218 = tpu.memref_slice %arg13[%rem3A_149] : memref<3x!tpu.dma_semaphore, #tpu.memory_space<semaphore_mem>> -> memref<1x!tpu.dma_semaphore, #tpu.memory_space<semaphore_mem>>
        %dma_wait3A_219 = tpu.memref_squeeze %dma_wait3A_218 : memref<1x!tpu.dma_semaphore, #tpu.memory_space<semaphore_mem>> -> memref<!tpu.dma_semaphore, #tpu.memory_space<semaphore_mem>>
        %dma_wait3A_220 = arith.constant 0 : i32
        %dma_wait3A_221 = tpu.memref_slice %arg8[%rem3A_149, %dma_wait3A_220] : memref<3x128xi32, #tpu.memory_space<vmem>> -> memref<1x128xi32, #tpu.memory_space<vmem>>
        %dma_wait3A_222 = tpu.memref_squeeze %dma_wait3A_221 : memref<1x128xi32, #tpu.memory_space<vmem>> -> memref<128xi32, #tpu.memory_space<vmem>>
        %dma_wait3A_223 = arith.constant 0 : i32
        %dma_wait3A_224 = tpu.memref_slice %arg2[%add3A, %add3A_211, %dma_wait3A_223] : memref<32x80x128xi32, #tpu.memory_space<hbm>> -> memref<1x1x128xi32, #tpu.memory_space<hbm>>
        %dma_wait3A_225 = tpu.memref_squeeze %dma_wait3A_224 : memref<1x1x128xi32, #tpu.memory_space<hbm>> -> memref<128xi32, #tpu.memory_space<hbm>>
        tpu.wait_dma2 semaphore(%dma_wait3A_219 : memref<!tpu.dma_semaphore, #tpu.memory_space<semaphore_mem>>) src(%dma_wait3A_225 : memref<128xi32, #tpu.memory_space<hbm>>) dst(%dma_wait3A_222 : memref<128xi32, #tpu.memory_space<vmem>>)
        %dma_start3A_226 = arith.constant 0 : i32
        %dma_start3A_227 = arith.constant 0 : i32
        %dma_start3A_228 = tpu.memref_slice %arg10[%sub3A_143, %dma_start3A_226, %dma_start3A_227] : memref<2x128x128xf32, #tpu.memory_space<vmem>> -> memref<1x128x128xf32, #tpu.memory_space<vmem>>
        %dma_start3A_229 = tpu.memref_squeeze %dma_start3A_228 : memref<1x128x128xf32, #tpu.memory_space<vmem>> -> memref<128x128xf32, #tpu.memory_space<vmem>>
        %dma_start3A_230 = arith.constant 0 : i32
        %dma_start3A_231 = tpu.memref_slice %arg8[%rem3A_149, %dma_start3A_230] : memref<3x128xi32, #tpu.memory_space<vmem>> -> memref<1x128xi32, #tpu.memory_space<vmem>>
        %dma_start3A_232 = tpu.memref_squeeze %dma_start3A_231 : memref<1x128xi32, #tpu.memory_space<vmem>> -> memref<128xi32, #tpu.memory_space<vmem>>
        %dma_start3A_233 = arith.constant 0 : i32
        %dma_start3A_234 = arith.constant 0 : i32
        %dma_start3A_235 = tpu.memref_slice %arg4[%dma_start3A_233, %dma_start3A_234] : memref<10512x128xf32, #tpu.memory_space<hbm>> -> memref<10512x128xf32, #tpu.memory_space<hbm>>
        %dma_start3A_236 = tpu.memref_slice %arg11[%sub3A_143] : memref<2x!tpu.dma_semaphore, #tpu.memory_space<semaphore_mem>> -> memref<1x!tpu.dma_semaphore, #tpu.memory_space<semaphore_mem>>
        %dma_start3A_237 = tpu.memref_squeeze %dma_start3A_236 : memref<1x!tpu.dma_semaphore, #tpu.memory_space<semaphore_mem>> -> memref<!tpu.dma_semaphore, #tpu.memory_space<semaphore_mem>>
        tpu.enqueue_indirect_dma source(%dma_start3A_235 : memref<10512x128xf32, #tpu.memory_space<hbm>>) target(%dma_start3A_229 : memref<128x128xf32, #tpu.memory_space<vmem>>) offsets(%dma_start3A_232 : memref<128xi32, #tpu.memory_space<vmem>>) semaphore(%dma_start3A_237 : memref<!tpu.dma_semaphore, #tpu.memory_space<semaphore_mem>>)
      } else {
      }
      %dma_wait3A_172 = arith.constant 0 : i32
      %dma_wait3A_173 = arith.constant 0 : i32
      %dma_wait3A_174 = tpu.memref_slice %arg10[%rem3A_142, %dma_wait3A_172, %dma_wait3A_173] : memref<2x128x128xf32, #tpu.memory_space<vmem>> -> memref<1x128x128xf32, #tpu.memory_space<vmem>>
      %dma_wait3A_175 = tpu.memref_squeeze %dma_wait3A_174 : memref<1x128x128xf32, #tpu.memory_space<vmem>> -> memref<128x128xf32, #tpu.memory_space<vmem>>
      %dma_wait3A_176 = arith.constant 0 : i32
      %dma_wait3A_177 = tpu.memref_slice %arg8[%rem3A_145, %dma_wait3A_176] : memref<3x128xi32, #tpu.memory_space<vmem>> -> memref<1x128xi32, #tpu.memory_space<vmem>>
      %dma_wait3A_178 = tpu.memref_squeeze %dma_wait3A_177 : memref<1x128xi32, #tpu.memory_space<vmem>> -> memref<128xi32, #tpu.memory_space<vmem>>
      %dma_wait3A_179 = arith.constant 0 : i32
      %dma_wait3A_180 = arith.constant 0 : i32
      %dma_wait3A_181 = tpu.memref_slice %arg4[%dma_wait3A_179, %dma_wait3A_180] : memref<10512x128xf32, #tpu.memory_space<hbm>> -> memref<10512x128xf32, #tpu.memory_space<hbm>>
      %dma_wait3A_182 = tpu.memref_slice %arg11[%rem3A_142] : memref<2x!tpu.dma_semaphore, #tpu.memory_space<semaphore_mem>> -> memref<1x!tpu.dma_semaphore, #tpu.memory_space<semaphore_mem>>
      %dma_wait3A_183 = tpu.memref_squeeze %dma_wait3A_182 : memref<1x!tpu.dma_semaphore, #tpu.memory_space<semaphore_mem>> -> memref<!tpu.dma_semaphore, #tpu.memory_space<semaphore_mem>>
      tpu.wait_indirect_dma semaphore(%dma_wait3A_183 : memref<!tpu.dma_semaphore, #tpu.memory_space<semaphore_mem>>) src(%dma_wait3A_181 : memref<10512x128xf32, #tpu.memory_space<hbm>>) dst(%dma_wait3A_175 : memref<128x128xf32, #tpu.memory_space<vmem>>)
      %dma_wait3A_184 = arith.constant 0 : i32
      %dma_wait3A_185 = tpu.memref_slice %arg9[%rem3A_145, %dma_wait3A_184] : memref<3x128xi32, #tpu.memory_space<vmem>> -> memref<1x128xi32, #tpu.memory_space<vmem>>
      %dma_wait3A_186 = tpu.memref_squeeze %dma_wait3A_185 : memref<1x128xi32, #tpu.memory_space<vmem>> -> memref<128xi32, #tpu.memory_space<vmem>>
      %dma_wait3A_187 = arith.constant 0 : i32
      %dma_wait3A_188 = tpu.memref_slice %arg3[%add3A, %scan3A_140, %dma_wait3A_187] : memref<32x80x128xi32, #tpu.memory_space<hbm>> -> memref<1x1x128xi32, #tpu.memory_space<hbm>>
      %dma_wait3A_189 = tpu.memref_squeeze %dma_wait3A_188 : memref<1x1x128xi32, #tpu.memory_space<hbm>> -> memref<128xi32, #tpu.memory_space<hbm>>
      %dma_wait3A_190 = tpu.memref_slice %arg14[%rem3A_145] : memref<3x!tpu.dma_semaphore, #tpu.memory_space<semaphore_mem>> -> memref<1x!tpu.dma_semaphore, #tpu.memory_space<semaphore_mem>>
      %dma_wait3A_191 = tpu.memref_squeeze %dma_wait3A_190 : memref<1x!tpu.dma_semaphore, #tpu.memory_space<semaphore_mem>> -> memref<!tpu.dma_semaphore, #tpu.memory_space<semaphore_mem>>
      %dma_wait3A_192 = arith.constant 0 : i32
      %dma_wait3A_193 = tpu.memref_slice %arg9[%rem3A_145, %dma_wait3A_192] : memref<3x128xi32, #tpu.memory_space<vmem>> -> memref<1x128xi32, #tpu.memory_space<vmem>>
      %dma_wait3A_194 = tpu.memref_squeeze %dma_wait3A_193 : memref<1x128xi32, #tpu.memory_space<vmem>> -> memref<128xi32, #tpu.memory_space<vmem>>
      %dma_wait3A_195 = arith.constant 0 : i32
      %dma_wait3A_196 = tpu.memref_slice %arg3[%add3A, %scan3A_140, %dma_wait3A_195] : memref<32x80x128xi32, #tpu.memory_space<hbm>> -> memref<1x1x128xi32, #tpu.memory_space<hbm>>
      %dma_wait3A_197 = tpu.memref_squeeze %dma_wait3A_196 : memref<1x1x128xi32, #tpu.memory_space<hbm>> -> memref<128xi32, #tpu.memory_space<hbm>>
      tpu.wait_dma2 semaphore(%dma_wait3A_191 : memref<!tpu.dma_semaphore, #tpu.memory_space<semaphore_mem>>) src(%dma_wait3A_197 : memref<128xi32, #tpu.memory_space<hbm>>) dst(%dma_wait3A_194 : memref<128xi32, #tpu.memory_space<vmem>>)
      %dma_start3A_198 = arith.constant 0 : i32
      %dma_start3A_199 = arith.constant 0 : i32
      %dma_start3A_200 = tpu.memref_slice %arg10[%rem3A_142, %dma_start3A_198, %dma_start3A_199] : memref<2x128x128xf32, #tpu.memory_space<vmem>> -> memref<1x128x128xf32, #tpu.memory_space<vmem>>
      %dma_start3A_201 = tpu.memref_squeeze %dma_start3A_200 : memref<1x128x128xf32, #tpu.memory_space<vmem>> -> memref<128x128xf32, #tpu.memory_space<vmem>>
      %dma_start3A_202 = arith.constant 0 : i32
      %dma_start3A_203 = tpu.memref_slice %arg9[%rem3A_145, %dma_start3A_202] : memref<3x128xi32, #tpu.memory_space<vmem>> -> memref<1x128xi32, #tpu.memory_space<vmem>>
      %dma_start3A_204 = tpu.memref_squeeze %dma_start3A_203 : memref<1x128xi32, #tpu.memory_space<vmem>> -> memref<128xi32, #tpu.memory_space<vmem>>
      %dma_start3A_205 = arith.constant 0 : i32
      %dma_start3A_206 = arith.constant 0 : i32
      %dma_start3A_207 = tpu.memref_slice %arg7[%dma_start3A_205, %dma_start3A_206] : memref<10512x128xf32, #tpu.memory_space<vmem_shared>> -> memref<10512x128xf32, #tpu.memory_space<vmem_shared>>
      %dma_start3A_208 = tpu.memref_slice %arg12[%rem3A_142] : memref<2x!tpu.dma_semaphore, #tpu.memory_space<semaphore_mem>> -> memref<1x!tpu.dma_semaphore, #tpu.memory_space<semaphore_mem>>
      %dma_start3A_209 = tpu.memref_squeeze %dma_start3A_208 : memref<1x!tpu.dma_semaphore, #tpu.memory_space<semaphore_mem>> -> memref<!tpu.dma_semaphore, #tpu.memory_space<semaphore_mem>>
      tpu.enqueue_indirect_dma source(%dma_start3A_201 : memref<128x128xf32, #tpu.memory_space<vmem>>) target(%dma_start3A_207 : memref<10512x128xf32, #tpu.memory_space<vmem_shared>>) offsets(%dma_start3A_204 : memref<128xi32, #tpu.memory_space<vmem>>) semaphore(%dma_start3A_209 : memref<!tpu.dma_semaphore, #tpu.memory_space<semaphore_mem>>) {add = true}
    }
    %scan3A_111 = arith.constant 80 : i32
    %rem3A = arith.constant 79 : i32
    %rem3A_112 = arith.constant 2 : i32
    %rem3A_113 = arith.remsi %rem3A, %rem3A_112 : i32
    %rem3A_114 = arith.constant 79 : i32
    %rem3A_115 = arith.constant 3 : i32
    %rem3A_116 = arith.remsi %rem3A_114, %rem3A_115 : i32
    %dma_wait3A_117 = arith.constant 0 : i32
    %dma_wait3A_118 = arith.constant 0 : i32
    %dma_wait3A_119 = tpu.memref_slice %arg10[%rem3A_113, %dma_wait3A_117, %dma_wait3A_118] : memref<2x128x128xf32, #tpu.memory_space<vmem>> -> memref<1x128x128xf32, #tpu.memory_space<vmem>>
    %dma_wait3A_120 = tpu.memref_squeeze %dma_wait3A_119 : memref<1x128x128xf32, #tpu.memory_space<vmem>> -> memref<128x128xf32, #tpu.memory_space<vmem>>
    %dma_wait3A_121 = arith.constant 0 : i32
    %dma_wait3A_122 = tpu.memref_slice %arg9[%rem3A_116, %dma_wait3A_121] : memref<3x128xi32, #tpu.memory_space<vmem>> -> memref<1x128xi32, #tpu.memory_space<vmem>>
    %dma_wait3A_123 = tpu.memref_squeeze %dma_wait3A_122 : memref<1x128xi32, #tpu.memory_space<vmem>> -> memref<128xi32, #tpu.memory_space<vmem>>
    %dma_wait3A_124 = arith.constant 0 : i32
    %dma_wait3A_125 = arith.constant 0 : i32
    %dma_wait3A_126 = tpu.memref_slice %arg7[%dma_wait3A_124, %dma_wait3A_125] : memref<10512x128xf32, #tpu.memory_space<vmem_shared>> -> memref<10512x128xf32, #tpu.memory_space<vmem_shared>>
    %dma_wait3A_127 = tpu.memref_slice %arg12[%rem3A_113] : memref<2x!tpu.dma_semaphore, #tpu.memory_space<semaphore_mem>> -> memref<1x!tpu.dma_semaphore, #tpu.memory_space<semaphore_mem>>
    %dma_wait3A_128 = tpu.memref_squeeze %dma_wait3A_127 : memref<1x!tpu.dma_semaphore, #tpu.memory_space<semaphore_mem>> -> memref<!tpu.dma_semaphore, #tpu.memory_space<semaphore_mem>>
    tpu.wait_indirect_dma semaphore(%dma_wait3A_128 : memref<!tpu.dma_semaphore, #tpu.memory_space<semaphore_mem>>) src(%dma_wait3A_120 : memref<128x128xf32, #tpu.memory_space<vmem>>) dst(%dma_wait3A_126 : memref<10512x128xf32, #tpu.memory_space<vmem_shared>>)
    %barrier3A_129 = arith.constant 0 : index
    tpu.barrier barrier_id(%barrier3A_129)
    %lt3A_130 = arith.constant 15 : i32
    %lt3A_131 = arith.cmpi slt, %arg1, %lt3A_130 : i32
    %convert_element_type3A_132 = arith.extui %lt3A_131 : i1 to i32
    %cond3A_133 = arith.constant 0 : i32
    %cond3A_134 = arith.cmpi ne, %convert_element_type3A_132, %cond3A_133 : i32
    scf.if %cond3A_134 {
      "tpu.region"() ({
        %run_scoped3A = tpu.sem_alloc : memref<!tpu.dma_semaphore, #tpu.memory_space<semaphore_mem>>
        %dma_start3A_140 = arith.constant 0 : i32
        %dma_start3A_141 = tpu.memref_slice %arg6[%arg0, %mul3A_2, %dma_start3A_140] : memref<2x10000x128xf32, #tpu.memory_space<hbm>> -> memref<1x624x128xf32, #tpu.memory_space<hbm>>
        %dma_start3A_142 = tpu.memref_squeeze %dma_start3A_141 : memref<1x624x128xf32, #tpu.memory_space<hbm>> -> memref<624x128xf32, #tpu.memory_space<hbm>>
        %dma_start3A_143 = arith.constant 0 : i32
        %dma_start3A_144 = tpu.memref_slice %arg7[%mul3A_2, %dma_start3A_143] : memref<10512x128xf32, #tpu.memory_space<vmem_shared>> -> memref<624x128xf32, #tpu.memory_space<vmem_shared>>
        tpu.enqueue_dma source(%dma_start3A_144 : memref<624x128xf32, #tpu.memory_space<vmem_shared>>) target(%dma_start3A_142 : memref<624x128xf32, #tpu.memory_space<hbm>>) target_semaphore(%run_scoped3A : memref<!tpu.dma_semaphore, #tpu.memory_space<semaphore_mem>>)
        %dma_wait3A_145 = arith.constant 0 : i32
        %dma_wait3A_146 = tpu.memref_slice %arg6[%arg0, %mul3A_2, %dma_wait3A_145] : memref<2x10000x128xf32, #tpu.memory_space<hbm>> -> memref<1x624x128xf32, #tpu.memory_space<hbm>>
        %dma_wait3A_147 = tpu.memref_squeeze %dma_wait3A_146 : memref<1x624x128xf32, #tpu.memory_space<hbm>> -> memref<624x128xf32, #tpu.memory_space<hbm>>
        %dma_wait3A_148 = arith.constant 0 : i32
        %dma_wait3A_149 = tpu.memref_slice %arg7[%mul3A_2, %dma_wait3A_148] : memref<10512x128xf32, #tpu.memory_space<vmem_shared>> -> memref<624x128xf32, #tpu.memory_space<vmem_shared>>
        tpu.wait_dma2 semaphore(%run_scoped3A : memref<!tpu.dma_semaphore, #tpu.memory_space<semaphore_mem>>) src(%dma_wait3A_149 : memref<624x128xf32, #tpu.memory_space<vmem_shared>>) dst(%dma_wait3A_147 : memref<624x128xf32, #tpu.memory_space<hbm>>)
        tpu.yield
      }) : () -> ()
    } else {
    }
    %eq3A_135 = arith.constant 15 : i32
    %eq3A_136 = arith.cmpi eq, %arg1, %eq3A_135 : i32
    %convert_element_type3A_137 = arith.extui %eq3A_136 : i1 to i32
    %cond3A_138 = arith.constant 0 : i32
    %cond3A_139 = arith.cmpi ne, %convert_element_type3A_137, %cond3A_138 : i32
    scf.if %cond3A_139 {
      "tpu.region"() ({
        %run_scoped3A = tpu.sem_alloc : memref<!tpu.dma_semaphore, #tpu.memory_space<semaphore_mem>>
        %dma_start3A_140 = arith.constant 9360 : i32
        %dma_start3A_141 = arith.constant 0 : i32
        %dma_start3A_142 = tpu.memref_slice %arg6[%arg0, %dma_start3A_140, %dma_start3A_141] : memref<2x10000x128xf32, #tpu.memory_space<hbm>> -> memref<1x640x128xf32, #tpu.memory_space<hbm>>
        %dma_start3A_143 = tpu.memref_squeeze %dma_start3A_142 : memref<1x640x128xf32, #tpu.memory_space<hbm>> -> memref<640x128xf32, #tpu.memory_space<hbm>>
        %dma_start3A_144 = arith.constant 9360 : i32
        %dma_start3A_145 = arith.constant 0 : i32
        %dma_start3A_146 = tpu.memref_slice %arg7[%dma_start3A_144, %dma_start3A_145] : memref<10512x128xf32, #tpu.memory_space<vmem_shared>> -> memref<640x128xf32, #tpu.memory_space<vmem_shared>>
        tpu.enqueue_dma source(%dma_start3A_146 : memref<640x128xf32, #tpu.memory_space<vmem_shared>>) target(%dma_start3A_143 : memref<640x128xf32, #tpu.memory_space<hbm>>) target_semaphore(%run_scoped3A : memref<!tpu.dma_semaphore, #tpu.memory_space<semaphore_mem>>)
        %dma_wait3A_147 = arith.constant 9360 : i32
        %dma_wait3A_148 = arith.constant 0 : i32
        %dma_wait3A_149 = tpu.memref_slice %arg6[%arg0, %dma_wait3A_147, %dma_wait3A_148] : memref<2x10000x128xf32, #tpu.memory_space<hbm>> -> memref<1x640x128xf32, #tpu.memory_space<hbm>>
        %dma_wait3A_150 = tpu.memref_squeeze %dma_wait3A_149 : memref<1x640x128xf32, #tpu.memory_space<hbm>> -> memref<640x128xf32, #tpu.memory_space<hbm>>
        %dma_wait3A_151 = arith.constant 9360 : i32
        %dma_wait3A_152 = arith.constant 0 : i32
        %dma_wait3A_153 = tpu.memref_slice %arg7[%dma_wait3A_151, %dma_wait3A_152] : memref<10512x128xf32, #tpu.memory_space<vmem_shared>> -> memref<640x128xf32, #tpu.memory_space<vmem_shared>>
        tpu.wait_dma2 semaphore(%run_scoped3A : memref<!tpu.dma_semaphore, #tpu.memory_space<semaphore_mem>>) src(%dma_wait3A_153 : memref<640x128xf32, #tpu.memory_space<vmem_shared>>) dst(%dma_wait3A_150 : memref<640x128xf32, #tpu.memory_space<hbm>>)
        tpu.yield
      }) : () -> ()
    } else {
    }
    return
  }
}

#map = affine_map<(d0, d1) -> (0, 0, 0)>
#map1 = affine_map<(d0, d1) -> (0, 0)>
module attributes {stable_mosaic.version = 14 : i64} {
  func.func @k(%arg0: i32, %arg1: i32, %arg2: memref<32x80x128xi32, #tpu.memory_space<hbm>>, %arg3: memref<32x80x128xi32, #tpu.memory_space<hbm>>, %arg4: memref<10512x128xf32, #tpu.memory_space<hbm>>, %arg5: memref<672x128xf32, #tpu.memory_space<hbm>>, %arg6: memref<2x10000x128xf32, #tpu.memory_space<hbm>>, %arg7: memref<10512x128xf32, #tpu.memory_space<vmem_shared>>, %arg8: memref<3x128xi32, #tpu.memory_space<vmem>>, %arg9: memref<3x128xi32, #tpu.memory_space<vmem>>, %arg10: memref<2x128x128xf32, #tpu.memory_space<vmem>>, %arg11: memref<2x!tpu.dma_semaphore, #tpu.memory_space<semaphore_mem>>, %arg12: memref<2x!tpu.dma_semaphore, #tpu.memory_space<semaphore_mem>>, %arg13: memref<3x!tpu.dma_semaphore, #tpu.memory_space<semaphore_mem>>, %arg14: memref<3x!tpu.dma_semaphore, #tpu.memory_space<semaphore_mem>>) attributes {dimension_semantics = [#tpu.dimension_semantics<core_parallel>, #tpu.dimension_semantics<subcore_parallel>], iteration_bounds = array<i64: 2, 16>, scalar_prefetch = 0 : i64, scratch_operands = 8 : i64, tpu.core_type = #tpu.core_type<sc_vector_subcore>, window_params = [{transform_indices = #map}, {transform_indices = #map}, {transform_indices = #map1}, {transform_indices = #map1}, {transform_indices = #map}]} {
    %mul3A = arith.constant 16 : i32
    %mul3A_0 = arith.muli %arg0, %mul3A : i32
    %add3A = arith.addi %mul3A_0, %arg1 : i32
    %mul3A_1 = arith.constant 624 : i32
    %mul3A_2 = arith.muli %arg1, %mul3A_1 : i32
    %lt3A = arith.constant 15 : i32
    %lt3A_3 = arith.cmpi slt, %arg1, %lt3A : i32
    %convert_element_type3A = arith.extui %lt3A_3 : i1 to i32
    %cond3A = arith.constant 0 : i32
    %cond3A_4 = arith.cmpi ne, %convert_element_type3A, %cond3A : i32
    scf.if %cond3A_4 {
      %mul3A_140 = arith.constant 656 : i32
      %mul3A_141 = arith.muli %arg1, %mul3A_140 : i32
      "tpu.region"() ({
        %run_scoped3A = tpu.sem_alloc : memref<!tpu.dma_semaphore, #tpu.memory_space<semaphore_mem>>
        %dma_start3A_142 = arith.constant 0 : i32
        %dma_start3A_143 = tpu.memref_slice %arg7[%mul3A_141, %dma_start3A_142] : memref<10512x128xf32, #tpu.memory_space<vmem_shared>> -> memref<656x128xf32, #tpu.memory_space<vmem_shared>>
        %dma_start3A_144 = arith.constant 0 : i32
        %dma_start3A_145 = arith.constant 0 : i32
        %dma_start3A_146 = tpu.memref_slice %arg5[%dma_start3A_144, %dma_start3A_145] : memref<672x128xf32, #tpu.memory_space<hbm>> -> memref<656x128xf32, #tpu.memory_space<hbm>>
        tpu.enqueue_dma source(%dma_start3A_146 : memref<656x128xf32, #tpu.memory_space<hbm>>) target(%dma_start3A_143 : memref<656x128xf32, #tpu.memory_space<vmem_shared>>) target_semaphore(%run_scoped3A : memref<!tpu.dma_semaphore, #tpu.memory_space<semaphore_mem>>)
        %dma_wait3A_147 = arith.constant 0 : i32
        %dma_wait3A_148 = tpu.memref_slice %arg7[%mul3A_141, %dma_wait3A_147] : memref<10512x128xf32, #tpu.memory_space<vmem_shared>> -> memref<656x128xf32, #tpu.memory_space<vmem_shared>>
        %dma_wait3A_149 = arith.constant 0 : i32
        %dma_wait3A_150 = arith.constant 0 : i32
        %dma_wait3A_151 = tpu.memref_slice %arg5[%dma_wait3A_149, %dma_wait3A_150] : memref<672x128xf32, #tpu.memory_space<hbm>> -> memref<656x128xf32, #tpu.memory_space<hbm>>
        tpu.wait_dma2 semaphore(%run_scoped3A : memref<!tpu.dma_semaphore, #tpu.memory_space<semaphore_mem>>) src(%dma_wait3A_151 : memref<656x128xf32, #tpu.memory_space<hbm>>) dst(%dma_wait3A_148 : memref<656x128xf32, #tpu.memory_space<vmem_shared>>)
        tpu.yield
      }) : () -> ()
    } else {
    }
    %eq3A = arith.constant 15 : i32
    %eq3A_5 = arith.cmpi eq, %arg1, %eq3A : i32
    %convert_element_type3A_6 = arith.extui %eq3A_5 : i1 to i32
    %cond3A_7 = arith.constant 0 : i32
    %cond3A_8 = arith.cmpi ne, %convert_element_type3A_6, %cond3A_7 : i32
    scf.if %cond3A_8 {
      "tpu.region"() ({
        %run_scoped3A = tpu.sem_alloc : memref<!tpu.dma_semaphore, #tpu.memory_space<semaphore_mem>>
        %dma_start3A_140 = arith.constant 9840 : i32
        %dma_start3A_141 = arith.constant 0 : i32
        %dma_start3A_142 = tpu.memref_slice %arg7[%dma_start3A_140, %dma_start3A_141] : memref<10512x128xf32, #tpu.memory_space<vmem_shared>> -> memref<672x128xf32, #tpu.memory_space<vmem_shared>>
        %dma_start3A_143 = arith.constant 0 : i32
        %dma_start3A_144 = arith.constant 0 : i32
        %dma_start3A_145 = tpu.memref_slice %arg5[%dma_start3A_143, %dma_start3A_144] : memref<672x128xf32, #tpu.memory_space<hbm>> -> memref<672x128xf32, #tpu.memory_space<hbm>>
        tpu.enqueue_dma source(%dma_start3A_145 : memref<672x128xf32, #tpu.memory_space<hbm>>) target(%dma_start3A_142 : memref<672x128xf32, #tpu.memory_space<vmem_shared>>) target_semaphore(%run_scoped3A : memref<!tpu.dma_semaphore, #tpu.memory_space<semaphore_mem>>)
        %dma_wait3A_146 = arith.constant 9840 : i32
        %dma_wait3A_147 = arith.constant 0 : i32
        %dma_wait3A_148 = tpu.memref_slice %arg7[%dma_wait3A_146, %dma_wait3A_147] : memref<10512x128xf32, #tpu.memory_space<vmem_shared>> -> memref<672x128xf32, #tpu.memory_space<vmem_shared>>
        %dma_wait3A_149 = arith.constant 0 : i32
        %dma_wait3A_150 = arith.constant 0 : i32
        %dma_wait3A_151 = tpu.memref_slice %arg5[%dma_wait3A_149, %dma_wait3A_150] : memref<672x128xf32, #tpu.memory_space<hbm>> -> memref<672x128xf32, #tpu.memory_space<hbm>>
        tpu.wait_dma2 semaphore(%run_scoped3A : memref<!tpu.dma_semaphore, #tpu.memory_space<semaphore_mem>>) src(%dma_wait3A_151 : memref<672x128xf32, #tpu.memory_space<hbm>>) dst(%dma_wait3A_148 : memref<672x128xf32, #tpu.memory_space<vmem_shared>>)
        tpu.yield
      }) : () -> ()
    } else {
    }
    %barrier3A = arith.constant 0 : index
    tpu.barrier barrier_id(%barrier3A)
    %dma_start3A = arith.constant 0 : i32
    %dma_start3A_9 = arith.constant 0 : i32
    %dma_start3A_10 = arith.constant 0 : i32
    %dma_start3A_11 = arith.constant 0 : i32
    %dma_start3A_12 = tpu.memref_slice %arg8[%dma_start3A_9, %dma_start3A_11] : memref<3x128xi32, #tpu.memory_space<vmem>> -> memref<1x128xi32, #tpu.memory_space<vmem>>
    %dma_start3A_13 = tpu.memref_squeeze %dma_start3A_12 : memref<1x128xi32, #tpu.memory_space<vmem>> -> memref<128xi32, #tpu.memory_space<vmem>>
    %dma_start3A_14 = arith.constant 0 : i32
    %dma_start3A_15 = tpu.memref_slice %arg2[%add3A, %dma_start3A, %dma_start3A_14] : memref<32x80x128xi32, #tpu.memory_space<hbm>> -> memref<1x1x128xi32, #tpu.memory_space<hbm>>
    %dma_start3A_16 = tpu.memref_squeeze %dma_start3A_15 : memref<1x1x128xi32, #tpu.memory_space<hbm>> -> memref<128xi32, #tpu.memory_space<hbm>>
    %dma_start3A_17 = tpu.memref_slice %arg13[%dma_start3A_10] : memref<3x!tpu.dma_semaphore, #tpu.memory_space<semaphore_mem>> -> memref<1x!tpu.dma_semaphore, #tpu.memory_space<semaphore_mem>>
    %dma_start3A_18 = tpu.memref_squeeze %dma_start3A_17 : memref<1x!tpu.dma_semaphore, #tpu.memory_space<semaphore_mem>> -> memref<!tpu.dma_semaphore, #tpu.memory_space<semaphore_mem>>
    %dma_start3A_19 = arith.constant 0 : i32
    %dma_start3A_20 = tpu.memref_slice %arg8[%dma_start3A_9, %dma_start3A_19] : memref<3x128xi32, #tpu.memory_space<vmem>> -> memref<1x128xi32, #tpu.memory_space<vmem>>
    %dma_start3A_21 = tpu.memref_squeeze %dma_start3A_20 : memref<1x128xi32, #tpu.memory_space<vmem>> -> memref<128xi32, #tpu.memory_space<vmem>>
    %dma_start3A_22 = arith.constant 0 : i32
    %dma_start3A_23 = tpu.memref_slice %arg2[%add3A, %dma_start3A, %dma_start3A_22] : memref<32x80x128xi32, #tpu.memory_space<hbm>> -> memref<1x1x128xi32, #tpu.memory_space<hbm>>
    %dma_start3A_24 = tpu.memref_squeeze %dma_start3A_23 : memref<1x1x128xi32, #tpu.memory_space<hbm>> -> memref<128xi32, #tpu.memory_space<hbm>>
    tpu.enqueue_dma source(%dma_start3A_24 : memref<128xi32, #tpu.memory_space<hbm>>) target(%dma_start3A_21 : memref<128xi32, #tpu.memory_space<vmem>>) target_semaphore(%dma_start3A_18 : memref<!tpu.dma_semaphore, #tpu.memory_space<semaphore_mem>>)
    %dma_start3A_25 = arith.constant 0 : i32
    %dma_start3A_26 = arith.constant 0 : i32
    %dma_start3A_27 = arith.constant 0 : i32
    %dma_start3A_28 = arith.constant 0 : i32
    %dma_start3A_29 = tpu.memref_slice %arg9[%dma_start3A_26, %dma_start3A_28] : memref<3x128xi32, #tpu.memory_space<vmem>> -> memref<1x128xi32, #tpu.memory_space<vmem>>
    %dma_start3A_30 = tpu.memref_squeeze %dma_start3A_29 : memref<1x128xi32, #tpu.memory_space<vmem>> -> memref<128xi32, #tpu.memory_space<vmem>>
    %dma_start3A_31 = arith.constant 0 : i32
    %dma_start3A_32 = tpu.memref_slice %arg3[%add3A, %dma_start3A_25, %dma_start3A_31] : memref<32x80x128xi32, #tpu.memory_space<hbm>> -> memref<1x1x128xi32, #tpu.memory_space<hbm>>
    %dma_start3A_33 = tpu.memref_squeeze %dma_start3A_32 : memref<1x1x128xi32, #tpu.memory_space<hbm>> -> memref<128xi32, #tpu.memory_space<hbm>>
    %dma_start3A_34 = tpu.memref_slice %arg14[%dma_start3A_27] : memref<3x!tpu.dma_semaphore, #tpu.memory_space<semaphore_mem>> -> memref<1x!tpu.dma_semaphore, #tpu.memory_space<semaphore_mem>>
    %dma_start3A_35 = tpu.memref_squeeze %dma_start3A_34 : memref<1x!tpu.dma_semaphore, #tpu.memory_space<semaphore_mem>> -> memref<!tpu.dma_semaphore, #tpu.memory_space<semaphore_mem>>
    %dma_start3A_36 = arith.constant 0 : i32
    %dma_start3A_37 = tpu.memref_slice %arg9[%dma_start3A_26, %dma_start3A_36] : memref<3x128xi32, #tpu.memory_space<vmem>> -> memref<1x128xi32, #tpu.memory_space<vmem>>
    %dma_start3A_38 = tpu.memref_squeeze %dma_start3A_37 : memref<1x128xi32, #tpu.memory_space<vmem>> -> memref<128xi32, #tpu.memory_space<vmem>>
    %dma_start3A_39 = arith.constant 0 : i32
    %dma_start3A_40 = tpu.memref_slice %arg3[%add3A, %dma_start3A_25, %dma_start3A_39] : memref<32x80x128xi32, #tpu.memory_space<hbm>> -> memref<1x1x128xi32, #tpu.memory_space<hbm>>
    %dma_start3A_41 = tpu.memref_squeeze %dma_start3A_40 : memref<1x1x128xi32, #tpu.memory_space<hbm>> -> memref<128xi32, #tpu.memory_space<hbm>>
    tpu.enqueue_dma source(%dma_start3A_41 : memref<128xi32, #tpu.memory_space<hbm>>) target(%dma_start3A_38 : memref<128xi32, #tpu.memory_space<vmem>>) target_semaphore(%dma_start3A_35 : memref<!tpu.dma_semaphore, #tpu.memory_space<semaphore_mem>>)
    %dma_start3A_42 = arith.constant 1 : i32
    %dma_start3A_43 = arith.constant 1 : i32
    %dma_start3A_44 = arith.constant 1 : i32
    %dma_start3A_45 = arith.constant 0 : i32
    %dma_start3A_46 = tpu.memref_slice %arg8[%dma_start3A_43, %dma_start3A_45] : memref<3x128xi32, #tpu.memory_space<vmem>> -> memref<1x128xi32, #tpu.memory_space<vmem>>
    %dma_start3A_47 = tpu.memref_squeeze %dma_start3A_46 : memref<1x128xi32, #tpu.memory_space<vmem>> -> memref<128xi32, #tpu.memory_space<vmem>>
    %dma_start3A_48 = arith.constant 0 : i32
    %dma_start3A_49 = tpu.memref_slice %arg2[%add3A, %dma_start3A_42, %dma_start3A_48] : memref<32x80x128xi32, #tpu.memory_space<hbm>> -> memref<1x1x128xi32, #tpu.memory_space<hbm>>
    %dma_start3A_50 = tpu.memref_squeeze %dma_start3A_49 : memref<1x1x128xi32, #tpu.memory_space<hbm>> -> memref<128xi32, #tpu.memory_space<hbm>>
    %dma_start3A_51 = tpu.memref_slice %arg13[%dma_start3A_44] : memref<3x!tpu.dma_semaphore, #tpu.memory_space<semaphore_mem>> -> memref<1x!tpu.dma_semaphore, #tpu.memory_space<semaphore_mem>>
    %dma_start3A_52 = tpu.memref_squeeze %dma_start3A_51 : memref<1x!tpu.dma_semaphore, #tpu.memory_space<semaphore_mem>> -> memref<!tpu.dma_semaphore, #tpu.memory_space<semaphore_mem>>
    %dma_start3A_53 = arith.constant 0 : i32
    %dma_start3A_54 = tpu.memref_slice %arg8[%dma_start3A_43, %dma_start3A_53] : memref<3x128xi32, #tpu.memory_space<vmem>> -> memref<1x128xi32, #tpu.memory_space<vmem>>
    %dma_start3A_55 = tpu.memref_squeeze %dma_start3A_54 : memref<1x128xi32, #tpu.memory_space<vmem>> -> memref<128xi32, #tpu.memory_space<vmem>>
    %dma_start3A_56 = arith.constant 0 : i32
    %dma_start3A_57 = tpu.memref_slice %arg2[%add3A, %dma_start3A_42, %dma_start3A_56] : memref<32x80x128xi32, #tpu.memory_space<hbm>> -> memref<1x1x128xi32, #tpu.memory_space<hbm>>
    %dma_start3A_58 = tpu.memref_squeeze %dma_start3A_57 : memref<1x1x128xi32, #tpu.memory_space<hbm>> -> memref<128xi32, #tpu.memory_space<hbm>>
    tpu.enqueue_dma source(%dma_start3A_58 : memref<128xi32, #tpu.memory_space<hbm>>) target(%dma_start3A_55 : memref<128xi32, #tpu.memory_space<vmem>>) target_semaphore(%dma_start3A_52 : memref<!tpu.dma_semaphore, #tpu.memory_space<semaphore_mem>>)
    %dma_start3A_59 = arith.constant 1 : i32
    %dma_start3A_60 = arith.constant 1 : i32
    %dma_start3A_61 = arith.constant 1 : i32
    %dma_start3A_62 = arith.constant 0 : i32
    %dma_start3A_63 = tpu.memref_slice %arg9[%dma_start3A_60, %dma_start3A_62] : memref<3x128xi32, #tpu.memory_space<vmem>> -> memref<1x128xi32, #tpu.memory_space<vmem>>
    %dma_start3A_64 = tpu.memref_squeeze %dma_start3A_63 : memref<1x128xi32, #tpu.memory_space<vmem>> -> memref<128xi32, #tpu.memory_space<vmem>>
    %dma_start3A_65 = arith.constant 0 : i32
    %dma_start3A_66 = tpu.memref_slice %arg3[%add3A, %dma_start3A_59, %dma_start3A_65] : memref<32x80x128xi32, #tpu.memory_space<hbm>> -> memref<1x1x128xi32, #tpu.memory_space<hbm>>
    %dma_start3A_67 = tpu.memref_squeeze %dma_start3A_66 : memref<1x1x128xi32, #tpu.memory_space<hbm>> -> memref<128xi32, #tpu.memory_space<hbm>>
    %dma_start3A_68 = tpu.memref_slice %arg14[%dma_start3A_61] : memref<3x!tpu.dma_semaphore, #tpu.memory_space<semaphore_mem>> -> memref<1x!tpu.dma_semaphore, #tpu.memory_space<semaphore_mem>>
    %dma_start3A_69 = tpu.memref_squeeze %dma_start3A_68 : memref<1x!tpu.dma_semaphore, #tpu.memory_space<semaphore_mem>> -> memref<!tpu.dma_semaphore, #tpu.memory_space<semaphore_mem>>
    %dma_start3A_70 = arith.constant 0 : i32
    %dma_start3A_71 = tpu.memref_slice %arg9[%dma_start3A_60, %dma_start3A_70] : memref<3x128xi32, #tpu.memory_space<vmem>> -> memref<1x128xi32, #tpu.memory_space<vmem>>
    %dma_start3A_72 = tpu.memref_squeeze %dma_start3A_71 : memref<1x128xi32, #tpu.memory_space<vmem>> -> memref<128xi32, #tpu.memory_space<vmem>>
    %dma_start3A_73 = arith.constant 0 : i32
    %dma_start3A_74 = tpu.memref_slice %arg3[%add3A, %dma_start3A_59, %dma_start3A_73] : memref<32x80x128xi32, #tpu.memory_space<hbm>> -> memref<1x1x128xi32, #tpu.memory_space<hbm>>
    %dma_start3A_75 = tpu.memref_squeeze %dma_start3A_74 : memref<1x1x128xi32, #tpu.memory_space<hbm>> -> memref<128xi32, #tpu.memory_space<hbm>>
    tpu.enqueue_dma source(%dma_start3A_75 : memref<128xi32, #tpu.memory_space<hbm>>) target(%dma_start3A_72 : memref<128xi32, #tpu.memory_space<vmem>>) target_semaphore(%dma_start3A_69 : memref<!tpu.dma_semaphore, #tpu.memory_space<semaphore_mem>>)
    %dma_wait3A = arith.constant 0 : i32
    %dma_wait3A_76 = arith.constant 0 : i32
    %dma_wait3A_77 = arith.constant 0 : i32
    %dma_wait3A_78 = arith.constant 0 : i32
    %dma_wait3A_79 = tpu.memref_slice %arg8[%dma_wait3A_76, %dma_wait3A_78] : memref<3x128xi32, #tpu.memory_space<vmem>> -> memref<1x128xi32, #tpu.memory_space<vmem>>
    %dma_wait3A_80 = tpu.memref_squeeze %dma_wait3A_79 : memref<1x128xi32, #tpu.memory_space<vmem>> -> memref<128xi32, #tpu.memory_space<vmem>>
    %dma_wait3A_81 = arith.constant 0 : i32
    %dma_wait3A_82 = tpu.memref_slice %arg2[%add3A, %dma_wait3A, %dma_wait3A_81] : memref<32x80x128xi32, #tpu.memory_space<hbm>> -> memref<1x1x128xi32, #tpu.memory_space<hbm>>
    %dma_wait3A_83 = tpu.memref_squeeze %dma_wait3A_82 : memref<1x1x128xi32, #tpu.memory_space<hbm>> -> memref<128xi32, #tpu.memory_space<hbm>>
    %dma_wait3A_84 = tpu.memref_slice %arg13[%dma_wait3A_77] : memref<3x!tpu.dma_semaphore, #tpu.memory_space<semaphore_mem>> -> memref<1x!tpu.dma_semaphore, #tpu.memory_space<semaphore_mem>>
    %dma_wait3A_85 = tpu.memref_squeeze %dma_wait3A_84 : memref<1x!tpu.dma_semaphore, #tpu.memory_space<semaphore_mem>> -> memref<!tpu.dma_semaphore, #tpu.memory_space<semaphore_mem>>
    %dma_wait3A_86 = arith.constant 0 : i32
    %dma_wait3A_87 = tpu.memref_slice %arg8[%dma_wait3A_76, %dma_wait3A_86] : memref<3x128xi32, #tpu.memory_space<vmem>> -> memref<1x128xi32, #tpu.memory_space<vmem>>
    %dma_wait3A_88 = tpu.memref_squeeze %dma_wait3A_87 : memref<1x128xi32, #tpu.memory_space<vmem>> -> memref<128xi32, #tpu.memory_space<vmem>>
    %dma_wait3A_89 = arith.constant 0 : i32
    %dma_wait3A_90 = tpu.memref_slice %arg2[%add3A, %dma_wait3A, %dma_wait3A_89] : memref<32x80x128xi32, #tpu.memory_space<hbm>> -> memref<1x1x128xi32, #tpu.memory_space<hbm>>
    %dma_wait3A_91 = tpu.memref_squeeze %dma_wait3A_90 : memref<1x1x128xi32, #tpu.memory_space<hbm>> -> memref<128xi32, #tpu.memory_space<hbm>>
    tpu.wait_dma2 semaphore(%dma_wait3A_85 : memref<!tpu.dma_semaphore, #tpu.memory_space<semaphore_mem>>) src(%dma_wait3A_91 : memref<128xi32, #tpu.memory_space<hbm>>) dst(%dma_wait3A_88 : memref<128xi32, #tpu.memory_space<vmem>>)
    %dma_start3A_92 = arith.constant 0 : i32
    %dma_start3A_93 = arith.constant 0 : i32
    %dma_start3A_94 = arith.constant 0 : i32
    %dma_start3A_95 = arith.constant 0 : i32
    %dma_start3A_96 = arith.constant 0 : i32
    %dma_start3A_97 = tpu.memref_slice %arg10[%dma_start3A_93, %dma_start3A_95, %dma_start3A_96] : memref<2x128x128xf32, #tpu.memory_space<vmem>> -> memref<1x128x128xf32, #tpu.memory_space<vmem>>
    %dma_start3A_98 = tpu.memref_squeeze %dma_start3A_97 : memref<1x128x128xf32, #tpu.memory_space<vmem>> -> memref<128x128xf32, #tpu.memory_space<vmem>>
    %dma_start3A_99 = arith.constant 0 : i32
    %dma_start3A_100 = tpu.memref_slice %arg8[%dma_start3A_92, %dma_start3A_99] : memref<3x128xi32, #tpu.memory_space<vmem>> -> memref<1x128xi32, #tpu.memory_space<vmem>>
    %dma_start3A_101 = tpu.memref_squeeze %dma_start3A_100 : memref<1x128xi32, #tpu.memory_space<vmem>> -> memref<128xi32, #tpu.memory_space<vmem>>
    %dma_start3A_102 = arith.constant 0 : i32
    %dma_start3A_103 = arith.constant 0 : i32
    %dma_start3A_104 = tpu.memref_slice %arg4[%dma_start3A_102, %dma_start3A_103] : memref<10512x128xf32, #tpu.memory_space<hbm>> -> memref<10512x128xf32, #tpu.memory_space<hbm>>
    %dma_start3A_105 = tpu.memref_slice %arg11[%dma_start3A_94] : memref<2x!tpu.dma_semaphore, #tpu.memory_space<semaphore_mem>> -> memref<1x!tpu.dma_semaphore, #tpu.memory_space<semaphore_mem>>
    %dma_start3A_106 = tpu.memref_squeeze %dma_start3A_105 : memref<1x!tpu.dma_semaphore, #tpu.memory_space<semaphore_mem>> -> memref<!tpu.dma_semaphore, #tpu.memory_space<semaphore_mem>>
    tpu.enqueue_indirect_dma source(%dma_start3A_104 : memref<10512x128xf32, #tpu.memory_space<hbm>>) target(%dma_start3A_98 : memref<128x128xf32, #tpu.memory_space<vmem>>) offsets(%dma_start3A_101 : memref<128xi32, #tpu.memory_space<vmem>>) semaphore(%dma_start3A_106 : memref<!tpu.dma_semaphore, #tpu.memory_space<semaphore_mem>>)
    %scan3A = arith.constant 0 : i32
    %scan3A_107 = arith.constant 0 : i32
    %scan3A_108 = arith.constant 80 : i32
    %scan3A_109 = arith.addi %scan3A_107, %scan3A_108 : i32
    %scan3A_110 = arith.constant 1 : i32
    scf.for %scan3A_140 = %scan3A_107 to %scan3A_109 step %scan3A_110  : i32 {
      %rem3A_141 = arith.constant 2 : i32
      %rem3A_142 = arith.remsi %scan3A_140, %rem3A_141 : i32
      %sub3A = arith.constant 1 : i32
      %sub3A_143 = arith.subi %sub3A, %rem3A_142 : i32
      %rem3A_144 = arith.constant 3 : i32
      %rem3A_145 = arith.remsi %scan3A_140, %rem3A_144 : i32
      %add3A_146 = arith.constant 1 : i32
      %add3A_147 = arith.addi %scan3A_140, %add3A_146 : i32
      %rem3A_148 = arith.constant 3 : i32
      %rem3A_149 = arith.remsi %add3A_147, %rem3A_148 : i32
      %add3A_150 = arith.constant 2 : i32
      %add3A_151 = arith.addi %scan3A_140, %add3A_150 : i32
      %rem3A_152 = arith.constant 3 : i32
      %rem3A_153 = arith.remsi %add3A_151, %rem3A_152 : i32
      %ge3A = arith.constant 1 : i32
      %ge3A_154 = arith.cmpi sge, %scan3A_140, %ge3A : i32
      %convert_element_type3A_155 = arith.extui %ge3A_154 : i1 to i32
      %cond3A_156 = arith.constant 0 : i32
      %cond3A_157 = arith.cmpi ne, %convert_element_type3A_155, %cond3A_156 : i32
      scf.if %cond3A_157 {
        %sub3A_210 = arith.constant 1 : i32
        %sub3A_211 = arith.subi %scan3A_140, %sub3A_210 : i32
        %rem3A_212 = arith.constant 3 : i32
        %rem3A_213 = arith.remsi %sub3A_211, %rem3A_212 : i32
        %dma_wait3A_214 = arith.constant 0 : i32
        %dma_wait3A_215 = arith.constant 0 : i32
        %dma_wait3A_216 = tpu.memref_slice %arg10[%sub3A_143, %dma_wait3A_214, %dma_wait3A_215] : memref<2x128x128xf32, #tpu.memory_space<vmem>> -> memref<1x128x128xf32, #tpu.memory_space<vmem>>
        %dma_wait3A_217 = tpu.memref_squeeze %dma_wait3A_216 : memref<1x128x128xf32, #tpu.memory_space<vmem>> -> memref<128x128xf32, #tpu.memory_space<vmem>>
        %dma_wait3A_218 = arith.constant 0 : i32
        %dma_wait3A_219 = tpu.memref_slice %arg9[%rem3A_213, %dma_wait3A_218] : memref<3x128xi32, #tpu.memory_space<vmem>> -> memref<1x128xi32, #tpu.memory_space<vmem>>
        %dma_wait3A_220 = tpu.memref_squeeze %dma_wait3A_219 : memref<1x128xi32, #tpu.memory_space<vmem>> -> memref<128xi32, #tpu.memory_space<vmem>>
        %dma_wait3A_221 = arith.constant 0 : i32
        %dma_wait3A_222 = arith.constant 0 : i32
        %dma_wait3A_223 = tpu.memref_slice %arg7[%dma_wait3A_221, %dma_wait3A_222] : memref<10512x128xf32, #tpu.memory_space<vmem_shared>> -> memref<10512x128xf32, #tpu.memory_space<vmem_shared>>
        %dma_wait3A_224 = tpu.memref_slice %arg12[%sub3A_143] : memref<2x!tpu.dma_semaphore, #tpu.memory_space<semaphore_mem>> -> memref<1x!tpu.dma_semaphore, #tpu.memory_space<semaphore_mem>>
        %dma_wait3A_225 = tpu.memref_squeeze %dma_wait3A_224 : memref<1x!tpu.dma_semaphore, #tpu.memory_space<semaphore_mem>> -> memref<!tpu.dma_semaphore, #tpu.memory_space<semaphore_mem>>
        tpu.wait_indirect_dma semaphore(%dma_wait3A_225 : memref<!tpu.dma_semaphore, #tpu.memory_space<semaphore_mem>>) src(%dma_wait3A_217 : memref<128x128xf32, #tpu.memory_space<vmem>>) dst(%dma_wait3A_223 : memref<10512x128xf32, #tpu.memory_space<vmem_shared>>)
      } else {
      }
      %add3A_158 = arith.constant 2 : i32
      %add3A_159 = arith.addi %scan3A_140, %add3A_158 : i32
      %lt3A_160 = arith.constant 80 : i32
      %lt3A_161 = arith.cmpi slt, %add3A_159, %lt3A_160 : i32
      %convert_element_type3A_162 = arith.extui %lt3A_161 : i1 to i32
      %cond3A_163 = arith.constant 0 : i32
      %cond3A_164 = arith.cmpi ne, %convert_element_type3A_162, %cond3A_163 : i32
      scf.if %cond3A_164 {
        %add3A_210 = arith.constant 2 : i32
        %add3A_211 = arith.addi %scan3A_140, %add3A_210 : i32
        %dma_start3A_212 = arith.constant 0 : i32
        %dma_start3A_213 = tpu.memref_slice %arg8[%rem3A_153, %dma_start3A_212] : memref<3x128xi32, #tpu.memory_space<vmem>> -> memref<1x128xi32, #tpu.memory_space<vmem>>
        %dma_start3A_214 = tpu.memref_squeeze %dma_start3A_213 : memref<1x128xi32, #tpu.memory_space<vmem>> -> memref<128xi32, #tpu.memory_space<vmem>>
        %dma_start3A_215 = arith.constant 0 : i32
        %dma_start3A_216 = tpu.memref_slice %arg2[%add3A, %add3A_211, %dma_start3A_215] : memref<32x80x128xi32, #tpu.memory_space<hbm>> -> memref<1x1x128xi32, #tpu.memory_space<hbm>>
        %dma_start3A_217 = tpu.memref_squeeze %dma_start3A_216 : memref<1x1x128xi32, #tpu.memory_space<hbm>> -> memref<128xi32, #tpu.memory_space<hbm>>
        %dma_start3A_218 = tpu.memref_slice %arg13[%rem3A_153] : memref<3x!tpu.dma_semaphore, #tpu.memory_space<semaphore_mem>> -> memref<1x!tpu.dma_semaphore, #tpu.memory_space<semaphore_mem>>
        %dma_start3A_219 = tpu.memref_squeeze %dma_start3A_218 : memref<1x!tpu.dma_semaphore, #tpu.memory_space<semaphore_mem>> -> memref<!tpu.dma_semaphore, #tpu.memory_space<semaphore_mem>>
        %dma_start3A_220 = arith.constant 0 : i32
        %dma_start3A_221 = tpu.memref_slice %arg8[%rem3A_153, %dma_start3A_220] : memref<3x128xi32, #tpu.memory_space<vmem>> -> memref<1x128xi32, #tpu.memory_space<vmem>>
        %dma_start3A_222 = tpu.memref_squeeze %dma_start3A_221 : memref<1x128xi32, #tpu.memory_space<vmem>> -> memref<128xi32, #tpu.memory_space<vmem>>
        %dma_start3A_223 = arith.constant 0 : i32
        %dma_start3A_224 = tpu.memref_slice %arg2[%add3A, %add3A_211, %dma_start3A_223] : memref<32x80x128xi32, #tpu.memory_space<hbm>> -> memref<1x1x128xi32, #tpu.memory_space<hbm>>
        %dma_start3A_225 = tpu.memref_squeeze %dma_start3A_224 : memref<1x1x128xi32, #tpu.memory_space<hbm>> -> memref<128xi32, #tpu.memory_space<hbm>>
        tpu.enqueue_dma source(%dma_start3A_225 : memref<128xi32, #tpu.memory_space<hbm>>) target(%dma_start3A_222 : memref<128xi32, #tpu.memory_space<vmem>>) target_semaphore(%dma_start3A_219 : memref<!tpu.dma_semaphore, #tpu.memory_space<semaphore_mem>>)
        %add3A_226 = arith.constant 2 : i32
        %add3A_227 = arith.addi %scan3A_140, %add3A_226 : i32
        %dma_start3A_228 = arith.constant 0 : i32
        %dma_start3A_229 = tpu.memref_slice %arg9[%rem3A_153, %dma_start3A_228] : memref<3x128xi32, #tpu.memory_space<vmem>> -> memref<1x128xi32, #tpu.memory_space<vmem>>
        %dma_start3A_230 = tpu.memref_squeeze %dma_start3A_229 : memref<1x128xi32, #tpu.memory_space<vmem>> -> memref<128xi32, #tpu.memory_space<vmem>>
        %dma_start3A_231 = arith.constant 0 : i32
        %dma_start3A_232 = tpu.memref_slice %arg3[%add3A, %add3A_227, %dma_start3A_231] : memref<32x80x128xi32, #tpu.memory_space<hbm>> -> memref<1x1x128xi32, #tpu.memory_space<hbm>>
        %dma_start3A_233 = tpu.memref_squeeze %dma_start3A_232 : memref<1x1x128xi32, #tpu.memory_space<hbm>> -> memref<128xi32, #tpu.memory_space<hbm>>
        %dma_start3A_234 = tpu.memref_slice %arg14[%rem3A_153] : memref<3x!tpu.dma_semaphore, #tpu.memory_space<semaphore_mem>> -> memref<1x!tpu.dma_semaphore, #tpu.memory_space<semaphore_mem>>
        %dma_start3A_235 = tpu.memref_squeeze %dma_start3A_234 : memref<1x!tpu.dma_semaphore, #tpu.memory_space<semaphore_mem>> -> memref<!tpu.dma_semaphore, #tpu.memory_space<semaphore_mem>>
        %dma_start3A_236 = arith.constant 0 : i32
        %dma_start3A_237 = tpu.memref_slice %arg9[%rem3A_153, %dma_start3A_236] : memref<3x128xi32, #tpu.memory_space<vmem>> -> memref<1x128xi32, #tpu.memory_space<vmem>>
        %dma_start3A_238 = tpu.memref_squeeze %dma_start3A_237 : memref<1x128xi32, #tpu.memory_space<vmem>> -> memref<128xi32, #tpu.memory_space<vmem>>
        %dma_start3A_239 = arith.constant 0 : i32
        %dma_start3A_240 = tpu.memref_slice %arg3[%add3A, %add3A_227, %dma_start3A_239] : memref<32x80x128xi32, #tpu.memory_space<hbm>> -> memref<1x1x128xi32, #tpu.memory_space<hbm>>
        %dma_start3A_241 = tpu.memref_squeeze %dma_start3A_240 : memref<1x1x128xi32, #tpu.memory_space<hbm>> -> memref<128xi32, #tpu.memory_space<hbm>>
        tpu.enqueue_dma source(%dma_start3A_241 : memref<128xi32, #tpu.memory_space<hbm>>) target(%dma_start3A_238 : memref<128xi32, #tpu.memory_space<vmem>>) target_semaphore(%dma_start3A_235 : memref<!tpu.dma_semaphore, #tpu.memory_space<semaphore_mem>>)
      } else {
      }
      %add3A_165 = arith.constant 1 : i32
      %add3A_166 = arith.addi %scan3A_140, %add3A_165 : i32
      %lt3A_167 = arith.constant 80 : i32
      %lt3A_168 = arith.cmpi slt, %add3A_166, %lt3A_167 : i32
      %convert_element_type3A_169 = arith.extui %lt3A_168 : i1 to i32
      %cond3A_170 = arith.constant 0 : i32
      %cond3A_171 = arith.cmpi ne, %convert_element_type3A_169, %cond3A_170 : i32
      scf.if %cond3A_171 {
        %add3A_210 = arith.constant 1 : i32
        %add3A_211 = arith.addi %scan3A_140, %add3A_210 : i32
        %dma_wait3A_212 = arith.constant 0 : i32
        %dma_wait3A_213 = tpu.memref_slice %arg8[%rem3A_149, %dma_wait3A_212] : memref<3x128xi32, #tpu.memory_space<vmem>> -> memref<1x128xi32, #tpu.memory_space<vmem>>
        %dma_wait3A_214 = tpu.memref_squeeze %dma_wait3A_213 : memref<1x128xi32, #tpu.memory_space<vmem>> -> memref<128xi32, #tpu.memory_space<vmem>>
        %dma_wait3A_215 = arith.constant 0 : i32
        %dma_wait3A_216 = tpu.memref_slice %arg2[%add3A, %add3A_211, %dma_wait3A_215] : memref<32x80x128xi32, #tpu.memory_space<hbm>> -> memref<1x1x128xi32, #tpu.memory_space<hbm>>
        %dma_wait3A_217 = tpu.memref_squeeze %dma_wait3A_216 : memref<1x1x128xi32, #tpu.memory_space<hbm>> -> memref<128xi32, #tpu.memory_space<hbm>>
        %dma_wait3A_218 = tpu.memref_slice %arg13[%rem3A_149] : memref<3x!tpu.dma_semaphore, #tpu.memory_space<semaphore_mem>> -> memref<1x!tpu.dma_semaphore, #tpu.memory_space<semaphore_mem>>
        %dma_wait3A_219 = tpu.memref_squeeze %dma_wait3A_218 : memref<1x!tpu.dma_semaphore, #tpu.memory_space<semaphore_mem>> -> memref<!tpu.dma_semaphore, #tpu.memory_space<semaphore_mem>>
        %dma_wait3A_220 = arith.constant 0 : i32
        %dma_wait3A_221 = tpu.memref_slice %arg8[%rem3A_149, %dma_wait3A_220] : memref<3x128xi32, #tpu.memory_space<vmem>> -> memref<1x128xi32, #tpu.memory_space<vmem>>
        %dma_wait3A_222 = tpu.memref_squeeze %dma_wait3A_221 : memref<1x128xi32, #tpu.memory_space<vmem>> -> memref<128xi32, #tpu.memory_space<vmem>>
        %dma_wait3A_223 = arith.constant 0 : i32
        %dma_wait3A_224 = tpu.memref_slice %arg2[%add3A, %add3A_211, %dma_wait3A_223] : memref<32x80x128xi32, #tpu.memory_space<hbm>> -> memref<1x1x128xi32, #tpu.memory_space<hbm>>
        %dma_wait3A_225 = tpu.memref_squeeze %dma_wait3A_224 : memref<1x1x128xi32, #tpu.memory_space<hbm>> -> memref<128xi32, #tpu.memory_space<hbm>>
        tpu.wait_dma2 semaphore(%dma_wait3A_219 : memref<!tpu.dma_semaphore, #tpu.memory_space<semaphore_mem>>) src(%dma_wait3A_225 : memref<128xi32, #tpu.memory_space<hbm>>) dst(%dma_wait3A_222 : memref<128xi32, #tpu.memory_space<vmem>>)
        %dma_start3A_226 = arith.constant 0 : i32
        %dma_start3A_227 = arith.constant 0 : i32
        %dma_start3A_228 = tpu.memref_slice %arg10[%sub3A_143, %dma_start3A_226, %dma_start3A_227] : memref<2x128x128xf32, #tpu.memory_space<vmem>> -> memref<1x128x128xf32, #tpu.memory_space<vmem>>
        %dma_start3A_229 = tpu.memref_squeeze %dma_start3A_228 : memref<1x128x128xf32, #tpu.memory_space<vmem>> -> memref<128x128xf32, #tpu.memory_space<vmem>>
        %dma_start3A_230 = arith.constant 0 : i32
        %dma_start3A_231 = tpu.memref_slice %arg8[%rem3A_149, %dma_start3A_230] : memref<3x128xi32, #tpu.memory_space<vmem>> -> memref<1x128xi32, #tpu.memory_space<vmem>>
        %dma_start3A_232 = tpu.memref_squeeze %dma_start3A_231 : memref<1x128xi32, #tpu.memory_space<vmem>> -> memref<128xi32, #tpu.memory_space<vmem>>
        %dma_start3A_233 = arith.constant 0 : i32
        %dma_start3A_234 = arith.constant 0 : i32
        %dma_start3A_235 = tpu.memref_slice %arg4[%dma_start3A_233, %dma_start3A_234] : memref<10512x128xf32, #tpu.memory_space<hbm>> -> memref<10512x128xf32, #tpu.memory_space<hbm>>
        %dma_start3A_236 = tpu.memref_slice %arg11[%sub3A_143] : memref<2x!tpu.dma_semaphore, #tpu.memory_space<semaphore_mem>> -> memref<1x!tpu.dma_semaphore, #tpu.memory_space<semaphore_mem>>
        %dma_start3A_237 = tpu.memref_squeeze %dma_start3A_236 : memref<1x!tpu.dma_semaphore, #tpu.memory_space<semaphore_mem>> -> memref<!tpu.dma_semaphore, #tpu.memory_space<semaphore_mem>>
        tpu.enqueue_indirect_dma source(%dma_start3A_235 : memref<10512x128xf32, #tpu.memory_space<hbm>>) target(%dma_start3A_229 : memref<128x128xf32, #tpu.memory_space<vmem>>) offsets(%dma_start3A_232 : memref<128xi32, #tpu.memory_space<vmem>>) semaphore(%dma_start3A_237 : memref<!tpu.dma_semaphore, #tpu.memory_space<semaphore_mem>>)
      } else {
      }
      %dma_wait3A_172 = arith.constant 0 : i32
      %dma_wait3A_173 = arith.constant 0 : i32
      %dma_wait3A_174 = tpu.memref_slice %arg10[%rem3A_142, %dma_wait3A_172, %dma_wait3A_173] : memref<2x128x128xf32, #tpu.memory_space<vmem>> -> memref<1x128x128xf32, #tpu.memory_space<vmem>>
      %dma_wait3A_175 = tpu.memref_squeeze %dma_wait3A_174 : memref<1x128x128xf32, #tpu.memory_space<vmem>> -> memref<128x128xf32, #tpu.memory_space<vmem>>
      %dma_wait3A_176 = arith.constant 0 : i32
      %dma_wait3A_177 = tpu.memref_slice %arg8[%rem3A_145, %dma_wait3A_176] : memref<3x128xi32, #tpu.memory_space<vmem>> -> memref<1x128xi32, #tpu.memory_space<vmem>>
      %dma_wait3A_178 = tpu.memref_squeeze %dma_wait3A_177 : memref<1x128xi32, #tpu.memory_space<vmem>> -> memref<128xi32, #tpu.memory_space<vmem>>
      %dma_wait3A_179 = arith.constant 0 : i32
      %dma_wait3A_180 = arith.constant 0 : i32
      %dma_wait3A_181 = tpu.memref_slice %arg4[%dma_wait3A_179, %dma_wait3A_180] : memref<10512x128xf32, #tpu.memory_space<hbm>> -> memref<10512x128xf32, #tpu.memory_space<hbm>>
      %dma_wait3A_182 = tpu.memref_slice %arg11[%rem3A_142] : memref<2x!tpu.dma_semaphore, #tpu.memory_space<semaphore_mem>> -> memref<1x!tpu.dma_semaphore, #tpu.memory_space<semaphore_mem>>
      %dma_wait3A_183 = tpu.memref_squeeze %dma_wait3A_182 : memref<1x!tpu.dma_semaphore, #tpu.memory_space<semaphore_mem>> -> memref<!tpu.dma_semaphore, #tpu.memory_space<semaphore_mem>>
      tpu.wait_indirect_dma semaphore(%dma_wait3A_183 : memref<!tpu.dma_semaphore, #tpu.memory_space<semaphore_mem>>) src(%dma_wait3A_181 : memref<10512x128xf32, #tpu.memory_space<hbm>>) dst(%dma_wait3A_175 : memref<128x128xf32, #tpu.memory_space<vmem>>)
      %dma_wait3A_184 = arith.constant 0 : i32
      %dma_wait3A_185 = tpu.memref_slice %arg9[%rem3A_145, %dma_wait3A_184] : memref<3x128xi32, #tpu.memory_space<vmem>> -> memref<1x128xi32, #tpu.memory_space<vmem>>
      %dma_wait3A_186 = tpu.memref_squeeze %dma_wait3A_185 : memref<1x128xi32, #tpu.memory_space<vmem>> -> memref<128xi32, #tpu.memory_space<vmem>>
      %dma_wait3A_187 = arith.constant 0 : i32
      %dma_wait3A_188 = tpu.memref_slice %arg3[%add3A, %scan3A_140, %dma_wait3A_187] : memref<32x80x128xi32, #tpu.memory_space<hbm>> -> memref<1x1x128xi32, #tpu.memory_space<hbm>>
      %dma_wait3A_189 = tpu.memref_squeeze %dma_wait3A_188 : memref<1x1x128xi32, #tpu.memory_space<hbm>> -> memref<128xi32, #tpu.memory_space<hbm>>
      %dma_wait3A_190 = tpu.memref_slice %arg14[%rem3A_145] : memref<3x!tpu.dma_semaphore, #tpu.memory_space<semaphore_mem>> -> memref<1x!tpu.dma_semaphore, #tpu.memory_space<semaphore_mem>>
      %dma_wait3A_191 = tpu.memref_squeeze %dma_wait3A_190 : memref<1x!tpu.dma_semaphore, #tpu.memory_space<semaphore_mem>> -> memref<!tpu.dma_semaphore, #tpu.memory_space<semaphore_mem>>
      %dma_wait3A_192 = arith.constant 0 : i32
      %dma_wait3A_193 = tpu.memref_slice %arg9[%rem3A_145, %dma_wait3A_192] : memref<3x128xi32, #tpu.memory_space<vmem>> -> memref<1x128xi32, #tpu.memory_space<vmem>>
      %dma_wait3A_194 = tpu.memref_squeeze %dma_wait3A_193 : memref<1x128xi32, #tpu.memory_space<vmem>> -> memref<128xi32, #tpu.memory_space<vmem>>
      %dma_wait3A_195 = arith.constant 0 : i32
      %dma_wait3A_196 = tpu.memref_slice %arg3[%add3A, %scan3A_140, %dma_wait3A_195] : memref<32x80x128xi32, #tpu.memory_space<hbm>> -> memref<1x1x128xi32, #tpu.memory_space<hbm>>
      %dma_wait3A_197 = tpu.memref_squeeze %dma_wait3A_196 : memref<1x1x128xi32, #tpu.memory_space<hbm>> -> memref<128xi32, #tpu.memory_space<hbm>>
      tpu.wait_dma2 semaphore(%dma_wait3A_191 : memref<!tpu.dma_semaphore, #tpu.memory_space<semaphore_mem>>) src(%dma_wait3A_197 : memref<128xi32, #tpu.memory_space<hbm>>) dst(%dma_wait3A_194 : memref<128xi32, #tpu.memory_space<vmem>>)
      %dma_start3A_198 = arith.constant 0 : i32
      %dma_start3A_199 = arith.constant 0 : i32
      %dma_start3A_200 = tpu.memref_slice %arg10[%rem3A_142, %dma_start3A_198, %dma_start3A_199] : memref<2x128x128xf32, #tpu.memory_space<vmem>> -> memref<1x128x128xf32, #tpu.memory_space<vmem>>
      %dma_start3A_201 = tpu.memref_squeeze %dma_start3A_200 : memref<1x128x128xf32, #tpu.memory_space<vmem>> -> memref<128x128xf32, #tpu.memory_space<vmem>>
      %dma_start3A_202 = arith.constant 0 : i32
      %dma_start3A_203 = tpu.memref_slice %arg9[%rem3A_145, %dma_start3A_202] : memref<3x128xi32, #tpu.memory_space<vmem>> -> memref<1x128xi32, #tpu.memory_space<vmem>>
      %dma_start3A_204 = tpu.memref_squeeze %dma_start3A_203 : memref<1x128xi32, #tpu.memory_space<vmem>> -> memref<128xi32, #tpu.memory_space<vmem>>
      %dma_start3A_205 = arith.constant 0 : i32
      %dma_start3A_206 = arith.constant 0 : i32
      %dma_start3A_207 = tpu.memref_slice %arg7[%dma_start3A_205, %dma_start3A_206] : memref<10512x128xf32, #tpu.memory_space<vmem_shared>> -> memref<10512x128xf32, #tpu.memory_space<vmem_shared>>
      %dma_start3A_208 = tpu.memref_slice %arg12[%rem3A_142] : memref<2x!tpu.dma_semaphore, #tpu.memory_space<semaphore_mem>> -> memref<1x!tpu.dma_semaphore, #tpu.memory_space<semaphore_mem>>
      %dma_start3A_209 = tpu.memref_squeeze %dma_start3A_208 : memref<1x!tpu.dma_semaphore, #tpu.memory_space<semaphore_mem>> -> memref<!tpu.dma_semaphore, #tpu.memory_space<semaphore_mem>>
      tpu.enqueue_indirect_dma source(%dma_start3A_201 : memref<128x128xf32, #tpu.memory_space<vmem>>) target(%dma_start3A_207 : memref<10512x128xf32, #tpu.memory_space<vmem_shared>>) offsets(%dma_start3A_204 : memref<128xi32, #tpu.memory_space<vmem>>) semaphore(%dma_start3A_209 : memref<!tpu.dma_semaphore, #tpu.memory_space<semaphore_mem>>) {add = true}
    }
    %scan3A_111 = arith.constant 80 : i32
    %rem3A = arith.constant 79 : i32
    %rem3A_112 = arith.constant 2 : i32
    %rem3A_113 = arith.remsi %rem3A, %rem3A_112 : i32
    %rem3A_114 = arith.constant 79 : i32
    %rem3A_115 = arith.constant 3 : i32
    %rem3A_116 = arith.remsi %rem3A_114, %rem3A_115 : i32
    %dma_wait3A_117 = arith.constant 0 : i32
    %dma_wait3A_118 = arith.constant 0 : i32
    %dma_wait3A_119 = tpu.memref_slice %arg10[%rem3A_113, %dma_wait3A_117, %dma_wait3A_118] : memref<2x128x128xf32, #tpu.memory_space<vmem>> -> memref<1x128x128xf32, #tpu.memory_space<vmem>>
    %dma_wait3A_120 = tpu.memref_squeeze %dma_wait3A_119 : memref<1x128x128xf32, #tpu.memory_space<vmem>> -> memref<128x128xf32, #tpu.memory_space<vmem>>
    %dma_wait3A_121 = arith.constant 0 : i32
    %dma_wait3A_122 = tpu.memref_slice %arg9[%rem3A_116, %dma_wait3A_121] : memref<3x128xi32, #tpu.memory_space<vmem>> -> memref<1x128xi32, #tpu.memory_space<vmem>>
    %dma_wait3A_123 = tpu.memref_squeeze %dma_wait3A_122 : memref<1x128xi32, #tpu.memory_space<vmem>> -> memref<128xi32, #tpu.memory_space<vmem>>
    %dma_wait3A_124 = arith.constant 0 : i32
    %dma_wait3A_125 = arith.constant 0 : i32
    %dma_wait3A_126 = tpu.memref_slice %arg7[%dma_wait3A_124, %dma_wait3A_125] : memref<10512x128xf32, #tpu.memory_space<vmem_shared>> -> memref<10512x128xf32, #tpu.memory_space<vmem_shared>>
    %dma_wait3A_127 = tpu.memref_slice %arg12[%rem3A_113] : memref<2x!tpu.dma_semaphore, #tpu.memory_space<semaphore_mem>> -> memref<1x!tpu.dma_semaphore, #tpu.memory_space<semaphore_mem>>
    %dma_wait3A_128 = tpu.memref_squeeze %dma_wait3A_127 : memref<1x!tpu.dma_semaphore, #tpu.memory_space<semaphore_mem>> -> memref<!tpu.dma_semaphore, #tpu.memory_space<semaphore_mem>>
    tpu.wait_indirect_dma semaphore(%dma_wait3A_128 : memref<!tpu.dma_semaphore, #tpu.memory_space<semaphore_mem>>) src(%dma_wait3A_120 : memref<128x128xf32, #tpu.memory_space<vmem>>) dst(%dma_wait3A_126 : memref<10512x128xf32, #tpu.memory_space<vmem_shared>>)
    %barrier3A_129 = arith.constant 0 : index
    tpu.barrier barrier_id(%barrier3A_129)
    %lt3A_130 = arith.constant 15 : i32
    %lt3A_131 = arith.cmpi slt, %arg1, %lt3A_130 : i32
    %convert_element_type3A_132 = arith.extui %lt3A_131 : i1 to i32
    %cond3A_133 = arith.constant 0 : i32
    %cond3A_134 = arith.cmpi ne, %convert_element_type3A_132, %cond3A_133 : i32
    scf.if %cond3A_134 {
      "tpu.region"() ({
        %run_scoped3A = tpu.sem_alloc : memref<!tpu.dma_semaphore, #tpu.memory_space<semaphore_mem>>
        %dma_start3A_140 = arith.constant 0 : i32
        %dma_start3A_141 = tpu.memref_slice %arg6[%arg0, %mul3A_2, %dma_start3A_140] : memref<2x10000x128xf32, #tpu.memory_space<hbm>> -> memref<1x624x128xf32, #tpu.memory_space<hbm>>
        %dma_start3A_142 = tpu.memref_squeeze %dma_start3A_141 : memref<1x624x128xf32, #tpu.memory_space<hbm>> -> memref<624x128xf32, #tpu.memory_space<hbm>>
        %dma_start3A_143 = arith.constant 0 : i32
        %dma_start3A_144 = tpu.memref_slice %arg7[%mul3A_2, %dma_start3A_143] : memref<10512x128xf32, #tpu.memory_space<vmem_shared>> -> memref<624x128xf32, #tpu.memory_space<vmem_shared>>
        tpu.enqueue_dma source(%dma_start3A_144 : memref<624x128xf32, #tpu.memory_space<vmem_shared>>) target(%dma_start3A_142 : memref<624x128xf32, #tpu.memory_space<hbm>>) target_semaphore(%run_scoped3A : memref<!tpu.dma_semaphore, #tpu.memory_space<semaphore_mem>>)
        %dma_wait3A_145 = arith.constant 0 : i32
        %dma_wait3A_146 = tpu.memref_slice %arg6[%arg0, %mul3A_2, %dma_wait3A_145] : memref<2x10000x128xf32, #tpu.memory_space<hbm>> -> memref<1x624x128xf32, #tpu.memory_space<hbm>>
        %dma_wait3A_147 = tpu.memref_squeeze %dma_wait3A_146 : memref<1x624x128xf32, #tpu.memory_space<hbm>> -> memref<624x128xf32, #tpu.memory_space<hbm>>
        %dma_wait3A_148 = arith.constant 0 : i32
        %dma_wait3A_149 = tpu.memref_slice %arg7[%mul3A_2, %dma_wait3A_148] : memref<10512x128xf32, #tpu.memory_space<vmem_shared>> -> memref<624x128xf32, #tpu.memory_space<vmem_shared>>
        tpu.wait_dma2 semaphore(%run_scoped3A : memref<!tpu.dma_semaphore, #tpu.memory_space<semaphore_mem>>) src(%dma_wait3A_149 : memref<624x128xf32, #tpu.memory_space<vmem_shared>>) dst(%dma_wait3A_147 : memref<624x128xf32, #tpu.memory_space<hbm>>)
        tpu.yield
      }) : () -> ()
    } else {
    }
    %eq3A_135 = arith.constant 15 : i32
    %eq3A_136 = arith.cmpi eq, %arg1, %eq3A_135 : i32
    %convert_element_type3A_137 = arith.extui %eq3A_136 : i1 to i32
    %cond3A_138 = arith.constant 0 : i32
    %cond3A_139 = arith.cmpi ne, %convert_element_type3A_137, %cond3A_138 : i32
    scf.if %cond3A_139 {
      "tpu.region"() ({
        %run_scoped3A = tpu.sem_alloc : memref<!tpu.dma_semaphore, #tpu.memory_space<semaphore_mem>>
        %dma_start3A_140 = arith.constant 9360 : i32
        %dma_start3A_141 = arith.constant 0 : i32
        %dma_start3A_142 = tpu.memref_slice %arg6[%arg0, %dma_start3A_140, %dma_start3A_141] : memref<2x10000x128xf32, #tpu.memory_space<hbm>> -> memref<1x640x128xf32, #tpu.memory_space<hbm>>
        %dma_start3A_143 = tpu.memref_squeeze %dma_start3A_142 : memref<1x640x128xf32, #tpu.memory_space<hbm>> -> memref<640x128xf32, #tpu.memory_space<hbm>>
        %dma_start3A_144 = arith.constant 9360 : i32
        %dma_start3A_145 = arith.constant 0 : i32
        %dma_start3A_146 = tpu.memref_slice %arg7[%dma_start3A_144, %dma_start3A_145] : memref<10512x128xf32, #tpu.memory_space<vmem_shared>> -> memref<640x128xf32, #tpu.memory_space<vmem_shared>>
        tpu.enqueue_dma source(%dma_start3A_146 : memref<640x128xf32, #tpu.memory_space<vmem_shared>>) target(%dma_start3A_143 : memref<640x128xf32, #tpu.memory_space<hbm>>) target_semaphore(%run_scoped3A : memref<!tpu.dma_semaphore, #tpu.memory_space<semaphore_mem>>)
        %dma_wait3A_147 = arith.constant 9360 : i32
        %dma_wait3A_148 = arith.constant 0 : i32
        %dma_wait3A_149 = tpu.memref_slice %arg6[%arg0, %dma_wait3A_147, %dma_wait3A_148] : memref<2x10000x128xf32, #tpu.memory_space<hbm>> -> memref<1x640x128xf32, #tpu.memory_space<hbm>>
        %dma_wait3A_150 = tpu.memref_squeeze %dma_wait3A_149 : memref<1x640x128xf32, #tpu.memory_space<hbm>> -> memref<640x128xf32, #tpu.memory_space<hbm>>
        %dma_wait3A_151 = arith.constant 9360 : i32
        %dma_wait3A_152 = arith.constant 0 : i32
        %dma_wait3A_153 = tpu.memref_slice %arg7[%dma_wait3A_151, %dma_wait3A_152] : memref<10512x128xf32, #tpu.memory_space<vmem_shared>> -> memref<640x128xf32, #tpu.memory_space<vmem_shared>>
        tpu.wait_dma2 semaphore(%run_scoped3A : memref<!tpu.dma_semaphore, #tpu.memory_space<semaphore_mem>>) src(%dma_wait3A_153 : memref<640x128xf32, #tpu.memory_space<vmem_shared>>) dst(%dma_wait3A_150 : memref<640x128xf32, #tpu.memory_space<hbm>>)
        tpu.yield
      }) : () -> ()
    } else {
    }
    return
  }
}

#map = affine_map<(d0, d1) -> (0, 0, 0)>
#map1 = affine_map<(d0, d1) -> (0)>
#map2 = affine_map<(d0, d1) -> (0, 0)>
module attributes {stable_mosaic.version = 14 : i64} {
  func.func @k(%arg0: i32, %arg1: i32, %arg2: memref<32x10x1024xi32, #tpu.memory_space<hbm>>, %arg3: memref<32x10x1024xi32, #tpu.memory_space<hbm>>, %arg4: memref<1024xf32, #tpu.memory_space<hbm>>, %arg5: memref<672xf32, #tpu.memory_space<hbm>>, %arg6: memref<2x10000xf32, #tpu.memory_space<hbm>>, %arg7: memref<2x10000xf32, #tpu.memory_space<hbm>>, %arg8: memref<10512xf32, #tpu.memory_space<vmem_shared>>, %arg9: memref<10512xf32, #tpu.memory_space<vmem_shared>>, %arg10: memref<10x1024xi32, #tpu.memory_space<vmem>>, %arg11: memref<10x1024xi32, #tpu.memory_space<vmem>>, %arg12: memref<1024xf32, #tpu.memory_space<vmem>>, %arg13: memref<2x!tpu.dma_semaphore, #tpu.memory_space<semaphore_mem>>, %arg14: memref<2x!tpu.dma_semaphore, #tpu.memory_space<semaphore_mem>>) attributes {dimension_semantics = [#tpu.dimension_semantics<core_parallel>, #tpu.dimension_semantics<subcore_parallel>], iteration_bounds = array<i64: 2, 16>, scalar_prefetch = 0 : i64, scratch_operands = 7 : i64, tpu.core_type = #tpu.core_type<sc_vector_subcore>, window_params = [{transform_indices = #map}, {transform_indices = #map}, {transform_indices = #map1}, {transform_indices = #map1}, {transform_indices = #map2}, {transform_indices = #map2}]} {
    %mul3A = arith.constant 16 : i32
    %mul3A_0 = arith.muli %arg0, %mul3A : i32
    %add3A = arith.addi %mul3A_0, %arg1 : i32
    %mul3A_1 = arith.constant 624 : i32
    %mul3A_2 = arith.muli %arg1, %mul3A_1 : i32
    "tpu.region"() ({
      %run_scoped3A = tpu.sem_alloc : memref<!tpu.dma_semaphore, #tpu.memory_space<semaphore_mem>>
      tpu.enqueue_dma source(%arg4 : memref<1024xf32, #tpu.memory_space<hbm>>) target(%arg12 : memref<1024xf32, #tpu.memory_space<vmem>>) target_semaphore(%run_scoped3A : memref<!tpu.dma_semaphore, #tpu.memory_space<semaphore_mem>>)
      tpu.wait_dma2 semaphore(%run_scoped3A : memref<!tpu.dma_semaphore, #tpu.memory_space<semaphore_mem>>) src(%arg4 : memref<1024xf32, #tpu.memory_space<hbm>>) dst(%arg12 : memref<1024xf32, #tpu.memory_space<vmem>>)
      tpu.yield
    }) : () -> ()
    %lt3A = arith.constant 15 : i32
    %lt3A_3 = arith.cmpi slt, %arg1, %lt3A : i32
    %convert_element_type3A = arith.extui %lt3A_3 : i1 to i32
    %cond3A = arith.constant 0 : i32
    %cond3A_4 = arith.cmpi ne, %convert_element_type3A, %cond3A : i32
    scf.if %cond3A_4 {
      %mul3A_42 = arith.constant 656 : i32
      %mul3A_43 = arith.muli %arg1, %mul3A_42 : i32
      "tpu.region"() ({
        %run_scoped3A = tpu.sem_alloc : memref<!tpu.dma_semaphore, #tpu.memory_space<semaphore_mem>>
        %dma_start3A = tpu.memref_slice %arg8[%mul3A_43] : memref<10512xf32, #tpu.memory_space<vmem_shared>> -> memref<656xf32, #tpu.memory_space<vmem_shared>>
        %dma_start3A_46 = arith.constant 0 : i32
        %dma_start3A_47 = tpu.memref_slice %arg5[%dma_start3A_46] : memref<672xf32, #tpu.memory_space<hbm>> -> memref<656xf32, #tpu.memory_space<hbm>>
        tpu.enqueue_dma source(%dma_start3A_47 : memref<656xf32, #tpu.memory_space<hbm>>) target(%dma_start3A : memref<656xf32, #tpu.memory_space<vmem_shared>>) target_semaphore(%run_scoped3A : memref<!tpu.dma_semaphore, #tpu.memory_space<semaphore_mem>>)
        %dma_wait3A_48 = tpu.memref_slice %arg8[%mul3A_43] : memref<10512xf32, #tpu.memory_space<vmem_shared>> -> memref<656xf32, #tpu.memory_space<vmem_shared>>
        %dma_wait3A_49 = arith.constant 0 : i32
        %dma_wait3A_50 = tpu.memref_slice %arg5[%dma_wait3A_49] : memref<672xf32, #tpu.memory_space<hbm>> -> memref<656xf32, #tpu.memory_space<hbm>>
        tpu.wait_dma2 semaphore(%run_scoped3A : memref<!tpu.dma_semaphore, #tpu.memory_space<semaphore_mem>>) src(%dma_wait3A_50 : memref<656xf32, #tpu.memory_space<hbm>>) dst(%dma_wait3A_48 : memref<656xf32, #tpu.memory_space<vmem_shared>>)
        tpu.yield
      }) : () -> ()
      %mul3A_44 = arith.constant 656 : i32
      %mul3A_45 = arith.muli %arg1, %mul3A_44 : i32
      "tpu.region"() ({
        %run_scoped3A = tpu.sem_alloc : memref<!tpu.dma_semaphore, #tpu.memory_space<semaphore_mem>>
        %dma_start3A = tpu.memref_slice %arg9[%mul3A_45] : memref<10512xf32, #tpu.memory_space<vmem_shared>> -> memref<656xf32, #tpu.memory_space<vmem_shared>>
        %dma_start3A_46 = arith.constant 0 : i32
        %dma_start3A_47 = tpu.memref_slice %arg5[%dma_start3A_46] : memref<672xf32, #tpu.memory_space<hbm>> -> memref<656xf32, #tpu.memory_space<hbm>>
        tpu.enqueue_dma source(%dma_start3A_47 : memref<656xf32, #tpu.memory_space<hbm>>) target(%dma_start3A : memref<656xf32, #tpu.memory_space<vmem_shared>>) target_semaphore(%run_scoped3A : memref<!tpu.dma_semaphore, #tpu.memory_space<semaphore_mem>>)
        %dma_wait3A_48 = tpu.memref_slice %arg9[%mul3A_45] : memref<10512xf32, #tpu.memory_space<vmem_shared>> -> memref<656xf32, #tpu.memory_space<vmem_shared>>
        %dma_wait3A_49 = arith.constant 0 : i32
        %dma_wait3A_50 = tpu.memref_slice %arg5[%dma_wait3A_49] : memref<672xf32, #tpu.memory_space<hbm>> -> memref<656xf32, #tpu.memory_space<hbm>>
        tpu.wait_dma2 semaphore(%run_scoped3A : memref<!tpu.dma_semaphore, #tpu.memory_space<semaphore_mem>>) src(%dma_wait3A_50 : memref<656xf32, #tpu.memory_space<hbm>>) dst(%dma_wait3A_48 : memref<656xf32, #tpu.memory_space<vmem_shared>>)
        tpu.yield
      }) : () -> ()
    } else {
    }
    %eq3A = arith.constant 15 : i32
    %eq3A_5 = arith.cmpi eq, %arg1, %eq3A : i32
    %convert_element_type3A_6 = arith.extui %eq3A_5 : i1 to i32
    %cond3A_7 = arith.constant 0 : i32
    %cond3A_8 = arith.cmpi ne, %convert_element_type3A_6, %cond3A_7 : i32
    scf.if %cond3A_8 {
      "tpu.region"() ({
        %run_scoped3A = tpu.sem_alloc : memref<!tpu.dma_semaphore, #tpu.memory_space<semaphore_mem>>
        %dma_start3A = arith.constant 9840 : i32
        %dma_start3A_42 = tpu.memref_slice %arg8[%dma_start3A] : memref<10512xf32, #tpu.memory_space<vmem_shared>> -> memref<672xf32, #tpu.memory_space<vmem_shared>>
        %dma_start3A_43 = arith.constant 0 : i32
        %dma_start3A_44 = tpu.memref_slice %arg5[%dma_start3A_43] : memref<672xf32, #tpu.memory_space<hbm>> -> memref<672xf32, #tpu.memory_space<hbm>>
        tpu.enqueue_dma source(%dma_start3A_44 : memref<672xf32, #tpu.memory_space<hbm>>) target(%dma_start3A_42 : memref<672xf32, #tpu.memory_space<vmem_shared>>) target_semaphore(%run_scoped3A : memref<!tpu.dma_semaphore, #tpu.memory_space<semaphore_mem>>)
        %dma_wait3A_45 = arith.constant 9840 : i32
        %dma_wait3A_46 = tpu.memref_slice %arg8[%dma_wait3A_45] : memref<10512xf32, #tpu.memory_space<vmem_shared>> -> memref<672xf32, #tpu.memory_space<vmem_shared>>
        %dma_wait3A_47 = arith.constant 0 : i32
        %dma_wait3A_48 = tpu.memref_slice %arg5[%dma_wait3A_47] : memref<672xf32, #tpu.memory_space<hbm>> -> memref<672xf32, #tpu.memory_space<hbm>>
        tpu.wait_dma2 semaphore(%run_scoped3A : memref<!tpu.dma_semaphore, #tpu.memory_space<semaphore_mem>>) src(%dma_wait3A_48 : memref<672xf32, #tpu.memory_space<hbm>>) dst(%dma_wait3A_46 : memref<672xf32, #tpu.memory_space<vmem_shared>>)
        tpu.yield
      }) : () -> ()
      "tpu.region"() ({
        %run_scoped3A = tpu.sem_alloc : memref<!tpu.dma_semaphore, #tpu.memory_space<semaphore_mem>>
        %dma_start3A = arith.constant 9840 : i32
        %dma_start3A_42 = tpu.memref_slice %arg9[%dma_start3A] : memref<10512xf32, #tpu.memory_space<vmem_shared>> -> memref<672xf32, #tpu.memory_space<vmem_shared>>
        %dma_start3A_43 = arith.constant 0 : i32
        %dma_start3A_44 = tpu.memref_slice %arg5[%dma_start3A_43] : memref<672xf32, #tpu.memory_space<hbm>> -> memref<672xf32, #tpu.memory_space<hbm>>
        tpu.enqueue_dma source(%dma_start3A_44 : memref<672xf32, #tpu.memory_space<hbm>>) target(%dma_start3A_42 : memref<672xf32, #tpu.memory_space<vmem_shared>>) target_semaphore(%run_scoped3A : memref<!tpu.dma_semaphore, #tpu.memory_space<semaphore_mem>>)
        %dma_wait3A_45 = arith.constant 9840 : i32
        %dma_wait3A_46 = tpu.memref_slice %arg9[%dma_wait3A_45] : memref<10512xf32, #tpu.memory_space<vmem_shared>> -> memref<672xf32, #tpu.memory_space<vmem_shared>>
        %dma_wait3A_47 = arith.constant 0 : i32
        %dma_wait3A_48 = tpu.memref_slice %arg5[%dma_wait3A_47] : memref<672xf32, #tpu.memory_space<hbm>> -> memref<672xf32, #tpu.memory_space<hbm>>
        tpu.wait_dma2 semaphore(%run_scoped3A : memref<!tpu.dma_semaphore, #tpu.memory_space<semaphore_mem>>) src(%dma_wait3A_48 : memref<672xf32, #tpu.memory_space<hbm>>) dst(%dma_wait3A_46 : memref<672xf32, #tpu.memory_space<vmem_shared>>)
        tpu.yield
      }) : () -> ()
    } else {
    }
    "tpu.region"() ({
      %run_scoped3A = tpu.sem_alloc : memref<!tpu.dma_semaphore, #tpu.memory_space<semaphore_mem>>
      %dma_start3A = arith.constant 0 : i32
      %dma_start3A_42 = arith.constant 0 : i32
      %dma_start3A_43 = tpu.memref_slice %arg2[%add3A, %dma_start3A, %dma_start3A_42] : memref<32x10x1024xi32, #tpu.memory_space<hbm>> -> memref<1x10x1024xi32, #tpu.memory_space<hbm>>
      %dma_start3A_44 = tpu.memref_squeeze %dma_start3A_43 : memref<1x10x1024xi32, #tpu.memory_space<hbm>> -> memref<10x1024xi32, #tpu.memory_space<hbm>>
      %dma_start3A_45 = arith.constant 0 : i32
      %dma_start3A_46 = arith.constant 0 : i32
      %dma_start3A_47 = tpu.memref_slice %arg2[%add3A, %dma_start3A_45, %dma_start3A_46] : memref<32x10x1024xi32, #tpu.memory_space<hbm>> -> memref<1x10x1024xi32, #tpu.memory_space<hbm>>
      %dma_start3A_48 = tpu.memref_squeeze %dma_start3A_47 : memref<1x10x1024xi32, #tpu.memory_space<hbm>> -> memref<10x1024xi32, #tpu.memory_space<hbm>>
      tpu.enqueue_dma source(%dma_start3A_48 : memref<10x1024xi32, #tpu.memory_space<hbm>>) target(%arg10 : memref<10x1024xi32, #tpu.memory_space<vmem>>) target_semaphore(%run_scoped3A : memref<!tpu.dma_semaphore, #tpu.memory_space<semaphore_mem>>)
      %dma_wait3A_49 = arith.constant 0 : i32
      %dma_wait3A_50 = arith.constant 0 : i32
      %dma_wait3A_51 = tpu.memref_slice %arg2[%add3A, %dma_wait3A_49, %dma_wait3A_50] : memref<32x10x1024xi32, #tpu.memory_space<hbm>> -> memref<1x10x1024xi32, #tpu.memory_space<hbm>>
      %dma_wait3A_52 = tpu.memref_squeeze %dma_wait3A_51 : memref<1x10x1024xi32, #tpu.memory_space<hbm>> -> memref<10x1024xi32, #tpu.memory_space<hbm>>
      %dma_wait3A_53 = arith.constant 0 : i32
      %dma_wait3A_54 = arith.constant 0 : i32
      %dma_wait3A_55 = tpu.memref_slice %arg2[%add3A, %dma_wait3A_53, %dma_wait3A_54] : memref<32x10x1024xi32, #tpu.memory_space<hbm>> -> memref<1x10x1024xi32, #tpu.memory_space<hbm>>
      %dma_wait3A_56 = tpu.memref_squeeze %dma_wait3A_55 : memref<1x10x1024xi32, #tpu.memory_space<hbm>> -> memref<10x1024xi32, #tpu.memory_space<hbm>>
      tpu.wait_dma2 semaphore(%run_scoped3A : memref<!tpu.dma_semaphore, #tpu.memory_space<semaphore_mem>>) src(%dma_wait3A_56 : memref<10x1024xi32, #tpu.memory_space<hbm>>) dst(%arg10 : memref<10x1024xi32, #tpu.memory_space<vmem>>)
      tpu.yield
    }) : () -> ()
    "tpu.region"() ({
      %run_scoped3A = tpu.sem_alloc : memref<!tpu.dma_semaphore, #tpu.memory_space<semaphore_mem>>
      %dma_start3A = arith.constant 0 : i32
      %dma_start3A_42 = arith.constant 0 : i32
      %dma_start3A_43 = tpu.memref_slice %arg3[%add3A, %dma_start3A, %dma_start3A_42] : memref<32x10x1024xi32, #tpu.memory_space<hbm>> -> memref<1x10x1024xi32, #tpu.memory_space<hbm>>
      %dma_start3A_44 = tpu.memref_squeeze %dma_start3A_43 : memref<1x10x1024xi32, #tpu.memory_space<hbm>> -> memref<10x1024xi32, #tpu.memory_space<hbm>>
      %dma_start3A_45 = arith.constant 0 : i32
      %dma_start3A_46 = arith.constant 0 : i32
      %dma_start3A_47 = tpu.memref_slice %arg3[%add3A, %dma_start3A_45, %dma_start3A_46] : memref<32x10x1024xi32, #tpu.memory_space<hbm>> -> memref<1x10x1024xi32, #tpu.memory_space<hbm>>
      %dma_start3A_48 = tpu.memref_squeeze %dma_start3A_47 : memref<1x10x1024xi32, #tpu.memory_space<hbm>> -> memref<10x1024xi32, #tpu.memory_space<hbm>>
      tpu.enqueue_dma source(%dma_start3A_48 : memref<10x1024xi32, #tpu.memory_space<hbm>>) target(%arg11 : memref<10x1024xi32, #tpu.memory_space<vmem>>) target_semaphore(%run_scoped3A : memref<!tpu.dma_semaphore, #tpu.memory_space<semaphore_mem>>)
      %dma_wait3A_49 = arith.constant 0 : i32
      %dma_wait3A_50 = arith.constant 0 : i32
      %dma_wait3A_51 = tpu.memref_slice %arg3[%add3A, %dma_wait3A_49, %dma_wait3A_50] : memref<32x10x1024xi32, #tpu.memory_space<hbm>> -> memref<1x10x1024xi32, #tpu.memory_space<hbm>>
      %dma_wait3A_52 = tpu.memref_squeeze %dma_wait3A_51 : memref<1x10x1024xi32, #tpu.memory_space<hbm>> -> memref<10x1024xi32, #tpu.memory_space<hbm>>
      %dma_wait3A_53 = arith.constant 0 : i32
      %dma_wait3A_54 = arith.constant 0 : i32
      %dma_wait3A_55 = tpu.memref_slice %arg3[%add3A, %dma_wait3A_53, %dma_wait3A_54] : memref<32x10x1024xi32, #tpu.memory_space<hbm>> -> memref<1x10x1024xi32, #tpu.memory_space<hbm>>
      %dma_wait3A_56 = tpu.memref_squeeze %dma_wait3A_55 : memref<1x10x1024xi32, #tpu.memory_space<hbm>> -> memref<10x1024xi32, #tpu.memory_space<hbm>>
      tpu.wait_dma2 semaphore(%run_scoped3A : memref<!tpu.dma_semaphore, #tpu.memory_space<semaphore_mem>>) src(%dma_wait3A_56 : memref<10x1024xi32, #tpu.memory_space<hbm>>) dst(%arg11 : memref<10x1024xi32, #tpu.memory_space<vmem>>)
      tpu.yield
    }) : () -> ()
    %barrier3A = arith.constant 0 : index
    tpu.barrier barrier_id(%barrier3A)
    %scan3A = arith.constant 0 : i32
    %scan3A_9 = arith.constant 0 : i32
    %scan3A_10 = arith.constant 10 : i32
    %scan3A_11 = arith.addi %scan3A_9, %scan3A_10 : i32
    %scan3A_12 = arith.constant 1 : i32
    scf.for %scan3A_42 = %scan3A_9 to %scan3A_11 step %scan3A_12  : i32 {
      %rem3A_43 = arith.constant 2 : i32
      %rem3A_44 = arith.remsi %scan3A_42, %rem3A_43 : i32
      %sub3A = arith.constant 1 : i32
      %sub3A_45 = arith.subi %sub3A, %rem3A_44 : i32
      %ge3A = arith.constant 1 : i32
      %ge3A_46 = arith.cmpi sge, %scan3A_42, %ge3A : i32
      %convert_element_type3A_47 = arith.extui %ge3A_46 : i1 to i32
      %cond3A_48 = arith.constant 0 : i32
      %cond3A_49 = arith.cmpi ne, %convert_element_type3A_47, %cond3A_48 : i32
      scf.if %cond3A_49 {
        %sub3A_63 = arith.constant 1 : i32
        %sub3A_64 = arith.subi %scan3A_42, %sub3A_63 : i32
        %dma_wait3A_65 = arith.constant 0 : i32
        %dma_wait3A_66 = tpu.memref_slice %arg10[%sub3A_64, %dma_wait3A_65] : memref<10x1024xi32, #tpu.memory_space<vmem>> -> memref<1x1024xi32, #tpu.memory_space<vmem>>
        %dma_wait3A_67 = tpu.memref_squeeze %dma_wait3A_66 : memref<1x1024xi32, #tpu.memory_space<vmem>> -> memref<1024xi32, #tpu.memory_space<vmem>>
        %dma_wait3A_68 = arith.constant 0 : i32
        %dma_wait3A_69 = tpu.memref_slice %arg8[%dma_wait3A_68] : memref<10512xf32, #tpu.memory_space<vmem_shared>> -> memref<10512xf32, #tpu.memory_space<vmem_shared>>
        %dma_wait3A_70 = tpu.memref_slice %arg13[%sub3A_45] : memref<2x!tpu.dma_semaphore, #tpu.memory_space<semaphore_mem>> -> memref<1x!tpu.dma_semaphore, #tpu.memory_space<semaphore_mem>>
        %dma_wait3A_71 = tpu.memref_squeeze %dma_wait3A_70 : memref<1x!tpu.dma_semaphore, #tpu.memory_space<semaphore_mem>> -> memref<!tpu.dma_semaphore, #tpu.memory_space<semaphore_mem>>
        tpu.wait_indirect_dma semaphore(%dma_wait3A_71 : memref<!tpu.dma_semaphore, #tpu.memory_space<semaphore_mem>>) src(%arg12 : memref<1024xf32, #tpu.memory_space<vmem>>) dst(%dma_wait3A_69 : memref<10512xf32, #tpu.memory_space<vmem_shared>>)
        %sub3A_72 = arith.constant 1 : i32
        %sub3A_73 = arith.subi %scan3A_42, %sub3A_72 : i32
        %dma_wait3A_74 = arith.constant 0 : i32
        %dma_wait3A_75 = tpu.memref_slice %arg11[%sub3A_73, %dma_wait3A_74] : memref<10x1024xi32, #tpu.memory_space<vmem>> -> memref<1x1024xi32, #tpu.memory_space<vmem>>
        %dma_wait3A_76 = tpu.memref_squeeze %dma_wait3A_75 : memref<1x1024xi32, #tpu.memory_space<vmem>> -> memref<1024xi32, #tpu.memory_space<vmem>>
        %dma_wait3A_77 = arith.constant 0 : i32
        %dma_wait3A_78 = tpu.memref_slice %arg9[%dma_wait3A_77] : memref<10512xf32, #tpu.memory_space<vmem_shared>> -> memref<10512xf32, #tpu.memory_space<vmem_shared>>
        %dma_wait3A_79 = tpu.memref_slice %arg14[%sub3A_45] : memref<2x!tpu.dma_semaphore, #tpu.memory_space<semaphore_mem>> -> memref<1x!tpu.dma_semaphore, #tpu.memory_space<semaphore_mem>>
        %dma_wait3A_80 = tpu.memref_squeeze %dma_wait3A_79 : memref<1x!tpu.dma_semaphore, #tpu.memory_space<semaphore_mem>> -> memref<!tpu.dma_semaphore, #tpu.memory_space<semaphore_mem>>
        tpu.wait_indirect_dma semaphore(%dma_wait3A_80 : memref<!tpu.dma_semaphore, #tpu.memory_space<semaphore_mem>>) src(%arg12 : memref<1024xf32, #tpu.memory_space<vmem>>) dst(%dma_wait3A_78 : memref<10512xf32, #tpu.memory_space<vmem_shared>>)
      } else {
      }
      %dma_start3A = arith.constant 0 : i32
      %dma_start3A_50 = tpu.memref_slice %arg10[%scan3A_42, %dma_start3A] : memref<10x1024xi32, #tpu.memory_space<vmem>> -> memref<1x1024xi32, #tpu.memory_space<vmem>>
      %dma_start3A_51 = tpu.memref_squeeze %dma_start3A_50 : memref<1x1024xi32, #tpu.memory_space<vmem>> -> memref<1024xi32, #tpu.memory_space<vmem>>
      %dma_start3A_52 = arith.constant 0 : i32
      %dma_start3A_53 = tpu.memref_slice %arg8[%dma_start3A_52] : memref<10512xf32, #tpu.memory_space<vmem_shared>> -> memref<10512xf32, #tpu.memory_space<vmem_shared>>
      %dma_start3A_54 = tpu.memref_slice %arg13[%rem3A_44] : memref<2x!tpu.dma_semaphore, #tpu.memory_space<semaphore_mem>> -> memref<1x!tpu.dma_semaphore, #tpu.memory_space<semaphore_mem>>
      %dma_start3A_55 = tpu.memref_squeeze %dma_start3A_54 : memref<1x!tpu.dma_semaphore, #tpu.memory_space<semaphore_mem>> -> memref<!tpu.dma_semaphore, #tpu.memory_space<semaphore_mem>>
      tpu.enqueue_indirect_dma source(%arg12 : memref<1024xf32, #tpu.memory_space<vmem>>) target(%dma_start3A_53 : memref<10512xf32, #tpu.memory_space<vmem_shared>>) offsets(%dma_start3A_51 : memref<1024xi32, #tpu.memory_space<vmem>>) semaphore(%dma_start3A_55 : memref<!tpu.dma_semaphore, #tpu.memory_space<semaphore_mem>>) {add = true}
      %dma_start3A_56 = arith.constant 0 : i32
      %dma_start3A_57 = tpu.memref_slice %arg11[%scan3A_42, %dma_start3A_56] : memref<10x1024xi32, #tpu.memory_space<vmem>> -> memref<1x1024xi32, #tpu.memory_space<vmem>>
      %dma_start3A_58 = tpu.memref_squeeze %dma_start3A_57 : memref<1x1024xi32, #tpu.memory_space<vmem>> -> memref<1024xi32, #tpu.memory_space<vmem>>
      %dma_start3A_59 = arith.constant 0 : i32
      %dma_start3A_60 = tpu.memref_slice %arg9[%dma_start3A_59] : memref<10512xf32, #tpu.memory_space<vmem_shared>> -> memref<10512xf32, #tpu.memory_space<vmem_shared>>
      %dma_start3A_61 = tpu.memref_slice %arg14[%rem3A_44] : memref<2x!tpu.dma_semaphore, #tpu.memory_space<semaphore_mem>> -> memref<1x!tpu.dma_semaphore, #tpu.memory_space<semaphore_mem>>
      %dma_start3A_62 = tpu.memref_squeeze %dma_start3A_61 : memref<1x!tpu.dma_semaphore, #tpu.memory_space<semaphore_mem>> -> memref<!tpu.dma_semaphore, #tpu.memory_space<semaphore_mem>>
      tpu.enqueue_indirect_dma source(%arg12 : memref<1024xf32, #tpu.memory_space<vmem>>) target(%dma_start3A_60 : memref<10512xf32, #tpu.memory_space<vmem_shared>>) offsets(%dma_start3A_58 : memref<1024xi32, #tpu.memory_space<vmem>>) semaphore(%dma_start3A_62 : memref<!tpu.dma_semaphore, #tpu.memory_space<semaphore_mem>>) {add = true}
    }
    %scan3A_13 = arith.constant 10 : i32
    %rem3A = arith.constant 9 : i32
    %rem3A_14 = arith.constant 2 : i32
    %rem3A_15 = arith.remsi %rem3A, %rem3A_14 : i32
    %dma_wait3A = arith.constant 9 : i32
    %dma_wait3A_16 = arith.constant 0 : i32
    %dma_wait3A_17 = tpu.memref_slice %arg10[%dma_wait3A, %dma_wait3A_16] : memref<10x1024xi32, #tpu.memory_space<vmem>> -> memref<1x1024xi32, #tpu.memory_space<vmem>>
    %dma_wait3A_18 = tpu.memref_squeeze %dma_wait3A_17 : memref<1x1024xi32, #tpu.memory_space<vmem>> -> memref<1024xi32, #tpu.memory_space<vmem>>
    %dma_wait3A_19 = arith.constant 0 : i32
    %dma_wait3A_20 = tpu.memref_slice %arg8[%dma_wait3A_19] : memref<10512xf32, #tpu.memory_space<vmem_shared>> -> memref<10512xf32, #tpu.memory_space<vmem_shared>>
    %dma_wait3A_21 = tpu.memref_slice %arg13[%rem3A_15] : memref<2x!tpu.dma_semaphore, #tpu.memory_space<semaphore_mem>> -> memref<1x!tpu.dma_semaphore, #tpu.memory_space<semaphore_mem>>
    %dma_wait3A_22 = tpu.memref_squeeze %dma_wait3A_21 : memref<1x!tpu.dma_semaphore, #tpu.memory_space<semaphore_mem>> -> memref<!tpu.dma_semaphore, #tpu.memory_space<semaphore_mem>>
    tpu.wait_indirect_dma semaphore(%dma_wait3A_22 : memref<!tpu.dma_semaphore, #tpu.memory_space<semaphore_mem>>) src(%arg12 : memref<1024xf32, #tpu.memory_space<vmem>>) dst(%dma_wait3A_20 : memref<10512xf32, #tpu.memory_space<vmem_shared>>)
    %dma_wait3A_23 = arith.constant 9 : i32
    %dma_wait3A_24 = arith.constant 0 : i32
    %dma_wait3A_25 = tpu.memref_slice %arg11[%dma_wait3A_23, %dma_wait3A_24] : memref<10x1024xi32, #tpu.memory_space<vmem>> -> memref<1x1024xi32, #tpu.memory_space<vmem>>
    %dma_wait3A_26 = tpu.memref_squeeze %dma_wait3A_25 : memref<1x1024xi32, #tpu.memory_space<vmem>> -> memref<1024xi32, #tpu.memory_space<vmem>>
    %dma_wait3A_27 = arith.constant 0 : i32
    %dma_wait3A_28 = tpu.memref_slice %arg9[%dma_wait3A_27] : memref<10512xf32, #tpu.memory_space<vmem_shared>> -> memref<10512xf32, #tpu.memory_space<vmem_shared>>
    %dma_wait3A_29 = tpu.memref_slice %arg14[%rem3A_15] : memref<2x!tpu.dma_semaphore, #tpu.memory_space<semaphore_mem>> -> memref<1x!tpu.dma_semaphore, #tpu.memory_space<semaphore_mem>>
    %dma_wait3A_30 = tpu.memref_squeeze %dma_wait3A_29 : memref<1x!tpu.dma_semaphore, #tpu.memory_space<semaphore_mem>> -> memref<!tpu.dma_semaphore, #tpu.memory_space<semaphore_mem>>
    tpu.wait_indirect_dma semaphore(%dma_wait3A_30 : memref<!tpu.dma_semaphore, #tpu.memory_space<semaphore_mem>>) src(%arg12 : memref<1024xf32, #tpu.memory_space<vmem>>) dst(%dma_wait3A_28 : memref<10512xf32, #tpu.memory_space<vmem_shared>>)
    %barrier3A_31 = arith.constant 0 : index
    tpu.barrier barrier_id(%barrier3A_31)
    %lt3A_32 = arith.constant 15 : i32
    %lt3A_33 = arith.cmpi slt, %arg1, %lt3A_32 : i32
    %convert_element_type3A_34 = arith.extui %lt3A_33 : i1 to i32
    %cond3A_35 = arith.constant 0 : i32
    %cond3A_36 = arith.cmpi ne, %convert_element_type3A_34, %cond3A_35 : i32
    scf.if %cond3A_36 {
      "tpu.region"() ({
        %run_scoped3A = tpu.sem_alloc : memref<!tpu.dma_semaphore, #tpu.memory_space<semaphore_mem>>
        %dma_start3A = tpu.memref_slice %arg6[%arg0, %mul3A_2] : memref<2x10000xf32, #tpu.memory_space<hbm>> -> memref<1x624xf32, #tpu.memory_space<hbm>>
        %dma_start3A_42 = tpu.memref_squeeze %dma_start3A : memref<1x624xf32, #tpu.memory_space<hbm>> -> memref<624xf32, #tpu.memory_space<hbm>>
        %dma_start3A_43 = tpu.memref_slice %arg8[%mul3A_2] : memref<10512xf32, #tpu.memory_space<vmem_shared>> -> memref<624xf32, #tpu.memory_space<vmem_shared>>
        tpu.enqueue_dma source(%dma_start3A_43 : memref<624xf32, #tpu.memory_space<vmem_shared>>) target(%dma_start3A_42 : memref<624xf32, #tpu.memory_space<hbm>>) target_semaphore(%run_scoped3A : memref<!tpu.dma_semaphore, #tpu.memory_space<semaphore_mem>>)
        %dma_wait3A_44 = tpu.memref_slice %arg6[%arg0, %mul3A_2] : memref<2x10000xf32, #tpu.memory_space<hbm>> -> memref<1x624xf32, #tpu.memory_space<hbm>>
        %dma_wait3A_45 = tpu.memref_squeeze %dma_wait3A_44 : memref<1x624xf32, #tpu.memory_space<hbm>> -> memref<624xf32, #tpu.memory_space<hbm>>
        %dma_wait3A_46 = tpu.memref_slice %arg8[%mul3A_2] : memref<10512xf32, #tpu.memory_space<vmem_shared>> -> memref<624xf32, #tpu.memory_space<vmem_shared>>
        tpu.wait_dma2 semaphore(%run_scoped3A : memref<!tpu.dma_semaphore, #tpu.memory_space<semaphore_mem>>) src(%dma_wait3A_46 : memref<624xf32, #tpu.memory_space<vmem_shared>>) dst(%dma_wait3A_45 : memref<624xf32, #tpu.memory_space<hbm>>)
        tpu.yield
      }) : () -> ()
      "tpu.region"() ({
        %run_scoped3A = tpu.sem_alloc : memref<!tpu.dma_semaphore, #tpu.memory_space<semaphore_mem>>
        %dma_start3A = tpu.memref_slice %arg7[%arg0, %mul3A_2] : memref<2x10000xf32, #tpu.memory_space<hbm>> -> memref<1x624xf32, #tpu.memory_space<hbm>>
        %dma_start3A_42 = tpu.memref_squeeze %dma_start3A : memref<1x624xf32, #tpu.memory_space<hbm>> -> memref<624xf32, #tpu.memory_space<hbm>>
        %dma_start3A_43 = tpu.memref_slice %arg9[%mul3A_2] : memref<10512xf32, #tpu.memory_space<vmem_shared>> -> memref<624xf32, #tpu.memory_space<vmem_shared>>
        tpu.enqueue_dma source(%dma_start3A_43 : memref<624xf32, #tpu.memory_space<vmem_shared>>) target(%dma_start3A_42 : memref<624xf32, #tpu.memory_space<hbm>>) target_semaphore(%run_scoped3A : memref<!tpu.dma_semaphore, #tpu.memory_space<semaphore_mem>>)
        %dma_wait3A_44 = tpu.memref_slice %arg7[%arg0, %mul3A_2] : memref<2x10000xf32, #tpu.memory_space<hbm>> -> memref<1x624xf32, #tpu.memory_space<hbm>>
        %dma_wait3A_45 = tpu.memref_squeeze %dma_wait3A_44 : memref<1x624xf32, #tpu.memory_space<hbm>> -> memref<624xf32, #tpu.memory_space<hbm>>
        %dma_wait3A_46 = tpu.memref_slice %arg9[%mul3A_2] : memref<10512xf32, #tpu.memory_space<vmem_shared>> -> memref<624xf32, #tpu.memory_space<vmem_shared>>
        tpu.wait_dma2 semaphore(%run_scoped3A : memref<!tpu.dma_semaphore, #tpu.memory_space<semaphore_mem>>) src(%dma_wait3A_46 : memref<624xf32, #tpu.memory_space<vmem_shared>>) dst(%dma_wait3A_45 : memref<624xf32, #tpu.memory_space<hbm>>)
        tpu.yield
      }) : () -> ()
    } else {
    }
    %eq3A_37 = arith.constant 15 : i32
    %eq3A_38 = arith.cmpi eq, %arg1, %eq3A_37 : i32
    %convert_element_type3A_39 = arith.extui %eq3A_38 : i1 to i32
    %cond3A_40 = arith.constant 0 : i32
    %cond3A_41 = arith.cmpi ne, %convert_element_type3A_39, %cond3A_40 : i32
    scf.if %cond3A_41 {
      "tpu.region"() ({
        %run_scoped3A = tpu.sem_alloc : memref<!tpu.dma_semaphore, #tpu.memory_space<semaphore_mem>>
        %dma_start3A = arith.constant 9360 : i32
        %dma_start3A_42 = tpu.memref_slice %arg6[%arg0, %dma_start3A] : memref<2x10000xf32, #tpu.memory_space<hbm>> -> memref<1x640xf32, #tpu.memory_space<hbm>>
        %dma_start3A_43 = tpu.memref_squeeze %dma_start3A_42 : memref<1x640xf32, #tpu.memory_space<hbm>> -> memref<640xf32, #tpu.memory_space<hbm>>
        %dma_start3A_44 = arith.constant 9360 : i32
        %dma_start3A_45 = tpu.memref_slice %arg8[%dma_start3A_44] : memref<10512xf32, #tpu.memory_space<vmem_shared>> -> memref<640xf32, #tpu.memory_space<vmem_shared>>
        tpu.enqueue_dma source(%dma_start3A_45 : memref<640xf32, #tpu.memory_space<vmem_shared>>) target(%dma_start3A_43 : memref<640xf32, #tpu.memory_space<hbm>>) target_semaphore(%run_scoped3A : memref<!tpu.dma_semaphore, #tpu.memory_space<semaphore_mem>>)
        %dma_wait3A_46 = arith.constant 9360 : i32
        %dma_wait3A_47 = tpu.memref_slice %arg6[%arg0, %dma_wait3A_46] : memref<2x10000xf32, #tpu.memory_space<hbm>> -> memref<1x640xf32, #tpu.memory_space<hbm>>
        %dma_wait3A_48 = tpu.memref_squeeze %dma_wait3A_47 : memref<1x640xf32, #tpu.memory_space<hbm>> -> memref<640xf32, #tpu.memory_space<hbm>>
        %dma_wait3A_49 = arith.constant 9360 : i32
        %dma_wait3A_50 = tpu.memref_slice %arg8[%dma_wait3A_49] : memref<10512xf32, #tpu.memory_space<vmem_shared>> -> memref<640xf32, #tpu.memory_space<vmem_shared>>
        tpu.wait_dma2 semaphore(%run_scoped3A : memref<!tpu.dma_semaphore, #tpu.memory_space<semaphore_mem>>) src(%dma_wait3A_50 : memref<640xf32, #tpu.memory_space<vmem_shared>>) dst(%dma_wait3A_48 : memref<640xf32, #tpu.memory_space<hbm>>)
        tpu.yield
      }) : () -> ()
      "tpu.region"() ({
        %run_scoped3A = tpu.sem_alloc : memref<!tpu.dma_semaphore, #tpu.memory_space<semaphore_mem>>
        %dma_start3A = arith.constant 9360 : i32
        %dma_start3A_42 = tpu.memref_slice %arg7[%arg0, %dma_start3A] : memref<2x10000xf32, #tpu.memory_space<hbm>> -> memref<1x640xf32, #tpu.memory_space<hbm>>
        %dma_start3A_43 = tpu.memref_squeeze %dma_start3A_42 : memref<1x640xf32, #tpu.memory_space<hbm>> -> memref<640xf32, #tpu.memory_space<hbm>>
        %dma_start3A_44 = arith.constant 9360 : i32
        %dma_start3A_45 = tpu.memref_slice %arg9[%dma_start3A_44] : memref<10512xf32, #tpu.memory_space<vmem_shared>> -> memref<640xf32, #tpu.memory_space<vmem_shared>>
        tpu.enqueue_dma source(%dma_start3A_45 : memref<640xf32, #tpu.memory_space<vmem_shared>>) target(%dma_start3A_43 : memref<640xf32, #tpu.memory_space<hbm>>) target_semaphore(%run_scoped3A : memref<!tpu.dma_semaphore, #tpu.memory_space<semaphore_mem>>)
        %dma_wait3A_46 = arith.constant 9360 : i32
        %dma_wait3A_47 = tpu.memref_slice %arg7[%arg0, %dma_wait3A_46] : memref<2x10000xf32, #tpu.memory_space<hbm>> -> memref<1x640xf32, #tpu.memory_space<hbm>>
        %dma_wait3A_48 = tpu.memref_squeeze %dma_wait3A_47 : memref<1x640xf32, #tpu.memory_space<hbm>> -> memref<640xf32, #tpu.memory_space<hbm>>
        %dma_wait3A_49 = arith.constant 9360 : i32
        %dma_wait3A_50 = tpu.memref_slice %arg9[%dma_wait3A_49] : memref<10512xf32, #tpu.memory_space<vmem_shared>> -> memref<640xf32, #tpu.memory_space<vmem_shared>>
        tpu.wait_dma2 semaphore(%run_scoped3A : memref<!tpu.dma_semaphore, #tpu.memory_space<semaphore_mem>>) src(%dma_wait3A_50 : memref<640xf32, #tpu.memory_space<vmem_shared>>) dst(%dma_wait3A_48 : memref<640xf32, #tpu.memory_space<hbm>>)
        tpu.yield
      }) : () -> ()
    } else {
    }
    return
  }
}

#map = affine_map<(d0, d1) -> (0, 0, 0)>
#map1 = affine_map<(d0, d1) -> (0, 0)>
module attributes {stable_mosaic.version = 14 : i64} {
  func.func @k(%arg0: i32, %arg1: i32, %arg2: memref<32x80x128xi32, #tpu.memory_space<hbm>>, %arg3: memref<32x80x128xi32, #tpu.memory_space<hbm>>, %arg4: memref<10512x128xf32, #tpu.memory_space<hbm>>, %arg5: memref<672x128xf32, #tpu.memory_space<hbm>>, %arg6: memref<2x10000x128xf32, #tpu.memory_space<hbm>>, %arg7: memref<10512x128xf32, #tpu.memory_space<vmem_shared>>, %arg8: memref<3x128xi32, #tpu.memory_space<vmem>>, %arg9: memref<3x128xi32, #tpu.memory_space<vmem>>, %arg10: memref<2x128x128xf32, #tpu.memory_space<vmem>>, %arg11: memref<2x!tpu.dma_semaphore, #tpu.memory_space<semaphore_mem>>, %arg12: memref<2x!tpu.dma_semaphore, #tpu.memory_space<semaphore_mem>>, %arg13: memref<3x!tpu.dma_semaphore, #tpu.memory_space<semaphore_mem>>, %arg14: memref<3x!tpu.dma_semaphore, #tpu.memory_space<semaphore_mem>>) attributes {dimension_semantics = [#tpu.dimension_semantics<core_parallel>, #tpu.dimension_semantics<subcore_parallel>], iteration_bounds = array<i64: 2, 16>, scalar_prefetch = 0 : i64, scratch_operands = 8 : i64, tpu.core_type = #tpu.core_type<sc_vector_subcore>, window_params = [{transform_indices = #map}, {transform_indices = #map}, {transform_indices = #map1}, {transform_indices = #map1}, {transform_indices = #map}]} {
    %mul3A = arith.constant 16 : i32
    %mul3A_0 = arith.muli %arg0, %mul3A : i32
    %add3A = arith.addi %mul3A_0, %arg1 : i32
    %mul3A_1 = arith.constant 624 : i32
    %mul3A_2 = arith.muli %arg1, %mul3A_1 : i32
    %lt3A = arith.constant 15 : i32
    %lt3A_3 = arith.cmpi slt, %arg1, %lt3A : i32
    %convert_element_type3A = arith.extui %lt3A_3 : i1 to i32
    %cond3A = arith.constant 0 : i32
    %cond3A_4 = arith.cmpi ne, %convert_element_type3A, %cond3A : i32
    scf.if %cond3A_4 {
      %mul3A_140 = arith.constant 656 : i32
      %mul3A_141 = arith.muli %arg1, %mul3A_140 : i32
      "tpu.region"() ({
        %run_scoped3A = tpu.sem_alloc : memref<!tpu.dma_semaphore, #tpu.memory_space<semaphore_mem>>
        %dma_start3A_142 = arith.constant 0 : i32
        %dma_start3A_143 = tpu.memref_slice %arg7[%mul3A_141, %dma_start3A_142] : memref<10512x128xf32, #tpu.memory_space<vmem_shared>> -> memref<656x128xf32, #tpu.memory_space<vmem_shared>>
        %dma_start3A_144 = arith.constant 0 : i32
        %dma_start3A_145 = arith.constant 0 : i32
        %dma_start3A_146 = tpu.memref_slice %arg5[%dma_start3A_144, %dma_start3A_145] : memref<672x128xf32, #tpu.memory_space<hbm>> -> memref<656x128xf32, #tpu.memory_space<hbm>>
        tpu.enqueue_dma source(%dma_start3A_146 : memref<656x128xf32, #tpu.memory_space<hbm>>) target(%dma_start3A_143 : memref<656x128xf32, #tpu.memory_space<vmem_shared>>) target_semaphore(%run_scoped3A : memref<!tpu.dma_semaphore, #tpu.memory_space<semaphore_mem>>)
        %dma_wait3A_147 = arith.constant 0 : i32
        %dma_wait3A_148 = tpu.memref_slice %arg7[%mul3A_141, %dma_wait3A_147] : memref<10512x128xf32, #tpu.memory_space<vmem_shared>> -> memref<656x128xf32, #tpu.memory_space<vmem_shared>>
        %dma_wait3A_149 = arith.constant 0 : i32
        %dma_wait3A_150 = arith.constant 0 : i32
        %dma_wait3A_151 = tpu.memref_slice %arg5[%dma_wait3A_149, %dma_wait3A_150] : memref<672x128xf32, #tpu.memory_space<hbm>> -> memref<656x128xf32, #tpu.memory_space<hbm>>
        tpu.wait_dma2 semaphore(%run_scoped3A : memref<!tpu.dma_semaphore, #tpu.memory_space<semaphore_mem>>) src(%dma_wait3A_151 : memref<656x128xf32, #tpu.memory_space<hbm>>) dst(%dma_wait3A_148 : memref<656x128xf32, #tpu.memory_space<vmem_shared>>)
        tpu.yield
      }) : () -> ()
    } else {
    }
    %eq3A = arith.constant 15 : i32
    %eq3A_5 = arith.cmpi eq, %arg1, %eq3A : i32
    %convert_element_type3A_6 = arith.extui %eq3A_5 : i1 to i32
    %cond3A_7 = arith.constant 0 : i32
    %cond3A_8 = arith.cmpi ne, %convert_element_type3A_6, %cond3A_7 : i32
    scf.if %cond3A_8 {
      "tpu.region"() ({
        %run_scoped3A = tpu.sem_alloc : memref<!tpu.dma_semaphore, #tpu.memory_space<semaphore_mem>>
        %dma_start3A_140 = arith.constant 9840 : i32
        %dma_start3A_141 = arith.constant 0 : i32
        %dma_start3A_142 = tpu.memref_slice %arg7[%dma_start3A_140, %dma_start3A_141] : memref<10512x128xf32, #tpu.memory_space<vmem_shared>> -> memref<672x128xf32, #tpu.memory_space<vmem_shared>>
        %dma_start3A_143 = arith.constant 0 : i32
        %dma_start3A_144 = arith.constant 0 : i32
        %dma_start3A_145 = tpu.memref_slice %arg5[%dma_start3A_143, %dma_start3A_144] : memref<672x128xf32, #tpu.memory_space<hbm>> -> memref<672x128xf32, #tpu.memory_space<hbm>>
        tpu.enqueue_dma source(%dma_start3A_145 : memref<672x128xf32, #tpu.memory_space<hbm>>) target(%dma_start3A_142 : memref<672x128xf32, #tpu.memory_space<vmem_shared>>) target_semaphore(%run_scoped3A : memref<!tpu.dma_semaphore, #tpu.memory_space<semaphore_mem>>)
        %dma_wait3A_146 = arith.constant 9840 : i32
        %dma_wait3A_147 = arith.constant 0 : i32
        %dma_wait3A_148 = tpu.memref_slice %arg7[%dma_wait3A_146, %dma_wait3A_147] : memref<10512x128xf32, #tpu.memory_space<vmem_shared>> -> memref<672x128xf32, #tpu.memory_space<vmem_shared>>
        %dma_wait3A_149 = arith.constant 0 : i32
        %dma_wait3A_150 = arith.constant 0 : i32
        %dma_wait3A_151 = tpu.memref_slice %arg5[%dma_wait3A_149, %dma_wait3A_150] : memref<672x128xf32, #tpu.memory_space<hbm>> -> memref<672x128xf32, #tpu.memory_space<hbm>>
        tpu.wait_dma2 semaphore(%run_scoped3A : memref<!tpu.dma_semaphore, #tpu.memory_space<semaphore_mem>>) src(%dma_wait3A_151 : memref<672x128xf32, #tpu.memory_space<hbm>>) dst(%dma_wait3A_148 : memref<672x128xf32, #tpu.memory_space<vmem_shared>>)
        tpu.yield
      }) : () -> ()
    } else {
    }
    %barrier3A = arith.constant 0 : index
    tpu.barrier barrier_id(%barrier3A)
    %dma_start3A = arith.constant 0 : i32
    %dma_start3A_9 = arith.constant 0 : i32
    %dma_start3A_10 = arith.constant 0 : i32
    %dma_start3A_11 = arith.constant 0 : i32
    %dma_start3A_12 = tpu.memref_slice %arg8[%dma_start3A_9, %dma_start3A_11] : memref<3x128xi32, #tpu.memory_space<vmem>> -> memref<1x128xi32, #tpu.memory_space<vmem>>
    %dma_start3A_13 = tpu.memref_squeeze %dma_start3A_12 : memref<1x128xi32, #tpu.memory_space<vmem>> -> memref<128xi32, #tpu.memory_space<vmem>>
    %dma_start3A_14 = arith.constant 0 : i32
    %dma_start3A_15 = tpu.memref_slice %arg2[%add3A, %dma_start3A, %dma_start3A_14] : memref<32x80x128xi32, #tpu.memory_space<hbm>> -> memref<1x1x128xi32, #tpu.memory_space<hbm>>
    %dma_start3A_16 = tpu.memref_squeeze %dma_start3A_15 : memref<1x1x128xi32, #tpu.memory_space<hbm>> -> memref<128xi32, #tpu.memory_space<hbm>>
    %dma_start3A_17 = tpu.memref_slice %arg13[%dma_start3A_10] : memref<3x!tpu.dma_semaphore, #tpu.memory_space<semaphore_mem>> -> memref<1x!tpu.dma_semaphore, #tpu.memory_space<semaphore_mem>>
    %dma_start3A_18 = tpu.memref_squeeze %dma_start3A_17 : memref<1x!tpu.dma_semaphore, #tpu.memory_space<semaphore_mem>> -> memref<!tpu.dma_semaphore, #tpu.memory_space<semaphore_mem>>
    %dma_start3A_19 = arith.constant 0 : i32
    %dma_start3A_20 = tpu.memref_slice %arg8[%dma_start3A_9, %dma_start3A_19] : memref<3x128xi32, #tpu.memory_space<vmem>> -> memref<1x128xi32, #tpu.memory_space<vmem>>
    %dma_start3A_21 = tpu.memref_squeeze %dma_start3A_20 : memref<1x128xi32, #tpu.memory_space<vmem>> -> memref<128xi32, #tpu.memory_space<vmem>>
    %dma_start3A_22 = arith.constant 0 : i32
    %dma_start3A_23 = tpu.memref_slice %arg2[%add3A, %dma_start3A, %dma_start3A_22] : memref<32x80x128xi32, #tpu.memory_space<hbm>> -> memref<1x1x128xi32, #tpu.memory_space<hbm>>
    %dma_start3A_24 = tpu.memref_squeeze %dma_start3A_23 : memref<1x1x128xi32, #tpu.memory_space<hbm>> -> memref<128xi32, #tpu.memory_space<hbm>>
    tpu.enqueue_dma source(%dma_start3A_24 : memref<128xi32, #tpu.memory_space<hbm>>) target(%dma_start3A_21 : memref<128xi32, #tpu.memory_space<vmem>>) target_semaphore(%dma_start3A_18 : memref<!tpu.dma_semaphore, #tpu.memory_space<semaphore_mem>>)
    %dma_start3A_25 = arith.constant 0 : i32
    %dma_start3A_26 = arith.constant 0 : i32
    %dma_start3A_27 = arith.constant 0 : i32
    %dma_start3A_28 = arith.constant 0 : i32
    %dma_start3A_29 = tpu.memref_slice %arg9[%dma_start3A_26, %dma_start3A_28] : memref<3x128xi32, #tpu.memory_space<vmem>> -> memref<1x128xi32, #tpu.memory_space<vmem>>
    %dma_start3A_30 = tpu.memref_squeeze %dma_start3A_29 : memref<1x128xi32, #tpu.memory_space<vmem>> -> memref<128xi32, #tpu.memory_space<vmem>>
    %dma_start3A_31 = arith.constant 0 : i32
    %dma_start3A_32 = tpu.memref_slice %arg3[%add3A, %dma_start3A_25, %dma_start3A_31] : memref<32x80x128xi32, #tpu.memory_space<hbm>> -> memref<1x1x128xi32, #tpu.memory_space<hbm>>
    %dma_start3A_33 = tpu.memref_squeeze %dma_start3A_32 : memref<1x1x128xi32, #tpu.memory_space<hbm>> -> memref<128xi32, #tpu.memory_space<hbm>>
    %dma_start3A_34 = tpu.memref_slice %arg14[%dma_start3A_27] : memref<3x!tpu.dma_semaphore, #tpu.memory_space<semaphore_mem>> -> memref<1x!tpu.dma_semaphore, #tpu.memory_space<semaphore_mem>>
    %dma_start3A_35 = tpu.memref_squeeze %dma_start3A_34 : memref<1x!tpu.dma_semaphore, #tpu.memory_space<semaphore_mem>> -> memref<!tpu.dma_semaphore, #tpu.memory_space<semaphore_mem>>
    %dma_start3A_36 = arith.constant 0 : i32
    %dma_start3A_37 = tpu.memref_slice %arg9[%dma_start3A_26, %dma_start3A_36] : memref<3x128xi32, #tpu.memory_space<vmem>> -> memref<1x128xi32, #tpu.memory_space<vmem>>
    %dma_start3A_38 = tpu.memref_squeeze %dma_start3A_37 : memref<1x128xi32, #tpu.memory_space<vmem>> -> memref<128xi32, #tpu.memory_space<vmem>>
    %dma_start3A_39 = arith.constant 0 : i32
    %dma_start3A_40 = tpu.memref_slice %arg3[%add3A, %dma_start3A_25, %dma_start3A_39] : memref<32x80x128xi32, #tpu.memory_space<hbm>> -> memref<1x1x128xi32, #tpu.memory_space<hbm>>
    %dma_start3A_41 = tpu.memref_squeeze %dma_start3A_40 : memref<1x1x128xi32, #tpu.memory_space<hbm>> -> memref<128xi32, #tpu.memory_space<hbm>>
    tpu.enqueue_dma source(%dma_start3A_41 : memref<128xi32, #tpu.memory_space<hbm>>) target(%dma_start3A_38 : memref<128xi32, #tpu.memory_space<vmem>>) target_semaphore(%dma_start3A_35 : memref<!tpu.dma_semaphore, #tpu.memory_space<semaphore_mem>>)
    %dma_start3A_42 = arith.constant 1 : i32
    %dma_start3A_43 = arith.constant 1 : i32
    %dma_start3A_44 = arith.constant 1 : i32
    %dma_start3A_45 = arith.constant 0 : i32
    %dma_start3A_46 = tpu.memref_slice %arg8[%dma_start3A_43, %dma_start3A_45] : memref<3x128xi32, #tpu.memory_space<vmem>> -> memref<1x128xi32, #tpu.memory_space<vmem>>
    %dma_start3A_47 = tpu.memref_squeeze %dma_start3A_46 : memref<1x128xi32, #tpu.memory_space<vmem>> -> memref<128xi32, #tpu.memory_space<vmem>>
    %dma_start3A_48 = arith.constant 0 : i32
    %dma_start3A_49 = tpu.memref_slice %arg2[%add3A, %dma_start3A_42, %dma_start3A_48] : memref<32x80x128xi32, #tpu.memory_space<hbm>> -> memref<1x1x128xi32, #tpu.memory_space<hbm>>
    %dma_start3A_50 = tpu.memref_squeeze %dma_start3A_49 : memref<1x1x128xi32, #tpu.memory_space<hbm>> -> memref<128xi32, #tpu.memory_space<hbm>>
    %dma_start3A_51 = tpu.memref_slice %arg13[%dma_start3A_44] : memref<3x!tpu.dma_semaphore, #tpu.memory_space<semaphore_mem>> -> memref<1x!tpu.dma_semaphore, #tpu.memory_space<semaphore_mem>>
    %dma_start3A_52 = tpu.memref_squeeze %dma_start3A_51 : memref<1x!tpu.dma_semaphore, #tpu.memory_space<semaphore_mem>> -> memref<!tpu.dma_semaphore, #tpu.memory_space<semaphore_mem>>
    %dma_start3A_53 = arith.constant 0 : i32
    %dma_start3A_54 = tpu.memref_slice %arg8[%dma_start3A_43, %dma_start3A_53] : memref<3x128xi32, #tpu.memory_space<vmem>> -> memref<1x128xi32, #tpu.memory_space<vmem>>
    %dma_start3A_55 = tpu.memref_squeeze %dma_start3A_54 : memref<1x128xi32, #tpu.memory_space<vmem>> -> memref<128xi32, #tpu.memory_space<vmem>>
    %dma_start3A_56 = arith.constant 0 : i32
    %dma_start3A_57 = tpu.memref_slice %arg2[%add3A, %dma_start3A_42, %dma_start3A_56] : memref<32x80x128xi32, #tpu.memory_space<hbm>> -> memref<1x1x128xi32, #tpu.memory_space<hbm>>
    %dma_start3A_58 = tpu.memref_squeeze %dma_start3A_57 : memref<1x1x128xi32, #tpu.memory_space<hbm>> -> memref<128xi32, #tpu.memory_space<hbm>>
    tpu.enqueue_dma source(%dma_start3A_58 : memref<128xi32, #tpu.memory_space<hbm>>) target(%dma_start3A_55 : memref<128xi32, #tpu.memory_space<vmem>>) target_semaphore(%dma_start3A_52 : memref<!tpu.dma_semaphore, #tpu.memory_space<semaphore_mem>>)
    %dma_start3A_59 = arith.constant 1 : i32
    %dma_start3A_60 = arith.constant 1 : i32
    %dma_start3A_61 = arith.constant 1 : i32
    %dma_start3A_62 = arith.constant 0 : i32
    %dma_start3A_63 = tpu.memref_slice %arg9[%dma_start3A_60, %dma_start3A_62] : memref<3x128xi32, #tpu.memory_space<vmem>> -> memref<1x128xi32, #tpu.memory_space<vmem>>
    %dma_start3A_64 = tpu.memref_squeeze %dma_start3A_63 : memref<1x128xi32, #tpu.memory_space<vmem>> -> memref<128xi32, #tpu.memory_space<vmem>>
    %dma_start3A_65 = arith.constant 0 : i32
    %dma_start3A_66 = tpu.memref_slice %arg3[%add3A, %dma_start3A_59, %dma_start3A_65] : memref<32x80x128xi32, #tpu.memory_space<hbm>> -> memref<1x1x128xi32, #tpu.memory_space<hbm>>
    %dma_start3A_67 = tpu.memref_squeeze %dma_start3A_66 : memref<1x1x128xi32, #tpu.memory_space<hbm>> -> memref<128xi32, #tpu.memory_space<hbm>>
    %dma_start3A_68 = tpu.memref_slice %arg14[%dma_start3A_61] : memref<3x!tpu.dma_semaphore, #tpu.memory_space<semaphore_mem>> -> memref<1x!tpu.dma_semaphore, #tpu.memory_space<semaphore_mem>>
    %dma_start3A_69 = tpu.memref_squeeze %dma_start3A_68 : memref<1x!tpu.dma_semaphore, #tpu.memory_space<semaphore_mem>> -> memref<!tpu.dma_semaphore, #tpu.memory_space<semaphore_mem>>
    %dma_start3A_70 = arith.constant 0 : i32
    %dma_start3A_71 = tpu.memref_slice %arg9[%dma_start3A_60, %dma_start3A_70] : memref<3x128xi32, #tpu.memory_space<vmem>> -> memref<1x128xi32, #tpu.memory_space<vmem>>
    %dma_start3A_72 = tpu.memref_squeeze %dma_start3A_71 : memref<1x128xi32, #tpu.memory_space<vmem>> -> memref<128xi32, #tpu.memory_space<vmem>>
    %dma_start3A_73 = arith.constant 0 : i32
    %dma_start3A_74 = tpu.memref_slice %arg3[%add3A, %dma_start3A_59, %dma_start3A_73] : memref<32x80x128xi32, #tpu.memory_space<hbm>> -> memref<1x1x128xi32, #tpu.memory_space<hbm>>
    %dma_start3A_75 = tpu.memref_squeeze %dma_start3A_74 : memref<1x1x128xi32, #tpu.memory_space<hbm>> -> memref<128xi32, #tpu.memory_space<hbm>>
    tpu.enqueue_dma source(%dma_start3A_75 : memref<128xi32, #tpu.memory_space<hbm>>) target(%dma_start3A_72 : memref<128xi32, #tpu.memory_space<vmem>>) target_semaphore(%dma_start3A_69 : memref<!tpu.dma_semaphore, #tpu.memory_space<semaphore_mem>>)
    %dma_wait3A = arith.constant 0 : i32
    %dma_wait3A_76 = arith.constant 0 : i32
    %dma_wait3A_77 = arith.constant 0 : i32
    %dma_wait3A_78 = arith.constant 0 : i32
    %dma_wait3A_79 = tpu.memref_slice %arg8[%dma_wait3A_76, %dma_wait3A_78] : memref<3x128xi32, #tpu.memory_space<vmem>> -> memref<1x128xi32, #tpu.memory_space<vmem>>
    %dma_wait3A_80 = tpu.memref_squeeze %dma_wait3A_79 : memref<1x128xi32, #tpu.memory_space<vmem>> -> memref<128xi32, #tpu.memory_space<vmem>>
    %dma_wait3A_81 = arith.constant 0 : i32
    %dma_wait3A_82 = tpu.memref_slice %arg2[%add3A, %dma_wait3A, %dma_wait3A_81] : memref<32x80x128xi32, #tpu.memory_space<hbm>> -> memref<1x1x128xi32, #tpu.memory_space<hbm>>
    %dma_wait3A_83 = tpu.memref_squeeze %dma_wait3A_82 : memref<1x1x128xi32, #tpu.memory_space<hbm>> -> memref<128xi32, #tpu.memory_space<hbm>>
    %dma_wait3A_84 = tpu.memref_slice %arg13[%dma_wait3A_77] : memref<3x!tpu.dma_semaphore, #tpu.memory_space<semaphore_mem>> -> memref<1x!tpu.dma_semaphore, #tpu.memory_space<semaphore_mem>>
    %dma_wait3A_85 = tpu.memref_squeeze %dma_wait3A_84 : memref<1x!tpu.dma_semaphore, #tpu.memory_space<semaphore_mem>> -> memref<!tpu.dma_semaphore, #tpu.memory_space<semaphore_mem>>
    %dma_wait3A_86 = arith.constant 0 : i32
    %dma_wait3A_87 = tpu.memref_slice %arg8[%dma_wait3A_76, %dma_wait3A_86] : memref<3x128xi32, #tpu.memory_space<vmem>> -> memref<1x128xi32, #tpu.memory_space<vmem>>
    %dma_wait3A_88 = tpu.memref_squeeze %dma_wait3A_87 : memref<1x128xi32, #tpu.memory_space<vmem>> -> memref<128xi32, #tpu.memory_space<vmem>>
    %dma_wait3A_89 = arith.constant 0 : i32
    %dma_wait3A_90 = tpu.memref_slice %arg2[%add3A, %dma_wait3A, %dma_wait3A_89] : memref<32x80x128xi32, #tpu.memory_space<hbm>> -> memref<1x1x128xi32, #tpu.memory_space<hbm>>
    %dma_wait3A_91 = tpu.memref_squeeze %dma_wait3A_90 : memref<1x1x128xi32, #tpu.memory_space<hbm>> -> memref<128xi32, #tpu.memory_space<hbm>>
    tpu.wait_dma2 semaphore(%dma_wait3A_85 : memref<!tpu.dma_semaphore, #tpu.memory_space<semaphore_mem>>) src(%dma_wait3A_91 : memref<128xi32, #tpu.memory_space<hbm>>) dst(%dma_wait3A_88 : memref<128xi32, #tpu.memory_space<vmem>>)
    %dma_start3A_92 = arith.constant 0 : i32
    %dma_start3A_93 = arith.constant 0 : i32
    %dma_start3A_94 = arith.constant 0 : i32
    %dma_start3A_95 = arith.constant 0 : i32
    %dma_start3A_96 = arith.constant 0 : i32
    %dma_start3A_97 = tpu.memref_slice %arg10[%dma_start3A_93, %dma_start3A_95, %dma_start3A_96] : memref<2x128x128xf32, #tpu.memory_space<vmem>> -> memref<1x128x128xf32, #tpu.memory_space<vmem>>
    %dma_start3A_98 = tpu.memref_squeeze %dma_start3A_97 : memref<1x128x128xf32, #tpu.memory_space<vmem>> -> memref<128x128xf32, #tpu.memory_space<vmem>>
    %dma_start3A_99 = arith.constant 0 : i32
    %dma_start3A_100 = tpu.memref_slice %arg8[%dma_start3A_92, %dma_start3A_99] : memref<3x128xi32, #tpu.memory_space<vmem>> -> memref<1x128xi32, #tpu.memory_space<vmem>>
    %dma_start3A_101 = tpu.memref_squeeze %dma_start3A_100 : memref<1x128xi32, #tpu.memory_space<vmem>> -> memref<128xi32, #tpu.memory_space<vmem>>
    %dma_start3A_102 = arith.constant 0 : i32
    %dma_start3A_103 = arith.constant 0 : i32
    %dma_start3A_104 = tpu.memref_slice %arg4[%dma_start3A_102, %dma_start3A_103] : memref<10512x128xf32, #tpu.memory_space<hbm>> -> memref<10512x128xf32, #tpu.memory_space<hbm>>
    %dma_start3A_105 = tpu.memref_slice %arg11[%dma_start3A_94] : memref<2x!tpu.dma_semaphore, #tpu.memory_space<semaphore_mem>> -> memref<1x!tpu.dma_semaphore, #tpu.memory_space<semaphore_mem>>
    %dma_start3A_106 = tpu.memref_squeeze %dma_start3A_105 : memref<1x!tpu.dma_semaphore, #tpu.memory_space<semaphore_mem>> -> memref<!tpu.dma_semaphore, #tpu.memory_space<semaphore_mem>>
    tpu.enqueue_indirect_dma source(%dma_start3A_104 : memref<10512x128xf32, #tpu.memory_space<hbm>>) target(%dma_start3A_98 : memref<128x128xf32, #tpu.memory_space<vmem>>) offsets(%dma_start3A_101 : memref<128xi32, #tpu.memory_space<vmem>>) semaphore(%dma_start3A_106 : memref<!tpu.dma_semaphore, #tpu.memory_space<semaphore_mem>>)
    %scan3A = arith.constant 0 : i32
    %scan3A_107 = arith.constant 0 : i32
    %scan3A_108 = arith.constant 80 : i32
    %scan3A_109 = arith.addi %scan3A_107, %scan3A_108 : i32
    %scan3A_110 = arith.constant 1 : i32
    scf.for %scan3A_140 = %scan3A_107 to %scan3A_109 step %scan3A_110  : i32 {
      %rem3A_141 = arith.constant 2 : i32
      %rem3A_142 = arith.remsi %scan3A_140, %rem3A_141 : i32
      %sub3A = arith.constant 1 : i32
      %sub3A_143 = arith.subi %sub3A, %rem3A_142 : i32
      %rem3A_144 = arith.constant 3 : i32
      %rem3A_145 = arith.remsi %scan3A_140, %rem3A_144 : i32
      %add3A_146 = arith.constant 1 : i32
      %add3A_147 = arith.addi %scan3A_140, %add3A_146 : i32
      %rem3A_148 = arith.constant 3 : i32
      %rem3A_149 = arith.remsi %add3A_147, %rem3A_148 : i32
      %add3A_150 = arith.constant 2 : i32
      %add3A_151 = arith.addi %scan3A_140, %add3A_150 : i32
      %rem3A_152 = arith.constant 3 : i32
      %rem3A_153 = arith.remsi %add3A_151, %rem3A_152 : i32
      %ge3A = arith.constant 1 : i32
      %ge3A_154 = arith.cmpi sge, %scan3A_140, %ge3A : i32
      %convert_element_type3A_155 = arith.extui %ge3A_154 : i1 to i32
      %cond3A_156 = arith.constant 0 : i32
      %cond3A_157 = arith.cmpi ne, %convert_element_type3A_155, %cond3A_156 : i32
      scf.if %cond3A_157 {
        %sub3A_210 = arith.constant 1 : i32
        %sub3A_211 = arith.subi %scan3A_140, %sub3A_210 : i32
        %rem3A_212 = arith.constant 3 : i32
        %rem3A_213 = arith.remsi %sub3A_211, %rem3A_212 : i32
        %dma_wait3A_214 = arith.constant 0 : i32
        %dma_wait3A_215 = arith.constant 0 : i32
        %dma_wait3A_216 = tpu.memref_slice %arg10[%sub3A_143, %dma_wait3A_214, %dma_wait3A_215] : memref<2x128x128xf32, #tpu.memory_space<vmem>> -> memref<1x128x128xf32, #tpu.memory_space<vmem>>
        %dma_wait3A_217 = tpu.memref_squeeze %dma_wait3A_216 : memref<1x128x128xf32, #tpu.memory_space<vmem>> -> memref<128x128xf32, #tpu.memory_space<vmem>>
        %dma_wait3A_218 = arith.constant 0 : i32
        %dma_wait3A_219 = tpu.memref_slice %arg9[%rem3A_213, %dma_wait3A_218] : memref<3x128xi32, #tpu.memory_space<vmem>> -> memref<1x128xi32, #tpu.memory_space<vmem>>
        %dma_wait3A_220 = tpu.memref_squeeze %dma_wait3A_219 : memref<1x128xi32, #tpu.memory_space<vmem>> -> memref<128xi32, #tpu.memory_space<vmem>>
        %dma_wait3A_221 = arith.constant 0 : i32
        %dma_wait3A_222 = arith.constant 0 : i32
        %dma_wait3A_223 = tpu.memref_slice %arg7[%dma_wait3A_221, %dma_wait3A_222] : memref<10512x128xf32, #tpu.memory_space<vmem_shared>> -> memref<10512x128xf32, #tpu.memory_space<vmem_shared>>
        %dma_wait3A_224 = tpu.memref_slice %arg12[%sub3A_143] : memref<2x!tpu.dma_semaphore, #tpu.memory_space<semaphore_mem>> -> memref<1x!tpu.dma_semaphore, #tpu.memory_space<semaphore_mem>>
        %dma_wait3A_225 = tpu.memref_squeeze %dma_wait3A_224 : memref<1x!tpu.dma_semaphore, #tpu.memory_space<semaphore_mem>> -> memref<!tpu.dma_semaphore, #tpu.memory_space<semaphore_mem>>
        tpu.wait_indirect_dma semaphore(%dma_wait3A_225 : memref<!tpu.dma_semaphore, #tpu.memory_space<semaphore_mem>>) src(%dma_wait3A_217 : memref<128x128xf32, #tpu.memory_space<vmem>>) dst(%dma_wait3A_223 : memref<10512x128xf32, #tpu.memory_space<vmem_shared>>)
      } else {
      }
      %add3A_158 = arith.constant 2 : i32
      %add3A_159 = arith.addi %scan3A_140, %add3A_158 : i32
      %lt3A_160 = arith.constant 80 : i32
      %lt3A_161 = arith.cmpi slt, %add3A_159, %lt3A_160 : i32
      %convert_element_type3A_162 = arith.extui %lt3A_161 : i1 to i32
      %cond3A_163 = arith.constant 0 : i32
      %cond3A_164 = arith.cmpi ne, %convert_element_type3A_162, %cond3A_163 : i32
      scf.if %cond3A_164 {
        %add3A_210 = arith.constant 2 : i32
        %add3A_211 = arith.addi %scan3A_140, %add3A_210 : i32
        %dma_start3A_212 = arith.constant 0 : i32
        %dma_start3A_213 = tpu.memref_slice %arg8[%rem3A_153, %dma_start3A_212] : memref<3x128xi32, #tpu.memory_space<vmem>> -> memref<1x128xi32, #tpu.memory_space<vmem>>
        %dma_start3A_214 = tpu.memref_squeeze %dma_start3A_213 : memref<1x128xi32, #tpu.memory_space<vmem>> -> memref<128xi32, #tpu.memory_space<vmem>>
        %dma_start3A_215 = arith.constant 0 : i32
        %dma_start3A_216 = tpu.memref_slice %arg2[%add3A, %add3A_211, %dma_start3A_215] : memref<32x80x128xi32, #tpu.memory_space<hbm>> -> memref<1x1x128xi32, #tpu.memory_space<hbm>>
        %dma_start3A_217 = tpu.memref_squeeze %dma_start3A_216 : memref<1x1x128xi32, #tpu.memory_space<hbm>> -> memref<128xi32, #tpu.memory_space<hbm>>
        %dma_start3A_218 = tpu.memref_slice %arg13[%rem3A_153] : memref<3x!tpu.dma_semaphore, #tpu.memory_space<semaphore_mem>> -> memref<1x!tpu.dma_semaphore, #tpu.memory_space<semaphore_mem>>
        %dma_start3A_219 = tpu.memref_squeeze %dma_start3A_218 : memref<1x!tpu.dma_semaphore, #tpu.memory_space<semaphore_mem>> -> memref<!tpu.dma_semaphore, #tpu.memory_space<semaphore_mem>>
        %dma_start3A_220 = arith.constant 0 : i32
        %dma_start3A_221 = tpu.memref_slice %arg8[%rem3A_153, %dma_start3A_220] : memref<3x128xi32, #tpu.memory_space<vmem>> -> memref<1x128xi32, #tpu.memory_space<vmem>>
        %dma_start3A_222 = tpu.memref_squeeze %dma_start3A_221 : memref<1x128xi32, #tpu.memory_space<vmem>> -> memref<128xi32, #tpu.memory_space<vmem>>
        %dma_start3A_223 = arith.constant 0 : i32
        %dma_start3A_224 = tpu.memref_slice %arg2[%add3A, %add3A_211, %dma_start3A_223] : memref<32x80x128xi32, #tpu.memory_space<hbm>> -> memref<1x1x128xi32, #tpu.memory_space<hbm>>
        %dma_start3A_225 = tpu.memref_squeeze %dma_start3A_224 : memref<1x1x128xi32, #tpu.memory_space<hbm>> -> memref<128xi32, #tpu.memory_space<hbm>>
        tpu.enqueue_dma source(%dma_start3A_225 : memref<128xi32, #tpu.memory_space<hbm>>) target(%dma_start3A_222 : memref<128xi32, #tpu.memory_space<vmem>>) target_semaphore(%dma_start3A_219 : memref<!tpu.dma_semaphore, #tpu.memory_space<semaphore_mem>>)
        %add3A_226 = arith.constant 2 : i32
        %add3A_227 = arith.addi %scan3A_140, %add3A_226 : i32
        %dma_start3A_228 = arith.constant 0 : i32
        %dma_start3A_229 = tpu.memref_slice %arg9[%rem3A_153, %dma_start3A_228] : memref<3x128xi32, #tpu.memory_space<vmem>> -> memref<1x128xi32, #tpu.memory_space<vmem>>
        %dma_start3A_230 = tpu.memref_squeeze %dma_start3A_229 : memref<1x128xi32, #tpu.memory_space<vmem>> -> memref<128xi32, #tpu.memory_space<vmem>>
        %dma_start3A_231 = arith.constant 0 : i32
        %dma_start3A_232 = tpu.memref_slice %arg3[%add3A, %add3A_227, %dma_start3A_231] : memref<32x80x128xi32, #tpu.memory_space<hbm>> -> memref<1x1x128xi32, #tpu.memory_space<hbm>>
        %dma_start3A_233 = tpu.memref_squeeze %dma_start3A_232 : memref<1x1x128xi32, #tpu.memory_space<hbm>> -> memref<128xi32, #tpu.memory_space<hbm>>
        %dma_start3A_234 = tpu.memref_slice %arg14[%rem3A_153] : memref<3x!tpu.dma_semaphore, #tpu.memory_space<semaphore_mem>> -> memref<1x!tpu.dma_semaphore, #tpu.memory_space<semaphore_mem>>
        %dma_start3A_235 = tpu.memref_squeeze %dma_start3A_234 : memref<1x!tpu.dma_semaphore, #tpu.memory_space<semaphore_mem>> -> memref<!tpu.dma_semaphore, #tpu.memory_space<semaphore_mem>>
        %dma_start3A_236 = arith.constant 0 : i32
        %dma_start3A_237 = tpu.memref_slice %arg9[%rem3A_153, %dma_start3A_236] : memref<3x128xi32, #tpu.memory_space<vmem>> -> memref<1x128xi32, #tpu.memory_space<vmem>>
        %dma_start3A_238 = tpu.memref_squeeze %dma_start3A_237 : memref<1x128xi32, #tpu.memory_space<vmem>> -> memref<128xi32, #tpu.memory_space<vmem>>
        %dma_start3A_239 = arith.constant 0 : i32
        %dma_start3A_240 = tpu.memref_slice %arg3[%add3A, %add3A_227, %dma_start3A_239] : memref<32x80x128xi32, #tpu.memory_space<hbm>> -> memref<1x1x128xi32, #tpu.memory_space<hbm>>
        %dma_start3A_241 = tpu.memref_squeeze %dma_start3A_240 : memref<1x1x128xi32, #tpu.memory_space<hbm>> -> memref<128xi32, #tpu.memory_space<hbm>>
        tpu.enqueue_dma source(%dma_start3A_241 : memref<128xi32, #tpu.memory_space<hbm>>) target(%dma_start3A_238 : memref<128xi32, #tpu.memory_space<vmem>>) target_semaphore(%dma_start3A_235 : memref<!tpu.dma_semaphore, #tpu.memory_space<semaphore_mem>>)
      } else {
      }
      %add3A_165 = arith.constant 1 : i32
      %add3A_166 = arith.addi %scan3A_140, %add3A_165 : i32
      %lt3A_167 = arith.constant 80 : i32
      %lt3A_168 = arith.cmpi slt, %add3A_166, %lt3A_167 : i32
      %convert_element_type3A_169 = arith.extui %lt3A_168 : i1 to i32
      %cond3A_170 = arith.constant 0 : i32
      %cond3A_171 = arith.cmpi ne, %convert_element_type3A_169, %cond3A_170 : i32
      scf.if %cond3A_171 {
        %add3A_210 = arith.constant 1 : i32
        %add3A_211 = arith.addi %scan3A_140, %add3A_210 : i32
        %dma_wait3A_212 = arith.constant 0 : i32
        %dma_wait3A_213 = tpu.memref_slice %arg8[%rem3A_149, %dma_wait3A_212] : memref<3x128xi32, #tpu.memory_space<vmem>> -> memref<1x128xi32, #tpu.memory_space<vmem>>
        %dma_wait3A_214 = tpu.memref_squeeze %dma_wait3A_213 : memref<1x128xi32, #tpu.memory_space<vmem>> -> memref<128xi32, #tpu.memory_space<vmem>>
        %dma_wait3A_215 = arith.constant 0 : i32
        %dma_wait3A_216 = tpu.memref_slice %arg2[%add3A, %add3A_211, %dma_wait3A_215] : memref<32x80x128xi32, #tpu.memory_space<hbm>> -> memref<1x1x128xi32, #tpu.memory_space<hbm>>
        %dma_wait3A_217 = tpu.memref_squeeze %dma_wait3A_216 : memref<1x1x128xi32, #tpu.memory_space<hbm>> -> memref<128xi32, #tpu.memory_space<hbm>>
        %dma_wait3A_218 = tpu.memref_slice %arg13[%rem3A_149] : memref<3x!tpu.dma_semaphore, #tpu.memory_space<semaphore_mem>> -> memref<1x!tpu.dma_semaphore, #tpu.memory_space<semaphore_mem>>
        %dma_wait3A_219 = tpu.memref_squeeze %dma_wait3A_218 : memref<1x!tpu.dma_semaphore, #tpu.memory_space<semaphore_mem>> -> memref<!tpu.dma_semaphore, #tpu.memory_space<semaphore_mem>>
        %dma_wait3A_220 = arith.constant 0 : i32
        %dma_wait3A_221 = tpu.memref_slice %arg8[%rem3A_149, %dma_wait3A_220] : memref<3x128xi32, #tpu.memory_space<vmem>> -> memref<1x128xi32, #tpu.memory_space<vmem>>
        %dma_wait3A_222 = tpu.memref_squeeze %dma_wait3A_221 : memref<1x128xi32, #tpu.memory_space<vmem>> -> memref<128xi32, #tpu.memory_space<vmem>>
        %dma_wait3A_223 = arith.constant 0 : i32
        %dma_wait3A_224 = tpu.memref_slice %arg2[%add3A, %add3A_211, %dma_wait3A_223] : memref<32x80x128xi32, #tpu.memory_space<hbm>> -> memref<1x1x128xi32, #tpu.memory_space<hbm>>
        %dma_wait3A_225 = tpu.memref_squeeze %dma_wait3A_224 : memref<1x1x128xi32, #tpu.memory_space<hbm>> -> memref<128xi32, #tpu.memory_space<hbm>>
        tpu.wait_dma2 semaphore(%dma_wait3A_219 : memref<!tpu.dma_semaphore, #tpu.memory_space<semaphore_mem>>) src(%dma_wait3A_225 : memref<128xi32, #tpu.memory_space<hbm>>) dst(%dma_wait3A_222 : memref<128xi32, #tpu.memory_space<vmem>>)
        %dma_start3A_226 = arith.constant 0 : i32
        %dma_start3A_227 = arith.constant 0 : i32
        %dma_start3A_228 = tpu.memref_slice %arg10[%sub3A_143, %dma_start3A_226, %dma_start3A_227] : memref<2x128x128xf32, #tpu.memory_space<vmem>> -> memref<1x128x128xf32, #tpu.memory_space<vmem>>
        %dma_start3A_229 = tpu.memref_squeeze %dma_start3A_228 : memref<1x128x128xf32, #tpu.memory_space<vmem>> -> memref<128x128xf32, #tpu.memory_space<vmem>>
        %dma_start3A_230 = arith.constant 0 : i32
        %dma_start3A_231 = tpu.memref_slice %arg8[%rem3A_149, %dma_start3A_230] : memref<3x128xi32, #tpu.memory_space<vmem>> -> memref<1x128xi32, #tpu.memory_space<vmem>>
        %dma_start3A_232 = tpu.memref_squeeze %dma_start3A_231 : memref<1x128xi32, #tpu.memory_space<vmem>> -> memref<128xi32, #tpu.memory_space<vmem>>
        %dma_start3A_233 = arith.constant 0 : i32
        %dma_start3A_234 = arith.constant 0 : i32
        %dma_start3A_235 = tpu.memref_slice %arg4[%dma_start3A_233, %dma_start3A_234] : memref<10512x128xf32, #tpu.memory_space<hbm>> -> memref<10512x128xf32, #tpu.memory_space<hbm>>
        %dma_start3A_236 = tpu.memref_slice %arg11[%sub3A_143] : memref<2x!tpu.dma_semaphore, #tpu.memory_space<semaphore_mem>> -> memref<1x!tpu.dma_semaphore, #tpu.memory_space<semaphore_mem>>
        %dma_start3A_237 = tpu.memref_squeeze %dma_start3A_236 : memref<1x!tpu.dma_semaphore, #tpu.memory_space<semaphore_mem>> -> memref<!tpu.dma_semaphore, #tpu.memory_space<semaphore_mem>>
        tpu.enqueue_indirect_dma source(%dma_start3A_235 : memref<10512x128xf32, #tpu.memory_space<hbm>>) target(%dma_start3A_229 : memref<128x128xf32, #tpu.memory_space<vmem>>) offsets(%dma_start3A_232 : memref<128xi32, #tpu.memory_space<vmem>>) semaphore(%dma_start3A_237 : memref<!tpu.dma_semaphore, #tpu.memory_space<semaphore_mem>>)
      } else {
      }
      %dma_wait3A_172 = arith.constant 0 : i32
      %dma_wait3A_173 = arith.constant 0 : i32
      %dma_wait3A_174 = tpu.memref_slice %arg10[%rem3A_142, %dma_wait3A_172, %dma_wait3A_173] : memref<2x128x128xf32, #tpu.memory_space<vmem>> -> memref<1x128x128xf32, #tpu.memory_space<vmem>>
      %dma_wait3A_175 = tpu.memref_squeeze %dma_wait3A_174 : memref<1x128x128xf32, #tpu.memory_space<vmem>> -> memref<128x128xf32, #tpu.memory_space<vmem>>
      %dma_wait3A_176 = arith.constant 0 : i32
      %dma_wait3A_177 = tpu.memref_slice %arg8[%rem3A_145, %dma_wait3A_176] : memref<3x128xi32, #tpu.memory_space<vmem>> -> memref<1x128xi32, #tpu.memory_space<vmem>>
      %dma_wait3A_178 = tpu.memref_squeeze %dma_wait3A_177 : memref<1x128xi32, #tpu.memory_space<vmem>> -> memref<128xi32, #tpu.memory_space<vmem>>
      %dma_wait3A_179 = arith.constant 0 : i32
      %dma_wait3A_180 = arith.constant 0 : i32
      %dma_wait3A_181 = tpu.memref_slice %arg4[%dma_wait3A_179, %dma_wait3A_180] : memref<10512x128xf32, #tpu.memory_space<hbm>> -> memref<10512x128xf32, #tpu.memory_space<hbm>>
      %dma_wait3A_182 = tpu.memref_slice %arg11[%rem3A_142] : memref<2x!tpu.dma_semaphore, #tpu.memory_space<semaphore_mem>> -> memref<1x!tpu.dma_semaphore, #tpu.memory_space<semaphore_mem>>
      %dma_wait3A_183 = tpu.memref_squeeze %dma_wait3A_182 : memref<1x!tpu.dma_semaphore, #tpu.memory_space<semaphore_mem>> -> memref<!tpu.dma_semaphore, #tpu.memory_space<semaphore_mem>>
      tpu.wait_indirect_dma semaphore(%dma_wait3A_183 : memref<!tpu.dma_semaphore, #tpu.memory_space<semaphore_mem>>) src(%dma_wait3A_181 : memref<10512x128xf32, #tpu.memory_space<hbm>>) dst(%dma_wait3A_175 : memref<128x128xf32, #tpu.memory_space<vmem>>)
      %dma_wait3A_184 = arith.constant 0 : i32
      %dma_wait3A_185 = tpu.memref_slice %arg9[%rem3A_145, %dma_wait3A_184] : memref<3x128xi32, #tpu.memory_space<vmem>> -> memref<1x128xi32, #tpu.memory_space<vmem>>
      %dma_wait3A_186 = tpu.memref_squeeze %dma_wait3A_185 : memref<1x128xi32, #tpu.memory_space<vmem>> -> memref<128xi32, #tpu.memory_space<vmem>>
      %dma_wait3A_187 = arith.constant 0 : i32
      %dma_wait3A_188 = tpu.memref_slice %arg3[%add3A, %scan3A_140, %dma_wait3A_187] : memref<32x80x128xi32, #tpu.memory_space<hbm>> -> memref<1x1x128xi32, #tpu.memory_space<hbm>>
      %dma_wait3A_189 = tpu.memref_squeeze %dma_wait3A_188 : memref<1x1x128xi32, #tpu.memory_space<hbm>> -> memref<128xi32, #tpu.memory_space<hbm>>
      %dma_wait3A_190 = tpu.memref_slice %arg14[%rem3A_145] : memref<3x!tpu.dma_semaphore, #tpu.memory_space<semaphore_mem>> -> memref<1x!tpu.dma_semaphore, #tpu.memory_space<semaphore_mem>>
      %dma_wait3A_191 = tpu.memref_squeeze %dma_wait3A_190 : memref<1x!tpu.dma_semaphore, #tpu.memory_space<semaphore_mem>> -> memref<!tpu.dma_semaphore, #tpu.memory_space<semaphore_mem>>
      %dma_wait3A_192 = arith.constant 0 : i32
      %dma_wait3A_193 = tpu.memref_slice %arg9[%rem3A_145, %dma_wait3A_192] : memref<3x128xi32, #tpu.memory_space<vmem>> -> memref<1x128xi32, #tpu.memory_space<vmem>>
      %dma_wait3A_194 = tpu.memref_squeeze %dma_wait3A_193 : memref<1x128xi32, #tpu.memory_space<vmem>> -> memref<128xi32, #tpu.memory_space<vmem>>
      %dma_wait3A_195 = arith.constant 0 : i32
      %dma_wait3A_196 = tpu.memref_slice %arg3[%add3A, %scan3A_140, %dma_wait3A_195] : memref<32x80x128xi32, #tpu.memory_space<hbm>> -> memref<1x1x128xi32, #tpu.memory_space<hbm>>
      %dma_wait3A_197 = tpu.memref_squeeze %dma_wait3A_196 : memref<1x1x128xi32, #tpu.memory_space<hbm>> -> memref<128xi32, #tpu.memory_space<hbm>>
      tpu.wait_dma2 semaphore(%dma_wait3A_191 : memref<!tpu.dma_semaphore, #tpu.memory_space<semaphore_mem>>) src(%dma_wait3A_197 : memref<128xi32, #tpu.memory_space<hbm>>) dst(%dma_wait3A_194 : memref<128xi32, #tpu.memory_space<vmem>>)
      %dma_start3A_198 = arith.constant 0 : i32
      %dma_start3A_199 = arith.constant 0 : i32
      %dma_start3A_200 = tpu.memref_slice %arg10[%rem3A_142, %dma_start3A_198, %dma_start3A_199] : memref<2x128x128xf32, #tpu.memory_space<vmem>> -> memref<1x128x128xf32, #tpu.memory_space<vmem>>
      %dma_start3A_201 = tpu.memref_squeeze %dma_start3A_200 : memref<1x128x128xf32, #tpu.memory_space<vmem>> -> memref<128x128xf32, #tpu.memory_space<vmem>>
      %dma_start3A_202 = arith.constant 0 : i32
      %dma_start3A_203 = tpu.memref_slice %arg9[%rem3A_145, %dma_start3A_202] : memref<3x128xi32, #tpu.memory_space<vmem>> -> memref<1x128xi32, #tpu.memory_space<vmem>>
      %dma_start3A_204 = tpu.memref_squeeze %dma_start3A_203 : memref<1x128xi32, #tpu.memory_space<vmem>> -> memref<128xi32, #tpu.memory_space<vmem>>
      %dma_start3A_205 = arith.constant 0 : i32
      %dma_start3A_206 = arith.constant 0 : i32
      %dma_start3A_207 = tpu.memref_slice %arg7[%dma_start3A_205, %dma_start3A_206] : memref<10512x128xf32, #tpu.memory_space<vmem_shared>> -> memref<10512x128xf32, #tpu.memory_space<vmem_shared>>
      %dma_start3A_208 = tpu.memref_slice %arg12[%rem3A_142] : memref<2x!tpu.dma_semaphore, #tpu.memory_space<semaphore_mem>> -> memref<1x!tpu.dma_semaphore, #tpu.memory_space<semaphore_mem>>
      %dma_start3A_209 = tpu.memref_squeeze %dma_start3A_208 : memref<1x!tpu.dma_semaphore, #tpu.memory_space<semaphore_mem>> -> memref<!tpu.dma_semaphore, #tpu.memory_space<semaphore_mem>>
      tpu.enqueue_indirect_dma source(%dma_start3A_201 : memref<128x128xf32, #tpu.memory_space<vmem>>) target(%dma_start3A_207 : memref<10512x128xf32, #tpu.memory_space<vmem_shared>>) offsets(%dma_start3A_204 : memref<128xi32, #tpu.memory_space<vmem>>) semaphore(%dma_start3A_209 : memref<!tpu.dma_semaphore, #tpu.memory_space<semaphore_mem>>) {add = true}
    }
    %scan3A_111 = arith.constant 80 : i32
    %rem3A = arith.constant 79 : i32
    %rem3A_112 = arith.constant 2 : i32
    %rem3A_113 = arith.remsi %rem3A, %rem3A_112 : i32
    %rem3A_114 = arith.constant 79 : i32
    %rem3A_115 = arith.constant 3 : i32
    %rem3A_116 = arith.remsi %rem3A_114, %rem3A_115 : i32
    %dma_wait3A_117 = arith.constant 0 : i32
    %dma_wait3A_118 = arith.constant 0 : i32
    %dma_wait3A_119 = tpu.memref_slice %arg10[%rem3A_113, %dma_wait3A_117, %dma_wait3A_118] : memref<2x128x128xf32, #tpu.memory_space<vmem>> -> memref<1x128x128xf32, #tpu.memory_space<vmem>>
    %dma_wait3A_120 = tpu.memref_squeeze %dma_wait3A_119 : memref<1x128x128xf32, #tpu.memory_space<vmem>> -> memref<128x128xf32, #tpu.memory_space<vmem>>
    %dma_wait3A_121 = arith.constant 0 : i32
    %dma_wait3A_122 = tpu.memref_slice %arg9[%rem3A_116, %dma_wait3A_121] : memref<3x128xi32, #tpu.memory_space<vmem>> -> memref<1x128xi32, #tpu.memory_space<vmem>>
    %dma_wait3A_123 = tpu.memref_squeeze %dma_wait3A_122 : memref<1x128xi32, #tpu.memory_space<vmem>> -> memref<128xi32, #tpu.memory_space<vmem>>
    %dma_wait3A_124 = arith.constant 0 : i32
    %dma_wait3A_125 = arith.constant 0 : i32
    %dma_wait3A_126 = tpu.memref_slice %arg7[%dma_wait3A_124, %dma_wait3A_125] : memref<10512x128xf32, #tpu.memory_space<vmem_shared>> -> memref<10512x128xf32, #tpu.memory_space<vmem_shared>>
    %dma_wait3A_127 = tpu.memref_slice %arg12[%rem3A_113] : memref<2x!tpu.dma_semaphore, #tpu.memory_space<semaphore_mem>> -> memref<1x!tpu.dma_semaphore, #tpu.memory_space<semaphore_mem>>
    %dma_wait3A_128 = tpu.memref_squeeze %dma_wait3A_127 : memref<1x!tpu.dma_semaphore, #tpu.memory_space<semaphore_mem>> -> memref<!tpu.dma_semaphore, #tpu.memory_space<semaphore_mem>>
    tpu.wait_indirect_dma semaphore(%dma_wait3A_128 : memref<!tpu.dma_semaphore, #tpu.memory_space<semaphore_mem>>) src(%dma_wait3A_120 : memref<128x128xf32, #tpu.memory_space<vmem>>) dst(%dma_wait3A_126 : memref<10512x128xf32, #tpu.memory_space<vmem_shared>>)
    %barrier3A_129 = arith.constant 0 : index
    tpu.barrier barrier_id(%barrier3A_129)
    %lt3A_130 = arith.constant 15 : i32
    %lt3A_131 = arith.cmpi slt, %arg1, %lt3A_130 : i32
    %convert_element_type3A_132 = arith.extui %lt3A_131 : i1 to i32
    %cond3A_133 = arith.constant 0 : i32
    %cond3A_134 = arith.cmpi ne, %convert_element_type3A_132, %cond3A_133 : i32
    scf.if %cond3A_134 {
      "tpu.region"() ({
        %run_scoped3A = tpu.sem_alloc : memref<!tpu.dma_semaphore, #tpu.memory_space<semaphore_mem>>
        %dma_start3A_140 = arith.constant 0 : i32
        %dma_start3A_141 = tpu.memref_slice %arg6[%arg0, %mul3A_2, %dma_start3A_140] : memref<2x10000x128xf32, #tpu.memory_space<hbm>> -> memref<1x624x128xf32, #tpu.memory_space<hbm>>
        %dma_start3A_142 = tpu.memref_squeeze %dma_start3A_141 : memref<1x624x128xf32, #tpu.memory_space<hbm>> -> memref<624x128xf32, #tpu.memory_space<hbm>>
        %dma_start3A_143 = arith.constant 0 : i32
        %dma_start3A_144 = tpu.memref_slice %arg7[%mul3A_2, %dma_start3A_143] : memref<10512x128xf32, #tpu.memory_space<vmem_shared>> -> memref<624x128xf32, #tpu.memory_space<vmem_shared>>
        tpu.enqueue_dma source(%dma_start3A_144 : memref<624x128xf32, #tpu.memory_space<vmem_shared>>) target(%dma_start3A_142 : memref<624x128xf32, #tpu.memory_space<hbm>>) target_semaphore(%run_scoped3A : memref<!tpu.dma_semaphore, #tpu.memory_space<semaphore_mem>>)
        %dma_wait3A_145 = arith.constant 0 : i32
        %dma_wait3A_146 = tpu.memref_slice %arg6[%arg0, %mul3A_2, %dma_wait3A_145] : memref<2x10000x128xf32, #tpu.memory_space<hbm>> -> memref<1x624x128xf32, #tpu.memory_space<hbm>>
        %dma_wait3A_147 = tpu.memref_squeeze %dma_wait3A_146 : memref<1x624x128xf32, #tpu.memory_space<hbm>> -> memref<624x128xf32, #tpu.memory_space<hbm>>
        %dma_wait3A_148 = arith.constant 0 : i32
        %dma_wait3A_149 = tpu.memref_slice %arg7[%mul3A_2, %dma_wait3A_148] : memref<10512x128xf32, #tpu.memory_space<vmem_shared>> -> memref<624x128xf32, #tpu.memory_space<vmem_shared>>
        tpu.wait_dma2 semaphore(%run_scoped3A : memref<!tpu.dma_semaphore, #tpu.memory_space<semaphore_mem>>) src(%dma_wait3A_149 : memref<624x128xf32, #tpu.memory_space<vmem_shared>>) dst(%dma_wait3A_147 : memref<624x128xf32, #tpu.memory_space<hbm>>)
        tpu.yield
      }) : () -> ()
    } else {
    }
    %eq3A_135 = arith.constant 15 : i32
    %eq3A_136 = arith.cmpi eq, %arg1, %eq3A_135 : i32
    %convert_element_type3A_137 = arith.extui %eq3A_136 : i1 to i32
    %cond3A_138 = arith.constant 0 : i32
    %cond3A_139 = arith.cmpi ne, %convert_element_type3A_137, %cond3A_138 : i32
    scf.if %cond3A_139 {
      "tpu.region"() ({
        %run_scoped3A = tpu.sem_alloc : memref<!tpu.dma_semaphore, #tpu.memory_space<semaphore_mem>>
        %dma_start3A_140 = arith.constant 9360 : i32
        %dma_start3A_141 = arith.constant 0 : i32
        %dma_start3A_142 = tpu.memref_slice %arg6[%arg0, %dma_start3A_140, %dma_start3A_141] : memref<2x10000x128xf32, #tpu.memory_space<hbm>> -> memref<1x640x128xf32, #tpu.memory_space<hbm>>
        %dma_start3A_143 = tpu.memref_squeeze %dma_start3A_142 : memref<1x640x128xf32, #tpu.memory_space<hbm>> -> memref<640x128xf32, #tpu.memory_space<hbm>>
        %dma_start3A_144 = arith.constant 9360 : i32
        %dma_start3A_145 = arith.constant 0 : i32
        %dma_start3A_146 = tpu.memref_slice %arg7[%dma_start3A_144, %dma_start3A_145] : memref<10512x128xf32, #tpu.memory_space<vmem_shared>> -> memref<640x128xf32, #tpu.memory_space<vmem_shared>>
        tpu.enqueue_dma source(%dma_start3A_146 : memref<640x128xf32, #tpu.memory_space<vmem_shared>>) target(%dma_start3A_143 : memref<640x128xf32, #tpu.memory_space<hbm>>) target_semaphore(%run_scoped3A : memref<!tpu.dma_semaphore, #tpu.memory_space<semaphore_mem>>)
        %dma_wait3A_147 = arith.constant 9360 : i32
        %dma_wait3A_148 = arith.constant 0 : i32
        %dma_wait3A_149 = tpu.memref_slice %arg6[%arg0, %dma_wait3A_147, %dma_wait3A_148] : memref<2x10000x128xf32, #tpu.memory_space<hbm>> -> memref<1x640x128xf32, #tpu.memory_space<hbm>>
        %dma_wait3A_150 = tpu.memref_squeeze %dma_wait3A_149 : memref<1x640x128xf32, #tpu.memory_space<hbm>> -> memref<640x128xf32, #tpu.memory_space<hbm>>
        %dma_wait3A_151 = arith.constant 9360 : i32
        %dma_wait3A_152 = arith.constant 0 : i32
        %dma_wait3A_153 = tpu.memref_slice %arg7[%dma_wait3A_151, %dma_wait3A_152] : memref<10512x128xf32, #tpu.memory_space<vmem_shared>> -> memref<640x128xf32, #tpu.memory_space<vmem_shared>>
        tpu.wait_dma2 semaphore(%run_scoped3A : memref<!tpu.dma_semaphore, #tpu.memory_space<semaphore_mem>>) src(%dma_wait3A_153 : memref<640x128xf32, #tpu.memory_space<vmem_shared>>) dst(%dma_wait3A_150 : memref<640x128xf32, #tpu.memory_space<hbm>>)
        tpu.yield
      }) : () -> ()
    } else {
    }
    return
  }
}

#map = affine_map<(d0, d1) -> (0, 0, 0)>
#map1 = affine_map<(d0, d1) -> (0)>
#map2 = affine_map<(d0, d1) -> (0, 0)>
module attributes {stable_mosaic.version = 14 : i64} {
  func.func @k(%arg0: i32, %arg1: i32, %arg2: memref<32x10x1024xi32, #tpu.memory_space<hbm>>, %arg3: memref<32x10x1024xi32, #tpu.memory_space<hbm>>, %arg4: memref<10512xf32, #tpu.memory_space<hbm>>, %arg5: memref<672xf32, #tpu.memory_space<hbm>>, %arg6: memref<2x10000xf32, #tpu.memory_space<hbm>>, %arg7: memref<10512xf32, #tpu.memory_space<vmem_shared>>, %arg8: memref<10x1024xi32, #tpu.memory_space<vmem>>, %arg9: memref<10x1024xi32, #tpu.memory_space<vmem>>, %arg10: memref<2x1024xf32, #tpu.memory_space<vmem>>, %arg11: memref<2x!tpu.dma_semaphore, #tpu.memory_space<semaphore_mem>>, %arg12: memref<2x!tpu.dma_semaphore, #tpu.memory_space<semaphore_mem>>) attributes {dimension_semantics = [#tpu.dimension_semantics<core_parallel>, #tpu.dimension_semantics<subcore_parallel>], iteration_bounds = array<i64: 2, 16>, scalar_prefetch = 0 : i64, scratch_operands = 6 : i64, tpu.core_type = #tpu.core_type<sc_vector_subcore>, window_params = [{transform_indices = #map}, {transform_indices = #map}, {transform_indices = #map1}, {transform_indices = #map1}, {transform_indices = #map2}]} {
    %mul3A = arith.constant 16 : i32
    %mul3A_0 = arith.muli %arg0, %mul3A : i32
    %add3A = arith.addi %mul3A_0, %arg1 : i32
    %mul3A_1 = arith.constant 624 : i32
    %mul3A_2 = arith.muli %arg1, %mul3A_1 : i32
    %lt3A = arith.constant 15 : i32
    %lt3A_3 = arith.cmpi slt, %arg1, %lt3A : i32
    %convert_element_type3A = arith.extui %lt3A_3 : i1 to i32
    %cond3A = arith.constant 0 : i32
    %cond3A_4 = arith.cmpi ne, %convert_element_type3A, %cond3A : i32
    scf.if %cond3A_4 {
      %mul3A_49 = arith.constant 656 : i32
      %mul3A_50 = arith.muli %arg1, %mul3A_49 : i32
      "tpu.region"() ({
        %run_scoped3A = tpu.sem_alloc : memref<!tpu.dma_semaphore, #tpu.memory_space<semaphore_mem>>
        %dma_start3A_51 = tpu.memref_slice %arg7[%mul3A_50] : memref<10512xf32, #tpu.memory_space<vmem_shared>> -> memref<656xf32, #tpu.memory_space<vmem_shared>>
        %dma_start3A_52 = arith.constant 0 : i32
        %dma_start3A_53 = tpu.memref_slice %arg5[%dma_start3A_52] : memref<672xf32, #tpu.memory_space<hbm>> -> memref<656xf32, #tpu.memory_space<hbm>>
        tpu.enqueue_dma source(%dma_start3A_53 : memref<656xf32, #tpu.memory_space<hbm>>) target(%dma_start3A_51 : memref<656xf32, #tpu.memory_space<vmem_shared>>) target_semaphore(%run_scoped3A : memref<!tpu.dma_semaphore, #tpu.memory_space<semaphore_mem>>)
        %dma_wait3A_54 = tpu.memref_slice %arg7[%mul3A_50] : memref<10512xf32, #tpu.memory_space<vmem_shared>> -> memref<656xf32, #tpu.memory_space<vmem_shared>>
        %dma_wait3A_55 = arith.constant 0 : i32
        %dma_wait3A_56 = tpu.memref_slice %arg5[%dma_wait3A_55] : memref<672xf32, #tpu.memory_space<hbm>> -> memref<656xf32, #tpu.memory_space<hbm>>
        tpu.wait_dma2 semaphore(%run_scoped3A : memref<!tpu.dma_semaphore, #tpu.memory_space<semaphore_mem>>) src(%dma_wait3A_56 : memref<656xf32, #tpu.memory_space<hbm>>) dst(%dma_wait3A_54 : memref<656xf32, #tpu.memory_space<vmem_shared>>)
        tpu.yield
      }) : () -> ()
    } else {
    }
    %eq3A = arith.constant 15 : i32
    %eq3A_5 = arith.cmpi eq, %arg1, %eq3A : i32
    %convert_element_type3A_6 = arith.extui %eq3A_5 : i1 to i32
    %cond3A_7 = arith.constant 0 : i32
    %cond3A_8 = arith.cmpi ne, %convert_element_type3A_6, %cond3A_7 : i32
    scf.if %cond3A_8 {
      "tpu.region"() ({
        %run_scoped3A = tpu.sem_alloc : memref<!tpu.dma_semaphore, #tpu.memory_space<semaphore_mem>>
        %dma_start3A_49 = arith.constant 9840 : i32
        %dma_start3A_50 = tpu.memref_slice %arg7[%dma_start3A_49] : memref<10512xf32, #tpu.memory_space<vmem_shared>> -> memref<672xf32, #tpu.memory_space<vmem_shared>>
        %dma_start3A_51 = arith.constant 0 : i32
        %dma_start3A_52 = tpu.memref_slice %arg5[%dma_start3A_51] : memref<672xf32, #tpu.memory_space<hbm>> -> memref<672xf32, #tpu.memory_space<hbm>>
        tpu.enqueue_dma source(%dma_start3A_52 : memref<672xf32, #tpu.memory_space<hbm>>) target(%dma_start3A_50 : memref<672xf32, #tpu.memory_space<vmem_shared>>) target_semaphore(%run_scoped3A : memref<!tpu.dma_semaphore, #tpu.memory_space<semaphore_mem>>)
        %dma_wait3A_53 = arith.constant 9840 : i32
        %dma_wait3A_54 = tpu.memref_slice %arg7[%dma_wait3A_53] : memref<10512xf32, #tpu.memory_space<vmem_shared>> -> memref<672xf32, #tpu.memory_space<vmem_shared>>
        %dma_wait3A_55 = arith.constant 0 : i32
        %dma_wait3A_56 = tpu.memref_slice %arg5[%dma_wait3A_55] : memref<672xf32, #tpu.memory_space<hbm>> -> memref<672xf32, #tpu.memory_space<hbm>>
        tpu.wait_dma2 semaphore(%run_scoped3A : memref<!tpu.dma_semaphore, #tpu.memory_space<semaphore_mem>>) src(%dma_wait3A_56 : memref<672xf32, #tpu.memory_space<hbm>>) dst(%dma_wait3A_54 : memref<672xf32, #tpu.memory_space<vmem_shared>>)
        tpu.yield
      }) : () -> ()
    } else {
    }
    "tpu.region"() ({
      %run_scoped3A = tpu.sem_alloc : memref<!tpu.dma_semaphore, #tpu.memory_space<semaphore_mem>>
      %dma_start3A_49 = arith.constant 0 : i32
      %dma_start3A_50 = arith.constant 0 : i32
      %dma_start3A_51 = tpu.memref_slice %arg2[%add3A, %dma_start3A_49, %dma_start3A_50] : memref<32x10x1024xi32, #tpu.memory_space<hbm>> -> memref<1x10x1024xi32, #tpu.memory_space<hbm>>
      %dma_start3A_52 = tpu.memref_squeeze %dma_start3A_51 : memref<1x10x1024xi32, #tpu.memory_space<hbm>> -> memref<10x1024xi32, #tpu.memory_space<hbm>>
      %dma_start3A_53 = arith.constant 0 : i32
      %dma_start3A_54 = arith.constant 0 : i32
      %dma_start3A_55 = tpu.memref_slice %arg2[%add3A, %dma_start3A_53, %dma_start3A_54] : memref<32x10x1024xi32, #tpu.memory_space<hbm>> -> memref<1x10x1024xi32, #tpu.memory_space<hbm>>
      %dma_start3A_56 = tpu.memref_squeeze %dma_start3A_55 : memref<1x10x1024xi32, #tpu.memory_space<hbm>> -> memref<10x1024xi32, #tpu.memory_space<hbm>>
      tpu.enqueue_dma source(%dma_start3A_56 : memref<10x1024xi32, #tpu.memory_space<hbm>>) target(%arg8 : memref<10x1024xi32, #tpu.memory_space<vmem>>) target_semaphore(%run_scoped3A : memref<!tpu.dma_semaphore, #tpu.memory_space<semaphore_mem>>)
      %dma_wait3A_57 = arith.constant 0 : i32
      %dma_wait3A_58 = arith.constant 0 : i32
      %dma_wait3A_59 = tpu.memref_slice %arg2[%add3A, %dma_wait3A_57, %dma_wait3A_58] : memref<32x10x1024xi32, #tpu.memory_space<hbm>> -> memref<1x10x1024xi32, #tpu.memory_space<hbm>>
      %dma_wait3A_60 = tpu.memref_squeeze %dma_wait3A_59 : memref<1x10x1024xi32, #tpu.memory_space<hbm>> -> memref<10x1024xi32, #tpu.memory_space<hbm>>
      %dma_wait3A_61 = arith.constant 0 : i32
      %dma_wait3A_62 = arith.constant 0 : i32
      %dma_wait3A_63 = tpu.memref_slice %arg2[%add3A, %dma_wait3A_61, %dma_wait3A_62] : memref<32x10x1024xi32, #tpu.memory_space<hbm>> -> memref<1x10x1024xi32, #tpu.memory_space<hbm>>
      %dma_wait3A_64 = tpu.memref_squeeze %dma_wait3A_63 : memref<1x10x1024xi32, #tpu.memory_space<hbm>> -> memref<10x1024xi32, #tpu.memory_space<hbm>>
      tpu.wait_dma2 semaphore(%run_scoped3A : memref<!tpu.dma_semaphore, #tpu.memory_space<semaphore_mem>>) src(%dma_wait3A_64 : memref<10x1024xi32, #tpu.memory_space<hbm>>) dst(%arg8 : memref<10x1024xi32, #tpu.memory_space<vmem>>)
      tpu.yield
    }) : () -> ()
    "tpu.region"() ({
      %run_scoped3A = tpu.sem_alloc : memref<!tpu.dma_semaphore, #tpu.memory_space<semaphore_mem>>
      %dma_start3A_49 = arith.constant 0 : i32
      %dma_start3A_50 = arith.constant 0 : i32
      %dma_start3A_51 = tpu.memref_slice %arg3[%add3A, %dma_start3A_49, %dma_start3A_50] : memref<32x10x1024xi32, #tpu.memory_space<hbm>> -> memref<1x10x1024xi32, #tpu.memory_space<hbm>>
      %dma_start3A_52 = tpu.memref_squeeze %dma_start3A_51 : memref<1x10x1024xi32, #tpu.memory_space<hbm>> -> memref<10x1024xi32, #tpu.memory_space<hbm>>
      %dma_start3A_53 = arith.constant 0 : i32
      %dma_start3A_54 = arith.constant 0 : i32
      %dma_start3A_55 = tpu.memref_slice %arg3[%add3A, %dma_start3A_53, %dma_start3A_54] : memref<32x10x1024xi32, #tpu.memory_space<hbm>> -> memref<1x10x1024xi32, #tpu.memory_space<hbm>>
      %dma_start3A_56 = tpu.memref_squeeze %dma_start3A_55 : memref<1x10x1024xi32, #tpu.memory_space<hbm>> -> memref<10x1024xi32, #tpu.memory_space<hbm>>
      tpu.enqueue_dma source(%dma_start3A_56 : memref<10x1024xi32, #tpu.memory_space<hbm>>) target(%arg9 : memref<10x1024xi32, #tpu.memory_space<vmem>>) target_semaphore(%run_scoped3A : memref<!tpu.dma_semaphore, #tpu.memory_space<semaphore_mem>>)
      %dma_wait3A_57 = arith.constant 0 : i32
      %dma_wait3A_58 = arith.constant 0 : i32
      %dma_wait3A_59 = tpu.memref_slice %arg3[%add3A, %dma_wait3A_57, %dma_wait3A_58] : memref<32x10x1024xi32, #tpu.memory_space<hbm>> -> memref<1x10x1024xi32, #tpu.memory_space<hbm>>
      %dma_wait3A_60 = tpu.memref_squeeze %dma_wait3A_59 : memref<1x10x1024xi32, #tpu.memory_space<hbm>> -> memref<10x1024xi32, #tpu.memory_space<hbm>>
      %dma_wait3A_61 = arith.constant 0 : i32
      %dma_wait3A_62 = arith.constant 0 : i32
      %dma_wait3A_63 = tpu.memref_slice %arg3[%add3A, %dma_wait3A_61, %dma_wait3A_62] : memref<32x10x1024xi32, #tpu.memory_space<hbm>> -> memref<1x10x1024xi32, #tpu.memory_space<hbm>>
      %dma_wait3A_64 = tpu.memref_squeeze %dma_wait3A_63 : memref<1x10x1024xi32, #tpu.memory_space<hbm>> -> memref<10x1024xi32, #tpu.memory_space<hbm>>
      tpu.wait_dma2 semaphore(%run_scoped3A : memref<!tpu.dma_semaphore, #tpu.memory_space<semaphore_mem>>) src(%dma_wait3A_64 : memref<10x1024xi32, #tpu.memory_space<hbm>>) dst(%arg9 : memref<10x1024xi32, #tpu.memory_space<vmem>>)
      tpu.yield
    }) : () -> ()
    %barrier3A = arith.constant 0 : index
    tpu.barrier barrier_id(%barrier3A)
    %dma_start3A = arith.constant 0 : i32
    %dma_start3A_9 = arith.constant 0 : i32
    %dma_start3A_10 = arith.constant 0 : i32
    %dma_start3A_11 = arith.constant 0 : i32
    %dma_start3A_12 = tpu.memref_slice %arg10[%dma_start3A_9, %dma_start3A_11] : memref<2x1024xf32, #tpu.memory_space<vmem>> -> memref<1x1024xf32, #tpu.memory_space<vmem>>
    %dma_start3A_13 = tpu.memref_squeeze %dma_start3A_12 : memref<1x1024xf32, #tpu.memory_space<vmem>> -> memref<1024xf32, #tpu.memory_space<vmem>>
    %dma_start3A_14 = arith.constant 0 : i32
    %dma_start3A_15 = tpu.memref_slice %arg8[%dma_start3A, %dma_start3A_14] : memref<10x1024xi32, #tpu.memory_space<vmem>> -> memref<1x1024xi32, #tpu.memory_space<vmem>>
    %dma_start3A_16 = tpu.memref_squeeze %dma_start3A_15 : memref<1x1024xi32, #tpu.memory_space<vmem>> -> memref<1024xi32, #tpu.memory_space<vmem>>
    %dma_start3A_17 = arith.constant 0 : i32
    %dma_start3A_18 = tpu.memref_slice %arg4[%dma_start3A_17] : memref<10512xf32, #tpu.memory_space<hbm>> -> memref<10512xf32, #tpu.memory_space<hbm>>
    %dma_start3A_19 = tpu.memref_slice %arg11[%dma_start3A_10] : memref<2x!tpu.dma_semaphore, #tpu.memory_space<semaphore_mem>> -> memref<1x!tpu.dma_semaphore, #tpu.memory_space<semaphore_mem>>
    %dma_start3A_20 = tpu.memref_squeeze %dma_start3A_19 : memref<1x!tpu.dma_semaphore, #tpu.memory_space<semaphore_mem>> -> memref<!tpu.dma_semaphore, #tpu.memory_space<semaphore_mem>>
    tpu.enqueue_indirect_dma source(%dma_start3A_18 : memref<10512xf32, #tpu.memory_space<hbm>>) target(%dma_start3A_13 : memref<1024xf32, #tpu.memory_space<vmem>>) offsets(%dma_start3A_16 : memref<1024xi32, #tpu.memory_space<vmem>>) semaphore(%dma_start3A_20 : memref<!tpu.dma_semaphore, #tpu.memory_space<semaphore_mem>>)
    %scan3A = arith.constant 0 : i32
    %scan3A_21 = arith.constant 0 : i32
    %scan3A_22 = arith.constant 10 : i32
    %scan3A_23 = arith.addi %scan3A_21, %scan3A_22 : i32
    %scan3A_24 = arith.constant 1 : i32
    scf.for %scan3A_49 = %scan3A_21 to %scan3A_23 step %scan3A_24  : i32 {
      %rem3A_50 = arith.constant 2 : i32
      %rem3A_51 = arith.remsi %scan3A_49, %rem3A_50 : i32
      %sub3A = arith.constant 1 : i32
      %sub3A_52 = arith.subi %sub3A, %rem3A_51 : i32
      %ge3A = arith.constant 1 : i32
      %ge3A_53 = arith.cmpi sge, %scan3A_49, %ge3A : i32
      %convert_element_type3A_54 = arith.extui %ge3A_53 : i1 to i32
      %cond3A_55 = arith.constant 0 : i32
      %cond3A_56 = arith.cmpi ne, %convert_element_type3A_54, %cond3A_55 : i32
      scf.if %cond3A_56 {
        %sub3A_84 = arith.constant 1 : i32
        %sub3A_85 = arith.subi %scan3A_49, %sub3A_84 : i32
        %dma_wait3A_86 = arith.constant 0 : i32
        %dma_wait3A_87 = tpu.memref_slice %arg10[%sub3A_52, %dma_wait3A_86] : memref<2x1024xf32, #tpu.memory_space<vmem>> -> memref<1x1024xf32, #tpu.memory_space<vmem>>
        %dma_wait3A_88 = tpu.memref_squeeze %dma_wait3A_87 : memref<1x1024xf32, #tpu.memory_space<vmem>> -> memref<1024xf32, #tpu.memory_space<vmem>>
        %dma_wait3A_89 = arith.constant 0 : i32
        %dma_wait3A_90 = tpu.memref_slice %arg9[%sub3A_85, %dma_wait3A_89] : memref<10x1024xi32, #tpu.memory_space<vmem>> -> memref<1x1024xi32, #tpu.memory_space<vmem>>
        %dma_wait3A_91 = tpu.memref_squeeze %dma_wait3A_90 : memref<1x1024xi32, #tpu.memory_space<vmem>> -> memref<1024xi32, #tpu.memory_space<vmem>>
        %dma_wait3A_92 = arith.constant 0 : i32
        %dma_wait3A_93 = tpu.memref_slice %arg7[%dma_wait3A_92] : memref<10512xf32, #tpu.memory_space<vmem_shared>> -> memref<10512xf32, #tpu.memory_space<vmem_shared>>
        %dma_wait3A_94 = tpu.memref_slice %arg12[%sub3A_52] : memref<2x!tpu.dma_semaphore, #tpu.memory_space<semaphore_mem>> -> memref<1x!tpu.dma_semaphore, #tpu.memory_space<semaphore_mem>>
        %dma_wait3A_95 = tpu.memref_squeeze %dma_wait3A_94 : memref<1x!tpu.dma_semaphore, #tpu.memory_space<semaphore_mem>> -> memref<!tpu.dma_semaphore, #tpu.memory_space<semaphore_mem>>
        tpu.wait_indirect_dma semaphore(%dma_wait3A_95 : memref<!tpu.dma_semaphore, #tpu.memory_space<semaphore_mem>>) src(%dma_wait3A_88 : memref<1024xf32, #tpu.memory_space<vmem>>) dst(%dma_wait3A_93 : memref<10512xf32, #tpu.memory_space<vmem_shared>>)
      } else {
      }
      %add3A_57 = arith.constant 1 : i32
      %add3A_58 = arith.addi %scan3A_49, %add3A_57 : i32
      %lt3A_59 = arith.constant 10 : i32
      %lt3A_60 = arith.cmpi slt, %add3A_58, %lt3A_59 : i32
      %convert_element_type3A_61 = arith.extui %lt3A_60 : i1 to i32
      %cond3A_62 = arith.constant 0 : i32
      %cond3A_63 = arith.cmpi ne, %convert_element_type3A_61, %cond3A_62 : i32
      scf.if %cond3A_63 {
        %add3A_84 = arith.constant 1 : i32
        %add3A_85 = arith.addi %scan3A_49, %add3A_84 : i32
        %dma_start3A_86 = arith.constant 0 : i32
        %dma_start3A_87 = tpu.memref_slice %arg10[%sub3A_52, %dma_start3A_86] : memref<2x1024xf32, #tpu.memory_space<vmem>> -> memref<1x1024xf32, #tpu.memory_space<vmem>>
        %dma_start3A_88 = tpu.memref_squeeze %dma_start3A_87 : memref<1x1024xf32, #tpu.memory_space<vmem>> -> memref<1024xf32, #tpu.memory_space<vmem>>
        %dma_start3A_89 = arith.constant 0 : i32
        %dma_start3A_90 = tpu.memref_slice %arg8[%add3A_85, %dma_start3A_89] : memref<10x1024xi32, #tpu.memory_space<vmem>> -> memref<1x1024xi32, #tpu.memory_space<vmem>>
        %dma_start3A_91 = tpu.memref_squeeze %dma_start3A_90 : memref<1x1024xi32, #tpu.memory_space<vmem>> -> memref<1024xi32, #tpu.memory_space<vmem>>
        %dma_start3A_92 = arith.constant 0 : i32
        %dma_start3A_93 = tpu.memref_slice %arg4[%dma_start3A_92] : memref<10512xf32, #tpu.memory_space<hbm>> -> memref<10512xf32, #tpu.memory_space<hbm>>
        %dma_start3A_94 = tpu.memref_slice %arg11[%sub3A_52] : memref<2x!tpu.dma_semaphore, #tpu.memory_space<semaphore_mem>> -> memref<1x!tpu.dma_semaphore, #tpu.memory_space<semaphore_mem>>
        %dma_start3A_95 = tpu.memref_squeeze %dma_start3A_94 : memref<1x!tpu.dma_semaphore, #tpu.memory_space<semaphore_mem>> -> memref<!tpu.dma_semaphore, #tpu.memory_space<semaphore_mem>>
        tpu.enqueue_indirect_dma source(%dma_start3A_93 : memref<10512xf32, #tpu.memory_space<hbm>>) target(%dma_start3A_88 : memref<1024xf32, #tpu.memory_space<vmem>>) offsets(%dma_start3A_91 : memref<1024xi32, #tpu.memory_space<vmem>>) semaphore(%dma_start3A_95 : memref<!tpu.dma_semaphore, #tpu.memory_space<semaphore_mem>>)
      } else {
      }
      %dma_wait3A_64 = arith.constant 0 : i32
      %dma_wait3A_65 = tpu.memref_slice %arg10[%rem3A_51, %dma_wait3A_64] : memref<2x1024xf32, #tpu.memory_space<vmem>> -> memref<1x1024xf32, #tpu.memory_space<vmem>>
      %dma_wait3A_66 = tpu.memref_squeeze %dma_wait3A_65 : memref<1x1024xf32, #tpu.memory_space<vmem>> -> memref<1024xf32, #tpu.memory_space<vmem>>
      %dma_wait3A_67 = arith.constant 0 : i32
      %dma_wait3A_68 = tpu.memref_slice %arg8[%scan3A_49, %dma_wait3A_67] : memref<10x1024xi32, #tpu.memory_space<vmem>> -> memref<1x1024xi32, #tpu.memory_space<vmem>>
      %dma_wait3A_69 = tpu.memref_squeeze %dma_wait3A_68 : memref<1x1024xi32, #tpu.memory_space<vmem>> -> memref<1024xi32, #tpu.memory_space<vmem>>
      %dma_wait3A_70 = arith.constant 0 : i32
      %dma_wait3A_71 = tpu.memref_slice %arg4[%dma_wait3A_70] : memref<10512xf32, #tpu.memory_space<hbm>> -> memref<10512xf32, #tpu.memory_space<hbm>>
      %dma_wait3A_72 = tpu.memref_slice %arg11[%rem3A_51] : memref<2x!tpu.dma_semaphore, #tpu.memory_space<semaphore_mem>> -> memref<1x!tpu.dma_semaphore, #tpu.memory_space<semaphore_mem>>
      %dma_wait3A_73 = tpu.memref_squeeze %dma_wait3A_72 : memref<1x!tpu.dma_semaphore, #tpu.memory_space<semaphore_mem>> -> memref<!tpu.dma_semaphore, #tpu.memory_space<semaphore_mem>>
      tpu.wait_indirect_dma semaphore(%dma_wait3A_73 : memref<!tpu.dma_semaphore, #tpu.memory_space<semaphore_mem>>) src(%dma_wait3A_71 : memref<10512xf32, #tpu.memory_space<hbm>>) dst(%dma_wait3A_66 : memref<1024xf32, #tpu.memory_space<vmem>>)
      %dma_start3A_74 = arith.constant 0 : i32
      %dma_start3A_75 = tpu.memref_slice %arg10[%rem3A_51, %dma_start3A_74] : memref<2x1024xf32, #tpu.memory_space<vmem>> -> memref<1x1024xf32, #tpu.memory_space<vmem>>
      %dma_start3A_76 = tpu.memref_squeeze %dma_start3A_75 : memref<1x1024xf32, #tpu.memory_space<vmem>> -> memref<1024xf32, #tpu.memory_space<vmem>>
      %dma_start3A_77 = arith.constant 0 : i32
      %dma_start3A_78 = tpu.memref_slice %arg9[%scan3A_49, %dma_start3A_77] : memref<10x1024xi32, #tpu.memory_space<vmem>> -> memref<1x1024xi32, #tpu.memory_space<vmem>>
      %dma_start3A_79 = tpu.memref_squeeze %dma_start3A_78 : memref<1x1024xi32, #tpu.memory_space<vmem>> -> memref<1024xi32, #tpu.memory_space<vmem>>
      %dma_start3A_80 = arith.constant 0 : i32
      %dma_start3A_81 = tpu.memref_slice %arg7[%dma_start3A_80] : memref<10512xf32, #tpu.memory_space<vmem_shared>> -> memref<10512xf32, #tpu.memory_space<vmem_shared>>
      %dma_start3A_82 = tpu.memref_slice %arg12[%rem3A_51] : memref<2x!tpu.dma_semaphore, #tpu.memory_space<semaphore_mem>> -> memref<1x!tpu.dma_semaphore, #tpu.memory_space<semaphore_mem>>
      %dma_start3A_83 = tpu.memref_squeeze %dma_start3A_82 : memref<1x!tpu.dma_semaphore, #tpu.memory_space<semaphore_mem>> -> memref<!tpu.dma_semaphore, #tpu.memory_space<semaphore_mem>>
      tpu.enqueue_indirect_dma source(%dma_start3A_76 : memref<1024xf32, #tpu.memory_space<vmem>>) target(%dma_start3A_81 : memref<10512xf32, #tpu.memory_space<vmem_shared>>) offsets(%dma_start3A_79 : memref<1024xi32, #tpu.memory_space<vmem>>) semaphore(%dma_start3A_83 : memref<!tpu.dma_semaphore, #tpu.memory_space<semaphore_mem>>) {add = true}
    }
    %scan3A_25 = arith.constant 10 : i32
    %rem3A = arith.constant 9 : i32
    %rem3A_26 = arith.constant 2 : i32
    %rem3A_27 = arith.remsi %rem3A, %rem3A_26 : i32
    %dma_wait3A = arith.constant 9 : i32
    %dma_wait3A_28 = arith.constant 0 : i32
    %dma_wait3A_29 = tpu.memref_slice %arg10[%rem3A_27, %dma_wait3A_28] : memref<2x1024xf32, #tpu.memory_space<vmem>> -> memref<1x1024xf32, #tpu.memory_space<vmem>>
    %dma_wait3A_30 = tpu.memref_squeeze %dma_wait3A_29 : memref<1x1024xf32, #tpu.memory_space<vmem>> -> memref<1024xf32, #tpu.memory_space<vmem>>
    %dma_wait3A_31 = arith.constant 0 : i32
    %dma_wait3A_32 = tpu.memref_slice %arg9[%dma_wait3A, %dma_wait3A_31] : memref<10x1024xi32, #tpu.memory_space<vmem>> -> memref<1x1024xi32, #tpu.memory_space<vmem>>
    %dma_wait3A_33 = tpu.memref_squeeze %dma_wait3A_32 : memref<1x1024xi32, #tpu.memory_space<vmem>> -> memref<1024xi32, #tpu.memory_space<vmem>>
    %dma_wait3A_34 = arith.constant 0 : i32
    %dma_wait3A_35 = tpu.memref_slice %arg7[%dma_wait3A_34] : memref<10512xf32, #tpu.memory_space<vmem_shared>> -> memref<10512xf32, #tpu.memory_space<vmem_shared>>
    %dma_wait3A_36 = tpu.memref_slice %arg12[%rem3A_27] : memref<2x!tpu.dma_semaphore, #tpu.memory_space<semaphore_mem>> -> memref<1x!tpu.dma_semaphore, #tpu.memory_space<semaphore_mem>>
    %dma_wait3A_37 = tpu.memref_squeeze %dma_wait3A_36 : memref<1x!tpu.dma_semaphore, #tpu.memory_space<semaphore_mem>> -> memref<!tpu.dma_semaphore, #tpu.memory_space<semaphore_mem>>
    tpu.wait_indirect_dma semaphore(%dma_wait3A_37 : memref<!tpu.dma_semaphore, #tpu.memory_space<semaphore_mem>>) src(%dma_wait3A_30 : memref<1024xf32, #tpu.memory_space<vmem>>) dst(%dma_wait3A_35 : memref<10512xf32, #tpu.memory_space<vmem_shared>>)
    %barrier3A_38 = arith.constant 0 : index
    tpu.barrier barrier_id(%barrier3A_38)
    %lt3A_39 = arith.constant 15 : i32
    %lt3A_40 = arith.cmpi slt, %arg1, %lt3A_39 : i32
    %convert_element_type3A_41 = arith.extui %lt3A_40 : i1 to i32
    %cond3A_42 = arith.constant 0 : i32
    %cond3A_43 = arith.cmpi ne, %convert_element_type3A_41, %cond3A_42 : i32
    scf.if %cond3A_43 {
      "tpu.region"() ({
        %run_scoped3A = tpu.sem_alloc : memref<!tpu.dma_semaphore, #tpu.memory_space<semaphore_mem>>
        %dma_start3A_49 = tpu.memref_slice %arg6[%arg0, %mul3A_2] : memref<2x10000xf32, #tpu.memory_space<hbm>> -> memref<1x624xf32, #tpu.memory_space<hbm>>
        %dma_start3A_50 = tpu.memref_squeeze %dma_start3A_49 : memref<1x624xf32, #tpu.memory_space<hbm>> -> memref<624xf32, #tpu.memory_space<hbm>>
        %dma_start3A_51 = tpu.memref_slice %arg7[%mul3A_2] : memref<10512xf32, #tpu.memory_space<vmem_shared>> -> memref<624xf32, #tpu.memory_space<vmem_shared>>
        tpu.enqueue_dma source(%dma_start3A_51 : memref<624xf32, #tpu.memory_space<vmem_shared>>) target(%dma_start3A_50 : memref<624xf32, #tpu.memory_space<hbm>>) target_semaphore(%run_scoped3A : memref<!tpu.dma_semaphore, #tpu.memory_space<semaphore_mem>>)
        %dma_wait3A_52 = tpu.memref_slice %arg6[%arg0, %mul3A_2] : memref<2x10000xf32, #tpu.memory_space<hbm>> -> memref<1x624xf32, #tpu.memory_space<hbm>>
        %dma_wait3A_53 = tpu.memref_squeeze %dma_wait3A_52 : memref<1x624xf32, #tpu.memory_space<hbm>> -> memref<624xf32, #tpu.memory_space<hbm>>
        %dma_wait3A_54 = tpu.memref_slice %arg7[%mul3A_2] : memref<10512xf32, #tpu.memory_space<vmem_shared>> -> memref<624xf32, #tpu.memory_space<vmem_shared>>
        tpu.wait_dma2 semaphore(%run_scoped3A : memref<!tpu.dma_semaphore, #tpu.memory_space<semaphore_mem>>) src(%dma_wait3A_54 : memref<624xf32, #tpu.memory_space<vmem_shared>>) dst(%dma_wait3A_53 : memref<624xf32, #tpu.memory_space<hbm>>)
        tpu.yield
      }) : () -> ()
    } else {
    }
    %eq3A_44 = arith.constant 15 : i32
    %eq3A_45 = arith.cmpi eq, %arg1, %eq3A_44 : i32
    %convert_element_type3A_46 = arith.extui %eq3A_45 : i1 to i32
    %cond3A_47 = arith.constant 0 : i32
    %cond3A_48 = arith.cmpi ne, %convert_element_type3A_46, %cond3A_47 : i32
    scf.if %cond3A_48 {
      "tpu.region"() ({
        %run_scoped3A = tpu.sem_alloc : memref<!tpu.dma_semaphore, #tpu.memory_space<semaphore_mem>>
        %dma_start3A_49 = arith.constant 9360 : i32
        %dma_start3A_50 = tpu.memref_slice %arg6[%arg0, %dma_start3A_49] : memref<2x10000xf32, #tpu.memory_space<hbm>> -> memref<1x640xf32, #tpu.memory_space<hbm>>
        %dma_start3A_51 = tpu.memref_squeeze %dma_start3A_50 : memref<1x640xf32, #tpu.memory_space<hbm>> -> memref<640xf32, #tpu.memory_space<hbm>>
        %dma_start3A_52 = arith.constant 9360 : i32
        %dma_start3A_53 = tpu.memref_slice %arg7[%dma_start3A_52] : memref<10512xf32, #tpu.memory_space<vmem_shared>> -> memref<640xf32, #tpu.memory_space<vmem_shared>>
        tpu.enqueue_dma source(%dma_start3A_53 : memref<640xf32, #tpu.memory_space<vmem_shared>>) target(%dma_start3A_51 : memref<640xf32, #tpu.memory_space<hbm>>) target_semaphore(%run_scoped3A : memref<!tpu.dma_semaphore, #tpu.memory_space<semaphore_mem>>)
        %dma_wait3A_54 = arith.constant 9360 : i32
        %dma_wait3A_55 = tpu.memref_slice %arg6[%arg0, %dma_wait3A_54] : memref<2x10000xf32, #tpu.memory_space<hbm>> -> memref<1x640xf32, #tpu.memory_space<hbm>>
        %dma_wait3A_56 = tpu.memref_squeeze %dma_wait3A_55 : memref<1x640xf32, #tpu.memory_space<hbm>> -> memref<640xf32, #tpu.memory_space<hbm>>
        %dma_wait3A_57 = arith.constant 9360 : i32
        %dma_wait3A_58 = tpu.memref_slice %arg7[%dma_wait3A_57] : memref<10512xf32, #tpu.memory_space<vmem_shared>> -> memref<640xf32, #tpu.memory_space<vmem_shared>>
        tpu.wait_dma2 semaphore(%run_scoped3A : memref<!tpu.dma_semaphore, #tpu.memory_space<semaphore_mem>>) src(%dma_wait3A_58 : memref<640xf32, #tpu.memory_space<vmem_shared>>) dst(%dma_wait3A_56 : memref<640xf32, #tpu.memory_space<hbm>>)
        tpu.yield
      }) : () -> ()
    } else {
    }
    return
  }
}

module attributes {stable_mosaic.version = 14 : i64} {
  func.func @body(%arg0: memref<2x10000x1xf32, #tpu.memory_space<vmem>>, %arg1: memref<2x10000x1xf32, #tpu.memory_space<vmem>>, %arg2: memref<10000x128xf32, #tpu.memory_space<vmem>>, %arg3: memref<128x128xf32, #tpu.memory_space<vmem>>, %arg4: memref<10000x1xf32, #tpu.memory_space<vmem>>, %arg5: memref<10000x1xf32, #tpu.memory_space<vmem>>, %arg6: memref<10512x128xf32, #tpu.memory_space<vmem>>) attributes {dimension_semantics = [], scalar_prefetch = 0 : i64, scratch_operands = 0 : i64, tpu.core_type = #tpu.core_type<tc>} {
    %get3A = arith.constant 0 : index
    %get3A_0 = arith.constant 0 : index
    %get3A_1 = arith.constant 0 : index
    %get3A_2 = vector.load %arg0[%get3A, %get3A_0, %get3A_1] : memref<2x10000x1xf32, #tpu.memory_space<vmem>>, vector<1x10000x1xf32>
    %get3A_3 = vector.shape_cast %get3A_2 : vector<1x10000x1xf32> to vector<10000x1xf32>
    %get3A_4 = arith.constant 1 : index
    %get3A_5 = arith.constant 0 : index
    %get3A_6 = arith.constant 0 : index
    %get3A_7 = vector.load %arg0[%get3A_4, %get3A_5, %get3A_6] : memref<2x10000x1xf32, #tpu.memory_space<vmem>>, vector<1x10000x1xf32>
    %get3A_8 = vector.shape_cast %get3A_7 : vector<1x10000x1xf32> to vector<10000x1xf32>
    %add3A = arith.addf %get3A_3, %get3A_8 : vector<10000x1xf32>
    %get3A_9 = arith.constant 0 : index
    %get3A_10 = arith.constant 0 : index
    %get3A_11 = arith.constant 0 : index
    %get3A_12 = vector.load %arg1[%get3A_9, %get3A_10, %get3A_11] : memref<2x10000x1xf32, #tpu.memory_space<vmem>>, vector<1x10000x1xf32>
    %get3A_13 = vector.shape_cast %get3A_12 : vector<1x10000x1xf32> to vector<10000x1xf32>
    %get3A_14 = arith.constant 1 : index
    %get3A_15 = arith.constant 0 : index
    %get3A_16 = arith.constant 0 : index
    %get3A_17 = vector.load %arg1[%get3A_14, %get3A_15, %get3A_16] : memref<2x10000x1xf32, #tpu.memory_space<vmem>>, vector<1x10000x1xf32>
    %get3A_18 = vector.shape_cast %get3A_17 : vector<1x10000x1xf32> to vector<10000x1xf32>
    %add3A_19 = arith.addf %get3A_13, %get3A_18 : vector<10000x1xf32>
    %max3A = arith.constant 1.000000e+00 : f32
    %max3A_20 = vector.broadcast %max3A : f32 to vector<10000x1xf32>
    %max3A_21 = arith.maximumf %add3A, %max3A_20 : vector<10000x1xf32>
    %rsqrt3A = math.rsqrt %max3A_21 : vector<10000x1xf32>
    %max3A_22 = arith.constant 1.000000e+00 : f32
    %max3A_23 = vector.broadcast %max3A_22 : f32 to vector<10000x1xf32>
    %max3A_24 = arith.maximumf %add3A_19, %max3A_23 : vector<10000x1xf32>
    %rsqrt3A_25 = math.rsqrt %max3A_24 : vector<10000x1xf32>
    %swap3A = arith.constant 0 : index
    %swap3A_26 = arith.constant 0 : index
    %swap3A_27 = vector.load %arg4[%swap3A, %swap3A_26] : memref<10000x1xf32, #tpu.memory_space<vmem>>, vector<10000x1xf32>
    tpu.vector_store %arg4[%swap3A, %swap3A_26], %rsqrt3A {strides = array<i32>} : memref<10000x1xf32, #tpu.memory_space<vmem>>, vector<10000x1xf32>,
    %swap3A_28 = arith.constant 0 : index
    %swap3A_29 = arith.constant 0 : index
    %swap3A_30 = vector.load %arg5[%swap3A_28, %swap3A_29] : memref<10000x1xf32, #tpu.memory_space<vmem>>, vector<10000x1xf32>
    tpu.vector_store %arg5[%swap3A_28, %swap3A_29], %rsqrt3A_25 {strides = array<i32>} : memref<10000x1xf32, #tpu.memory_space<vmem>>, vector<10000x1xf32>,
    %get3A_31 = arith.constant 0 : index
    %get3A_32 = arith.constant 0 : index
    %get3A_33 = vector.load %arg2[%get3A_31, %get3A_32] : memref<10000x128xf32, #tpu.memory_space<vmem>>, vector<10000x128xf32>
    %get3A_34 = arith.constant 0 : index
    %get3A_35 = arith.constant 0 : index
    %get3A_36 = vector.load %arg3[%get3A_34, %get3A_35] : memref<128x128xf32, #tpu.memory_space<vmem>>, vector<128x128xf32>
    %dot_general3A = arith.constant dense<0.000000e+00> : vector<10000x128xf32>
    %dot_general3A_37 = tpu.matmul %get3A_33, %get3A_36, %dot_general3A {dimension_numbers = #tpu.dot_dimension_numbers<[1], [0], [0], [1], [0, 0, 1, 1], [], []>, transpose_lhs_hint = false} : vector<10000x128xf32>, vector<128x128xf32>, vector<10000x128xf32> -> vector<10000x128xf32>
    %mul3A = vector.broadcast %rsqrt3A : vector<10000x1xf32> to vector<10000x128xf32>
    %mul3A_38 = arith.mulf %dot_general3A_37, %mul3A : vector<10000x128xf32>
    %swap3A_39 = arith.constant 0 : index
    %swap3A_40 = arith.constant 0 : index
    %swap3A_41 = vector.load %arg6[%swap3A_39, %swap3A_40] : memref<10512x128xf32, #tpu.memory_space<vmem>>, vector<10000x128xf32>
    tpu.vector_store %arg6[%swap3A_39, %swap3A_40], %mul3A_38 {strides = array<i32>} : memref<10512x128xf32, #tpu.memory_space<vmem>>, vector<10000x128xf32>,
    %broadcast_in_dim3A = arith.constant 0.000000e+00 : f32
    %broadcast_in_dim3A_42 = vector.broadcast %broadcast_in_dim3A : f32 to vector<512x128xf32>
    %swap3A_43 = arith.constant 10000 : index
    %swap3A_44 = arith.constant 0 : index
    %swap3A_45 = vector.load %arg6[%swap3A_43, %swap3A_44] : memref<10512x128xf32, #tpu.memory_space<vmem>>, vector<512x128xf32>
    tpu.vector_store %arg6[%swap3A_43, %swap3A_44], %broadcast_in_dim3A_42 {strides = array<i32>} : memref<10512x128xf32, #tpu.memory_space<vmem>>, vector<512x128xf32>,
    return
  }
}

module attributes {stable_mosaic.version = 14 : i64} {
  func.func @body(%arg0: memref<2x10000x128xf32, #tpu.memory_space<vmem>>, %arg1: memref<10000x1xf32, #tpu.memory_space<vmem>>, %arg2: memref<10000x1xf32, #tpu.memory_space<vmem>>, %arg3: memref<1x128xf32, #tpu.memory_space<vmem>>, %arg4: memref<128x128xf32, #tpu.memory_space<vmem>>, %arg5: memref<10000x128xf32, #tpu.memory_space<vmem>>, %arg6: memref<10512x128xf32, #tpu.memory_space<vmem>>) attributes {dimension_semantics = [], scalar_prefetch = 0 : i64, scratch_operands = 0 : i64, tpu.core_type = #tpu.core_type<tc>} {
    %get3A = arith.constant 0 : index
    %get3A_0 = arith.constant 0 : index
    %get3A_1 = arith.constant 0 : index
    %get3A_2 = vector.load %arg0[%get3A, %get3A_0, %get3A_1] : memref<2x10000x128xf32, #tpu.memory_space<vmem>>, vector<1x10000x128xf32>
    %get3A_3 = vector.shape_cast %get3A_2 : vector<1x10000x128xf32> to vector<10000x128xf32>
    %get3A_4 = arith.constant 1 : index
    %get3A_5 = arith.constant 0 : index
    %get3A_6 = arith.constant 0 : index
    %get3A_7 = vector.load %arg0[%get3A_4, %get3A_5, %get3A_6] : memref<2x10000x128xf32, #tpu.memory_space<vmem>>, vector<1x10000x128xf32>
    %get3A_8 = vector.shape_cast %get3A_7 : vector<1x10000x128xf32> to vector<10000x128xf32>
    %add3A = arith.addf %get3A_3, %get3A_8 : vector<10000x128xf32>
    %get3A_9 = arith.constant 0 : index
    %get3A_10 = arith.constant 0 : index
    %get3A_11 = vector.load %arg1[%get3A_9, %get3A_10] : memref<10000x1xf32, #tpu.memory_space<vmem>>, vector<10000x1xf32>
    %mul3A = vector.broadcast %get3A_11 : vector<10000x1xf32> to vector<10000x128xf32>
    %mul3A_12 = arith.mulf %add3A, %mul3A : vector<10000x128xf32>
    %get3A_13 = arith.constant 0 : index
    %get3A_14 = arith.constant 0 : index
    %get3A_15 = vector.load %arg3[%get3A_13, %get3A_14] : memref<1x128xf32, #tpu.memory_space<vmem>>, vector<1x128xf32>
    %add3A_16 = vector.broadcast %get3A_15 : vector<1x128xf32> to vector<10000x128xf32>
    %add3A_17 = arith.addf %mul3A_12, %add3A_16 : vector<10000x128xf32>
    %swap3A = arith.constant 0 : index
    %swap3A_18 = arith.constant 0 : index
    %swap3A_19 = vector.load %arg5[%swap3A, %swap3A_18] : memref<10000x128xf32, #tpu.memory_space<vmem>>, vector<10000x128xf32>
    tpu.vector_store %arg5[%swap3A, %swap3A_18], %add3A_17 {strides = array<i32>} : memref<10000x128xf32, #tpu.memory_space<vmem>>, vector<10000x128xf32>,
    %get3A_20 = arith.constant 0 : index
    %get3A_21 = arith.constant 0 : index
    %get3A_22 = vector.load %arg4[%get3A_20, %get3A_21] : memref<128x128xf32, #tpu.memory_space<vmem>>, vector<128x128xf32>
    %dot_general3A = arith.constant dense<0.000000e+00> : vector<10000x128xf32>
    %dot_general3A_23 = tpu.matmul %add3A_17, %get3A_22, %dot_general3A {dimension_numbers = #tpu.dot_dimension_numbers<[1], [0], [0], [1], [0, 0, 1, 1], [], []>, transpose_lhs_hint = false} : vector<10000x128xf32>, vector<128x128xf32>, vector<10000x128xf32> -> vector<10000x128xf32>
    %get3A_24 = arith.constant 0 : index
    %get3A_25 = arith.constant 0 : index
    %get3A_26 = vector.load %arg2[%get3A_24, %get3A_25] : memref<10000x1xf32, #tpu.memory_space<vmem>>, vector<10000x1xf32>
    %mul3A_27 = vector.broadcast %get3A_26 : vector<10000x1xf32> to vector<10000x128xf32>
    %mul3A_28 = arith.mulf %dot_general3A_23, %mul3A_27 : vector<10000x128xf32>
    %swap3A_29 = arith.constant 0 : index
    %swap3A_30 = arith.constant 0 : index
    %swap3A_31 = vector.load %arg6[%swap3A_29, %swap3A_30] : memref<10512x128xf32, #tpu.memory_space<vmem>>, vector<10000x128xf32>
    tpu.vector_store %arg6[%swap3A_29, %swap3A_30], %mul3A_28 {strides = array<i32>} : memref<10512x128xf32, #tpu.memory_space<vmem>>, vector<10000x128xf32>,
    %broadcast_in_dim3A = arith.constant 0.000000e+00 : f32
    %broadcast_in_dim3A_32 = vector.broadcast %broadcast_in_dim3A : f32 to vector<512x128xf32>
    %swap3A_33 = arith.constant 10000 : index
    %swap3A_34 = arith.constant 0 : index
    %swap3A_35 = vector.load %arg6[%swap3A_33, %swap3A_34] : memref<10512x128xf32, #tpu.memory_space<vmem>>, vector<512x128xf32>
    tpu.vector_store %arg6[%swap3A_33, %swap3A_34], %broadcast_in_dim3A_32 {strides = array<i32>} : memref<10512x128xf32, #tpu.memory_space<vmem>>, vector<512x128xf32>,
    return
  }
}

module attributes {stable_mosaic.version = 14 : i64} {
  func.func @body(%arg0: memref<2x10000x128xf32, #tpu.memory_space<vmem>>, %arg1: memref<10000x1xf32, #tpu.memory_space<vmem>>, %arg2: memref<10000x1xf32, #tpu.memory_space<vmem>>, %arg3: memref<1x128xf32, #tpu.memory_space<vmem>>, %arg4: memref<10000x128xf32, #tpu.memory_space<vmem>>, %arg5: memref<10000x128xf32, #tpu.memory_space<vmem>>, %arg6: memref<384x1xf32, #tpu.memory_space<vmem>>, %arg7: memref<10000x128xf32, #tpu.memory_space<vmem>>, %arg8: memref<10000x1xf32, #tpu.memory_space<vmem>>) attributes {dimension_semantics = [], scalar_prefetch = 0 : i64, scratch_operands = 0 : i64, tpu.core_type = #tpu.core_type<tc>} {
    %get3A = arith.constant 0 : index
    %get3A_0 = arith.constant 0 : index
    %get3A_1 = arith.constant 0 : index
    %get3A_2 = vector.load %arg0[%get3A, %get3A_0, %get3A_1] : memref<2x10000x128xf32, #tpu.memory_space<vmem>>, vector<1x10000x128xf32>
    %get3A_3 = vector.shape_cast %get3A_2 : vector<1x10000x128xf32> to vector<10000x128xf32>
    %get3A_4 = arith.constant 1 : index
    %get3A_5 = arith.constant 0 : index
    %get3A_6 = arith.constant 0 : index
    %get3A_7 = vector.load %arg0[%get3A_4, %get3A_5, %get3A_6] : memref<2x10000x128xf32, #tpu.memory_space<vmem>>, vector<1x10000x128xf32>
    %get3A_8 = vector.shape_cast %get3A_7 : vector<1x10000x128xf32> to vector<10000x128xf32>
    %add3A = arith.addf %get3A_3, %get3A_8 : vector<10000x128xf32>
    %get3A_9 = arith.constant 0 : index
    %get3A_10 = arith.constant 0 : index
    %get3A_11 = vector.load %arg1[%get3A_9, %get3A_10] : memref<10000x1xf32, #tpu.memory_space<vmem>>, vector<10000x1xf32>
    %mul3A = vector.broadcast %get3A_11 : vector<10000x1xf32> to vector<10000x128xf32>
    %mul3A_12 = arith.mulf %add3A, %mul3A : vector<10000x128xf32>
    %get3A_13 = arith.constant 0 : index
    %get3A_14 = arith.constant 0 : index
    %get3A_15 = vector.load %arg3[%get3A_13, %get3A_14] : memref<1x128xf32, #tpu.memory_space<vmem>>, vector<1x128xf32>
    %add3A_16 = vector.broadcast %get3A_15 : vector<1x128xf32> to vector<10000x128xf32>
    %add3A_17 = arith.addf %mul3A_12, %add3A_16 : vector<10000x128xf32>
    %swap3A = arith.constant 0 : index
    %swap3A_18 = arith.constant 0 : index
    %swap3A_19 = vector.load %arg7[%swap3A, %swap3A_18] : memref<10000x128xf32, #tpu.memory_space<vmem>>, vector<10000x128xf32>
    tpu.vector_store %arg7[%swap3A, %swap3A_18], %add3A_17 {strides = array<i32>} : memref<10000x128xf32, #tpu.memory_space<vmem>>, vector<10000x128xf32>,
    %get3A_20 = arith.constant 0 : index
    %get3A_21 = arith.constant 0 : index
    %get3A_22 = vector.load %arg4[%get3A_20, %get3A_21] : memref<10000x128xf32, #tpu.memory_space<vmem>>, vector<10000x128xf32>
    %get3A_23 = arith.constant 0 : index
    %get3A_24 = arith.constant 0 : index
    %get3A_25 = vector.load %arg6[%get3A_23, %get3A_24] : memref<384x1xf32, #tpu.memory_space<vmem>>, vector<128x1xf32>
    %dot_general3A = arith.constant dense<0.000000e+00> : vector<10000x1xf32>
    %dot_general3A_26 = tpu.matmul %get3A_22, %get3A_25, %dot_general3A {dimension_numbers = #tpu.dot_dimension_numbers<[1], [0], [0], [1], [0, 0, 1, 1], [], []>, transpose_lhs_hint = false} : vector<10000x128xf32>, vector<128x1xf32>, vector<10000x1xf32> -> vector<10000x1xf32>
    %get3A_27 = arith.constant 0 : index
    %get3A_28 = arith.constant 0 : index
    %get3A_29 = vector.load %arg5[%get3A_27, %get3A_28] : memref<10000x128xf32, #tpu.memory_space<vmem>>, vector<10000x128xf32>
    %get3A_30 = arith.constant 128 : index
    %get3A_31 = arith.constant 0 : index
    %get3A_32 = vector.load %arg6[%get3A_30, %get3A_31] : memref<384x1xf32, #tpu.memory_space<vmem>>, vector<128x1xf32>
    %dot_general3A_33 = arith.constant dense<0.000000e+00> : vector<10000x1xf32>
    %dot_general3A_34 = tpu.matmul %get3A_29, %get3A_32, %dot_general3A_33 {dimension_numbers = #tpu.dot_dimension_numbers<[1], [0], [0], [1], [0, 0, 1, 1], [], []>, transpose_lhs_hint = false} : vector<10000x128xf32>, vector<128x1xf32>, vector<10000x1xf32> -> vector<10000x1xf32>
    %add3A_35 = arith.addf %dot_general3A_26, %dot_general3A_34 : vector<10000x1xf32>
    %get3A_36 = arith.constant 256 : index
    %get3A_37 = arith.constant 0 : index
    %get3A_38 = vector.load %arg6[%get3A_36, %get3A_37] : memref<384x1xf32, #tpu.memory_space<vmem>>, vector<128x1xf32>
    %dot_general3A_39 = arith.constant dense<0.000000e+00> : vector<10000x1xf32>
    %dot_general3A_40 = tpu.matmul %add3A_17, %get3A_38, %dot_general3A_39 {dimension_numbers = #tpu.dot_dimension_numbers<[1], [0], [0], [1], [0, 0, 1, 1], [], []>, transpose_lhs_hint = false} : vector<10000x128xf32>, vector<128x1xf32>, vector<10000x1xf32> -> vector<10000x1xf32>
    %add3A_41 = arith.addf %add3A_35, %dot_general3A_40 : vector<10000x1xf32>
    %get3A_42 = arith.constant 0 : index
    %get3A_43 = arith.constant 0 : index
    %get3A_44 = vector.load %arg2[%get3A_42, %get3A_43] : memref<10000x1xf32, #tpu.memory_space<vmem>>, vector<10000x1xf32>
    %mul3A_45 = arith.mulf %add3A_41, %get3A_44 : vector<10000x1xf32>
    %swap3A_46 = arith.constant 0 : index
    %swap3A_47 = arith.constant 0 : index
    %swap3A_48 = vector.load %arg8[%swap3A_46, %swap3A_47] : memref<10000x1xf32, #tpu.memory_space<vmem>>, vector<10000x1xf32>
    tpu.vector_store %arg8[%swap3A_46, %swap3A_47], %mul3A_45 {strides = array<i32>} : memref<10000x1xf32, #tpu.memory_space<vmem>>, vector<10000x1xf32>,
    return
  }
}

module attributes {stable_mosaic.version = 14 : i64} {
  func.func @body(%arg0: memref<2x1x10000xf32, #tpu.memory_space<vmem>>, %arg1: memref<2x10000x1xf32, #tpu.memory_space<vmem>>, %arg2: memref<1x10000xf32, #tpu.memory_space<vmem>>, %arg3: memref<10000x1xf32, #tpu.memory_space<vmem>>, %arg4: memref<1x1xf32, #tpu.memory_space<vmem>>, %arg5: memref<10000x128xf32, #tpu.memory_space<vmem>>, %arg6: memref<10000x128xf32, #tpu.memory_space<vmem>>, %arg7: memref<10000x128xf32, #tpu.memory_space<vmem>>, %arg8: memref<1x1024xf32, #tpu.memory_space<vmem>>, %arg9: memref<1792x128xf32, #tpu.memory_space<vmem>>, %arg10: memref<128xf32, #tpu.memory_space<vmem>>, %arg11: memref<128x64xf32, #tpu.memory_space<vmem>>, %arg12: memref<64xf32, #tpu.memory_space<vmem>>, %arg13: memref<64x128xf32, #tpu.memory_space<vmem>>, %arg14: memref<128xf32, #tpu.memory_space<vmem>>, %arg15: memref<1x128xf32, #tpu.memory_space<vmem>>) attributes {dimension_semantics = [], scalar_prefetch = 0 : i64, scratch_operands = 0 : i64, tpu.core_type = #tpu.core_type<tc>} {
    %get3A = arith.constant 0 : index
    %get3A_0 = arith.constant 0 : index
    %get3A_1 = arith.constant 0 : index
    %get3A_2 = vector.load %arg0[%get3A, %get3A_0, %get3A_1] : memref<2x1x10000xf32, #tpu.memory_space<vmem>>, vector<1x1x10000xf32>
    %get3A_3 = vector.shape_cast %get3A_2 : vector<1x1x10000xf32> to vector<1x10000xf32>
    %get3A_4 = arith.constant 1 : index
    %get3A_5 = arith.constant 0 : index
    %get3A_6 = arith.constant 0 : index
    %get3A_7 = vector.load %arg0[%get3A_4, %get3A_5, %get3A_6] : memref<2x1x10000xf32, #tpu.memory_space<vmem>>, vector<1x1x10000xf32>
    %get3A_8 = vector.shape_cast %get3A_7 : vector<1x1x10000xf32> to vector<1x10000xf32>
    %add3A = arith.addf %get3A_3, %get3A_8 : vector<1x10000xf32>
    %get3A_9 = arith.constant 0 : index
    %get3A_10 = arith.constant 0 : index
    %get3A_11 = vector.load %arg2[%get3A_9, %get3A_10] : memref<1x10000xf32, #tpu.memory_space<vmem>>, vector<1x10000xf32>
    %mul3A = arith.mulf %add3A, %get3A_11 : vector<1x10000xf32>
    %get3A_12 = arith.constant 0 : index
    %get3A_13 = arith.constant 0 : index
    %get3A_14 = vector.load %arg4[%get3A_12, %get3A_13] : memref<1x1xf32, #tpu.memory_space<vmem>>, vector<1x1xf32>
    %add3A_15 = vector.broadcast %get3A_14 : vector<1x1xf32> to vector<1x10000xf32>
    %add3A_16 = arith.addf %mul3A, %add3A_15 : vector<1x10000xf32>
    %bitcast_convert_type3A = tpu.bitcast %add3A_16 : vector<1x10000xf32> -> vector<1x10000xi32>
    %shift_right_arithmetic3A = arith.constant 31 : i32
    %shift_right_arithmetic3A_17 = vector.broadcast %shift_right_arithmetic3A : i32 to vector<1x10000xi32>
    %shift_right_arithmetic3A_18 = arith.shrsi %bitcast_convert_type3A, %shift_right_arithmetic3A_17 : vector<1x10000xi32>
    %and3A = arith.constant 2147483647 : i32
    %and3A_19 = vector.broadcast %and3A : i32 to vector<1x10000xi32>
    %and3A_20 = arith.andi %and3A_19, %shift_right_arithmetic3A_18 : vector<1x10000xi32>
    %xor3A = arith.xori %bitcast_convert_type3A, %and3A_20 : vector<1x10000xi32>
    %scan3A = arith.constant -2147483648 : i32
    %scan3A_21 = arith.constant 0 : i32
    %scan3A_22 = arith.constant 0 : i32
    %scan3A_23 = arith.constant 32 : i32
    %scan3A_24 = arith.addi %scan3A_22, %scan3A_23 : i32
    %scan3A_25 = arith.constant 1 : i32
    %scan3A_26 = scf.for %scan3A_141 = %scan3A_22 to %scan3A_24 step %scan3A_25 iter_args(%scan3A_142 = %scan3A_21) -> (i32)  : i32 {
      %sub3A_143 = arith.constant 31 : i32
      %sub3A_144 = arith.subi %sub3A_143, %scan3A_141 : i32
      %shift_left3A = arith.constant 1 : i32
      %shift_left3A_145 = arith.shli %shift_left3A, %sub3A_144 : i32
      %or3A_146 = arith.ori %scan3A_142, %shift_left3A_145 : i32
      %xor3A_147 = arith.xori %or3A_146, %scan3A : i32
      %ge3A = vector.broadcast %xor3A_147 : i32 to vector<1x10000xi32>
      %ge3A_148 = arith.cmpi sge, %xor3A, %ge3A : vector<1x10000xi32>
      %convert_element_type3A_149 = arith.extui %ge3A_148 : vector<1x10000xi1> to vector<1x10000xi32>
      %reduce_sum3A_150 = vector.shape_cast %convert_element_type3A_149 : vector<1x10000xi32> to vector<1x1x10000xi32>
      %reduce_sum3A_151 = arith.constant dense<0> : vector<1xi32>
      %reduce_sum3A_152 = vector.multi_reduction <add>, %reduce_sum3A_150, %reduce_sum3A_151 [1, 2] : vector<1x1x10000xi32> to vector<1xi32>
      %reduce_sum3A_153 = vector.shape_cast %reduce_sum3A_152 : vector<1xi32> to vector<1x1x1xi32>
      %reduce_sum3A_154 = vector.extract %reduce_sum3A_153[0, 0, 0] : i32 from vector<1x1x1xi32>
      %ge3A_155 = arith.constant 5000 : i32
      %ge3A_156 = arith.cmpi sge, %reduce_sum3A_154, %ge3A_155 : i32
      %select_n3A_157 = arith.select %ge3A_156, %or3A_146, %scan3A_142 : i32
      scf.yield %select_n3A_157 : i32
    }
    %scan3A_27 = arith.constant 32 : i32
    %xor3A_28 = arith.constant -2147483648 : i32
    %xor3A_29 = arith.xori %scan3A_26, %xor3A_28 : i32
    %gt3A = vector.broadcast %xor3A_29 : i32 to vector<1x10000xi32>
    %gt3A_30 = arith.cmpi sgt, %xor3A, %gt3A : vector<1x10000xi32>
    %convert_element_type3A = arith.extui %gt3A_30 : vector<1x10000xi1> to vector<1x10000xi32>
    %reduce_sum3A = vector.shape_cast %convert_element_type3A : vector<1x10000xi32> to vector<1x1x10000xi32>
    %reduce_sum3A_31 = arith.constant dense<0> : vector<1xi32>
    %reduce_sum3A_32 = vector.multi_reduction <add>, %reduce_sum3A, %reduce_sum3A_31 [1, 2] : vector<1x1x10000xi32> to vector<1xi32>
    %reduce_sum3A_33 = vector.shape_cast %reduce_sum3A_32 : vector<1xi32> to vector<1x1x1xi32>
    %reduce_sum3A_34 = vector.extract %reduce_sum3A_33[0, 0, 0] : i32 from vector<1x1x1xi32>
    %sub3A = arith.constant 5000 : i32
    %sub3A_35 = arith.subi %sub3A, %reduce_sum3A_34 : i32
    %eq3A = vector.broadcast %xor3A_29 : i32 to vector<1x10000xi32>
    %eq3A_36 = arith.cmpi eq, %xor3A, %eq3A : vector<1x10000xi32>
    %iota3A = tpu.iota {dimensions = array<i32: 1>} : vector<1x10000xi32>
    %scan3A_37 = arith.constant 0 : i32
    %scan3A_38 = arith.constant 0 : i32
    %scan3A_39 = arith.constant 14 : i32
    %scan3A_40 = arith.addi %scan3A_38, %scan3A_39 : i32
    %scan3A_41 = arith.constant 1 : i32
    %scan3A_42 = scf.for %scan3A_141 = %scan3A_38 to %scan3A_40 step %scan3A_41 iter_args(%scan3A_142 = %scan3A_37) -> (i32)  : i32 {
      %sub3A_143 = arith.constant 13 : i32
      %sub3A_144 = arith.subi %sub3A_143, %scan3A_141 : i32
      %shift_left3A = arith.constant 1 : i32
      %shift_left3A_145 = arith.shli %shift_left3A, %sub3A_144 : i32
      %or3A_146 = arith.ori %scan3A_142, %shift_left3A_145 : i32
      %lt3A_147 = vector.broadcast %or3A_146 : i32 to vector<1x10000xi32>
      %lt3A_148 = arith.cmpi slt, %iota3A, %lt3A_147 : vector<1x10000xi32>
      %and3A_149 = arith.andi %eq3A_36, %lt3A_148 : vector<1x10000xi1>
      %convert_element_type3A_150 = arith.extui %and3A_149 : vector<1x10000xi1> to vector<1x10000xi32>
      %reduce_sum3A_151 = vector.shape_cast %convert_element_type3A_150 : vector<1x10000xi32> to vector<1x1x10000xi32>
      %reduce_sum3A_152 = arith.constant dense<0> : vector<1xi32>
      %reduce_sum3A_153 = vector.multi_reduction <add>, %reduce_sum3A_151, %reduce_sum3A_152 [1, 2] : vector<1x1x10000xi32> to vector<1xi32>
      %reduce_sum3A_154 = vector.shape_cast %reduce_sum3A_153 : vector<1xi32> to vector<1x1x1xi32>
      %reduce_sum3A_155 = vector.extract %reduce_sum3A_154[0, 0, 0] : i32 from vector<1x1x1xi32>
      %le3A = arith.cmpi sle, %reduce_sum3A_155, %sub3A_35 : i32
      %select_n3A_156 = arith.select %le3A, %or3A_146, %scan3A_142 : i32
      scf.yield %select_n3A_156 : i32
    }
    %scan3A_43 = arith.constant 14 : i32
    %get3A_44 = arith.constant 0 : index
    %get3A_45 = arith.constant 0 : index
    %get3A_46 = arith.constant 0 : index
    %get3A_47 = vector.load %arg1[%get3A_44, %get3A_45, %get3A_46] : memref<2x10000x1xf32, #tpu.memory_space<vmem>>, vector<1x10000x1xf32>
    %get3A_48 = vector.shape_cast %get3A_47 : vector<1x10000x1xf32> to vector<10000x1xf32>
    %get3A_49 = arith.constant 1 : index
    %get3A_50 = arith.constant 0 : index
    %get3A_51 = arith.constant 0 : index
    %get3A_52 = vector.load %arg1[%get3A_49, %get3A_50, %get3A_51] : memref<2x10000x1xf32, #tpu.memory_space<vmem>>, vector<1x10000x1xf32>
    %get3A_53 = vector.shape_cast %get3A_52 : vector<1x10000x1xf32> to vector<10000x1xf32>
    %add3A_54 = arith.addf %get3A_48, %get3A_53 : vector<10000x1xf32>
    %get3A_55 = arith.constant 0 : index
    %get3A_56 = arith.constant 0 : index
    %get3A_57 = vector.load %arg3[%get3A_55, %get3A_56] : memref<10000x1xf32, #tpu.memory_space<vmem>>, vector<10000x1xf32>
    %mul3A_58 = arith.mulf %add3A_54, %get3A_57 : vector<10000x1xf32>
    %get3A_59 = arith.constant 0 : index
    %get3A_60 = arith.constant 0 : index
    %get3A_61 = vector.load %arg4[%get3A_59, %get3A_60] : memref<1x1xf32, #tpu.memory_space<vmem>>, vector<1x1xf32>
    %get3A_62 = vector.extract %get3A_61[0, 0] : f32 from vector<1x1xf32>
    %add3A_63 = vector.broadcast %get3A_62 : f32 to vector<10000x1xf32>
    %add3A_64 = arith.addf %mul3A_58, %add3A_63 : vector<10000x1xf32>
    %bitcast_convert_type3A_65 = tpu.bitcast %add3A_64 : vector<10000x1xf32> -> vector<10000x1xi32>
    %shift_right_arithmetic3A_66 = arith.constant 31 : i32
    %shift_right_arithmetic3A_67 = vector.broadcast %shift_right_arithmetic3A_66 : i32 to vector<10000x1xi32>
    %shift_right_arithmetic3A_68 = arith.shrsi %bitcast_convert_type3A_65, %shift_right_arithmetic3A_67 : vector<10000x1xi32>
    %and3A_69 = arith.constant 2147483647 : i32
    %and3A_70 = vector.broadcast %and3A_69 : i32 to vector<10000x1xi32>
    %and3A_71 = arith.andi %and3A_70, %shift_right_arithmetic3A_68 : vector<10000x1xi32>
    %xor3A_72 = arith.xori %bitcast_convert_type3A_65, %and3A_71 : vector<10000x1xi32>
    %iota3A_73 = tpu.iota {dimensions = array<i32: 0>} : vector<10000x1xi32>
    %gt3A_74 = vector.broadcast %xor3A_29 : i32 to vector<10000x1xi32>
    %gt3A_75 = arith.cmpi sgt, %xor3A_72, %gt3A_74 : vector<10000x1xi32>
    %eq3A_76 = vector.broadcast %xor3A_29 : i32 to vector<10000x1xi32>
    %eq3A_77 = arith.cmpi eq, %xor3A_72, %eq3A_76 : vector<10000x1xi32>
    %lt3A = vector.broadcast %scan3A_42 : i32 to vector<10000x1xi32>
    %lt3A_78 = arith.cmpi slt, %iota3A_73, %lt3A : vector<10000x1xi32>
    %and3A_79 = arith.andi %eq3A_77, %lt3A_78 : vector<10000x1xi1>
    %or3A = arith.ori %gt3A_75, %and3A_79 : vector<10000x1xi1>
    %tanh3A = math.tanh %add3A_64 : vector<10000x1xf32>
    %convert_element_type3A_80 = arith.extui %or3A : vector<10000x1xi1> to vector<10000x1xi32>
    %convert_element_type3A_81 = arith.sitofp %convert_element_type3A_80 : vector<10000x1xi32> to vector<10000x1xf32>
    %mul3A_82 = arith.mulf %tanh3A, %convert_element_type3A_81 : vector<10000x1xf32>
    %get3A_83 = arith.constant 0 : index
    %get3A_84 = arith.constant 0 : index
    %get3A_85 = vector.load %arg5[%get3A_83, %get3A_84] : memref<10000x128xf32, #tpu.memory_space<vmem>>, vector<10000x128xf32>
    %get3A_86 = arith.constant 0 : index
    %get3A_87 = arith.constant 0 : index
    %get3A_88 = vector.load %arg6[%get3A_86, %get3A_87] : memref<10000x128xf32, #tpu.memory_space<vmem>>, vector<10000x128xf32>
    %get3A_89 = arith.constant 0 : index
    %get3A_90 = arith.constant 0 : index
    %get3A_91 = vector.load %arg7[%get3A_89, %get3A_90] : memref<10000x128xf32, #tpu.memory_space<vmem>>, vector<10000x128xf32>
    %concatenate3A = tpu.concatenate %get3A_85, %get3A_88, %get3A_91 in 1 : vector<10000x128xf32>, vector<10000x128xf32>, vector<10000x128xf32> -> vector<10000x384xf32>
    %mul3A_92 = vector.broadcast %mul3A_82 : vector<10000x1xf32> to vector<10000x384xf32>
    %mul3A_93 = arith.mulf %concatenate3A, %mul3A_92 : vector<10000x384xf32>
    %reduce_sum3A_94 = arith.constant dense<0.000000e+00> : vector<384xf32>
    %reduce_sum3A_95 = vector.multi_reduction <add>, %mul3A_93, %reduce_sum3A_94 [0] : vector<10000x384xf32> to vector<384xf32>
    %broadcast_in_dim3A = vector.shape_cast %reduce_sum3A_95 : vector<384xf32> to vector<1x384xf32>
    %mul3A_96 = arith.constant 2.000000e-04 : f32
    %mul3A_97 = vector.broadcast %mul3A_96 : f32 to vector<1x384xf32>
    %mul3A_98 = arith.mulf %broadcast_in_dim3A, %mul3A_97 : vector<1x384xf32>
    %jit3A = arith.constant 0xFF800000 : f32
    %broadcast_in_dim3A_99 = vector.shape_cast %or3A : vector<10000x1xi1> to vector<10000x1xi1>
    %broadcast_in_dim3A_100 = vector.broadcast %broadcast_in_dim3A_99 : vector<10000x1xi1> to vector<10000x384xi1>
    %broadcast_in_dim3A_101 = vector.broadcast %jit3A : f32 to vector<10000x384xf32>
    %select_n3A = arith.select %broadcast_in_dim3A_100, %mul3A_93, %broadcast_in_dim3A_101 : vector<10000x384xi1>, vector<10000x384xf32>
    %reduce_max3A = arith.constant dense<0xFF800000> : vector<384xf32>
    %reduce_max3A_102 = vector.multi_reduction <maximumf>, %select_n3A, %reduce_max3A [0] : vector<10000x384xf32> to vector<384xf32>
    %broadcast_in_dim3A_103 = vector.shape_cast %reduce_max3A_102 : vector<384xf32> to vector<1x384xf32>
    %get3A_104 = arith.constant 0 : index
    %get3A_105 = arith.constant 0 : index
    %get3A_106 = vector.load %arg8[%get3A_104, %get3A_105] : memref<1x1024xf32, #tpu.memory_space<vmem>>, vector<1x1024xf32>
    %concatenate3A_107 = tpu.concatenate %mul3A_98, %broadcast_in_dim3A_103, %get3A_106 in 1 : vector<1x384xf32>, vector<1x384xf32>, vector<1x1024xf32> -> vector<1x1792xf32>
    %get3A_108 = arith.constant 0 : index
    %get3A_109 = arith.constant 0 : index
    %get3A_110 = vector.load %arg9[%get3A_108, %get3A_109] : memref<1792x128xf32, #tpu.memory_space<vmem>>, vector<1792x128xf32>
    %dot_general3A = arith.constant dense<0.000000e+00> : vector<1x128xf32>
    %dot_general3A_111 = tpu.matmul %concatenate3A_107, %get3A_110, %dot_general3A {dimension_numbers = #tpu.dot_dimension_numbers<[1], [0], [0], [1], [0, 0, 1, 1], [], []>, transpose_lhs_hint = false} : vector<1x1792xf32>, vector<1792x128xf32>, vector<1x128xf32> -> vector<1x128xf32>
    %get3A_112 = arith.constant 0 : index
    %get3A_113 = vector.load %arg10[%get3A_112] : memref<128xf32, #tpu.memory_space<vmem>>, vector<128xf32>
    %broadcast_in_dim3A_114 = vector.shape_cast %get3A_113 : vector<128xf32> to vector<1x128xf32>
    %add3A_115 = arith.addf %dot_general3A_111, %broadcast_in_dim3A_114 : vector<1x128xf32>
    %max3A = arith.constant 0.000000e+00 : f32
    %max3A_116 = vector.broadcast %max3A : f32 to vector<1x128xf32>
    %max3A_117 = arith.maximumf %add3A_115, %max3A_116 : vector<1x128xf32>
    %get3A_118 = arith.constant 0 : index
    %get3A_119 = arith.constant 0 : index
    %get3A_120 = vector.load %arg11[%get3A_118, %get3A_119] : memref<128x64xf32, #tpu.memory_space<vmem>>, vector<128x64xf32>
    %dot_general3A_121 = arith.constant dense<0.000000e+00> : vector<1x64xf32>
    %dot_general3A_122 = tpu.matmul %max3A_117, %get3A_120, %dot_general3A_121 {dimension_numbers = #tpu.dot_dimension_numbers<[1], [0], [0], [1], [0, 0, 1, 1], [], []>, transpose_lhs_hint = false} : vector<1x128xf32>, vector<128x64xf32>, vector<1x64xf32> -> vector<1x64xf32>
    %get3A_123 = arith.constant 0 : index
    %get3A_124 = vector.load %arg12[%get3A_123] : memref<64xf32, #tpu.memory_space<vmem>>, vector<64xf32>
    %broadcast_in_dim3A_125 = vector.shape_cast %get3A_124 : vector<64xf32> to vector<1x64xf32>
    %add3A_126 = arith.addf %dot_general3A_122, %broadcast_in_dim3A_125 : vector<1x64xf32>
    %max3A_127 = arith.constant 0.000000e+00 : f32
    %max3A_128 = vector.broadcast %max3A_127 : f32 to vector<1x64xf32>
    %max3A_129 = arith.maximumf %add3A_126, %max3A_128 : vector<1x64xf32>
    %get3A_130 = arith.constant 0 : index
    %get3A_131 = arith.constant 0 : index
    %get3A_132 = vector.load %arg13[%get3A_130, %get3A_131] : memref<64x128xf32, #tpu.memory_space<vmem>>, vector<64x128xf32>
    %dot_general3A_133 = arith.constant dense<0.000000e+00> : vector<1x128xf32>
    %dot_general3A_134 = tpu.matmul %max3A_129, %get3A_132, %dot_general3A_133 {dimension_numbers = #tpu.dot_dimension_numbers<[1], [0], [0], [1], [0, 0, 1, 1], [], []>, transpose_lhs_hint = false} : vector<1x64xf32>, vector<64x128xf32>, vector<1x128xf32> -> vector<1x128xf32>
    %get3A_135 = arith.constant 0 : index
    %get3A_136 = vector.load %arg14[%get3A_135] : memref<128xf32, #tpu.memory_space<vmem>>, vector<128xf32>
    %broadcast_in_dim3A_137 = vector.shape_cast %get3A_136 : vector<128xf32> to vector<1x128xf32>
    %add3A_138 = arith.addf %dot_general3A_134, %broadcast_in_dim3A_137 : vector<1x128xf32>
    %swap3A = arith.constant 0 : index
    %swap3A_139 = arith.constant 0 : index
    %swap3A_140 = vector.load %arg15[%swap3A, %swap3A_139] : memref<1x128xf32, #tpu.memory_space<vmem>>, vector<1x128xf32>
    tpu.vector_store %arg15[%swap3A, %swap3A_139], %add3A_138 {strides = array<i32>} : memref<1x128xf32, #tpu.memory_space<vmem>>, vector<1x128xf32>,
    return
  }
}

</mosaic_0001>

<sc_bundles>
// kernel: kernel.12.cloned.1.call-start
scs
__scs_entry_jumppad:
0x0: {  	(pc) =	sbr.rel $0x88, $3  }
0x1: {  	(tag) =	ssettag $0x0;
	lr =	simm.s32 $0x1  }
0x2: {  	[smem:$0x3F90] =	sst lr;
	_ =	strace $0xD0000000  }
0x3: {  	_ = 	snop  }
0x4: {  	_ = 	snop  }
0x5: {  	_ = 	snop  }
0x6: {  	_ = 	snop  }
0x7: {  	_ = 	snop  }
__scs_overlays_trampoline_lowered:
0x8: {  	[smem:$0x3F9F] =	sst s0  }
0x9: {  	[smem:$0x3FA0] =	sst s1  }
0xa: {  	[smem:$0x3FA1] =	sst s2  }
0xb: {  	[smem:$0x3FA2] =	sst s3  }
0xc: {  	[smem:$0x3FA3] =	sst s4  }
0xd: {  	[smem:$0x3FA4] =	sst s5  }
0xe: {  	[smem:$0x3FA5] =	sst s6  }
0xf: {  	[smem:$0x3FA6] =	sst s7  }
0x10: {  	[smem:$0x3FA7] =	sst s8  }
0x11: {  	[smem:$0x3FA8] =	sst s9;
	s0 =	simm.s32 @!p0 $0x0  }
0x12: {  	s1 =	sld [smem:$0x3F8E];
	s0 =	simm.s32 @p0 $0x1  }
0x13: {  	[smem:$0x3FA9] =	sst s0;
	s0 =	simm.s32 @!p1 $0x0  }
0x14: {  	s2 =	sld [smem:$0x3F8D];
	s0 =	simm.s32 @p1 $0x1  }
0x15: {  	[smem:$0x3FAA] =	sst s0;
	s0 =	simm.s32 @!p2 $0x0  }
0x16: {  	s3 =	sld [smem:$0x3FDB];
	s0 =	simm.s32 @p2 $0x1  }
0x17: {  	s4 =	simm.s32 $0x1BF5;
	[smem:$0x3FAC] =	sst s0  }
0x18: {  	s0 =	sld [smem:$0x3F8F];
	_ =	swait.ge [sflag:s4], $0x0  }
0x19: {  	s7 =	sld [smem:$0x3F90]  }
0x1a: {  	s8 =	sadd.s32 $0xFFFFE003, lr  }
0x1b: {  	s9 =	sadd.s32 $0xFFFFFEF7, lr;
	s5 =	simm.s32 $0xFFFFFFFF;
	p2 =	slt.u32 s8, $0xFFFFF086  }
0x1c: {  	p1 =	slt.u32 s9, $0xF7A;
	s5 =	simm.s32 @!p2 $0x0  }
0x1d: {  	s5 =	simm.s32 @p1 $0x1;
	p0 =	seq.s32 s7, s2  }
0x1e: {  	s7 =	smul.u32 @!p0 $0xF7A, s2;
	p2 =	seq.s32 @!p0 s5, $0x0  }
0x1f: {  	s9 =	smul.u32 $0xF7A, s1;
	s8 =	simm.s32 @!p0 $0x1BF5;
	p2 =	por !p2, p0  }
0x20: {  	[sflag:s8] =	ssyncset.s32 @!p0 $0xFFFFF086;
	s6 =	sadd.s32 @!p0 s3, s7;
	s7 =	simm.s32 @!p0 $0x108  }
0x21: {  	s3 =	sadd.s32 s3, s9;
	s6 =	sadd.s32 @!p0 $0x88, s6;
	s7 =	simm.s32 @p2 $0x1082  }
0x22: {  	[simem:s7], [sflag:s8] =	dma.local @!p0 [hbm:s6], $0xF7A  }
0x23: {  	s9 =	sor.u32 $0xD0000000, s2;
	s6 =	simm.s32 $0x108;
	_ =	swait.ge @!p0 [sflag:s8], $0x0  }
0x24: {  	s3 =	sadd.s32 $0x88, s3;
	s6 =	simm.s32 @!p1 $0x1082;
	[sflag:s4] =	ssyncset.s32 $0xFFFFF086  }
0x25: {  	[simem:s6], [sflag:s4] =	dma.local [hbm:s3], $0xF7A  }
0x26: {  	[smem:$0x3F90] =	sst s1;
	(tag) =	ssettag s2;
	_ =	strace s9  }
0x27: {  	s1 =	sld [smem:$0x3FA0]  }
0x28: {  	s2 =	sld [smem:$0x3FA1]  }
0x29: {  	s4 =	sld [smem:$0x3FA3]  }
0x2a: {  	p0 =	seq.s32 s5, $0x0;
	s5 =	sld [smem:$0x3FA4]  }
0x2b: {  	s6 =	sld [smem:$0x3FA5]  }
0x2c: {  	s7 =	sld [smem:$0x3FA6]  }
0x2d: {  	s3 =	simm.s32 $0x108;
	s8 =	sld [smem:$0x3FA7]  }
0x2e: {  	s3 =	simm.s32 @!p0 $0x1082;
	s9 =	sld [smem:$0x3FA8]  }
0x2f: {  	lr =	sadd.s32 s0, s3;
	s0 =	sld [smem:$0x3F9F]  }
0x30: {  	s3 =	sld [smem:$0x3FA2]  }
0x31: {  	[smem:$0x3FAB] =	sst s10  }
0x32: {  	s10 =	sld [smem:$0x3FA9];
	_ =	sdelay $0x3  }
0x33: {  	p0 =	seq.s32 s10, $0x1;
	s10 =	sld [smem:$0x3FAB];
	_ =	sdelay $0x3  }
0x34: {  	[smem:$0x3FAB] =	sst s10  }
0x35: {  	s10 =	sld [smem:$0x3FAA];
	_ =	sdelay $0x3  }
0x36: {  	p1 =	seq.s32 s10, $0x1;
	s10 =	sld [smem:$0x3FAB];
	_ =	sdelay $0x3  }
0x37: {  	[smem:$0x3FAB] =	sst s10  }
0x38: {  	s10 =	sld [smem:$0x3FAC]  }
0x39: {  	_ = 	snop;
	(pc) =	sbr.ind lr, $3  }
0x3a: {  	_ = 	snop  }
0x3b: {  	_ = 	snop  }
0x3c: {  	p2 =	seq.s32 s10, $0x1;
	s10 =	sld [smem:$0x3FAB]  }
0x3d: {  	_ =	shalt  }
0x3e: {  	_ =	shalt  }
0x3f: {  	_ =	shalt  }
0x40: {  	_ =	shalt  }
0x41: {  	_ =	shalt  }
0x42: {  	_ =	shalt  }
0x43: {  	_ =	shalt  }
0x44: {  	_ =	shalt  }
0x45: {  	_ =	shalt  }
0x46: {  	_ =	shalt  }
0x47: {  	_ =	shalt  }
0x48: {  	_ =	shalt  }
0x49: {  	_ =	shalt  }
0x4a: {  	_ =	shalt  }
0x4b: {  	_ =	shalt  }
0x4c: {  	_ =	shalt  }
0x4d: {  	_ =	shalt  }
0x4e: {  	_ =	shalt  }
0x4f: {  	_ =	shalt  }
0x50: {  	_ =	shalt  }
0x51: {  	_ =	shalt  }
0x52: {  	_ =	shalt  }
0x53: {  	_ =	shalt  }
0x54: {  	_ =	shalt  }
0x55: {  	_ =	shalt  }
0x56: {  	_ =	shalt  }
0x57: {  	_ =	shalt  }
0x58: {  	_ =	shalt  }
0x59: {  	_ =	shalt  }
0x5a: {  	_ =	shalt  }
0x5b: {  	_ =	shalt  }
0x5c: {  	_ =	shalt  }
0x5d: {  	_ =	shalt  }
0x5e: {  	_ =	shalt  }
0x5f: {  	_ =	shalt  }
0x60: {  	_ =	shalt  }
0x61: {  	_ =	shalt  }
0x62: {  	_ =	shalt  }
0x63: {  	_ =	shalt  }
0x64: {  	_ =	shalt  }
0x65: {  	_ =	shalt  }
0x66: {  	_ =	shalt  }
0x67: {  	_ =	shalt  }
0x68: {  	_ =	shalt  }
0x69: {  	_ =	shalt  }
0x6a: {  	_ =	shalt  }
0x6b: {  	_ =	shalt  }
0x6c: {  	_ =	shalt  }
0x6d: {  	_ =	shalt  }
0x6e: {  	_ =	shalt  }
0x6f: {  	_ =	shalt  }
0x70: {  	_ =	shalt  }
0x71: {  	_ =	shalt  }
0x72: {  	_ =	shalt  }
0x73: {  	_ =	shalt  }
0x74: {  	_ =	shalt  }
0x75: {  	_ =	shalt  }
0x76: {  	_ =	shalt  }
0x77: {  	_ =	shalt  }
0x78: {  	_ =	shalt  }
0x79: {  	_ =	shalt  }
0x7a: {  	_ =	shalt  }
0x7b: {  	_ =	shalt  }
0x7c: {  	_ =	shalt  }
0x7d: {  	_ =	shalt  }
0x7e: {  	_ =	shalt  }
0x7f: {  	_ =	shalt  }
0x80: {  	_ =	shalt  }
0x81: {  	_ =	shalt  }
0x82: {  	_ =	shalt  }
0x83: {  	_ =	shalt  }
0x84: {  	_ =	shalt  }
0x85: {  	_ =	shalt  }
0x86: {  	_ =	shalt  }
0x87: {  	_ =	shalt  }
.Lfunc_end0:
.L_simem_size_0:
called_computation_lowered:
.L_overlay_start_0:
0x88: {  	s2 =	sld [smem:$0x3FD9]  }
0x89: {  	s3 =	sld [smem:$0x3FFE];
	_ =	sdelay $0x1  }
0x8a: {  	s1 =	srdreg.scid  }
0x8b: {  	s0 =	sand.u32 $0x1, s1  }
0x8c: {  	s16 =	sshll.u32 s0, $0xA;
	s2 =	sadd.s32 s3, s2  }
0x8d: {  	s2 =	sadd.s32 s2, s16  }
0x8e: {  	[smem:$0x3FB7] =	sst s2  }
0x8f: {  	_ = 	snop  }
0x90: {  	(tm) =	ssettm $0x1  }
0x91: {  	s17 =	sld [smem:$0x3FFB];
	_ =	sdelay $0x3  }
0x92: {  	_ =	strace s17  }
0x93: {  	s2 =	sld [smem:$0x3FFC];
	_ =	sdelay $0x3  }
0x94: {  	_ =	strace s2  }
0x95: {  	s2 =	sld [smem:$0x3FFD];
	_ =	sdelay $0x3  }
0x96: {  	_ =	strace s2  }
0x97: {  	_ =	strace $0x8FFFFFFF  }
0x98: {  	s18 =	sld [smem:$0x3FDB];
	_ =	sdelay $0x1  }
0x99: {  	s19 =	simm.s32 $_scs_section_size  }
0x9a: {  	s4 =	simm.s32 $_size__tile_overlayer_lowered;
	s5 =	simm.s32 $_tile_overlayer_lowered  }
0x9b: {  	s22 =	simm.s32 $0x1BFF;
	s21 =	sshll.u32 s5, $0x1;
	s2 =	sadd.s32 s19, s18  }
0x9c: {  	s6 =	simm.s32 $0x0;
	s20 =	sshll.u32 s4, $0x1;
	s4 =	sadd.s32 s21, s2  }
0x9d: {  	[timem:s6], [sflag:s22] =	dma.local [hbm:s4], s20  }
0x9e: {  	_ =	swait.ge [sflag:s22], s20  }
0x9f: {  	s3 =	ssub.s32 $0x0, s20;
	[sflag:s22] =	ssyncset.done $0x0  }
0xa0: {  	[sflag:s22] =	ssyncadd.s32 s3;
	_ =	sdelay $0x1  }
0xa1: {  	s23 =	simm.s32 $0x1B8B  }
0xa2: {  	_ =	swait.ge [sflag:s23], $0x1  }
0xa3: {  	[sflag:s23] =	ssyncset.done $0x0  }
0xa4: {  	s25 =	simm.s32 $0x1B8E;
	s24 =	sld [smem:$0x3FFE];
	[sflag:s23] =	ssyncadd.s32 $0xFFFFFFFF  }
0xa5: {  	s26 =	simm.s32 $execute0_lowered;
	[smem:$0x3FD2] =	sst s25  }
0xa6: {  	s4 =	sshll.u32 s26, $0x1;
	_ =	strace $0x80000046;
	[dreg:$0x1] =	wrdreg $0xFFFFFFFF  }
0xa7: {  	s28 =	simm.s32 $_size_execute0_lowered;
	s2 =	sadd.s32 s2, s4;
	[dreg:$0x0] =	wrdreg $0x0  }
0xa8: {  	s4 =	sshll.u32 s28, $0x1;
	[dreg:$0x2] =	wrdreg s2  }
0xa9: {  	[dreg:$0x3] =	wrdreg s4  }
0xaa: {  	[dreg:$0x4] =	wrdreg $0xC0  }
0xab: {  	_ =	task [dreg:s6], $0x5FFFF  }
0xac: {  	[dreg:$0x1] =	wrdreg $0xFFFFFFFF  }
0xad: {  	[dreg:$0x0] =	wrdreg $0x60  }
0xae: {  	[dreg:$0x2] =	wrdreg s24  }
0xaf: {  	[dreg:$0x3] =	wrdreg $0x0  }
0xb0: {  	[dreg:$0x4] =	wrdreg $0x2980  }
0xb1: {  	[dreg:$0x5] =	wrdreg $0x9  }
0xb2: {  	_ =	task.clear_ibuf [dreg:s6], $0x6FFFF;
	_ =	strace $0x90000046  }
0xb3: {  	s29 =	simm.s32 $0x9;
	_ =	strace $0x80000048  }
0xb4: {  	_ =	swait.ge [sflag:s29], $0x1  }
0xb5: {  	[sflag:s29] =	ssyncadd.s32 $0xFFFFFFFF  }
0xb6: {  	_ =	strace $0x90000048  }
0xb7: {  	_ =	sfence  }
0xb8: {  	s30 =	sld [smem:$0x0];
	_ =	sdelay $0x2  }
0xb9: {  	s31 =	sshll.u32 s1, $0xD;
	s1 =	sshrl.u32 s1, $0x2  }
0xba: {  	s3 =	sand.u32 $0x4000, s31;
	s1 =	sadd.s32 s1, s30  }
0xbb: {  	s0 =	sor.u32 s3, s0;
	s1 =	sshll.u32 s1, $0x11  }
0xbc: {  	s0 =	sor.u32 s1, s0  }
0xbd: {  	s0 =	sadd.s32 $0x8F2B, s0  }
0xbe: {  	[sflag:s0] =	ssyncadd.remote.s32 $0x1  }
0xbf: {  	_ =	sfence.sel $0xFFFF  }
0xc0: {  	[dreg:$0x0] =	wrdreg $0xFFFFFFFF;
	(pc) =	sbr.abs _section_cstart, $3  }
0xc1: {  	[dreg:$0x1] =	wrdreg $0xFFFFFFFF  }
0xc2: {  	_ =	task.clear_ibuf [dreg:s6], $0x2FFFF;
	_ =	strace $0x9FFFFFFF  }
0xc3: {  	(tm) =	ssettm $0x7FFFFFFF  }
tec
execute0_lowered:
.L_overlay_start_1:
0x0: {  	(tag) =	ssettag $0x1  }
0x1: {  	s0 =	rddreg [dreg:$0x0]  }
0x2: {  	s1 =	srdreg.scid;
	s2 =	rddreg [dreg:$0x1]  }
0x3: {  	s3 =	rddreg [dreg:$0x2];
	s26 =	stileid.u32  }
0x4: {  	s31 =	rddreg [dreg:$0x3];
	s15 =	simm.s32 $0x0;
	s12 =	simm.s32 $0x930  }
0x5: {  	s13 =	simm.s32 $0x3130;
	s14 =	simm.s32 $0xD30;
	s16 =	simm.s32 $0x3530  }
0x6: {  	s23 =	simm.s32 $0x5;
	[smem:$0x7FF] =	sst s15;
	s5 =	sadd.s32 $0x19200, s0  }
0x7: {  	s17 =	simm.s32 $0x1130;
	_ =	strace $0x80000047;
	[dreg:$0x4] =	wrdreg s5  }
0x8: {  	s24 =	simm.s32 $0x530;
	s19 =	simm.s32 $0x3930;
	[dreg:$0xf] =	wrdreg s12  }
0x9: {  	s20 =	simm.s32 $0x1530;
	s21 =	simm.s32 $0x3D30;
	[dreg:$0x10] =	wrdreg s13  }
0xa: {  	p1 =	por $0x0, $0x0;
	s6 =	smul.u32 $0x270, s26;
	[dreg:$0x11] =	wrdreg s14  }
0xb: {  	s1 =	sand.u32 $0x1, s1;
	s7 =	smul.u32 $0x290, s26;
	[dreg:$0x12] =	wrdreg s16  }
0xc: {  	s22 =	sadd.s32 $0x19000, s0;
	s9 =	sadd.s32 $0x19400, s0;
	[dreg:$0x13] =	wrdreg s17  }
0xd: {  	p0 =	seq.s32 s26, $0xF;
	s4 =	sshll.u32 s1, $0x4;
	[dreg:$0x14] =	wrdreg s19  }
0xe: {  	s25 =	ssub.s32 $0x2, s1;
	s1 =	smul.u32 $0x2710, s1;
	[dreg:$0x15] =	wrdreg s20  }
0xf: {  	[dreg:$0x16] =	wrdreg s21;
	s12 =	simm.s32 $0x3;
	s21 =	simm.s32 $0x4530  }
0x10: {  	s19 =	simm.s32 $0x2130;
	s20 =	simm.s32 $0x4930;
	s16 =	simm.s32 $0x2530  }
0x11: {  	s17 =	simm.s32 $0x4D30;
	s14 =	simm.s32 $0x2930;
	s4 =	sor.u32 s26, s4  }
0x12: {  	s8 =	sshrl.u32 s25, $0x1;
	s26 =	sshll.u32 @!p0 s26, $0x6;
	s4 =	smul.u32 $0x500, s4  }
0x13: {  	s5 =	ssub.s32 s25, s8;
	s8 =	sadd.s32 s7, s2;
	s11 =	sadd.s32 s6, s1  }
0x14: {  	s1 =	sshrl.u32 s1, $0x3;
	s25 =	simm.s32 $0x2D30;
	s28 =	sshrl.u32 s11, $0x3  }
0x15: {  	s1 =	sadd.s32 $0x492, s1;
	s18 =	smax.u32 s5, $0x1;
	s29 =	sadd.s32 s9, s28  }
0x16: {  	s4 =	sadd.s32 s4, s0;
	s11 =	sadd.s32 s9, s1;
	[dreg:$0x7] =	wrdreg s29  }
0x17: {  	s5 =	simm.s32 $0x400;
	s10 =	sadd.s32 $0xF000, s4;
	[dreg:$0x9] =	wrdreg s11  }
0x18: {  	s0 =	sadd.s32 $0x19E00, s0;
	s4 =	sadd.s32 $0x5000, s4;
	[dreg:$0x5] =	wrdreg s10  }
0x19: {  	s9 =	simm.s32 $0x4;
	s30 =	sadd.s32 s0, s28;
	[dreg:$0x6] =	wrdreg s4  }
0x1a: {  	s0 =	sadd.s32 s0, s1;
	s10 =	sadd.s32 $0x2670, s2;
	[dreg:$0x8] =	wrdreg s30  }
0x1b: {  	s1 =	sadd.s32 $0x2670, s3;
	[dreg:$0xa] =	wrdreg s0;
	s0 =	sshrl.u32 @p0 s10, $0x3  }
0x1c: {  	s11 =	simm.s32 $0x1;
	[dreg:$0xd] =	wrdreg s0;
	s0 =	sshrl.u32 @p0 s1, $0x3  }
0x1d: {  	s4 =	sadd.s32 s7, s3;
	[dreg:$0xe] =	wrdreg s0;
	s0 =	sshrl.u32 @!p0 s8, $0x3  }
0x1e: {  	s28 =	simm.s32 $0x1930;
	[dreg:$0xb] =	wrdreg s0;
	s0 =	sshrl.u32 @!p0 s4, $0x3  }
0x1f: {  	s29 =	simm.s32 $0x4130;
	[dreg:$0xc] =	wrdreg s0;
	s0 =	sadd.s32 $0xFFFFFFFF, s18  }
0x20: {  	s7 =	sadd.s32 $0x2490, s2;
	[dreg:$0x17] =	wrdreg s28;
	p2 =	sne.s32 s0, $0x0  }
.Ltmp0:
0x21: {  	[dreg:$0x18] =	wrdreg s29;
	s30 =	simm.s32 $0x1D30;
	(pc) =	sbr.rel @!p2 .LBB2_1-.Ltmp0, $4  }
0x22: {  	s10 =	sadd.s32 $0x2490, s3;
	[dreg:$0x19] =	wrdreg s30;
	s13 =	sshrl.u32 @p0 s7, $0x3  }
0x23: {  	s1 =	sadd.s32 s6, s2;
	s6 =	sadd.s32 s6, s3;
	s10 =	sshrl.u32 @p0 s10, $0x3  }
0x24: {  	s8 =	simm.s32 $0x2;
	s7 =	sshrl.u32 @!p0 s1, $0x3;
	s6 =	sshrl.u32 @!p0 s6, $0x3  }
0x25: {  	s1 =	rddreg [dreg:$0x4];
	s4 =	simm.s32 $0x5530;
	s18 =	simm.s32 $0x5130  }
0x26: {  	[tilespmem:s4], [sflag:$0x5] =	stream.linear.gather [hbm4b:s1+s15], $0x400, $0x38;
	[tilespmem:$0x5930] =	vst v63  }
0x27: {  	_ =	swait.ge [sflag:s23], $0x400  }
0x28: {  	s28 =	simm.s32 @p0 $0x1FC5;
	[sflag:s23] =	ssyncset.done $0x0  }
0x29: {  	s29 =	simm.s32 @p0 $0x5;
	s1 =	rddreg [dreg:$0xd];
	[sflag:s23] =	ssyncadd.s32 $0xFFFFFC00  }
0x2a: {  	[spmem:s1], [sflag:s28] =	dma.local @p0 [hbm:s22], $0x54  }
0x2b: {  	_ =	swait.ge @p0 [sflag:s29], $0x54  }
0x2c: {  	[sflag:s29] =	ssyncset.done @p0 $0x0  }
0x2d: {  	s1 =	rddreg [dreg:$0xe];
	[sflag:s29] =	ssyncadd.s32 @p0 $0xFFFFFFAC  }
0x2e: {  	[spmem:s1], [sflag:s28] =	dma.local @p0 [hbm:s22], $0x54  }
0x2f: {  	_ =	swait.ge @p0 [sflag:s29], $0x54  }
0x30: {  	s31 =	sor.u32 @!p0 $0x1C05, s26;
	[dreg:$0x1a] =	wrdreg s26;
	[sflag:s29] =	ssyncset.done @p0 $0x0  }
0x31: {  	s30 =	simm.s32 @!p0 $0x5;
	s1 =	rddreg [dreg:$0xb];
	[sflag:s29] =	ssyncadd.s32 @p0 $0xFFFFFFAC  }
0x32: {  	[spmem:s1], [sflag:s31] =	dma.local @!p0 [hbm:s22], $0x52  }
0x33: {  	_ =	swait.ge @!p0 [sflag:s30], $0x52  }
0x34: {  	[sflag:s30] =	ssyncset.done @!p0 $0x0  }
0x35: {  	s1 =	rddreg [dreg:$0xc];
	[sflag:s30] =	ssyncadd.s32 @!p0 $0xFFFFFFAE  }
0x36: {  	[spmem:s1], [sflag:s31] =	dma.local @!p0 [hbm:s22], $0x52  }
0x37: {  	_ =	swait.ge @!p0 [sflag:s30], $0x52  }
0x38: {  	[sflag:s30] =	ssyncset.done @!p0 $0x0  }
0x39: {  	s26 =	rddreg [dreg:$0x5];
	[sflag:s30] =	ssyncadd.s32 @!p0 $0xFFFFFFAE  }
0x3a: {  	[tilespmem:s24], [sflag:$0x5] =	stream.linear.gather [hbm4b:s26+s15], $0x2800, $0x38;
	[tilespmem:$0x5930] =	vst v63  }
0x3b: {  	_ =	swait.ge [sflag:s23], $0x2800  }
0x3c: {  	[sflag:s23] =	ssyncset.done $0x0  }
0x3d: {  	s26 =	rddreg [dreg:$0x6];
	[sflag:s23] =	ssyncadd.s32 $0xFFFFD800  }
0x3e: {  	[tilespmem:s25], [sflag:$0x5] =	stream.linear.gather [hbm4b:s26+s15], $0x2800, $0x38;
	[tilespmem:$0x5930] =	vst v63  }
0x3f: {  	_ =	swait.ge [sflag:s23], $0x2800  }
0x40: {  	[sflag:s23] =	ssyncset.done $0x0  }
0x41: {  	[sflag:s23] =	ssyncadd.s32 $0xFFFFD800  }
0x42: {  	[bflag:$0x0] =	sbarrier.arrive $0xFFFF  }
0x43: {  	[spmem:s2] =	stream.indirect.scatter.add.f32 [tilespmem:s4], [sflag:$0x1], $0x1, s24, s5, $0xb8;
	[tilespmem:$0x5930] =	vst v63  }
0x44: {  	_ = 	snop  }
0x45: {  	[spmem:s3] =	stream.indirect.scatter.add.f32 [tilespmem:s4], [sflag:$0x3], $0x1, s25, s5, $0xb8;
	[tilespmem:$0x5930] =	vst v63  }
0x46: {  	_ =	swait.ge [sflag:s11], $0x400  }
0x47: {  	[sflag:s11] =	ssyncset.done $0x0  }
0x48: {  	[sflag:s11] =	ssyncadd.s32 $0xFFFFFC00  }
0x49: {  	_ =	swait.ge [sflag:s12], $0x400  }
0x4a: {  	[sflag:s12] =	ssyncset.done $0x0  }
0x4b: {  	s1 =	rddreg [dreg:$0xf];
	[sflag:s12] =	ssyncadd.s32 $0xFFFFFC00  }
0x4c: {  	[spmem:s2] =	stream.indirect.scatter.add.f32 [tilespmem:s4], [sflag:$0x2], $0x1, s1, s5, $0xb8;
	[tilespmem:$0x5930] =	vst v63  }
0x4d: {  	s26 =	rddreg [dreg:$0x10]  }
0x4e: {  	[spmem:s3] =	stream.indirect.scatter.add.f32 [tilespmem:s4], [sflag:$0x4], $0x1, s26, s5, $0xb8;
	[tilespmem:$0x5930] =	vst v63  }
0x4f: {  	_ =	swait.ge [sflag:s8], $0x400  }
0x50: {  	[sflag:s8] =	ssyncset.done $0x0  }
0x51: {  	[sflag:s8] =	ssyncadd.s32 $0xFFFFFC00  }
0x52: {  	_ =	swait.ge [sflag:s9], $0x400  }
0x53: {  	[sflag:s9] =	ssyncset.done $0x0  }
0x54: {  	s1 =	rddreg [dreg:$0x11];
	[sflag:s9] =	ssyncadd.s32 $0xFFFFFC00  }
0x55: {  	[spmem:s2] =	stream.indirect.scatter.add.f32 [tilespmem:s4], [sflag:$0x1], $0x1, s1, s5, $0xb8;
	[tilespmem:$0x5930] =	vst v63  }
0x56: {  	s26 =	rddreg [dreg:$0x12]  }
0x57: {  	[spmem:s3] =	stream.indirect.scatter.add.f32 [tilespmem:s4], [sflag:$0x3], $0x1, s26, s5, $0xb8;
	[tilespmem:$0x5930] =	vst v63  }
0x58: {  	_ =	swait.ge [sflag:s11], $0x400  }
0x59: {  	[sflag:s11] =	ssyncset.done $0x0  }
0x5a: {  	[sflag:s11] =	ssyncadd.s32 $0xFFFFFC00  }
0x5b: {  	_ =	swait.ge [sflag:s12], $0x400  }
0x5c: {  	[sflag:s12] =	ssyncset.done $0x0  }
0x5d: {  	s1 =	rddreg [dreg:$0x13];
	[sflag:s12] =	ssyncadd.s32 $0xFFFFFC00  }
0x5e: {  	[spmem:s2] =	stream.indirect.scatter.add.f32 [tilespmem:s4], [sflag:$0x2], $0x1, s1, s5, $0xb8;
	[tilespmem:$0x5930] =	vst v63  }
0x5f: {  	s26 =	rddreg [dreg:$0x14]  }
0x60: {  	[spmem:s3] =	stream.indirect.scatter.add.f32 [tilespmem:s4], [sflag:$0x4], $0x1, s26, s5, $0xb8;
	[tilespmem:$0x5930] =	vst v63  }
0x61: {  	_ =	swait.ge [sflag:s8], $0x400  }
0x62: {  	[sflag:s8] =	ssyncset.done $0x0  }
0x63: {  	[sflag:s8] =	ssyncadd.s32 $0xFFFFFC00  }
0x64: {  	_ =	swait.ge [sflag:s9], $0x400  }
0x65: {  	[sflag:s9] =	ssyncset.done $0x0  }
0x66: {  	s1 =	rddreg [dreg:$0x15];
	[sflag:s9] =	ssyncadd.s32 $0xFFFFFC00  }
0x67: {  	[spmem:s2] =	stream.indirect.scatter.add.f32 [tilespmem:s4], [sflag:$0x1], $0x1, s1, s5, $0xb8;
	[tilespmem:$0x5930] =	vst v63  }
0x68: {  	s26 =	rddreg [dreg:$0x16]  }
0x69: {  	[spmem:s3] =	stream.indirect.scatter.add.f32 [tilespmem:s4], [sflag:$0x3], $0x1, s26, s5, $0xb8;
	[tilespmem:$0x5930] =	vst v63  }
0x6a: {  	_ =	swait.ge [sflag:s11], $0x400  }
0x6b: {  	[sflag:s11] =	ssyncset.done $0x0  }
0x6c: {  	[sflag:s11] =	ssyncadd.s32 $0xFFFFFC00  }
0x6d: {  	_ =	swait.ge [sflag:s12], $0x400  }
0x6e: {  	[sflag:s12] =	ssyncset.done $0x0  }
0x6f: {  	s1 =	rddreg [dreg:$0x17];
	[sflag:s12] =	ssyncadd.s32 $0xFFFFFC00  }
0x70: {  	[spmem:s2] =	stream.indirect.scatter.add.f32 [tilespmem:s4], [sflag:$0x2], $0x1, s1, s5, $0xb8;
	[tilespmem:$0x5930] =	vst v63  }
0x71: {  	s26 =	rddreg [dreg:$0x18]  }
0x72: {  	[spmem:s3] =	stream.indirect.scatter.add.f32 [tilespmem:s4], [sflag:$0x4], $0x1, s26, s5, $0xb8;
	[tilespmem:$0x5930] =	vst v63  }
0x73: {  	_ =	swait.ge [sflag:s8], $0x400  }
0x74: {  	[sflag:s8] =	ssyncset.done $0x0  }
0x75: {  	[sflag:s8] =	ssyncadd.s32 $0xFFFFFC00  }
0x76: {  	_ =	swait.ge [sflag:s9], $0x400  }
0x77: {  	[sflag:s9] =	ssyncset.done $0x0  }
0x78: {  	s26 =	rddreg [dreg:$0x19];
	[sflag:s9] =	ssyncadd.s32 $0xFFFFFC00  }
0x79: {  	[spmem:s2] =	stream.indirect.scatter.add.f32 [tilespmem:s4], [sflag:$0x1], $0x1, s26, s5, $0xb8;
	[tilespmem:$0x5930] =	vst v63  }
0x7a: {  	_ = 	snop  }
0x7b: {  	[spmem:s3] =	stream.indirect.scatter.add.f32 [tilespmem:s4], [sflag:$0x3], $0x1, s21, s5, $0xb8;
	[tilespmem:$0x5930] =	vst v63  }
0x7c: {  	_ =	swait.ge [sflag:s11], $0x400  }
0x7d: {  	[sflag:s11] =	ssyncset.done $0x0  }
0x7e: {  	[sflag:s11] =	ssyncadd.s32 $0xFFFFFC00  }
0x7f: {  	_ =	swait.ge [sflag:s12], $0x400  }
0x80: {  	[sflag:s12] =	ssyncset.done $0x0  }
0x81: {  	[sflag:s12] =	ssyncadd.s32 $0xFFFFFC00  }
0x82: {  	[spmem:s2] =	stream.indirect.scatter.add.f32 [tilespmem:s4], [sflag:$0x2], $0x1, s19, s5, $0xb8;
	[tilespmem:$0x5930] =	vst v63  }
0x83: {  	_ = 	snop  }
0x84: {  	[spmem:s3] =	stream.indirect.scatter.add.f32 [tilespmem:s4], [sflag:$0x4], $0x1, s20, s5, $0xb8;
	[tilespmem:$0x5930] =	vst v63  }
0x85: {  	_ =	swait.ge [sflag:s8], $0x400  }
0x86: {  	[sflag:s8] =	ssyncset.done $0x0  }
0x87: {  	[sflag:s8] =	ssyncadd.s32 $0xFFFFFC00  }
0x88: {  	_ =	swait.ge [sflag:s9], $0x400  }
0x89: {  	[sflag:s9] =	ssyncset.done $0x0  }
0x8a: {  	[sflag:s9] =	ssyncadd.s32 $0xFFFFFC00  }
0x8b: {  	[spmem:s2] =	stream.indirect.scatter.add.f32 [tilespmem:s4], [sflag:$0x1], $0x1, s16, s5, $0xb8;
	[tilespmem:$0x5930] =	vst v63  }
0x8c: {  	_ = 	snop  }
0x8d: {  	[spmem:s3] =	stream.indirect.scatter.add.f32 [tilespmem:s4], [sflag:$0x3], $0x1, s17, s5, $0xb8;
	[tilespmem:$0x5930] =	vst v63  }
0x8e: {  	_ =	swait.ge [sflag:s11], $0x400  }
0x8f: {  	[sflag:s11] =	ssyncset.done $0x0  }
0x90: {  	[sflag:s11] =	ssyncadd.s32 $0xFFFFFC00  }
0x91: {  	_ =	swait.ge [sflag:s12], $0x400  }
0x92: {  	[sflag:s12] =	ssyncset.done $0x0  }
0x93: {  	[sflag:s12] =	ssyncadd.s32 $0xFFFFFC00  }
0x94: {  	[spmem:s2] =	stream.indirect.scatter.add.f32 [tilespmem:s4], [sflag:$0x2], $0x1, s14, s5, $0xb8;
	[tilespmem:$0x5930] =	vst v63  }
0x95: {  	_ = 	snop  }
0x96: {  	[spmem:s3] =	stream.indirect.scatter.add.f32 [tilespmem:s4], [sflag:$0x4], $0x1, s18, s5, $0xb8;
	[tilespmem:$0x5930] =	vst v63  }
0x97: {  	_ =	swait.ge [sflag:s8], $0x400  }
0x98: {  	[sflag:s8] =	ssyncset.done $0x0  }
0x99: {  	[sflag:s8] =	ssyncadd.s32 $0xFFFFFC00  }
0x9a: {  	_ =	swait.ge [sflag:s9], $0x400  }
0x9b: {  	[sflag:s9] =	ssyncset.done $0x0  }
0x9c: {  	[sflag:s9] =	ssyncadd.s32 $0xFFFFFC00  }
0x9d: {  	[bflag:$0x0] =	sbarrier.arrive $0xFFFF  }
0x9e: {  	s1 =	rddreg [dreg:$0x9]  }
0x9f: {  	[hbm:s1], [sflag:s28] =	dma.local @p0 [spmem:s13], $0x50  }
0xa0: {  	_ =	swait.ge @p0 [sflag:s29], $0x50  }
0xa1: {  	[sflag:s29] =	ssyncset.done @p0 $0x0  }
0xa2: {  	s1 =	rddreg [dreg:$0xa];
	[sflag:s29] =	ssyncadd.s32 @p0 $0xFFFFFFB0  }
0xa3: {  	[hbm:s1], [sflag:s28] =	dma.local @p0 [spmem:s10], $0x50  }
0xa4: {  	_ =	swait.ge @p0 [sflag:s29], $0x50  }
0xa5: {  	[sflag:s29] =	ssyncset.done @p0 $0x0  }
0xa6: {  	s0 =	sadd.s32 $0xFFFFFFFF, s0;
	s1 =	rddreg [dreg:$0x7];
	[sflag:s29] =	ssyncadd.s32 @p0 $0xFFFFFFB0  }
0xa7: {  	[hbm:s1], [sflag:s31] =	dma.local @!p0 [spmem:s7], $0x4E  }
0xa8: {  	p2 =	sne.s32 s0, $0x0;
	_ =	swait.ge @!p0 [sflag:s30], $0x4E  }
.Ltmp1:
0xa9: {  	[sflag:s30] =	ssyncset.done @!p0 $0x0;
	(pc) =	sbr.rel @!p2 .LBB2_3-.Ltmp1, $4  }
0xaa: {  	s1 =	rddreg [dreg:$0x8];
	[sflag:s30] =	ssyncadd.s32 @!p0 $0xFFFFFFB2  }
0xab: {  	[hbm:s1], [sflag:s31] =	dma.local @!p0 [spmem:s6], $0x4E  }
0xac: {  	_ =	swait.ge @!p0 [sflag:s30], $0x4E  }
0xad: {  	p1 =	por $0x1, $0x1;
	s1 =	rddreg [dreg:$0x4];
	[sflag:s30] =	ssyncset.done @!p0 $0x0  }
.LBB2_4:
0xae: {  	[sflag:s30] =	ssyncadd.s32 @!p0 $0xFFFFFFB2  }
0xaf: {  	[tilespmem:s4], [sflag:$0x5] =	stream.linear.gather [hbm4b:s1+s15], $0x400, $0x38;
	[tilespmem:$0x5930] =	vst v63  }
0xb0: {  	_ =	swait.ge [sflag:s23], $0x400  }
0xb1: {  	[sflag:s23] =	ssyncset.done $0x0  }
0xb2: {  	s1 =	rddreg [dreg:$0xd];
	[sflag:s23] =	ssyncadd.s32 $0xFFFFFC00  }
0xb3: {  	[spmem:s1], [sflag:s28] =	dma.local @p0 [hbm:s22], $0x54  }
0xb4: {  	_ =	swait.ge @p0 [sflag:s29], $0x54  }
0xb5: {  	[sflag:s29] =	ssyncset.done @p0 $0x0  }
0xb6: {  	s1 =	rddreg [dreg:$0xe];
	[sflag:s29] =	ssyncadd.s32 @p0 $0xFFFFFFAC  }
0xb7: {  	[spmem:s1], [sflag:s28] =	dma.local @p0 [hbm:s22], $0x54  }
0xb8: {  	_ =	swait.ge @p0 [sflag:s29], $0x54  }
0xb9: {  	[sflag:s29] =	ssyncset.done @p0 $0x0  }
0xba: {  	s1 =	rddreg [dreg:$0xb];
	[sflag:s29] =	ssyncadd.s32 @p0 $0xFFFFFFAC  }
0xbb: {  	[spmem:s1], [sflag:s31] =	dma.local @!p0 [hbm:s22], $0x52  }
0xbc: {  	_ =	swait.ge @!p0 [sflag:s30], $0x52  }
0xbd: {  	[sflag:s30] =	ssyncset.done @!p0 $0x0  }
0xbe: {  	s1 =	rddreg [dreg:$0xc];
	[sflag:s30] =	ssyncadd.s32 @!p0 $0xFFFFFFAE  }
0xbf: {  	[spmem:s1], [sflag:s31] =	dma.local @!p0 [hbm:s22], $0x52  }
0xc0: {  	_ =	swait.ge @!p0 [sflag:s30], $0x52  }
0xc1: {  	[sflag:s30] =	ssyncset.done @!p0 $0x0  }
0xc2: {  	s26 =	rddreg [dreg:$0x5];
	[sflag:s30] =	ssyncadd.s32 @!p0 $0xFFFFFFAE  }
0xc3: {  	[tilespmem:s24], [sflag:$0x5] =	stream.linear.gather [hbm4b:s26+s15], $0x2800, $0x38;
	[tilespmem:$0x5930] =	vst v63  }
0xc4: {  	_ =	swait.ge [sflag:s23], $0x2800  }
0xc5: {  	[sflag:s23] =	ssyncset.done $0x0  }
0xc6: {  	s26 =	rddreg [dreg:$0x6];
	[sflag:s23] =	ssyncadd.s32 $0xFFFFD800  }
0xc7: {  	[tilespmem:s25], [sflag:$0x5] =	stream.linear.gather [hbm4b:s26+s15], $0x2800, $0x38;
	[tilespmem:$0x5930] =	vst v63  }
0xc8: {  	_ =	swait.ge [sflag:s23], $0x2800  }
0xc9: {  	[sflag:s23] =	ssyncset.done $0x0  }
0xca: {  	[sflag:s23] =	ssyncadd.s32 $0xFFFFD800  }
0xcb: {  	[bflag:$0x0] =	sbarrier.arrive $0xFFFF  }
0xcc: {  	[spmem:s2] =	stream.indirect.scatter.add.f32 [tilespmem:s4], [sflag:$0x1], $0x1, s24, s5, $0xb8;
	[tilespmem:$0x5930] =	vst v63  }
0xcd: {  	_ = 	snop  }
0xce: {  	[spmem:s3] =	stream.indirect.scatter.add.f32 [tilespmem:s4], [sflag:$0x3], $0x1, s25, s5, $0xb8;
	[tilespmem:$0x5930] =	vst v63  }
0xcf: {  	_ =	swait.ge [sflag:s11], $0x400  }
0xd0: {  	[sflag:s11] =	ssyncset.done $0x0  }
0xd1: {  	[sflag:s11] =	ssyncadd.s32 $0xFFFFFC00  }
0xd2: {  	_ =	swait.ge [sflag:s12], $0x400  }
0xd3: {  	[sflag:s12] =	ssyncset.done $0x0  }
0xd4: {  	s1 =	rddreg [dreg:$0xf];
	[sflag:s12] =	ssyncadd.s32 $0xFFFFFC00  }
0xd5: {  	[spmem:s2] =	stream.indirect.scatter.add.f32 [tilespmem:s4], [sflag:$0x2], $0x1, s1, s5, $0xb8;
	[tilespmem:$0x5930] =	vst v63  }
0xd6: {  	s26 =	rddreg [dreg:$0x10]  }
0xd7: {  	[spmem:s3] =	stream.indirect.scatter.add.f32 [tilespmem:s4], [sflag:$0x4], $0x1, s26, s5, $0xb8;
	[tilespmem:$0x5930] =	vst v63  }
0xd8: {  	_ =	swait.ge [sflag:s8], $0x400  }
0xd9: {  	[sflag:s8] =	ssyncset.done $0x0  }
0xda: {  	[sflag:s8] =	ssyncadd.s32 $0xFFFFFC00  }
0xdb: {  	_ =	swait.ge [sflag:s9], $0x400  }
0xdc: {  	[sflag:s9] =	ssyncset.done $0x0  }
0xdd: {  	s1 =	rddreg [dreg:$0x11];
	[sflag:s9] =	ssyncadd.s32 $0xFFFFFC00  }
0xde: {  	[spmem:s2] =	stream.indirect.scatter.add.f32 [tilespmem:s4], [sflag:$0x1], $0x1, s1, s5, $0xb8;
	[tilespmem:$0x5930] =	vst v63  }
0xdf: {  	s26 =	rddreg [dreg:$0x12]  }
0xe0: {  	[spmem:s3] =	stream.indirect.scatter.add.f32 [tilespmem:s4], [sflag:$0x3], $0x1, s26, s5, $0xb8;
	[tilespmem:$0x5930] =	vst v63  }
0xe1: {  	_ =	swait.ge [sflag:s11], $0x400  }
0xe2: {  	[sflag:s11] =	ssyncset.done $0x0  }
0xe3: {  	[sflag:s11] =	ssyncadd.s32 $0xFFFFFC00  }
0xe4: {  	_ =	swait.ge [sflag:s12], $0x400  }
0xe5: {  	[sflag:s12] =	ssyncset.done $0x0  }
0xe6: {  	s1 =	rddreg [dreg:$0x13];
	[sflag:s12] =	ssyncadd.s32 $0xFFFFFC00  }
0xe7: {  	[spmem:s2] =	stream.indirect.scatter.add.f32 [tilespmem:s4], [sflag:$0x2], $0x1, s1, s5, $0xb8;
	[tilespmem:$0x5930] =	vst v63  }
0xe8: {  	s26 =	rddreg [dreg:$0x14]  }
0xe9: {  	[spmem:s3] =	stream.indirect.scatter.add.f32 [tilespmem:s4], [sflag:$0x4], $0x1, s26, s5, $0xb8;
	[tilespmem:$0x5930] =	vst v63  }
0xea: {  	_ =	swait.ge [sflag:s8], $0x400  }
0xeb: {  	[sflag:s8] =	ssyncset.done $0x0  }
0xec: {  	[sflag:s8] =	ssyncadd.s32 $0xFFFFFC00  }
0xed: {  	_ =	swait.ge [sflag:s9], $0x400  }
0xee: {  	[sflag:s9] =	ssyncset.done $0x0  }
0xef: {  	s1 =	rddreg [dreg:$0x15];
	[sflag:s9] =	ssyncadd.s32 $0xFFFFFC00  }
0xf0: {  	[spmem:s2] =	stream.indirect.scatter.add.f32 [tilespmem:s4], [sflag:$0x1], $0x1, s1, s5, $0xb8;
	[tilespmem:$0x5930] =	vst v63  }
0xf1: {  	s26 =	rddreg [dreg:$0x16]  }
0xf2: {  	[spmem:s3] =	stream.indirect.scatter.add.f32 [tilespmem:s4], [sflag:$0x3], $0x1, s26, s5, $0xb8;
	[tilespmem:$0x5930] =	vst v63  }
0xf3: {  	_ =	swait.ge [sflag:s11], $0x400  }
0xf4: {  	[sflag:s11] =	ssyncset.done $0x0  }
0xf5: {  	[sflag:s11] =	ssyncadd.s32 $0xFFFFFC00  }
0xf6: {  	_ =	swait.ge [sflag:s12], $0x400  }
0xf7: {  	[sflag:s12] =	ssyncset.done $0x0  }
0xf8: {  	s1 =	rddreg [dreg:$0x17];
	[sflag:s12] =	ssyncadd.s32 $0xFFFFFC00  }
0xf9: {  	[spmem:s2] =	stream.indirect.scatter.add.f32 [tilespmem:s4], [sflag:$0x2], $0x1, s1, s5, $0xb8;
	[tilespmem:$0x5930] =	vst v63  }
0xfa: {  	s26 =	rddreg [dreg:$0x18]  }
0xfb: {  	[spmem:s3] =	stream.indirect.scatter.add.f32 [tilespmem:s4], [sflag:$0x4], $0x1, s26, s5, $0xb8;
	[tilespmem:$0x5930] =	vst v63  }
0xfc: {  	_ =	swait.ge [sflag:s8], $0x400  }
0xfd: {  	[sflag:s8] =	ssyncset.done $0x0  }
0xfe: {  	[sflag:s8] =	ssyncadd.s32 $0xFFFFFC00  }
0xff: {  	_ =	swait.ge [sflag:s9], $0x400  }
0x100: {  	[sflag:s9] =	ssyncset.done $0x0  }
0x101: {  	s26 =	rddreg [dreg:$0x19];
	[sflag:s9] =	ssyncadd.s32 $0xFFFFFC00  }
0x102: {  	[spmem:s2] =	stream.indirect.scatter.add.f32 [tilespmem:s4], [sflag:$0x1], $0x1, s26, s5, $0xb8;
	[tilespmem:$0x5930] =	vst v63  }
0x103: {  	_ = 	snop  }
0x104: {  	[spmem:s3] =	stream.indirect.scatter.add.f32 [tilespmem:s4], [sflag:$0x3], $0x1, s21, s5, $0xb8;
	[tilespmem:$0x5930] =	vst v63  }
0x105: {  	_ =	swait.ge [sflag:s11], $0x400  }
0x106: {  	[sflag:s11] =	ssyncset.done $0x0  }
0x107: {  	[sflag:s11] =	ssyncadd.s32 $0xFFFFFC00  }
0x108: {  	_ =	swait.ge [sflag:s12], $0x400  }
0x109: {  	[sflag:s12] =	ssyncset.done $0x0  }
0x10a: {  	[sflag:s12] =	ssyncadd.s32 $0xFFFFFC00  }
0x10b: {  	[spmem:s2] =	stream.indirect.scatter.add.f32 [tilespmem:s4], [sflag:$0x2], $0x1, s19, s5, $0xb8;
	[tilespmem:$0x5930] =	vst v63  }
0x10c: {  	_ = 	snop  }
0x10d: {  	[spmem:s3] =	stream.indirect.scatter.add.f32 [tilespmem:s4], [sflag:$0x4], $0x1, s20, s5, $0xb8;
	[tilespmem:$0x5930] =	vst v63  }
0x10e: {  	_ =	swait.ge [sflag:s8], $0x400  }
0x10f: {  	[sflag:s8] =	ssyncset.done $0x0  }
0x110: {  	[sflag:s8] =	ssyncadd.s32 $0xFFFFFC00  }
0x111: {  	_ =	swait.ge [sflag:s9], $0x400  }
0x112: {  	[sflag:s9] =	ssyncset.done $0x0  }
0x113: {  	[sflag:s9] =	ssyncadd.s32 $0xFFFFFC00  }
0x114: {  	[spmem:s2] =	stream.indirect.scatter.add.f32 [tilespmem:s4], [sflag:$0x1], $0x1, s16, s5, $0xb8;
	[tilespmem:$0x5930] =	vst v63  }
0x115: {  	_ = 	snop  }
0x116: {  	[spmem:s3] =	stream.indirect.scatter.add.f32 [tilespmem:s4], [sflag:$0x3], $0x1, s17, s5, $0xb8;
	[tilespmem:$0x5930] =	vst v63  }
0x117: {  	_ =	swait.ge [sflag:s11], $0x400  }
0x118: {  	[sflag:s11] =	ssyncset.done $0x0  }
0x119: {  	[sflag:s11] =	ssyncadd.s32 $0xFFFFFC00  }
0x11a: {  	_ =	swait.ge [sflag:s12], $0x400  }
0x11b: {  	[sflag:s12] =	ssyncset.done $0x0  }
0x11c: {  	[sflag:s12] =	ssyncadd.s32 $0xFFFFFC00  }
0x11d: {  	[spmem:s2] =	stream.indirect.scatter.add.f32 [tilespmem:s4], [sflag:$0x2], $0x1, s14, s5, $0xb8;
	[tilespmem:$0x5930] =	vst v63  }
0x11e: {  	_ = 	snop  }
0x11f: {  	[spmem:s3] =	stream.indirect.scatter.add.f32 [tilespmem:s4], [sflag:$0x4], $0x1, s18, s5, $0xb8;
	[tilespmem:$0x5930] =	vst v63  }
0x120: {  	_ =	swait.ge [sflag:s8], $0x400  }
0x121: {  	[sflag:s8] =	ssyncset.done $0x0  }
0x122: {  	[sflag:s8] =	ssyncadd.s32 $0xFFFFFC00  }
0x123: {  	_ =	swait.ge [sflag:s9], $0x400  }
0x124: {  	[sflag:s9] =	ssyncset.done $0x0  }
0x125: {  	[sflag:s9] =	ssyncadd.s32 $0xFFFFFC00  }
0x126: {  	[bflag:$0x0] =	sbarrier.arrive $0xFFFF  }
0x127: {  	s1 =	rddreg [dreg:$0x9]  }
0x128: {  	[hbm:s1], [sflag:s28] =	dma.local @p0 [spmem:s13], $0x50  }
0x129: {  	_ =	swait.ge @p0 [sflag:s29], $0x50  }
0x12a: {  	[sflag:s29] =	ssyncset.done @p0 $0x0  }
0x12b: {  	s1 =	rddreg [dreg:$0xa];
	[sflag:s29] =	ssyncadd.s32 @p0 $0xFFFFFFB0  }
0x12c: {  	[hbm:s1], [sflag:s28] =	dma.local @p0 [spmem:s10], $0x50  }
0x12d: {  	_ =	swait.ge @p0 [sflag:s29], $0x50  }
0x12e: {  	[sflag:s29] =	ssyncset.done @p0 $0x0  }
0x12f: {  	s0 =	sadd.s32 $0xFFFFFFFF, s0;
	s1 =	rddreg [dreg:$0x7];
	[sflag:s29] =	ssyncadd.s32 @p0 $0xFFFFFFB0  }
0x130: {  	[hbm:s1], [sflag:s31] =	dma.local @!p0 [spmem:s7], $0x4E  }
0x131: {  	p2 =	sne.s32 s0, $0x0;
	_ =	swait.ge @!p0 [sflag:s30], $0x4E  }
.Ltmp2:
0x132: {  	[sflag:s30] =	ssyncset.done @!p0 $0x0;
	(pc) =	sbr.rel @p2 .LBB2_4-.Ltmp2, $4  }
0x133: {  	s1 =	rddreg [dreg:$0x8];
	[sflag:s30] =	ssyncadd.s32 @!p0 $0xFFFFFFB2  }
0x134: {  	[hbm:s1], [sflag:s31] =	dma.local @!p0 [spmem:s6], $0x4E  }
0x135: {  	_ =	swait.ge @!p0 [sflag:s30], $0x4E  }
0x136: {  	s1 =	rddreg [dreg:$0x4];
	[sflag:s30] =	ssyncset.done @!p0 $0x0  }
0x137: {  	s31 =	rddreg [dreg:$0x3]  }
0x138: {  	s26 =	rddreg [dreg:$0x1a]  }
.LBB2_6:
0x139: {  	p1 =	por p0, !p1  }
0x13a: {  	[sflag:s30] =	ssyncadd.s32 @!p1 $0xFFFFFFB2  }
0x13b: {  	[tilespmem:s4], [sflag:$0x5] =	stream.linear.gather [hbm4b:s1+s15], $0x400, $0x38;
	[tilespmem:$0x5930] =	vst v63  }
0x13c: {  	_ =	swait.ge [sflag:s23], $0x400  }
0x13d: {  	[sflag:s23] =	ssyncset.done $0x0  }
0x13e: {  	s28 =	simm.s32 @p0 $0x1FC5;
	s0 =	rddreg [dreg:$0xd];
	[sflag:s23] =	ssyncadd.s32 $0xFFFFFC00  }
0x13f: {  	[spmem:s0], [sflag:s28] =	dma.local @p0 [hbm:s22], $0x54  }
0x140: {  	s0 =	simm.s32 @p0 $0x5  }
0x141: {  	_ =	swait.ge @p0 [sflag:s0], $0x54  }
0x142: {  	[sflag:s0] =	ssyncset.done @p0 $0x0  }
0x143: {  	s1 =	rddreg [dreg:$0xe];
	[sflag:s0] =	ssyncadd.s32 @p0 $0xFFFFFFAC  }
0x144: {  	[spmem:s1], [sflag:s28] =	dma.local @p0 [hbm:s22], $0x54  }
0x145: {  	_ =	swait.ge @p0 [sflag:s0], $0x54  }
0x146: {  	s29 =	sor.u32 @!p0 $0x1C05, s26;
	[sflag:s0] =	ssyncset.done @p0 $0x0  }
0x147: {  	s26 =	simm.s32 @!p0 $0x5;
	s1 =	rddreg [dreg:$0xb];
	[sflag:s0] =	ssyncadd.s32 @p0 $0xFFFFFFAC  }
0x148: {  	[spmem:s1], [sflag:s29] =	dma.local @!p0 [hbm:s22], $0x52  }
0x149: {  	_ =	swait.ge @!p0 [sflag:s26], $0x52  }
0x14a: {  	[sflag:s26] =	ssyncset.done @!p0 $0x0  }
0x14b: {  	s1 =	rddreg [dreg:$0xc];
	[sflag:s26] =	ssyncadd.s32 @!p0 $0xFFFFFFAE  }
0x14c: {  	[spmem:s1], [sflag:s29] =	dma.local @!p0 [hbm:s22], $0x52  }
0x14d: {  	_ =	swait.ge @!p0 [sflag:s26], $0x52  }
0x14e: {  	[sflag:s26] =	ssyncset.done @!p0 $0x0  }
0x14f: {  	s22 =	rddreg [dreg:$0x5];
	[sflag:s26] =	ssyncadd.s32 @!p0 $0xFFFFFFAE  }
0x150: {  	[tilespmem:s24], [sflag:$0x5] =	stream.linear.gather [hbm4b:s22+s15], $0x2800, $0x38;
	[tilespmem:$0x5930] =	vst v63  }
0x151: {  	_ =	swait.ge [sflag:s23], $0x2800  }
0x152: {  	[sflag:s23] =	ssyncset.done $0x0  }
0x153: {  	s30 =	rddreg [dreg:$0x6];
	[sflag:s23] =	ssyncadd.s32 $0xFFFFD800  }
0x154: {  	[tilespmem:s25], [sflag:$0x5] =	stream.linear.gather [hbm4b:s30+s15], $0x2800, $0x38;
	[tilespmem:$0x5930] =	vst v63  }
0x155: {  	_ =	swait.ge [sflag:s23], $0x2800  }
0x156: {  	[sflag:s23] =	ssyncset.done $0x0  }
0x157: {  	[sflag:s23] =	ssyncadd.s32 $0xFFFFD800  }
0x158: {  	[bflag:$0x0] =	sbarrier.arrive $0xFFFF  }
0x159: {  	[spmem:s2] =	stream.indirect.scatter.add.f32 [tilespmem:s4], [sflag:$0x1], $0x1, s24, s5, $0xb8;
	[tilespmem:$0x5930] =	vst v63  }
0x15a: {  	_ = 	snop  }
0x15b: {  	[spmem:s3] =	stream.indirect.scatter.add.f32 [tilespmem:s4], [sflag:$0x3], $0x1, s25, s5, $0xb8;
	[tilespmem:$0x5930] =	vst v63  }
0x15c: {  	_ =	swait.ge [sflag:s11], $0x400  }
0x15d: {  	[sflag:s11] =	ssyncset.done $0x0  }
0x15e: {  	[sflag:s11] =	ssyncadd.s32 $0xFFFFFC00  }
0x15f: {  	_ =	swait.ge [sflag:s12], $0x400  }
0x160: {  	[sflag:s12] =	ssyncset.done $0x0  }
0x161: {  	s15 =	rddreg [dreg:$0xf];
	[sflag:s12] =	ssyncadd.s32 $0xFFFFFC00  }
0x162: {  	[spmem:s2] =	stream.indirect.scatter.add.f32 [tilespmem:s4], [sflag:$0x2], $0x1, s15, s5, $0xb8;
	[tilespmem:$0x5930] =	vst v63  }
0x163: {  	s22 =	rddreg [dreg:$0x10]  }
0x164: {  	[spmem:s3] =	stream.indirect.scatter.add.f32 [tilespmem:s4], [sflag:$0x4], $0x1, s22, s5, $0xb8;
	[tilespmem:$0x5930] =	vst v63  }
0x165: {  	_ =	swait.ge [sflag:s8], $0x400  }
0x166: {  	[sflag:s8] =	ssyncset.done $0x0  }
0x167: {  	[sflag:s8] =	ssyncadd.s32 $0xFFFFFC00  }
0x168: {  	_ =	swait.ge [sflag:s9], $0x400  }
0x169: {  	[sflag:s9] =	ssyncset.done $0x0  }
0x16a: {  	s23 =	rddreg [dreg:$0x11];
	[sflag:s9] =	ssyncadd.s32 $0xFFFFFC00  }
0x16b: {  	[spmem:s2] =	stream.indirect.scatter.add.f32 [tilespmem:s4], [sflag:$0x1], $0x1, s23, s5, $0xb8;
	[tilespmem:$0x5930] =	vst v63  }
0x16c: {  	s24 =	rddreg [dreg:$0x12]  }
0x16d: {  	[spmem:s3] =	stream.indirect.scatter.add.f32 [tilespmem:s4], [sflag:$0x3], $0x1, s24, s5, $0xb8;
	[tilespmem:$0x5930] =	vst v63  }
0x16e: {  	_ =	swait.ge [sflag:s11], $0x400  }
0x16f: {  	[sflag:s11] =	ssyncset.done $0x0  }
0x170: {  	[sflag:s11] =	ssyncadd.s32 $0xFFFFFC00  }
0x171: {  	_ =	swait.ge [sflag:s12], $0x400  }
0x172: {  	[sflag:s12] =	ssyncset.done $0x0  }
0x173: {  	s25 =	rddreg [dreg:$0x13];
	[sflag:s12] =	ssyncadd.s32 $0xFFFFFC00  }
0x174: {  	[spmem:s2] =	stream.indirect.scatter.add.f32 [tilespmem:s4], [sflag:$0x2], $0x1, s25, s5, $0xb8;
	[tilespmem:$0x5930] =	vst v63  }
0x175: {  	s30 =	rddreg [dreg:$0x14]  }
0x176: {  	[spmem:s3] =	stream.indirect.scatter.add.f32 [tilespmem:s4], [sflag:$0x4], $0x1, s30, s5, $0xb8;
	[tilespmem:$0x5930] =	vst v63  }
0x177: {  	_ =	swait.ge [sflag:s8], $0x400  }
0x178: {  	[sflag:s8] =	ssyncset.done $0x0  }
0x179: {  	[sflag:s8] =	ssyncadd.s32 $0xFFFFFC00  }
0x17a: {  	_ =	swait.ge [sflag:s9], $0x400  }
0x17b: {  	[sflag:s9] =	ssyncset.done $0x0  }
0x17c: {  	s15 =	rddreg [dreg:$0x15];
	[sflag:s9] =	ssyncadd.s32 $0xFFFFFC00  }
0x17d: {  	[spmem:s2] =	stream.indirect.scatter.add.f32 [tilespmem:s4], [sflag:$0x1], $0x1, s15, s5, $0xb8;
	[tilespmem:$0x5930] =	vst v63  }
0x17e: {  	s22 =	rddreg [dreg:$0x16]  }
0x17f: {  	[spmem:s3] =	stream.indirect.scatter.add.f32 [tilespmem:s4], [sflag:$0x3], $0x1, s22, s5, $0xb8;
	[tilespmem:$0x5930] =	vst v63  }
0x180: {  	_ =	swait.ge [sflag:s11], $0x400  }
0x181: {  	[sflag:s11] =	ssyncset.done $0x0  }
0x182: {  	[sflag:s11] =	ssyncadd.s32 $0xFFFFFC00  }
0x183: {  	_ =	swait.ge [sflag:s12], $0x400  }
0x184: {  	[sflag:s12] =	ssyncset.done $0x0  }
0x185: {  	s23 =	rddreg [dreg:$0x17];
	[sflag:s12] =	ssyncadd.s32 $0xFFFFFC00  }
0x186: {  	[spmem:s2] =	stream.indirect.scatter.add.f32 [tilespmem:s4], [sflag:$0x2], $0x1, s23, s5, $0xb8;
	[tilespmem:$0x5930] =	vst v63  }
0x187: {  	s24 =	rddreg [dreg:$0x18]  }
0x188: {  	[spmem:s3] =	stream.indirect.scatter.add.f32 [tilespmem:s4], [sflag:$0x4], $0x1, s24, s5, $0xb8;
	[tilespmem:$0x5930] =	vst v63  }
0x189: {  	_ =	swait.ge [sflag:s8], $0x400  }
0x18a: {  	[sflag:s8] =	ssyncset.done $0x0  }
0x18b: {  	[sflag:s8] =	ssyncadd.s32 $0xFFFFFC00  }
0x18c: {  	_ =	swait.ge [sflag:s9], $0x400  }
0x18d: {  	[sflag:s9] =	ssyncset.done $0x0  }
0x18e: {  	s25 =	rddreg [dreg:$0x19];
	[sflag:s9] =	ssyncadd.s32 $0xFFFFFC00  }
0x18f: {  	[spmem:s2] =	stream.indirect.scatter.add.f32 [tilespmem:s4], [sflag:$0x1], $0x1, s25, s5, $0xb8;
	[tilespmem:$0x5930] =	vst v63  }
0x190: {  	_ = 	snop  }
0x191: {  	[spmem:s3] =	stream.indirect.scatter.add.f32 [tilespmem:s4], [sflag:$0x3], $0x1, s21, s5, $0xb8;
	[tilespmem:$0x5930] =	vst v63  }
0x192: {  	_ =	swait.ge [sflag:s11], $0x400  }
0x193: {  	[sflag:s11] =	ssyncset.done $0x0  }
0x194: {  	[sflag:s11] =	ssyncadd.s32 $0xFFFFFC00  }
0x195: {  	_ =	swait.ge [sflag:s12], $0x400  }
0x196: {  	[sflag:s12] =	ssyncset.done $0x0  }
0x197: {  	[sflag:s12] =	ssyncadd.s32 $0xFFFFFC00  }
0x198: {  	[spmem:s2] =	stream.indirect.scatter.add.f32 [tilespmem:s4], [sflag:$0x2], $0x1, s19, s5, $0xb8;
	[tilespmem:$0x5930] =	vst v63  }
0x199: {  	_ = 	snop  }
0x19a: {  	[spmem:s3] =	stream.indirect.scatter.add.f32 [tilespmem:s4], [sflag:$0x4], $0x1, s20, s5, $0xb8;
	[tilespmem:$0x5930] =	vst v63  }
0x19b: {  	_ =	swait.ge [sflag:s8], $0x400  }
0x19c: {  	[sflag:s8] =	ssyncset.done $0x0  }
0x19d: {  	[sflag:s8] =	ssyncadd.s32 $0xFFFFFC00  }
0x19e: {  	_ =	swait.ge [sflag:s9], $0x400  }
0x19f: {  	[sflag:s9] =	ssyncset.done $0x0  }
0x1a0: {  	[sflag:s9] =	ssyncadd.s32 $0xFFFFFC00  }
0x1a1: {  	[spmem:s2] =	stream.indirect.scatter.add.f32 [tilespmem:s4], [sflag:$0x1], $0x1, s16, s5, $0xb8;
	[tilespmem:$0x5930] =	vst v63  }
0x1a2: {  	_ = 	snop  }
0x1a3: {  	[spmem:s3] =	stream.indirect.scatter.add.f32 [tilespmem:s4], [sflag:$0x3], $0x1, s17, s5, $0xb8;
	[tilespmem:$0x5930] =	vst v63  }
0x1a4: {  	_ =	swait.ge [sflag:s11], $0x400  }
0x1a5: {  	[sflag:s11] =	ssyncset.done $0x0  }
0x1a6: {  	[sflag:s11] =	ssyncadd.s32 $0xFFFFFC00  }
0x1a7: {  	_ =	swait.ge [sflag:s12], $0x400  }
0x1a8: {  	[sflag:s12] =	ssyncset.done $0x0  }
0x1a9: {  	[sflag:s12] =	ssyncadd.s32 $0xFFFFFC00  }
0x1aa: {  	[spmem:s2] =	stream.indirect.scatter.add.f32 [tilespmem:s4], [sflag:$0x2], $0x1, s14, s5, $0xb8;
	[tilespmem:$0x5930] =	vst v63  }
0x1ab: {  	_ = 	snop  }
0x1ac: {  	[spmem:s3] =	stream.indirect.scatter.add.f32 [tilespmem:s4], [sflag:$0x4], $0x1, s18, s5, $0xb8;
	[tilespmem:$0x5930] =	vst v63  }
0x1ad: {  	_ =	swait.ge [sflag:s8], $0x400  }
0x1ae: {  	[sflag:s8] =	ssyncset.done $0x0  }
0x1af: {  	[sflag:s8] =	ssyncadd.s32 $0xFFFFFC00  }
0x1b0: {  	_ =	swait.ge [sflag:s9], $0x400  }
0x1b1: {  	[sflag:s9] =	ssyncset.done $0x0  }
0x1b2: {  	[sflag:s9] =	ssyncadd.s32 $0xFFFFFC00  }
0x1b3: {  	[bflag:$0x0] =	sbarrier.arrive $0xFFFF  }
0x1b4: {  	s1 =	rddreg [dreg:$0x9]  }
0x1b5: {  	[hbm:s1], [sflag:s28] =	dma.local @p0 [spmem:s13], $0x50  }
0x1b6: {  	_ =	swait.ge @p0 [sflag:s0], $0x50  }
0x1b7: {  	[sflag:s0] =	ssyncset.done @p0 $0x0  }
0x1b8: {  	s1 =	rddreg [dreg:$0xa];
	[sflag:s0] =	ssyncadd.s32 @p0 $0xFFFFFFB0  }
0x1b9: {  	[hbm:s1], [sflag:s28] =	dma.local @p0 [spmem:s10], $0x50  }
0x1ba: {  	_ =	swait.ge @p0 [sflag:s0], $0x50  }
0x1bb: {  	[sflag:s0] =	ssyncset.done @p0 $0x0  }
0x1bc: {  	s1 =	rddreg [dreg:$0x7];
	[sflag:s0] =	ssyncadd.s32 @p0 $0xFFFFFFB0  }
0x1bd: {  	[hbm:s1], [sflag:s29] =	dma.local @!p0 [spmem:s7], $0x4E  }
0x1be: {  	_ =	swait.ge @!p0 [sflag:s26], $0x4E  }
0x1bf: {  	[sflag:s26] =	ssyncset.done @!p0 $0x0  }
0x1c0: {  	s0 =	rddreg [dreg:$0x8];
	[sflag:s26] =	ssyncadd.s32 @!p0 $0xFFFFFFB2  }
0x1c1: {  	[hbm:s0], [sflag:s29] =	dma.local @!p0 [spmem:s6], $0x4E  }
0x1c2: {  	_ =	swait.ge @!p0 [sflag:s26], $0x4E  }
0x1c3: {  	[sflag:s26] =	ssyncset.done @!p0 $0x0  }
0x1c4: {  	[sflag:s26] =	ssyncadd.s32 @!p0 $0xFFFFFFB2  }
0x1c5: {  	_ =	sfence.sel $0x180000  }
0x1c6: {  	s30 =	stileid.u32;
	[bflag:$0x0] =	sbarrier.arrive $0xFFFF  }
0x1c7: {  	p0 =	sne.s32 s30, $0x0;
	_ =	strace $0x90000047  }
0x1c8: {  	s0 =	sadd.s32 @!p0 $0x100000, s31;
	[bflag:$0x2] =	sbarrier.arrive $0xFFFF  }
0x1c9: {  	[sflag:s0] =	ssyncadd.tile.s32 @!p0 $0x1;
	_ =	shalt  }
.LBB2_1:
.Ltmp3:
0x1ca: {  	(pc) =	sbr.rel .LBB2_6-.Ltmp3, $2  }
0x1cb: {  	_ =	sdelay $0x2  }
0x1cc: {  	_ = 	snop  }
.LBB2_3:
.Ltmp4:
0x1cd: {  	(pc) =	sbr.rel .LBB2_6-.Ltmp4, $3  }
0x1ce: {  	_ =	sdelay $0x1  }
0x1cf: {  	s31 =	rddreg [dreg:$0x3]  }
0x1d0: {  	s26 =	rddreg [dreg:$0x1a]  }
.Lfunc_end2:
_tile_overlayer_lowered:
.L_overlay_start_2:
0x1d1: {  	(tag) =	ssettag $0x2  }
0x1d2: {  	s0 =	rddreg [dreg:$0x0];
	s2 =	stileid.u32  }
0x1d3: {  	s1 =	rddreg [dreg:$0x1];
	p0 =	sne.s32 s2, $0x0  }
0x1d4: {  	s3 =	rddreg [dreg:$0x2];
	[bflag:$0x3] =	sbarrier.arrive $0xFFFF;
	s2 =	simm.s32 @!p0 $0x1C05  }
0x1d5: {  	[timem:s3], [sflag:s2] =	dma.local @!p0 [hbm:s0], s1  }
0x1d6: {  	s0 =	simm.s32 @!p0 $0x5  }
0x1d7: {  	_ =	swait.ge @!p0 [sflag:s0], s1  }
0x1d8: {  	s1 =	ssub.s32 @!p0 $0x0, s1;
	[sflag:s0] =	ssyncset.done @!p0 $0x0  }
0x1d9: {  	[sflag:s0] =	ssyncadd.s32 @!p0 s1  }
0x1da: {  	[bflag:$0x3] =	sbarrier.arrive $0xFFFF  }
0x1db: {  	_ =	shalt  }

// kernel: kernel.15.cloned.1.call-start
scs
__scs_entry_jumppad:
0x0: {  	(pc) =	sbr.rel $0x88, $3  }
0x1: {  	(tag) =	ssettag $0x0;
	lr =	simm.s32 $0x1  }
0x2: {  	[smem:$0x3F90] =	sst lr;
	_ =	strace $0xD0000000  }
0x3: {  	_ = 	snop  }
0x4: {  	_ = 	snop  }
0x5: {  	_ = 	snop  }
0x6: {  	_ = 	snop  }
0x7: {  	_ = 	snop  }
__scs_overlays_trampoline_lowered:
0x8: {  	[smem:$0x3F9F] =	sst s0  }
0x9: {  	[smem:$0x3FA0] =	sst s1  }
0xa: {  	[smem:$0x3FA1] =	sst s2  }
0xb: {  	[smem:$0x3FA2] =	sst s3  }
0xc: {  	[smem:$0x3FA3] =	sst s4  }
0xd: {  	[smem:$0x3FA4] =	sst s5  }
0xe: {  	[smem:$0x3FA5] =	sst s6  }
0xf: {  	[smem:$0x3FA6] =	sst s7  }
0x10: {  	[smem:$0x3FA7] =	sst s8  }
0x11: {  	[smem:$0x3FA8] =	sst s9;
	s0 =	simm.s32 @!p0 $0x0  }
0x12: {  	s1 =	sld [smem:$0x3F8E];
	s0 =	simm.s32 @p0 $0x1  }
0x13: {  	[smem:$0x3FA9] =	sst s0;
	s0 =	simm.s32 @!p1 $0x0  }
0x14: {  	s2 =	sld [smem:$0x3F8D];
	s0 =	simm.s32 @p1 $0x1  }
0x15: {  	[smem:$0x3FAA] =	sst s0;
	s0 =	simm.s32 @!p2 $0x0  }
0x16: {  	s3 =	sld [smem:$0x3FDB];
	s0 =	simm.s32 @p2 $0x1  }
0x17: {  	s4 =	simm.s32 $0x1BF5;
	[smem:$0x3FAC] =	sst s0  }
0x18: {  	s0 =	sld [smem:$0x3F8F];
	_ =	swait.ge [sflag:s4], $0x0  }
0x19: {  	s7 =	sld [smem:$0x3F90]  }
0x1a: {  	s8 =	sadd.s32 $0xFFFFE003, lr  }
0x1b: {  	s9 =	sadd.s32 $0xFFFFFEF7, lr;
	s5 =	simm.s32 $0xFFFFFFFF;
	p2 =	slt.u32 s8, $0xFFFFF086  }
0x1c: {  	p1 =	slt.u32 s9, $0xF7A;
	s5 =	simm.s32 @!p2 $0x0  }
0x1d: {  	s5 =	simm.s32 @p1 $0x1;
	p0 =	seq.s32 s7, s2  }
0x1e: {  	s7 =	smul.u32 @!p0 $0xF7A, s2;
	p2 =	seq.s32 @!p0 s5, $0x0  }
0x1f: {  	s9 =	smul.u32 $0xF7A, s1;
	s8 =	simm.s32 @!p0 $0x1BF5;
	p2 =	por !p2, p0  }
0x20: {  	[sflag:s8] =	ssyncset.s32 @!p0 $0xFFFFF086;
	s6 =	sadd.s32 @!p0 s3, s7;
	s7 =	simm.s32 @!p0 $0x108  }
0x21: {  	s3 =	sadd.s32 s3, s9;
	s6 =	sadd.s32 @!p0 $0x88, s6;
	s7 =	simm.s32 @p2 $0x1082  }
0x22: {  	[simem:s7], [sflag:s8] =	dma.local @!p0 [hbm:s6], $0xF7A  }
0x23: {  	s9 =	sor.u32 $0xD0000000, s2;
	s6 =	simm.s32 $0x108;
	_ =	swait.ge @!p0 [sflag:s8], $0x0  }
0x24: {  	s3 =	sadd.s32 $0x88, s3;
	s6 =	simm.s32 @!p1 $0x1082;
	[sflag:s4] =	ssyncset.s32 $0xFFFFF086  }
0x25: {  	[simem:s6], [sflag:s4] =	dma.local [hbm:s3], $0xF7A  }
0x26: {  	[smem:$0x3F90] =	sst s1;
	(tag) =	ssettag s2;
	_ =	strace s9  }
0x27: {  	s1 =	sld [smem:$0x3FA0]  }
0x28: {  	s2 =	sld [smem:$0x3FA1]  }
0x29: {  	s4 =	sld [smem:$0x3FA3]  }
0x2a: {  	p0 =	seq.s32 s5, $0x0;
	s5 =	sld [smem:$0x3FA4]  }
0x2b: {  	s6 =	sld [smem:$0x3FA5]  }
0x2c: {  	s7 =	sld [smem:$0x3FA6]  }
0x2d: {  	s3 =	simm.s32 $0x108;
	s8 =	sld [smem:$0x3FA7]  }
0x2e: {  	s3 =	simm.s32 @!p0 $0x1082;
	s9 =	sld [smem:$0x3FA8]  }
0x2f: {  	lr =	sadd.s32 s0, s3;
	s0 =	sld [smem:$0x3F9F]  }
0x30: {  	s3 =	sld [smem:$0x3FA2]  }
0x31: {  	[smem:$0x3FAB] =	sst s10  }
0x32: {  	s10 =	sld [smem:$0x3FA9];
	_ =	sdelay $0x3  }
0x33: {  	p0 =	seq.s32 s10, $0x1;
	s10 =	sld [smem:$0x3FAB];
	_ =	sdelay $0x3  }
0x34: {  	[smem:$0x3FAB] =	sst s10  }
0x35: {  	s10 =	sld [smem:$0x3FAA];
	_ =	sdelay $0x3  }
0x36: {  	p1 =	seq.s32 s10, $0x1;
	s10 =	sld [smem:$0x3FAB];
	_ =	sdelay $0x3  }
0x37: {  	[smem:$0x3FAB] =	sst s10  }
0x38: {  	s10 =	sld [smem:$0x3FAC]  }
0x39: {  	_ = 	snop;
	(pc) =	sbr.ind lr, $3  }
0x3a: {  	_ = 	snop  }
0x3b: {  	_ = 	snop  }
0x3c: {  	p2 =	seq.s32 s10, $0x1;
	s10 =	sld [smem:$0x3FAB]  }
0x3d: {  	_ =	shalt  }
0x3e: {  	_ =	shalt  }
0x3f: {  	_ =	shalt  }
0x40: {  	_ =	shalt  }
0x41: {  	_ =	shalt  }
0x42: {  	_ =	shalt  }
0x43: {  	_ =	shalt  }
0x44: {  	_ =	shalt  }
0x45: {  	_ =	shalt  }
0x46: {  	_ =	shalt  }
0x47: {  	_ =	shalt  }
0x48: {  	_ =	shalt  }
0x49: {  	_ =	shalt  }
0x4a: {  	_ =	shalt  }
0x4b: {  	_ =	shalt  }
0x4c: {  	_ =	shalt  }
0x4d: {  	_ =	shalt  }
0x4e: {  	_ =	shalt  }
0x4f: {  	_ =	shalt  }
0x50: {  	_ =	shalt  }
0x51: {  	_ =	shalt  }
0x52: {  	_ =	shalt  }
0x53: {  	_ =	shalt  }
0x54: {  	_ =	shalt  }
0x55: {  	_ =	shalt  }
0x56: {  	_ =	shalt  }
0x57: {  	_ =	shalt  }
0x58: {  	_ =	shalt  }
0x59: {  	_ =	shalt  }
0x5a: {  	_ =	shalt  }
0x5b: {  	_ =	shalt  }
0x5c: {  	_ =	shalt  }
0x5d: {  	_ =	shalt  }
0x5e: {  	_ =	shalt  }
0x5f: {  	_ =	shalt  }
0x60: {  	_ =	shalt  }
0x61: {  	_ =	shalt  }
0x62: {  	_ =	shalt  }
0x63: {  	_ =	shalt  }
0x64: {  	_ =	shalt  }
0x65: {  	_ =	shalt  }
0x66: {  	_ =	shalt  }
0x67: {  	_ =	shalt  }
0x68: {  	_ =	shalt  }
0x69: {  	_ =	shalt  }
0x6a: {  	_ =	shalt  }
0x6b: {  	_ =	shalt  }
0x6c: {  	_ =	shalt  }
0x6d: {  	_ =	shalt  }
0x6e: {  	_ =	shalt  }
0x6f: {  	_ =	shalt  }
0x70: {  	_ =	shalt  }
0x71: {  	_ =	shalt  }
0x72: {  	_ =	shalt  }
0x73: {  	_ =	shalt  }
0x74: {  	_ =	shalt  }
0x75: {  	_ =	shalt  }
0x76: {  	_ =	shalt  }
0x77: {  	_ =	shalt  }
0x78: {  	_ =	shalt  }
0x79: {  	_ =	shalt  }
0x7a: {  	_ =	shalt  }
0x7b: {  	_ =	shalt  }
0x7c: {  	_ =	shalt  }
0x7d: {  	_ =	shalt  }
0x7e: {  	_ =	shalt  }
0x7f: {  	_ =	shalt  }
0x80: {  	_ =	shalt  }
0x81: {  	_ =	shalt  }
0x82: {  	_ =	shalt  }
0x83: {  	_ =	shalt  }
0x84: {  	_ =	shalt  }
0x85: {  	_ =	shalt  }
0x86: {  	_ =	shalt  }
0x87: {  	_ =	shalt  }
.Lfunc_end0:
.L_simem_size_0:
called_computation.1_lowered:
.L_overlay_start_0:
0x88: {  	s2 =	sld [smem:$0x3FD9]  }
0x89: {  	s3 =	sld [smem:$0x3FFE];
	_ =	sdelay $0x1  }
0x8a: {  	s1 =	srdreg.scid  }
0x8b: {  	s0 =	sand.u32 $0x1, s1  }
0x8c: {  	s16 =	sshll.u32 s0, $0xA;
	s2 =	sadd.s32 s3, s2  }
0x8d: {  	s2 =	sadd.s32 s2, s16  }
0x8e: {  	[smem:$0x3FB7] =	sst s2  }
0x8f: {  	_ = 	snop  }
0x90: {  	(tm) =	ssettm $0x1  }
0x91: {  	s17 =	sld [smem:$0x3FFB];
	_ =	sdelay $0x3  }
0x92: {  	_ =	strace s17  }
0x93: {  	s2 =	sld [smem:$0x3FFC];
	_ =	sdelay $0x3  }
0x94: {  	_ =	strace s2  }
0x95: {  	s2 =	sld [smem:$0x3FFD];
	_ =	sdelay $0x3  }
0x96: {  	_ =	strace s2  }
0x97: {  	_ =	strace $0x8FFFFFFF  }
0x98: {  	s18 =	sld [smem:$0x3FDB];
	_ =	sdelay $0x1  }
0x99: {  	s19 =	simm.s32 $_scs_section_size  }
0x9a: {  	s4 =	simm.s32 $_size__tile_overlayer_lowered;
	s5 =	simm.s32 $_tile_overlayer_lowered  }
0x9b: {  	s22 =	simm.s32 $0x1BFF;
	s21 =	sshll.u32 s5, $0x1;
	s2 =	sadd.s32 s19, s18  }
0x9c: {  	s6 =	simm.s32 $0x0;
	s20 =	sshll.u32 s4, $0x1;
	s4 =	sadd.s32 s21, s2  }
0x9d: {  	[timem:s6], [sflag:s22] =	dma.local [hbm:s4], s20  }
0x9e: {  	_ =	swait.ge [sflag:s22], s20  }
0x9f: {  	s3 =	ssub.s32 $0x0, s20;
	[sflag:s22] =	ssyncset.done $0x0  }
0xa0: {  	[sflag:s22] =	ssyncadd.s32 s3;
	_ =	sdelay $0x1  }
0xa1: {  	s23 =	simm.s32 $0x1B8B  }
0xa2: {  	_ =	swait.ge [sflag:s23], $0x1  }
0xa3: {  	[sflag:s23] =	ssyncset.done $0x0  }
0xa4: {  	s25 =	simm.s32 $0x1B8E;
	s24 =	sld [smem:$0x3FFE];
	[sflag:s23] =	ssyncadd.s32 $0xFFFFFFFF  }
0xa5: {  	s26 =	simm.s32 $execute0_lowered;
	[smem:$0x3FD2] =	sst s25  }
0xa6: {  	s4 =	sshll.u32 s26, $0x1;
	_ =	strace $0x80000049;
	[dreg:$0x1] =	wrdreg $0xFFFFFFFF  }
0xa7: {  	s28 =	simm.s32 $_size_execute0_lowered;
	s2 =	sadd.s32 s2, s4;
	[dreg:$0x0] =	wrdreg $0x0  }
0xa8: {  	s4 =	sshll.u32 s28, $0x1;
	[dreg:$0x2] =	wrdreg s2  }
0xa9: {  	[dreg:$0x3] =	wrdreg s4  }
0xaa: {  	[dreg:$0x4] =	wrdreg $0xC0  }
0xab: {  	_ =	task [dreg:s6], $0x5FFFF  }
0xac: {  	[dreg:$0x1] =	wrdreg $0xFFFFFFFF  }
0xad: {  	[dreg:$0x0] =	wrdreg $0x60  }
0xae: {  	[dreg:$0x2] =	wrdreg s24  }
0xaf: {  	[dreg:$0x3] =	wrdreg $0x0  }
0xb0: {  	[dreg:$0x4] =	wrdreg $0x9  }
0xb1: {  	_ =	task.clear_ibuf [dreg:s6], $0x5FFFF;
	_ =	strace $0x90000049  }
0xb2: {  	s29 =	simm.s32 $0x9;
	_ =	strace $0x8000004B  }
0xb3: {  	_ =	swait.ge [sflag:s29], $0x1  }
0xb4: {  	[sflag:s29] =	ssyncadd.s32 $0xFFFFFFFF  }
0xb5: {  	_ =	strace $0x9000004B  }
0xb6: {  	_ =	sfence  }
0xb7: {  	s30 =	sld [smem:$0x0];
	_ =	sdelay $0x2  }
0xb8: {  	s31 =	sshll.u32 s1, $0xD;
	s1 =	sshrl.u32 s1, $0x2  }
0xb9: {  	s3 =	sand.u32 $0x4000, s31;
	s1 =	sadd.s32 s1, s30  }
0xba: {  	s0 =	sor.u32 s3, s0;
	s1 =	sshll.u32 s1, $0x11  }
0xbb: {  	s0 =	sor.u32 s1, s0  }
0xbc: {  	s0 =	sadd.s32 $0x8F2B, s0  }
0xbd: {  	[sflag:s0] =	ssyncadd.remote.s32 $0x1  }
0xbe: {  	_ =	sfence.sel $0xFFFF  }
0xbf: {  	[dreg:$0x0] =	wrdreg $0xFFFFFFFF;
	(pc) =	sbr.abs _section_cstart, $3  }
0xc0: {  	[dreg:$0x1] =	wrdreg $0xFFFFFFFF  }
0xc1: {  	_ =	task.clear_ibuf [dreg:s6], $0x2FFFF;
	_ =	strace $0x9FFFFFFF  }
0xc2: {  	(tm) =	ssettm $0x7FFFFFFF  }
0xc3: {  	_ =	shalt  }
tec
execute0_lowered:
.L_overlay_start_1:
0x0: {  	(tag) =	ssettag $0x1  }
0x1: {  	s0 =	rddreg [dreg:$0x0]  }
0x2: {  	s1 =	rddreg [dreg:$0x1];
	s2 =	simm.s32 $0x0  }
0x3: {  	s4 =	srdreg.scid;
	s19 =	stileid.u32;
	s29 =	simm.s32 $0x4  }
0x4: {  	s30 =	simm.s32 $0x0;
	[smem:$0x7FF] =	sst s2;
	s3 =	sadd.s32 $0xF000, s0  }
0x5: {  	s5 =	sadd.s32 $0x5000, s0;
	s6 =	sadd.s32 $0x19200, s0;
	s10 =	smul.u32 $0x52000, s19  }
0x6: {  	s4 =	sand.u32 $0x1, s4;
	s7 =	sadd.s32 $0x42400, s0;
	s12 =	smul.u32 $0x13800, s19  }
0x7: {  	s0 =	sadd.s32 $0x44E00, s0;
	s16 =	sadd.s32 $0x133800, s1;
	s17 =	smul.u32 $0x4E000, s19  }
0x8: {  	p0 =	seq.s32 s19, $0xF;
	_ =	strace $0x8000004A;
	s8 =	sshll.u32 s4, $0x4  }
0x9: {  	s9 =	ssub.s32 $0x2, s4;
	s4 =	smul.u32 $0x138800, s4;
	s16 =	sshrl.u32 @p0 s16, $0x3  }
0xa: {  	s8 =	sor.u32 s19, s8;
	s11 =	sshrl.u32 s9, $0x1;
	s20 =	sshrl.u32 s10, $0x2  }
0xb: {  	s31 =	sshrl.u32 s17, $0x2;
	s8 =	smul.u32 $0x2800, s8;
	s15 =	ssub.s32 s9, s11  }
0xc: {  	s18 =	sadd.s32 s20, s1;
	s14 =	sadd.s32 s12, s4;
	s4 =	sshrl.u32 s4, $0x3  }
0xd: {  	s20 =	sadd.s32 s31, s1;
	s26 =	sshrl.u32 s14, $0x3;
	s15 =	smax.u32 s15, $0x1  }
0xe: {  	s18 =	sshrl.u32 @!p0 s18, $0x3;
	s21 =	sshrl.u32 s8, $0x3;
	s28 =	sadd.s32 s0, s26  }
0xf: {  	s0 =	sadd.s32 s0, s4;
	s4 =	sshll.u32 @!p0 s19, $0x6;
	s19 =	simm.s32 $0x14880  }
0x10: {  	s26 =	simm.s32 $0x80;
	s22 =	sadd.s32 s3, s21;
	s23 =	sadd.s32 s5, s21  }
.Ltmp0:
0x11: {  	s13 =	sor.u32 $0x10, s21;
	[dreg:$0x7] =	wrdreg s28;
	(pc) =	sbr.rel .LBB2_1-.Ltmp0, $4  }
0x12: {  	s14 =	sadd.s32 $0x24900, s0;
	s0 =	sadd.s32 $0x124800, s1;
	[dreg:$0x3] =	wrdreg s22  }
0x13: {  	s17 =	sor.u32 @!p0 $0x1C0B, s4;
	[dreg:$0x4] =	wrdreg s23;
	s24 =	sadd.s32 s3, s13  }
0x14: {  	s25 =	sadd.s32 s5, s13;
	s23 =	simm.s32 $0x5;
	[dreg:$0x5] =	wrdreg s24  }
0x15: {  	[dreg:$0x6] =	wrdreg s25;
	s24 =	sshrl.u32 @p0 s0, $0x3;
	s25 =	sshrl.u32 @!p0 s20, $0x3  }
.LBB2_7:
0x16: {  	_ =	swait.ge [sflag:s29], $0x4000  }
0x17: {  	[sflag:s29] =	ssyncset.done $0x0  }
0x18: {  	[sflag:s29] =	ssyncadd.s32 $0xFFFFC000  }
0x19: {  	s0 =	simm.s32 @p0 $0x1FCB;
	[bflag:$0x0] =	sbarrier.arrive $0xFFFF  }
0x1a: {  	[hbm:s14], [sflag:s0] =	dma.local @p0 [spmem:s24], $0x2800  }
0x1b: {  	s0 =	simm.s32 @p0 $0xB  }
0x1c: {  	_ =	swait.ge @p0 [sflag:s0], $0x2800  }
0x1d: {  	s30 =	sadd.s32 $0x1, s30;
	[sflag:s0] =	ssyncset.done @p0 $0x0  }
0x1e: {  	p1 =	sne.s32 s30, s15;
	[sflag:s0] =	ssyncadd.s32 @p0 $0xFFFFD800;
	s0 =	rddreg [dreg:$0x7]  }
0x1f: {  	[hbm:s0], [sflag:s17] =	dma.local @!p0 [spmem:s25], $0x2700  }
.Ltmp1:
0x20: {  	_ = 	snop;
	(pc) =	sbr.rel @!p1 .LBB2_8-.Ltmp1, $4  }
0x21: {  	s0 =	simm.s32 @!p0 $0xB  }
0x22: {  	_ =	swait.ge @!p0 [sflag:s0], $0x2700  }
0x23: {  	[sflag:s0] =	ssyncset.done @!p0 $0x0  }
0x24: {  	[sflag:s0] =	ssyncadd.s32 @!p0 $0xFFFFD900  }
.LBB2_1:
0x25: {  	s0 =	simm.s32 @p0 $0x1FCB  }
0x26: {  	[spmem:s16], [sflag:s0] =	dma.local @p0 [hbm:s7], $0x2A00  }
0x27: {  	s0 =	simm.s32 @p0 $0xB  }
0x28: {  	_ =	swait.ge @p0 [sflag:s0], $0x2A00  }
0x29: {  	[sflag:s0] =	ssyncset.done @p0 $0x0  }
0x2a: {  	[sflag:s0] =	ssyncadd.s32 @p0 $0xFFFFD600;
	s0 =	simm.s32 @!p0 $0xB  }
0x2b: {  	[spmem:s18], [sflag:s17] =	dma.local @!p0 [hbm:s7], $0x2900  }
0x2c: {  	_ =	swait.ge @!p0 [sflag:s0], $0x2900  }
0x2d: {  	[sflag:s0] =	ssyncset.done @!p0 $0x0  }
0x2e: {  	[sflag:s0] =	ssyncadd.s32 @!p0 $0xFFFFD700  }
0x2f: {  	[bflag:$0x0] =	sbarrier.arrive $0xFFFF  }
0x30: {  	s11 =	rddreg [dreg:$0x3]  }
0x31: {  	[tilespmem:s19], [sflag:$0x5] =	stream.linear.gather [hbm4b:s11+s2], $0x80, $0x38;
	[tilespmem:$0x1CC80] =	vst v63  }
0x32: {  	s4 =	simm.s32 $0x14A80;
	s12 =	rddreg [dreg:$0x4]  }
0x33: {  	[tilespmem:s4], [sflag:$0x8] =	stream.linear.gather [hbm4b:s12+s2], $0x80, $0x38;
	[tilespmem:$0x1CC80] =	vst v63  }
0x34: {  	s20 =	simm.s32 $0x14900;
	s13 =	rddreg [dreg:$0x5]  }
0x35: {  	[tilespmem:s20], [sflag:$0x6] =	stream.linear.gather [hbm4b:s13+s2], $0x80, $0x38;
	[tilespmem:$0x1CC80] =	vst v63  }
0x36: {  	s22 =	simm.s32 $0x14B00;
	s21 =	rddreg [dreg:$0x6]  }
0x37: {  	[tilespmem:s22], [sflag:$0x9] =	stream.linear.gather [hbm4b:s21+s2], $0x80, $0x38;
	[tilespmem:$0x1CC80] =	vst v63  }
.Ltmp2:
0x38: {  	_ = 	snop;
	(pc) =	sbr.rel .LBB2_2-.Ltmp2, $4  }
0x39: {  	_ =	swait.ge [sflag:s23], $0x80  }
0x3a: {  	s28 =	simm.s32 $0x14C80;
	[sflag:s23] =	ssyncset.done $0x0  }
0x3b: {  	s31 =	simm.s32 $0x100;
	s4 =	simm.s32 $0x0;
	[sflag:s23] =	ssyncadd.s32 $0xFFFFFF80  }
0x3c: {  	[tilespmem:s28], [sflag:$0x1] =	stream.indirect.gather [hbm4b:s6+s26], $0x80, s19, s26, $0xb8;
	[tilespmem:$0x1CC80] =	vst v63  }
.LBB2_3:
0x3d: {  	s28 =	sadd.s32 $0x156, s22  }
0x3e: {  	s28 =	sshrl.u32 s28, $0x9  }
0x3f: {  	s28 =	sand.u32 $0x7F, s28  }
0x40: {  	s28 =	smul.u32 $0x3, s28;
	_ =	sdelay $0x1  }
0x41: {  	s9 =	sand.u32 $0x7C00, s31;
	s28 =	ssub.s32 s4, s28  }
0x42: {  	s10 =	sand.u32 $0x380, s31;
	s9 =	sadd.s32 s8, s9;
	s28 =	sadd.s32 $0x2, s28  }
0x43: {  	s9 =	sor.u32 s10, s9;
	s28 =	sand.u32 $0xFF, s28  }
0x44: {  	s9 =	sshrl.u32 s9, $0x3;
	s10 =	sshll.u32 s28, $0x7  }
0x45: {  	s13 =	sadd.s32 s3, s9;
	s12 =	sadd.s32 $0x5, s28;
	s11 =	sadd.s32 $0x14880, s10  }
0x46: {  	[tilespmem:s11], [sflag:s12] =	stream.linear.gather [hbm4b:s13+s2], $0x80, $0x38;
	[tilespmem:$0x1CC80] =	vst v63  }
0x47: {  	s9 =	sadd.s32 s5, s9;
	s28 =	sadd.s32 $0x8, s28;
	s10 =	sadd.s32 $0x14A80, s10  }
0x48: {  	[tilespmem:s10], [sflag:s28] =	stream.linear.gather [hbm4b:s9+s2], $0x80, $0x38;
	[tilespmem:$0x1CC80] =	vst v63  }
.LBB2_5:
0x49: {  	s9 =	sadd.s32 $0xAB, s22  }
0x4a: {  	s9 =	sshrl.u32 s9, $0x9  }
0x4b: {  	s9 =	sand.u32 $0x7F, s9  }
0x4c: {  	s9 =	smul.u32 $0x3, s9;
	_ =	sdelay $0x1  }
0x4d: {  	s9 =	ssub.s32 s20, s9  }
0x4e: {  	s9 =	sand.u32 $0xFF, s9  }
0x4f: {  	s10 =	sadd.s32 $0x5, s9  }
0x50: {  	s28 =	sshll.u32 s21, $0xE;
	_ =	swait.ge [sflag:s10], $0x80  }
0x51: {  	s11 =	sadd.s32 $0x1, s21;
	s9 =	sshll.u32 s9, $0x7;
	[sflag:s10] =	ssyncset.done $0x0  }
0x52: {  	s9 =	sadd.s32 $0x14880, s9;
	[sflag:s10] =	ssyncadd.s32 $0xFFFFFF80;
	s10 =	sadd.s32 $0x14C80, s28  }
0x53: {  	[tilespmem:s10], [sflag:s11] =	stream.indirect.gather [hbm4b:s6+s26], $0x80, s9, s26, $0xb8;
	[tilespmem:$0x1CC80] =	vst v63  }
.LBB2_6:
0x54: {  	s9 =	sshrl.u32 s22, $0x9  }
0x55: {  	s9 =	sand.u32 $0x7F, s9  }
0x56: {  	s9 =	smul.u32 $0x3, s9  }
0x57: {  	s10 =	sadd.s32 $0x1, s0  }
0x58: {  	_ =	swait.ge [sflag:s10], $0x4000;
	s4 =	ssub.s32 s4, s9  }
0x59: {  	[sflag:s10] =	ssyncset.done $0x0;
	s4 =	sand.u32 $0xFF, s4  }
0x5a: {  	p1 =	sne.s32 s20, $0x50;
	[sflag:s10] =	ssyncadd.s32 $0xFFFFC000;
	s21 =	sadd.s32 $0x8, s4  }
.Ltmp3:
0x5b: {  	s22 =	sshll.u32 s0, $0xE;
	_ =	swait.ge [sflag:s21], $0x80;
	(pc) =	sbr.rel @!p1 .LBB2_7-.Ltmp3, $4  }
0x5c: {  	s28 =	sadd.s32 $0x3, s0;
	s4 =	sshll.u32 s4, $0x7;
	[sflag:s21] =	ssyncset.done $0x0  }
0x5d: {  	s10 =	sadd.s32 $0x14C80, s22;
	s4 =	sadd.s32 $0x14A80, s4;
	[sflag:s21] =	ssyncadd.s32 $0xFFFFFF80  }
0x5e: {  	[spmem:s1] =	stream.indirect.scatter.add.f32 [tilespmem:s10], [sflag:s28], $0x80, s4, s26, $0xb8;
	[tilespmem:$0x1CC80] =	vst v63  }
0x5f: {  	s31 =	sadd.s32 $0x80, s31;
	s4 =	smov.u32 s20  }
.LBB2_2:
0x60: {  	p1 =	seq.s32 s4, $0x0  }
0x61: {  	p2 =	sgt.u32 @!p1 s4, $0x4D  }
0x62: {  	s0 =	sand.u32 $0x1, s4;
	p2 =	por p1, !p2  }
.Ltmp4:
0x63: {  	s21 =	sxor.u32 $0x1, s0;
	(pc) =	sbr.rel @p2 .LBB2_3-.Ltmp4, $4  }
0x64: {  	s28 =	sadd.s32 @!p1 $0x3, s21  }
0x65: {  	_ =	swait.ge @!p1 [sflag:s28], $0x4000  }
0x66: {  	s22 =	smul.u32 $0xAB, s4;
	[sflag:s28] =	ssyncset.done @!p1 $0x0  }
0x67: {  	s20 =	sadd.s32 $0x1, s4;
	[sflag:s28] =	ssyncadd.s32 @!p1 $0xFFFFC000  }
0x68: {  	p1 =	seq.s32 s4, $0x4F  }
.Ltmp5:
0x69: {  	_ = 	snop;
	(pc) =	sbr.rel @p1 .LBB2_6-.Ltmp5, $4  }
.Ltmp6:
0x6a: {  	_ = 	snop;
	(pc) =	sbr.rel @!p1 .LBB2_5-.Ltmp6, $4  }
0x6b: {  	_ = 	snop  }
0x6c: {  	_ = 	snop  }
0x6d: {  	_ = 	snop  }
0x6e: {  	_ = 	snop  }
.LBB2_8:
0x6f: {  	_ =	sfence.sel $0x180000  }
0x70: {  	[bflag:$0x0] =	sbarrier.arrive $0xFFFF  }
0x71: {  	_ =	strace $0x9000004A  }
0x72: {  	s0 =	stileid.u32;
	[bflag:$0x2] =	sbarrier.arrive $0xFFFF  }
0x73: {  	p0 =	sne.s32 s0, $0x0;
	s0 =	rddreg [dreg:$0x2]  }
0x74: {  	s0 =	sadd.s32 @!p0 $0x100000, s0  }
0x75: {  	[sflag:s0] =	ssyncadd.tile.s32 @!p0 $0x1;
	_ =	shalt  }
.Lfunc_end2:
_tile_overlayer_lowered:
.L_overlay_start_2:
0x76: {  	(tag) =	ssettag $0x2  }
0x77: {  	s0 =	rddreg [dreg:$0x0];
	s2 =	stileid.u32  }
0x78: {  	s1 =	rddreg [dreg:$0x1];
	p0 =	sne.s32 s2, $0x0  }
0x79: {  	s3 =	rddreg [dreg:$0x2];
	[bflag:$0x3] =	sbarrier.arrive $0xFFFF;
	s2 =	simm.s32 @!p0 $0x1C0B  }
0x7a: {  	[timem:s3], [sflag:s2] =	dma.local @!p0 [hbm:s0], s1  }
0x7b: {  	s0 =	simm.s32 @!p0 $0xB  }
0x7c: {  	_ =	swait.ge @!p0 [sflag:s0], s1  }
0x7d: {  	s1 =	ssub.s32 @!p0 $0x0, s1;
	[sflag:s0] =	ssyncset.done @!p0 $0x0  }
0x7e: {  	[sflag:s0] =	ssyncadd.s32 @!p0 s1  }
0x7f: {  	[bflag:$0x3] =	sbarrier.arrive $0xFFFF  }
0x80: {  	_ =	shalt  }

// kernel: kernel.18.cloned.1.call-start
scs
__scs_entry_jumppad:
0x0: {  	(pc) =	sbr.rel $0x88, $3  }
0x1: {  	(tag) =	ssettag $0x0;
	lr =	simm.s32 $0x1  }
0x2: {  	[smem:$0x3F90] =	sst lr;
	_ =	strace $0xD0000000  }
0x3: {  	_ = 	snop  }
0x4: {  	_ = 	snop  }
0x5: {  	_ = 	snop  }
0x6: {  	_ = 	snop  }
0x7: {  	_ = 	snop  }
__scs_overlays_trampoline_lowered:
0x8: {  	[smem:$0x3F9F] =	sst s0  }
0x9: {  	[smem:$0x3FA0] =	sst s1  }
0xa: {  	[smem:$0x3FA1] =	sst s2  }
0xb: {  	[smem:$0x3FA2] =	sst s3  }
0xc: {  	[smem:$0x3FA3] =	sst s4  }
0xd: {  	[smem:$0x3FA4] =	sst s5  }
0xe: {  	[smem:$0x3FA5] =	sst s6  }
0xf: {  	[smem:$0x3FA6] =	sst s7  }
0x10: {  	[smem:$0x3FA7] =	sst s8  }
0x11: {  	[smem:$0x3FA8] =	sst s9;
	s0 =	simm.s32 @!p0 $0x0  }
0x12: {  	s1 =	sld [smem:$0x3F8E];
	s0 =	simm.s32 @p0 $0x1  }
0x13: {  	[smem:$0x3FA9] =	sst s0;
	s0 =	simm.s32 @!p1 $0x0  }
0x14: {  	s2 =	sld [smem:$0x3F8D];
	s0 =	simm.s32 @p1 $0x1  }
0x15: {  	[smem:$0x3FAA] =	sst s0;
	s0 =	simm.s32 @!p2 $0x0  }
0x16: {  	s3 =	sld [smem:$0x3FDB];
	s0 =	simm.s32 @p2 $0x1  }
0x17: {  	s4 =	simm.s32 $0x1BF5;
	[smem:$0x3FAC] =	sst s0  }
0x18: {  	s0 =	sld [smem:$0x3F8F];
	_ =	swait.ge [sflag:s4], $0x0  }
0x19: {  	s7 =	sld [smem:$0x3F90]  }
0x1a: {  	s8 =	sadd.s32 $0xFFFFE003, lr  }
0x1b: {  	s9 =	sadd.s32 $0xFFFFFEF7, lr;
	s5 =	simm.s32 $0xFFFFFFFF;
	p2 =	slt.u32 s8, $0xFFFFF086  }
0x1c: {  	p1 =	slt.u32 s9, $0xF7A;
	s5 =	simm.s32 @!p2 $0x0  }
0x1d: {  	s5 =	simm.s32 @p1 $0x1;
	p0 =	seq.s32 s7, s2  }
0x1e: {  	s7 =	smul.u32 @!p0 $0xF7A, s2;
	p2 =	seq.s32 @!p0 s5, $0x0  }
0x1f: {  	s9 =	smul.u32 $0xF7A, s1;
	s8 =	simm.s32 @!p0 $0x1BF5;
	p2 =	por !p2, p0  }
0x20: {  	[sflag:s8] =	ssyncset.s32 @!p0 $0xFFFFF086;
	s6 =	sadd.s32 @!p0 s3, s7;
	s7 =	simm.s32 @!p0 $0x108  }
0x21: {  	s3 =	sadd.s32 s3, s9;
	s6 =	sadd.s32 @!p0 $0x88, s6;
	s7 =	simm.s32 @p2 $0x1082  }
0x22: {  	[simem:s7], [sflag:s8] =	dma.local @!p0 [hbm:s6], $0xF7A  }
0x23: {  	s9 =	sor.u32 $0xD0000000, s2;
	s6 =	simm.s32 $0x108;
	_ =	swait.ge @!p0 [sflag:s8], $0x0  }
0x24: {  	s3 =	sadd.s32 $0x88, s3;
	s6 =	simm.s32 @!p1 $0x1082;
	[sflag:s4] =	ssyncset.s32 $0xFFFFF086  }
0x25: {  	[simem:s6], [sflag:s4] =	dma.local [hbm:s3], $0xF7A  }
0x26: {  	[smem:$0x3F90] =	sst s1;
	(tag) =	ssettag s2;
	_ =	strace s9  }
0x27: {  	s1 =	sld [smem:$0x3FA0]  }
0x28: {  	s2 =	sld [smem:$0x3FA1]  }
0x29: {  	s4 =	sld [smem:$0x3FA3]  }
0x2a: {  	p0 =	seq.s32 s5, $0x0;
	s5 =	sld [smem:$0x3FA4]  }
0x2b: {  	s6 =	sld [smem:$0x3FA5]  }
0x2c: {  	s7 =	sld [smem:$0x3FA6]  }
0x2d: {  	s3 =	simm.s32 $0x108;
	s8 =	sld [smem:$0x3FA7]  }
0x2e: {  	s3 =	simm.s32 @!p0 $0x1082;
	s9 =	sld [smem:$0x3FA8]  }
0x2f: {  	lr =	sadd.s32 s0, s3;
	s0 =	sld [smem:$0x3F9F]  }
0x30: {  	s3 =	sld [smem:$0x3FA2]  }
0x31: {  	[smem:$0x3FAB] =	sst s10  }
0x32: {  	s10 =	sld [smem:$0x3FA9];
	_ =	sdelay $0x3  }
0x33: {  	p0 =	seq.s32 s10, $0x1;
	s10 =	sld [smem:$0x3FAB];
	_ =	sdelay $0x3  }
0x34: {  	[smem:$0x3FAB] =	sst s10  }
0x35: {  	s10 =	sld [smem:$0x3FAA];
	_ =	sdelay $0x3  }
0x36: {  	p1 =	seq.s32 s10, $0x1;
	s10 =	sld [smem:$0x3FAB];
	_ =	sdelay $0x3  }
0x37: {  	[smem:$0x3FAB] =	sst s10  }
0x38: {  	s10 =	sld [smem:$0x3FAC]  }
0x39: {  	_ = 	snop;
	(pc) =	sbr.ind lr, $3  }
0x3a: {  	_ = 	snop  }
0x3b: {  	_ = 	snop  }
0x3c: {  	p2 =	seq.s32 s10, $0x1;
	s10 =	sld [smem:$0x3FAB]  }
0x3d: {  	_ =	shalt  }
0x3e: {  	_ =	shalt  }
0x3f: {  	_ =	shalt  }
0x40: {  	_ =	shalt  }
0x41: {  	_ =	shalt  }
0x42: {  	_ =	shalt  }
0x43: {  	_ =	shalt  }
0x44: {  	_ =	shalt  }
0x45: {  	_ =	shalt  }
0x46: {  	_ =	shalt  }
0x47: {  	_ =	shalt  }
0x48: {  	_ =	shalt  }
0x49: {  	_ =	shalt  }
0x4a: {  	_ =	shalt  }
0x4b: {  	_ =	shalt  }
0x4c: {  	_ =	shalt  }
0x4d: {  	_ =	shalt  }
0x4e: {  	_ =	shalt  }
0x4f: {  	_ =	shalt  }
0x50: {  	_ =	shalt  }
0x51: {  	_ =	shalt  }
0x52: {  	_ =	shalt  }
0x53: {  	_ =	shalt  }
0x54: {  	_ =	shalt  }
0x55: {  	_ =	shalt  }
0x56: {  	_ =	shalt  }
0x57: {  	_ =	shalt  }
0x58: {  	_ =	shalt  }
0x59: {  	_ =	shalt  }
0x5a: {  	_ =	shalt  }
0x5b: {  	_ =	shalt  }
0x5c: {  	_ =	shalt  }
0x5d: {  	_ =	shalt  }
0x5e: {  	_ =	shalt  }
0x5f: {  	_ =	shalt  }
0x60: {  	_ =	shalt  }
0x61: {  	_ =	shalt  }
0x62: {  	_ =	shalt  }
0x63: {  	_ =	shalt  }
0x64: {  	_ =	shalt  }
0x65: {  	_ =	shalt  }
0x66: {  	_ =	shalt  }
0x67: {  	_ =	shalt  }
0x68: {  	_ =	shalt  }
0x69: {  	_ =	shalt  }
0x6a: {  	_ =	shalt  }
0x6b: {  	_ =	shalt  }
0x6c: {  	_ =	shalt  }
0x6d: {  	_ =	shalt  }
0x6e: {  	_ =	shalt  }
0x6f: {  	_ =	shalt  }
0x70: {  	_ =	shalt  }
0x71: {  	_ =	shalt  }
0x72: {  	_ =	shalt  }
0x73: {  	_ =	shalt  }
0x74: {  	_ =	shalt  }
0x75: {  	_ =	shalt  }
0x76: {  	_ =	shalt  }
0x77: {  	_ =	shalt  }
0x78: {  	_ =	shalt  }
0x79: {  	_ =	shalt  }
0x7a: {  	_ =	shalt  }
0x7b: {  	_ =	shalt  }
0x7c: {  	_ =	shalt  }
0x7d: {  	_ =	shalt  }
0x7e: {  	_ =	shalt  }
0x7f: {  	_ =	shalt  }
0x80: {  	_ =	shalt  }
0x81: {  	_ =	shalt  }
0x82: {  	_ =	shalt  }
0x83: {  	_ =	shalt  }
0x84: {  	_ =	shalt  }
0x85: {  	_ =	shalt  }
0x86: {  	_ =	shalt  }
0x87: {  	_ =	shalt  }
.Lfunc_end0:
.L_simem_size_0:
called_computation.2_lowered:
.L_overlay_start_0:
0x88: {  	s2 =	sld [smem:$0x3FD9]  }
0x89: {  	s3 =	sld [smem:$0x3FFE];
	_ =	sdelay $0x1  }
0x8a: {  	s1 =	srdreg.scid  }
0x8b: {  	s0 =	sand.u32 $0x1, s1  }
0x8c: {  	s16 =	sshll.u32 s0, $0xA;
	s2 =	sadd.s32 s3, s2  }
0x8d: {  	s2 =	sadd.s32 s2, s16  }
0x8e: {  	[smem:$0x3FB7] =	sst s2  }
0x8f: {  	_ = 	snop  }
0x90: {  	(tm) =	ssettm $0x1  }
0x91: {  	s17 =	sld [smem:$0x3FFB];
	_ =	sdelay $0x3  }
0x92: {  	_ =	strace s17  }
0x93: {  	s2 =	sld [smem:$0x3FFC];
	_ =	sdelay $0x3  }
0x94: {  	_ =	strace s2  }
0x95: {  	s2 =	sld [smem:$0x3FFD];
	_ =	sdelay $0x3  }
0x96: {  	_ =	strace s2  }
0x97: {  	_ =	strace $0x8FFFFFFF  }
0x98: {  	s18 =	sld [smem:$0x3FDB];
	_ =	sdelay $0x1  }
0x99: {  	s19 =	simm.s32 $_scs_section_size  }
0x9a: {  	s4 =	simm.s32 $_size__tile_overlayer_lowered;
	s5 =	simm.s32 $_tile_overlayer_lowered  }
0x9b: {  	s22 =	simm.s32 $0x1BFF;
	s21 =	sshll.u32 s5, $0x1;
	s2 =	sadd.s32 s19, s18  }
0x9c: {  	s6 =	simm.s32 $0x0;
	s20 =	sshll.u32 s4, $0x1;
	s4 =	sadd.s32 s21, s2  }
0x9d: {  	[timem:s6], [sflag:s22] =	dma.local [hbm:s4], s20  }
0x9e: {  	_ =	swait.ge [sflag:s22], s20  }
0x9f: {  	s3 =	ssub.s32 $0x0, s20;
	[sflag:s22] =	ssyncset.done $0x0  }
0xa0: {  	[sflag:s22] =	ssyncadd.s32 s3;
	_ =	sdelay $0x1  }
0xa1: {  	s23 =	simm.s32 $0x1B8B  }
0xa2: {  	_ =	swait.ge [sflag:s23], $0x1  }
0xa3: {  	[sflag:s23] =	ssyncset.done $0x0  }
0xa4: {  	s25 =	simm.s32 $0x1B8E;
	s24 =	sld [smem:$0x3FFE];
	[sflag:s23] =	ssyncadd.s32 $0xFFFFFFFF  }
0xa5: {  	s26 =	simm.s32 $execute0_lowered;
	[smem:$0x3FD2] =	sst s25  }
0xa6: {  	s4 =	sshll.u32 s26, $0x1;
	_ =	strace $0x8000004C;
	[dreg:$0x1] =	wrdreg $0xFFFFFFFF  }
0xa7: {  	s28 =	simm.s32 $_size_execute0_lowered;
	s2 =	sadd.s32 s2, s4;
	[dreg:$0x0] =	wrdreg $0x0  }
0xa8: {  	s4 =	sshll.u32 s28, $0x1;
	[dreg:$0x2] =	wrdreg s2  }
0xa9: {  	[dreg:$0x3] =	wrdreg s4  }
0xaa: {  	[dreg:$0x4] =	wrdreg $0xC0  }
0xab: {  	_ =	task [dreg:s6], $0x5FFFF  }
0xac: {  	[dreg:$0x1] =	wrdreg $0xFFFFFFFF  }
0xad: {  	[dreg:$0x0] =	wrdreg $0x60  }
0xae: {  	[dreg:$0x2] =	wrdreg s24  }
0xaf: {  	[dreg:$0x3] =	wrdreg $0x0  }
0xb0: {  	[dreg:$0x4] =	wrdreg $0x9  }
0xb1: {  	_ =	task.clear_ibuf [dreg:s6], $0x5FFFF;
	_ =	strace $0x9000004C  }
0xb2: {  	s29 =	simm.s32 $0x9;
	_ =	strace $0x8000004E  }
0xb3: {  	_ =	swait.ge [sflag:s29], $0x1  }
0xb4: {  	[sflag:s29] =	ssyncadd.s32 $0xFFFFFFFF  }
0xb5: {  	_ =	strace $0x9000004E  }
0xb6: {  	_ =	sfence  }
0xb7: {  	s30 =	sld [smem:$0x0];
	_ =	sdelay $0x2  }
0xb8: {  	s31 =	sshll.u32 s1, $0xD;
	s1 =	sshrl.u32 s1, $0x2  }
0xb9: {  	s3 =	sand.u32 $0x4000, s31;
	s1 =	sadd.s32 s1, s30  }
0xba: {  	s0 =	sor.u32 s3, s0;
	s1 =	sshll.u32 s1, $0x11  }
0xbb: {  	s0 =	sor.u32 s1, s0  }
0xbc: {  	s0 =	sadd.s32 $0x8F2B, s0  }
0xbd: {  	[sflag:s0] =	ssyncadd.remote.s32 $0x1  }
0xbe: {  	_ =	sfence.sel $0xFFFF  }
0xbf: {  	[dreg:$0x0] =	wrdreg $0xFFFFFFFF;
	(pc) =	sbr.abs _section_cstart, $3  }
0xc0: {  	[dreg:$0x1] =	wrdreg $0xFFFFFFFF  }
0xc1: {  	_ =	task.clear_ibuf [dreg:s6], $0x2FFFF;
	_ =	strace $0x9FFFFFFF  }
0xc2: {  	(tm) =	ssettm $0x7FFFFFFF  }
0xc3: {  	_ =	shalt  }
tec
execute0_lowered:
.L_overlay_start_1:
0x0: {  	(tag) =	ssettag $0x1  }
0x1: {  	s0 =	rddreg [dreg:$0x0]  }
0x2: {  	s1 =	rddreg [dreg:$0x1];
	s2 =	simm.s32 $0x0  }
0x3: {  	s4 =	srdreg.scid;
	s19 =	stileid.u32;
	s29 =	simm.s32 $0x4  }
0x4: {  	s30 =	simm.s32 $0x0;
	[smem:$0x7FF] =	sst s2;
	s3 =	sadd.s32 $0xF000, s0  }
0x5: {  	s5 =	sadd.s32 $0x5000, s0;
	s6 =	sadd.s32 $0x19200, s0;
	s10 =	smul.u32 $0x52000, s19  }
0x6: {  	s4 =	sand.u32 $0x1, s4;
	s7 =	sadd.s32 $0x42400, s0;
	s12 =	smul.u32 $0x13800, s19  }
0x7: {  	s0 =	sadd.s32 $0x6C000, s0;
	s16 =	sadd.s32 $0x133800, s1;
	s17 =	smul.u32 $0x4E000, s19  }
0x8: {  	p0 =	seq.s32 s19, $0xF;
	_ =	strace $0x8000004D;
	s8 =	sshll.u32 s4, $0x4  }
0x9: {  	s9 =	ssub.s32 $0x2, s4;
	s4 =	smul.u32 $0x138800, s4;
	s16 =	sshrl.u32 @p0 s16, $0x3  }
0xa: {  	s8 =	sor.u32 s19, s8;
	s11 =	sshrl.u32 s9, $0x1;
	s20 =	sshrl.u32 s10, $0x2  }
0xb: {  	s31 =	sshrl.u32 s17, $0x2;
	s8 =	smul.u32 $0x2800, s8;
	s15 =	ssub.s32 s9, s11  }
0xc: {  	s18 =	sadd.s32 s20, s1;
	s14 =	sadd.s32 s12, s4;
	s4 =	sshrl.u32 s4, $0x3  }
0xd: {  	s20 =	sadd.s32 s31, s1;
	s26 =	sshrl.u32 s14, $0x3;
	s15 =	smax.u32 s15, $0x1  }
0xe: {  	s18 =	sshrl.u32 @!p0 s18, $0x3;
	s21 =	sshrl.u32 s8, $0x3;
	s28 =	sadd.s32 s0, s26  }
0xf: {  	s0 =	sadd.s32 s0, s4;
	s4 =	sshll.u32 @!p0 s19, $0x6;
	s19 =	simm.s32 $0x14880  }
0x10: {  	s26 =	simm.s32 $0x80;
	s22 =	sadd.s32 s3, s21;
	s23 =	sadd.s32 s5, s21  }
.Ltmp0:
0x11: {  	s13 =	sor.u32 $0x10, s21;
	[dreg:$0x7] =	wrdreg s28;
	(pc) =	sbr.rel .LBB2_1-.Ltmp0, $4  }
0x12: {  	s14 =	sadd.s32 $0x24900, s0;
	s0 =	sadd.s32 $0x124800, s1;
	[dreg:$0x3] =	wrdreg s22  }
0x13: {  	s17 =	sor.u32 @!p0 $0x1C0B, s4;
	[dreg:$0x4] =	wrdreg s23;
	s24 =	sadd.s32 s3, s13  }
0x14: {  	s25 =	sadd.s32 s5, s13;
	s23 =	simm.s32 $0x5;
	[dreg:$0x5] =	wrdreg s24  }
0x15: {  	[dreg:$0x6] =	wrdreg s25;
	s24 =	sshrl.u32 @p0 s0, $0x3;
	s25 =	sshrl.u32 @!p0 s20, $0x3  }
.LBB2_7:
0x16: {  	_ =	swait.ge [sflag:s29], $0x4000  }
0x17: {  	[sflag:s29] =	ssyncset.done $0x0  }
0x18: {  	[sflag:s29] =	ssyncadd.s32 $0xFFFFC000  }
0x19: {  	s0 =	simm.s32 @p0 $0x1FCB;
	[bflag:$0x0] =	sbarrier.arrive $0xFFFF  }
0x1a: {  	[hbm:s14], [sflag:s0] =	dma.local @p0 [spmem:s24], $0x2800  }
0x1b: {  	s0 =	simm.s32 @p0 $0xB  }
0x1c: {  	_ =	swait.ge @p0 [sflag:s0], $0x2800  }
0x1d: {  	s30 =	sadd.s32 $0x1, s30;
	[sflag:s0] =	ssyncset.done @p0 $0x0  }
0x1e: {  	p1 =	sne.s32 s30, s15;
	[sflag:s0] =	ssyncadd.s32 @p0 $0xFFFFD800;
	s0 =	rddreg [dreg:$0x7]  }
0x1f: {  	[hbm:s0], [sflag:s17] =	dma.local @!p0 [spmem:s25], $0x2700  }
.Ltmp1:
0x20: {  	_ = 	snop;
	(pc) =	sbr.rel @!p1 .LBB2_8-.Ltmp1, $4  }
0x21: {  	s0 =	simm.s32 @!p0 $0xB  }
0x22: {  	_ =	swait.ge @!p0 [sflag:s0], $0x2700  }
0x23: {  	[sflag:s0] =	ssyncset.done @!p0 $0x0  }
0x24: {  	[sflag:s0] =	ssyncadd.s32 @!p0 $0xFFFFD900  }
.LBB2_1:
0x25: {  	s0 =	simm.s32 @p0 $0x1FCB  }
0x26: {  	[spmem:s16], [sflag:s0] =	dma.local @p0 [hbm:s7], $0x2A00  }
0x27: {  	s0 =	simm.s32 @p0 $0xB  }
0x28: {  	_ =	swait.ge @p0 [sflag:s0], $0x2A00  }
0x29: {  	[sflag:s0] =	ssyncset.done @p0 $0x0  }
0x2a: {  	[sflag:s0] =	ssyncadd.s32 @p0 $0xFFFFD600;
	s0 =	simm.s32 @!p0 $0xB  }
0x2b: {  	[spmem:s18], [sflag:s17] =	dma.local @!p0 [hbm:s7], $0x2900  }
0x2c: {  	_ =	swait.ge @!p0 [sflag:s0], $0x2900  }
0x2d: {  	[sflag:s0] =	ssyncset.done @!p0 $0x0  }
0x2e: {  	[sflag:s0] =	ssyncadd.s32 @!p0 $0xFFFFD700  }
0x2f: {  	[bflag:$0x0] =	sbarrier.arrive $0xFFFF  }
0x30: {  	s11 =	rddreg [dreg:$0x3]  }
0x31: {  	[tilespmem:s19], [sflag:$0x5] =	stream.linear.gather [hbm4b:s11+s2], $0x80, $0x38;
	[tilespmem:$0x1CC80] =	vst v63  }
0x32: {  	s4 =	simm.s32 $0x14A80;
	s12 =	rddreg [dreg:$0x4]  }
0x33: {  	[tilespmem:s4], [sflag:$0x8] =	stream.linear.gather [hbm4b:s12+s2], $0x80, $0x38;
	[tilespmem:$0x1CC80] =	vst v63  }
0x34: {  	s20 =	simm.s32 $0x14900;
	s13 =	rddreg [dreg:$0x5]  }
0x35: {  	[tilespmem:s20], [sflag:$0x6] =	stream.linear.gather [hbm4b:s13+s2], $0x80, $0x38;
	[tilespmem:$0x1CC80] =	vst v63  }
0x36: {  	s22 =	simm.s32 $0x14B00;
	s21 =	rddreg [dreg:$0x6]  }
0x37: {  	[tilespmem:s22], [sflag:$0x9] =	stream.linear.gather [hbm4b:s21+s2], $0x80, $0x38;
	[tilespmem:$0x1CC80] =	vst v63  }
.Ltmp2:
0x38: {  	_ = 	snop;
	(pc) =	sbr.rel .LBB2_2-.Ltmp2, $4  }
0x39: {  	_ =	swait.ge [sflag:s23], $0x80  }
0x3a: {  	s28 =	simm.s32 $0x14C80;
	[sflag:s23] =	ssyncset.done $0x0  }
0x3b: {  	s31 =	simm.s32 $0x100;
	s4 =	simm.s32 $0x0;
	[sflag:s23] =	ssyncadd.s32 $0xFFFFFF80  }
0x3c: {  	[tilespmem:s28], [sflag:$0x1] =	stream.indirect.gather [hbm4b:s6+s26], $0x80, s19, s26, $0xb8;
	[tilespmem:$0x1CC80] =	vst v63  }
.LBB2_3:
0x3d: {  	s28 =	sadd.s32 $0x156, s22  }
0x3e: {  	s28 =	sshrl.u32 s28, $0x9  }
0x3f: {  	s28 =	sand.u32 $0x7F, s28  }
0x40: {  	s28 =	smul.u32 $0x3, s28;
	_ =	sdelay $0x1  }
0x41: {  	s9 =	sand.u32 $0x7C00, s31;
	s28 =	ssub.s32 s4, s28  }
0x42: {  	s10 =	sand.u32 $0x380, s31;
	s9 =	sadd.s32 s8, s9;
	s28 =	sadd.s32 $0x2, s28  }
0x43: {  	s9 =	sor.u32 s10, s9;
	s28 =	sand.u32 $0xFF, s28  }
0x44: {  	s9 =	sshrl.u32 s9, $0x3;
	s10 =	sshll.u32 s28, $0x7  }
0x45: {  	s13 =	sadd.s32 s3, s9;
	s12 =	sadd.s32 $0x5, s28;
	s11 =	sadd.s32 $0x14880, s10  }
0x46: {  	[tilespmem:s11], [sflag:s12] =	stream.linear.gather [hbm4b:s13+s2], $0x80, $0x38;
	[tilespmem:$0x1CC80] =	vst v63  }
0x47: {  	s9 =	sadd.s32 s5, s9;
	s28 =	sadd.s32 $0x8, s28;
	s10 =	sadd.s32 $0x14A80, s10  }
0x48: {  	[tilespmem:s10], [sflag:s28] =	stream.linear.gather [hbm4b:s9+s2], $0x80, $0x38;
	[tilespmem:$0x1CC80] =	vst v63  }
.LBB2_5:
0x49: {  	s9 =	sadd.s32 $0xAB, s22  }
0x4a: {  	s9 =	sshrl.u32 s9, $0x9  }
0x4b: {  	s9 =	sand.u32 $0x7F, s9  }
0x4c: {  	s9 =	smul.u32 $0x3, s9;
	_ =	sdelay $0x1  }
0x4d: {  	s9 =	ssub.s32 s20, s9  }
0x4e: {  	s9 =	sand.u32 $0xFF, s9  }
0x4f: {  	s10 =	sadd.s32 $0x5, s9  }
0x50: {  	s28 =	sshll.u32 s21, $0xE;
	_ =	swait.ge [sflag:s10], $0x80  }
0x51: {  	s11 =	sadd.s32 $0x1, s21;
	s9 =	sshll.u32 s9, $0x7;
	[sflag:s10] =	ssyncset.done $0x0  }
0x52: {  	s9 =	sadd.s32 $0x14880, s9;
	[sflag:s10] =	ssyncadd.s32 $0xFFFFFF80;
	s10 =	sadd.s32 $0x14C80, s28  }
0x53: {  	[tilespmem:s10], [sflag:s11] =	stream.indirect.gather [hbm4b:s6+s26], $0x80, s9, s26, $0xb8;
	[tilespmem:$0x1CC80] =	vst v63  }
.LBB2_6:
0x54: {  	s9 =	sshrl.u32 s22, $0x9  }
0x55: {  	s9 =	sand.u32 $0x7F, s9  }
0x56: {  	s9 =	smul.u32 $0x3, s9  }
0x57: {  	s10 =	sadd.s32 $0x1, s0  }
0x58: {  	_ =	swait.ge [sflag:s10], $0x4000;
	s4 =	ssub.s32 s4, s9  }
0x59: {  	[sflag:s10] =	ssyncset.done $0x0;
	s4 =	sand.u32 $0xFF, s4  }
0x5a: {  	p1 =	sne.s32 s20, $0x50;
	[sflag:s10] =	ssyncadd.s32 $0xFFFFC000;
	s21 =	sadd.s32 $0x8, s4  }
.Ltmp3:
0x5b: {  	s22 =	sshll.u32 s0, $0xE;
	_ =	swait.ge [sflag:s21], $0x80;
	(pc) =	sbr.rel @!p1 .LBB2_7-.Ltmp3, $4  }
0x5c: {  	s28 =	sadd.s32 $0x3, s0;
	s4 =	sshll.u32 s4, $0x7;
	[sflag:s21] =	ssyncset.done $0x0  }
0x5d: {  	s10 =	sadd.s32 $0x14C80, s22;
	s4 =	sadd.s32 $0x14A80, s4;
	[sflag:s21] =	ssyncadd.s32 $0xFFFFFF80  }
0x5e: {  	[spmem:s1] =	stream.indirect.scatter.add.f32 [tilespmem:s10], [sflag:s28], $0x80, s4, s26, $0xb8;
	[tilespmem:$0x1CC80] =	vst v63  }
0x5f: {  	s31 =	sadd.s32 $0x80, s31;
	s4 =	smov.u32 s20  }
.LBB2_2:
0x60: {  	p1 =	seq.s32 s4, $0x0  }
0x61: {  	p2 =	sgt.u32 @!p1 s4, $0x4D  }
0x62: {  	s0 =	sand.u32 $0x1, s4;
	p2 =	por p1, !p2  }
.Ltmp4:
0x63: {  	s21 =	sxor.u32 $0x1, s0;
	(pc) =	sbr.rel @p2 .LBB2_3-.Ltmp4, $4  }
0x64: {  	s28 =	sadd.s32 @!p1 $0x3, s21  }
0x65: {  	_ =	swait.ge @!p1 [sflag:s28], $0x4000  }
0x66: {  	s22 =	smul.u32 $0xAB, s4;
	[sflag:s28] =	ssyncset.done @!p1 $0x0  }
0x67: {  	s20 =	sadd.s32 $0x1, s4;
	[sflag:s28] =	ssyncadd.s32 @!p1 $0xFFFFC000  }
0x68: {  	p1 =	seq.s32 s4, $0x4F  }
.Ltmp5:
0x69: {  	_ = 	snop;
	(pc) =	sbr.rel @p1 .LBB2_6-.Ltmp5, $4  }
.Ltmp6:
0x6a: {  	_ = 	snop;
	(pc) =	sbr.rel @!p1 .LBB2_5-.Ltmp6, $4  }
0x6b: {  	_ = 	snop  }
0x6c: {  	_ = 	snop  }
0x6d: {  	_ = 	snop  }
0x6e: {  	_ = 	snop  }
.LBB2_8:
0x6f: {  	_ =	sfence.sel $0x180000  }
0x70: {  	[bflag:$0x0] =	sbarrier.arrive $0xFFFF  }
0x71: {  	_ =	strace $0x9000004D  }
0x72: {  	s0 =	stileid.u32;
	[bflag:$0x2] =	sbarrier.arrive $0xFFFF  }
0x73: {  	p0 =	sne.s32 s0, $0x0;
	s0 =	rddreg [dreg:$0x2]  }
0x74: {  	s0 =	sadd.s32 @!p0 $0x100000, s0  }
0x75: {  	[sflag:s0] =	ssyncadd.tile.s32 @!p0 $0x1;
	_ =	shalt  }
.Lfunc_end2:
_tile_overlayer_lowered:
.L_overlay_start_2:
0x76: {  	(tag) =	ssettag $0x2  }
0x77: {  	s0 =	rddreg [dreg:$0x0];
	s2 =	stileid.u32  }
0x78: {  	s1 =	rddreg [dreg:$0x1];
	p0 =	sne.s32 s2, $0x0  }
0x79: {  	s3 =	rddreg [dreg:$0x2];
	[bflag:$0x3] =	sbarrier.arrive $0xFFFF;
	s2 =	simm.s32 @!p0 $0x1C0B  }
0x7a: {  	[timem:s3], [sflag:s2] =	dma.local @!p0 [hbm:s0], s1  }
0x7b: {  	s0 =	simm.s32 @!p0 $0xB  }
0x7c: {  	_ =	swait.ge @!p0 [sflag:s0], s1  }
0x7d: {  	s1 =	ssub.s32 @!p0 $0x0, s1;
	[sflag:s0] =	ssyncset.done @!p0 $0x0  }
0x7e: {  	[sflag:s0] =	ssyncadd.s32 @!p0 s1  }
0x7f: {  	[bflag:$0x3] =	sbarrier.arrive $0xFFFF  }
0x80: {  	_ =	shalt  }

// kernel: kernel.21.cloned.1.call-start
scs
__scs_entry_jumppad:
0x0: {  	(pc) =	sbr.rel $0x88, $3  }
0x1: {  	(tag) =	ssettag $0x0;
	lr =	simm.s32 $0x1  }
0x2: {  	[smem:$0x3F90] =	sst lr;
	_ =	strace $0xD0000000  }
0x3: {  	_ = 	snop  }
0x4: {  	_ = 	snop  }
0x5: {  	_ = 	snop  }
0x6: {  	_ = 	snop  }
0x7: {  	_ = 	snop  }
__scs_overlays_trampoline_lowered:
0x8: {  	[smem:$0x3F9F] =	sst s0  }
0x9: {  	[smem:$0x3FA0] =	sst s1  }
0xa: {  	[smem:$0x3FA1] =	sst s2  }
0xb: {  	[smem:$0x3FA2] =	sst s3  }
0xc: {  	[smem:$0x3FA3] =	sst s4  }
0xd: {  	[smem:$0x3FA4] =	sst s5  }
0xe: {  	[smem:$0x3FA5] =	sst s6  }
0xf: {  	[smem:$0x3FA6] =	sst s7  }
0x10: {  	[smem:$0x3FA7] =	sst s8  }
0x11: {  	[smem:$0x3FA8] =	sst s9;
	s0 =	simm.s32 @!p0 $0x0  }
0x12: {  	s1 =	sld [smem:$0x3F8E];
	s0 =	simm.s32 @p0 $0x1  }
0x13: {  	[smem:$0x3FA9] =	sst s0;
	s0 =	simm.s32 @!p1 $0x0  }
0x14: {  	s2 =	sld [smem:$0x3F8D];
	s0 =	simm.s32 @p1 $0x1  }
0x15: {  	[smem:$0x3FAA] =	sst s0;
	s0 =	simm.s32 @!p2 $0x0  }
0x16: {  	s3 =	sld [smem:$0x3FDB];
	s0 =	simm.s32 @p2 $0x1  }
0x17: {  	s4 =	simm.s32 $0x1BF5;
	[smem:$0x3FAC] =	sst s0  }
0x18: {  	s0 =	sld [smem:$0x3F8F];
	_ =	swait.ge [sflag:s4], $0x0  }
0x19: {  	s7 =	sld [smem:$0x3F90]  }
0x1a: {  	s8 =	sadd.s32 $0xFFFFE003, lr  }
0x1b: {  	s9 =	sadd.s32 $0xFFFFFEF7, lr;
	s5 =	simm.s32 $0xFFFFFFFF;
	p2 =	slt.u32 s8, $0xFFFFF086  }
0x1c: {  	p1 =	slt.u32 s9, $0xF7A;
	s5 =	simm.s32 @!p2 $0x0  }
0x1d: {  	s5 =	simm.s32 @p1 $0x1;
	p0 =	seq.s32 s7, s2  }
0x1e: {  	s7 =	smul.u32 @!p0 $0xF7A, s2;
	p2 =	seq.s32 @!p0 s5, $0x0  }
0x1f: {  	s9 =	smul.u32 $0xF7A, s1;
	s8 =	simm.s32 @!p0 $0x1BF5;
	p2 =	por !p2, p0  }
0x20: {  	[sflag:s8] =	ssyncset.s32 @!p0 $0xFFFFF086;
	s6 =	sadd.s32 @!p0 s3, s7;
	s7 =	simm.s32 @!p0 $0x108  }
0x21: {  	s3 =	sadd.s32 s3, s9;
	s6 =	sadd.s32 @!p0 $0x88, s6;
	s7 =	simm.s32 @p2 $0x1082  }
0x22: {  	[simem:s7], [sflag:s8] =	dma.local @!p0 [hbm:s6], $0xF7A  }
0x23: {  	s9 =	sor.u32 $0xD0000000, s2;
	s6 =	simm.s32 $0x108;
	_ =	swait.ge @!p0 [sflag:s8], $0x0  }
0x24: {  	s3 =	sadd.s32 $0x88, s3;
	s6 =	simm.s32 @!p1 $0x1082;
	[sflag:s4] =	ssyncset.s32 $0xFFFFF086  }
0x25: {  	[simem:s6], [sflag:s4] =	dma.local [hbm:s3], $0xF7A  }
0x26: {  	[smem:$0x3F90] =	sst s1;
	(tag) =	ssettag s2;
	_ =	strace s9  }
0x27: {  	s1 =	sld [smem:$0x3FA0]  }
0x28: {  	s2 =	sld [smem:$0x3FA1]  }
0x29: {  	s4 =	sld [smem:$0x3FA3]  }
0x2a: {  	p0 =	seq.s32 s5, $0x0;
	s5 =	sld [smem:$0x3FA4]  }
0x2b: {  	s6 =	sld [smem:$0x3FA5]  }
0x2c: {  	s7 =	sld [smem:$0x3FA6]  }
0x2d: {  	s3 =	simm.s32 $0x108;
	s8 =	sld [smem:$0x3FA7]  }
0x2e: {  	s3 =	simm.s32 @!p0 $0x1082;
	s9 =	sld [smem:$0x3FA8]  }
0x2f: {  	lr =	sadd.s32 s0, s3;
	s0 =	sld [smem:$0x3F9F]  }
0x30: {  	s3 =	sld [smem:$0x3FA2]  }
0x31: {  	[smem:$0x3FAB] =	sst s10  }
0x32: {  	s10 =	sld [smem:$0x3FA9];
	_ =	sdelay $0x3  }
0x33: {  	p0 =	seq.s32 s10, $0x1;
	s10 =	sld [smem:$0x3FAB];
	_ =	sdelay $0x3  }
0x34: {  	[smem:$0x3FAB] =	sst s10  }
0x35: {  	s10 =	sld [smem:$0x3FAA];
	_ =	sdelay $0x3  }
0x36: {  	p1 =	seq.s32 s10, $0x1;
	s10 =	sld [smem:$0x3FAB];
	_ =	sdelay $0x3  }
0x37: {  	[smem:$0x3FAB] =	sst s10  }
0x38: {  	s10 =	sld [smem:$0x3FAC]  }
0x39: {  	_ = 	snop;
	(pc) =	sbr.ind lr, $3  }
0x3a: {  	_ = 	snop  }
0x3b: {  	_ = 	snop  }
0x3c: {  	p2 =	seq.s32 s10, $0x1;
	s10 =	sld [smem:$0x3FAB]  }
0x3d: {  	_ =	shalt  }
0x3e: {  	_ =	shalt  }
0x3f: {  	_ =	shalt  }
0x40: {  	_ =	shalt  }
0x41: {  	_ =	shalt  }
0x42: {  	_ =	shalt  }
0x43: {  	_ =	shalt  }
0x44: {  	_ =	shalt  }
0x45: {  	_ =	shalt  }
0x46: {  	_ =	shalt  }
0x47: {  	_ =	shalt  }
0x48: {  	_ =	shalt  }
0x49: {  	_ =	shalt  }
0x4a: {  	_ =	shalt  }
0x4b: {  	_ =	shalt  }
0x4c: {  	_ =	shalt  }
0x4d: {  	_ =	shalt  }
0x4e: {  	_ =	shalt  }
0x4f: {  	_ =	shalt  }
0x50: {  	_ =	shalt  }
0x51: {  	_ =	shalt  }
0x52: {  	_ =	shalt  }
0x53: {  	_ =	shalt  }
0x54: {  	_ =	shalt  }
0x55: {  	_ =	shalt  }
0x56: {  	_ =	shalt  }
0x57: {  	_ =	shalt  }
0x58: {  	_ =	shalt  }
0x59: {  	_ =	shalt  }
0x5a: {  	_ =	shalt  }
0x5b: {  	_ =	shalt  }
0x5c: {  	_ =	shalt  }
0x5d: {  	_ =	shalt  }
0x5e: {  	_ =	shalt  }
0x5f: {  	_ =	shalt  }
0x60: {  	_ =	shalt  }
0x61: {  	_ =	shalt  }
0x62: {  	_ =	shalt  }
0x63: {  	_ =	shalt  }
0x64: {  	_ =	shalt  }
0x65: {  	_ =	shalt  }
0x66: {  	_ =	shalt  }
0x67: {  	_ =	shalt  }
0x68: {  	_ =	shalt  }
0x69: {  	_ =	shalt  }
0x6a: {  	_ =	shalt  }
0x6b: {  	_ =	shalt  }
0x6c: {  	_ =	shalt  }
0x6d: {  	_ =	shalt  }
0x6e: {  	_ =	shalt  }
0x6f: {  	_ =	shalt  }
0x70: {  	_ =	shalt  }
0x71: {  	_ =	shalt  }
0x72: {  	_ =	shalt  }
0x73: {  	_ =	shalt  }
0x74: {  	_ =	shalt  }
0x75: {  	_ =	shalt  }
0x76: {  	_ =	shalt  }
0x77: {  	_ =	shalt  }
0x78: {  	_ =	shalt  }
0x79: {  	_ =	shalt  }
0x7a: {  	_ =	shalt  }
0x7b: {  	_ =	shalt  }
0x7c: {  	_ =	shalt  }
0x7d: {  	_ =	shalt  }
0x7e: {  	_ =	shalt  }
0x7f: {  	_ =	shalt  }
0x80: {  	_ =	shalt  }
0x81: {  	_ =	shalt  }
0x82: {  	_ =	shalt  }
0x83: {  	_ =	shalt  }
0x84: {  	_ =	shalt  }
0x85: {  	_ =	shalt  }
0x86: {  	_ =	shalt  }
0x87: {  	_ =	shalt  }
.Lfunc_end0:
.L_simem_size_0:
called_computation.3_lowered:
.L_overlay_start_0:
0x88: {  	s2 =	sld [smem:$0x3FD9]  }
0x89: {  	s3 =	sld [smem:$0x3FFE];
	_ =	sdelay $0x1  }
0x8a: {  	s1 =	srdreg.scid  }
0x8b: {  	s0 =	sand.u32 $0x1, s1  }
0x8c: {  	s16 =	sshll.u32 s0, $0xA;
	s2 =	sadd.s32 s3, s2  }
0x8d: {  	s2 =	sadd.s32 s2, s16  }
0x8e: {  	[smem:$0x3FB7] =	sst s2  }
0x8f: {  	_ = 	snop  }
0x90: {  	(tm) =	ssettm $0x1  }
0x91: {  	s17 =	sld [smem:$0x3FFB];
	_ =	sdelay $0x3  }
0x92: {  	_ =	strace s17  }
0x93: {  	s2 =	sld [smem:$0x3FFC];
	_ =	sdelay $0x3  }
0x94: {  	_ =	strace s2  }
0x95: {  	s2 =	sld [smem:$0x3FFD];
	_ =	sdelay $0x3  }
0x96: {  	_ =	strace s2  }
0x97: {  	_ =	strace $0x8FFFFFFF  }
0x98: {  	s18 =	sld [smem:$0x3FDB];
	_ =	sdelay $0x1  }
0x99: {  	s19 =	simm.s32 $_scs_section_size  }
0x9a: {  	s4 =	simm.s32 $_size__tile_overlayer_lowered;
	s5 =	simm.s32 $_tile_overlayer_lowered  }
0x9b: {  	s22 =	simm.s32 $0x1BFF;
	s21 =	sshll.u32 s5, $0x1;
	s2 =	sadd.s32 s19, s18  }
0x9c: {  	s6 =	simm.s32 $0x0;
	s20 =	sshll.u32 s4, $0x1;
	s4 =	sadd.s32 s21, s2  }
0x9d: {  	[timem:s6], [sflag:s22] =	dma.local [hbm:s4], s20  }
0x9e: {  	_ =	swait.ge [sflag:s22], s20  }
0x9f: {  	s3 =	ssub.s32 $0x0, s20;
	[sflag:s22] =	ssyncset.done $0x0  }
0xa0: {  	[sflag:s22] =	ssyncadd.s32 s3;
	_ =	sdelay $0x1  }
0xa1: {  	s23 =	simm.s32 $0x1B8B  }
0xa2: {  	_ =	swait.ge [sflag:s23], $0x1  }
0xa3: {  	[sflag:s23] =	ssyncset.done $0x0  }
0xa4: {  	s25 =	simm.s32 $0x1B8E;
	s24 =	sld [smem:$0x3FFE];
	[sflag:s23] =	ssyncadd.s32 $0xFFFFFFFF  }
0xa5: {  	s26 =	simm.s32 $execute0_lowered;
	[smem:$0x3FD2] =	sst s25  }
0xa6: {  	s4 =	sshll.u32 s26, $0x1;
	_ =	strace $0x8000004F;
	[dreg:$0x1] =	wrdreg $0xFFFFFFFF  }
0xa7: {  	s28 =	simm.s32 $_size_execute0_lowered;
	s2 =	sadd.s32 s2, s4;
	[dreg:$0x0] =	wrdreg $0x0  }
0xa8: {  	s4 =	sshll.u32 s28, $0x1;
	[dreg:$0x2] =	wrdreg s2  }
0xa9: {  	[dreg:$0x3] =	wrdreg s4  }
0xaa: {  	[dreg:$0x4] =	wrdreg $0xC0  }
0xab: {  	_ =	task [dreg:s6], $0x5FFFF  }
0xac: {  	[dreg:$0x1] =	wrdreg $0xFFFFFFFF  }
0xad: {  	[dreg:$0x0] =	wrdreg $0x60  }
0xae: {  	[dreg:$0x2] =	wrdreg s24  }
0xaf: {  	[dreg:$0x3] =	wrdreg $0x0  }
0xb0: {  	[dreg:$0x4] =	wrdreg $0x9  }
0xb1: {  	_ =	task.clear_ibuf [dreg:s6], $0x5FFFF;
	_ =	strace $0x9000004F  }
0xb2: {  	s29 =	simm.s32 $0x9;
	_ =	strace $0x80000051  }
0xb3: {  	_ =	swait.ge [sflag:s29], $0x1  }
0xb4: {  	[sflag:s29] =	ssyncadd.s32 $0xFFFFFFFF  }
0xb5: {  	_ =	strace $0x90000051  }
0xb6: {  	_ =	sfence  }
0xb7: {  	s30 =	sld [smem:$0x0];
	_ =	sdelay $0x2  }
0xb8: {  	s31 =	sshll.u32 s1, $0xD;
	s1 =	sshrl.u32 s1, $0x2  }
0xb9: {  	s3 =	sand.u32 $0x4000, s31;
	s1 =	sadd.s32 s1, s30  }
0xba: {  	s0 =	sor.u32 s3, s0;
	s1 =	sshll.u32 s1, $0x11  }
0xbb: {  	s0 =	sor.u32 s1, s0  }
0xbc: {  	s0 =	sadd.s32 $0x8F2B, s0  }
0xbd: {  	[sflag:s0] =	ssyncadd.remote.s32 $0x1  }
0xbe: {  	_ =	sfence.sel $0xFFFF  }
0xbf: {  	[dreg:$0x0] =	wrdreg $0xFFFFFFFF;
	(pc) =	sbr.abs _section_cstart, $3  }
0xc0: {  	[dreg:$0x1] =	wrdreg $0xFFFFFFFF  }
0xc1: {  	_ =	task.clear_ibuf [dreg:s6], $0x2FFFF;
	_ =	strace $0x9FFFFFFF  }
0xc2: {  	(tm) =	ssettm $0x7FFFFFFF  }
0xc3: {  	_ =	shalt  }
tec
execute0_lowered:
.L_overlay_start_1:
0x0: {  	(tag) =	ssettag $0x1  }
0x1: {  	s0 =	rddreg [dreg:$0x0]  }
0x2: {  	s1 =	rddreg [dreg:$0x1];
	s2 =	simm.s32 $0x0  }
0x3: {  	s4 =	srdreg.scid;
	s19 =	stileid.u32;
	s29 =	simm.s32 $0x4  }
0x4: {  	s30 =	simm.s32 $0x0;
	[smem:$0x7FF] =	sst s2;
	s3 =	sadd.s32 $0xF000, s0  }
0x5: {  	s5 =	sadd.s32 $0x5000, s0;
	s6 =	sadd.s32 $0x19200, s0;
	s10 =	smul.u32 $0x52000, s19  }
0x6: {  	s4 =	sand.u32 $0x1, s4;
	s7 =	sadd.s32 $0x42400, s0;
	s12 =	smul.u32 $0x13800, s19  }
0x7: {  	s0 =	sadd.s32 $0x93200, s0;
	s16 =	sadd.s32 $0x133800, s1;
	s17 =	smul.u32 $0x4E000, s19  }
0x8: {  	p0 =	seq.s32 s19, $0xF;
	_ =	strace $0x80000050;
	s8 =	sshll.u32 s4, $0x4  }
0x9: {  	s9 =	ssub.s32 $0x2, s4;
	s4 =	smul.u32 $0x138800, s4;
	s16 =	sshrl.u32 @p0 s16, $0x3  }
0xa: {  	s8 =	sor.u32 s19, s8;
	s11 =	sshrl.u32 s9, $0x1;
	s20 =	sshrl.u32 s10, $0x2  }
0xb: {  	s31 =	sshrl.u32 s17, $0x2;
	s8 =	smul.u32 $0x2800, s8;
	s15 =	ssub.s32 s9, s11  }
0xc: {  	s18 =	sadd.s32 s20, s1;
	s14 =	sadd.s32 s12, s4;
	s4 =	sshrl.u32 s4, $0x3  }
0xd: {  	s20 =	sadd.s32 s31, s1;
	s26 =	sshrl.u32 s14, $0x3;
	s15 =	smax.u32 s15, $0x1  }
0xe: {  	s18 =	sshrl.u32 @!p0 s18, $0x3;
	s21 =	sshrl.u32 s8, $0x3;
	s28 =	sadd.s32 s0, s26  }
0xf: {  	s0 =	sadd.s32 s0, s4;
	s4 =	sshll.u32 @!p0 s19, $0x6;
	s19 =	simm.s32 $0x14880  }
0x10: {  	s26 =	simm.s32 $0x80;
	s22 =	sadd.s32 s3, s21;
	s23 =	sadd.s32 s5, s21  }
.Ltmp0:
0x11: {  	s13 =	sor.u32 $0x10, s21;
	[dreg:$0x7] =	wrdreg s28;
	(pc) =	sbr.rel .LBB2_1-.Ltmp0, $4  }
0x12: {  	s14 =	sadd.s32 $0x24900, s0;
	s0 =	sadd.s32 $0x124800, s1;
	[dreg:$0x3] =	wrdreg s22  }
0x13: {  	s17 =	sor.u32 @!p0 $0x1C0B, s4;
	[dreg:$0x4] =	wrdreg s23;
	s24 =	sadd.s32 s3, s13  }
0x14: {  	s25 =	sadd.s32 s5, s13;
	s23 =	simm.s32 $0x5;
	[dreg:$0x5] =	wrdreg s24  }
0x15: {  	[dreg:$0x6] =	wrdreg s25;
	s24 =	sshrl.u32 @p0 s0, $0x3;
	s25 =	sshrl.u32 @!p0 s20, $0x3  }
.LBB2_7:
0x16: {  	_ =	swait.ge [sflag:s29], $0x4000  }
0x17: {  	[sflag:s29] =	ssyncset.done $0x0  }
0x18: {  	[sflag:s29] =	ssyncadd.s32 $0xFFFFC000  }
0x19: {  	s0 =	simm.s32 @p0 $0x1FCB;
	[bflag:$0x0] =	sbarrier.arrive $0xFFFF  }
0x1a: {  	[hbm:s14], [sflag:s0] =	dma.local @p0 [spmem:s24], $0x2800  }
0x1b: {  	s0 =	simm.s32 @p0 $0xB  }
0x1c: {  	_ =	swait.ge @p0 [sflag:s0], $0x2800  }
0x1d: {  	s30 =	sadd.s32 $0x1, s30;
	[sflag:s0] =	ssyncset.done @p0 $0x0  }
0x1e: {  	p1 =	sne.s32 s30, s15;
	[sflag:s0] =	ssyncadd.s32 @p0 $0xFFFFD800;
	s0 =	rddreg [dreg:$0x7]  }
0x1f: {  	[hbm:s0], [sflag:s17] =	dma.local @!p0 [spmem:s25], $0x2700  }
.Ltmp1:
0x20: {  	_ = 	snop;
	(pc) =	sbr.rel @!p1 .LBB2_8-.Ltmp1, $4  }
0x21: {  	s0 =	simm.s32 @!p0 $0xB  }
0x22: {  	_ =	swait.ge @!p0 [sflag:s0], $0x2700  }
0x23: {  	[sflag:s0] =	ssyncset.done @!p0 $0x0  }
0x24: {  	[sflag:s0] =	ssyncadd.s32 @!p0 $0xFFFFD900  }
.LBB2_1:
0x25: {  	s0 =	simm.s32 @p0 $0x1FCB  }
0x26: {  	[spmem:s16], [sflag:s0] =	dma.local @p0 [hbm:s7], $0x2A00  }
0x27: {  	s0 =	simm.s32 @p0 $0xB  }
0x28: {  	_ =	swait.ge @p0 [sflag:s0], $0x2A00  }
0x29: {  	[sflag:s0] =	ssyncset.done @p0 $0x0  }
0x2a: {  	[sflag:s0] =	ssyncadd.s32 @p0 $0xFFFFD600;
	s0 =	simm.s32 @!p0 $0xB  }
0x2b: {  	[spmem:s18], [sflag:s17] =	dma.local @!p0 [hbm:s7], $0x2900  }
0x2c: {  	_ =	swait.ge @!p0 [sflag:s0], $0x2900  }
0x2d: {  	[sflag:s0] =	ssyncset.done @!p0 $0x0  }
0x2e: {  	[sflag:s0] =	ssyncadd.s32 @!p0 $0xFFFFD700  }
0x2f: {  	[bflag:$0x0] =	sbarrier.arrive $0xFFFF  }
0x30: {  	s11 =	rddreg [dreg:$0x3]  }
0x31: {  	[tilespmem:s19], [sflag:$0x5] =	stream.linear.gather [hbm4b:s11+s2], $0x80, $0x38;
	[tilespmem:$0x1CC80] =	vst v63  }
0x32: {  	s4 =	simm.s32 $0x14A80;
	s12 =	rddreg [dreg:$0x4]  }
0x33: {  	[tilespmem:s4], [sflag:$0x8] =	stream.linear.gather [hbm4b:s12+s2], $0x80, $0x38;
	[tilespmem:$0x1CC80] =	vst v63  }
0x34: {  	s20 =	simm.s32 $0x14900;
	s13 =	rddreg [dreg:$0x5]  }
0x35: {  	[tilespmem:s20], [sflag:$0x6] =	stream.linear.gather [hbm4b:s13+s2], $0x80, $0x38;
	[tilespmem:$0x1CC80] =	vst v63  }
0x36: {  	s22 =	simm.s32 $0x14B00;
	s21 =	rddreg [dreg:$0x6]  }
0x37: {  	[tilespmem:s22], [sflag:$0x9] =	stream.linear.gather [hbm4b:s21+s2], $0x80, $0x38;
	[tilespmem:$0x1CC80] =	vst v63  }
.Ltmp2:
0x38: {  	_ = 	snop;
	(pc) =	sbr.rel .LBB2_2-.Ltmp2, $4  }
0x39: {  	_ =	swait.ge [sflag:s23], $0x80  }
0x3a: {  	s28 =	simm.s32 $0x14C80;
	[sflag:s23] =	ssyncset.done $0x0  }
0x3b: {  	s31 =	simm.s32 $0x100;
	s4 =	simm.s32 $0x0;
	[sflag:s23] =	ssyncadd.s32 $0xFFFFFF80  }
0x3c: {  	[tilespmem:s28], [sflag:$0x1] =	stream.indirect.gather [hbm4b:s6+s26], $0x80, s19, s26, $0xb8;
	[tilespmem:$0x1CC80] =	vst v63  }
.LBB2_3:
0x3d: {  	s28 =	sadd.s32 $0x156, s22  }
0x3e: {  	s28 =	sshrl.u32 s28, $0x9  }
0x3f: {  	s28 =	sand.u32 $0x7F, s28  }
0x40: {  	s28 =	smul.u32 $0x3, s28;
	_ =	sdelay $0x1  }
0x41: {  	s9 =	sand.u32 $0x7C00, s31;
	s28 =	ssub.s32 s4, s28  }
0x42: {  	s10 =	sand.u32 $0x380, s31;
	s9 =	sadd.s32 s8, s9;
	s28 =	sadd.s32 $0x2, s28  }
0x43: {  	s9 =	sor.u32 s10, s9;
	s28 =	sand.u32 $0xFF, s28  }
0x44: {  	s9 =	sshrl.u32 s9, $0x3;
	s10 =	sshll.u32 s28, $0x7  }
0x45: {  	s13 =	sadd.s32 s3, s9;
	s12 =	sadd.s32 $0x5, s28;
	s11 =	sadd.s32 $0x14880, s10  }
0x46: {  	[tilespmem:s11], [sflag:s12] =	stream.linear.gather [hbm4b:s13+s2], $0x80, $0x38;
	[tilespmem:$0x1CC80] =	vst v63  }
0x47: {  	s9 =	sadd.s32 s5, s9;
	s28 =	sadd.s32 $0x8, s28;
	s10 =	sadd.s32 $0x14A80, s10  }
0x48: {  	[tilespmem:s10], [sflag:s28] =	stream.linear.gather [hbm4b:s9+s2], $0x80, $0x38;
	[tilespmem:$0x1CC80] =	vst v63  }
.LBB2_5:
0x49: {  	s9 =	sadd.s32 $0xAB, s22  }
0x4a: {  	s9 =	sshrl.u32 s9, $0x9  }
0x4b: {  	s9 =	sand.u32 $0x7F, s9  }
0x4c: {  	s9 =	smul.u32 $0x3, s9;
	_ =	sdelay $0x1  }
0x4d: {  	s9 =	ssub.s32 s20, s9  }
0x4e: {  	s9 =	sand.u32 $0xFF, s9  }
0x4f: {  	s10 =	sadd.s32 $0x5, s9  }
0x50: {  	s28 =	sshll.u32 s21, $0xE;
	_ =	swait.ge [sflag:s10], $0x80  }
0x51: {  	s11 =	sadd.s32 $0x1, s21;
	s9 =	sshll.u32 s9, $0x7;
	[sflag:s10] =	ssyncset.done $0x0  }
0x52: {  	s9 =	sadd.s32 $0x14880, s9;
	[sflag:s10] =	ssyncadd.s32 $0xFFFFFF80;
	s10 =	sadd.s32 $0x14C80, s28  }
0x53: {  	[tilespmem:s10], [sflag:s11] =	stream.indirect.gather [hbm4b:s6+s26], $0x80, s9, s26, $0xb8;
	[tilespmem:$0x1CC80] =	vst v63  }
.LBB2_6:
0x54: {  	s9 =	sshrl.u32 s22, $0x9  }
0x55: {  	s9 =	sand.u32 $0x7F, s9  }
0x56: {  	s9 =	smul.u32 $0x3, s9  }
0x57: {  	s10 =	sadd.s32 $0x1, s0  }
0x58: {  	_ =	swait.ge [sflag:s10], $0x4000;
	s4 =	ssub.s32 s4, s9  }
0x59: {  	[sflag:s10] =	ssyncset.done $0x0;
	s4 =	sand.u32 $0xFF, s4  }
0x5a: {  	p1 =	sne.s32 s20, $0x50;
	[sflag:s10] =	ssyncadd.s32 $0xFFFFC000;
	s21 =	sadd.s32 $0x8, s4  }
.Ltmp3:
0x5b: {  	s22 =	sshll.u32 s0, $0xE;
	_ =	swait.ge [sflag:s21], $0x80;
	(pc) =	sbr.rel @!p1 .LBB2_7-.Ltmp3, $4  }
0x5c: {  	s28 =	sadd.s32 $0x3, s0;
	s4 =	sshll.u32 s4, $0x7;
	[sflag:s21] =	ssyncset.done $0x0  }
0x5d: {  	s10 =	sadd.s32 $0x14C80, s22;
	s4 =	sadd.s32 $0x14A80, s4;
	[sflag:s21] =	ssyncadd.s32 $0xFFFFFF80  }
0x5e: {  	[spmem:s1] =	stream.indirect.scatter.add.f32 [tilespmem:s10], [sflag:s28], $0x80, s4, s26, $0xb8;
	[tilespmem:$0x1CC80] =	vst v63  }
0x5f: {  	s31 =	sadd.s32 $0x80, s31;
	s4 =	smov.u32 s20  }
.LBB2_2:
0x60: {  	p1 =	seq.s32 s4, $0x0  }
0x61: {  	p2 =	sgt.u32 @!p1 s4, $0x4D  }
0x62: {  	s0 =	sand.u32 $0x1, s4;
	p2 =	por p1, !p2  }
.Ltmp4:
0x63: {  	s21 =	sxor.u32 $0x1, s0;
	(pc) =	sbr.rel @p2 .LBB2_3-.Ltmp4, $4  }
0x64: {  	s28 =	sadd.s32 @!p1 $0x3, s21  }
0x65: {  	_ =	swait.ge @!p1 [sflag:s28], $0x4000  }
0x66: {  	s22 =	smul.u32 $0xAB, s4;
	[sflag:s28] =	ssyncset.done @!p1 $0x0  }
0x67: {  	s20 =	sadd.s32 $0x1, s4;
	[sflag:s28] =	ssyncadd.s32 @!p1 $0xFFFFC000  }
0x68: {  	p1 =	seq.s32 s4, $0x4F  }
.Ltmp5:
0x69: {  	_ = 	snop;
	(pc) =	sbr.rel @p1 .LBB2_6-.Ltmp5, $4  }
.Ltmp6:
0x6a: {  	_ = 	snop;
	(pc) =	sbr.rel @!p1 .LBB2_5-.Ltmp6, $4  }
0x6b: {  	_ = 	snop  }
0x6c: {  	_ = 	snop  }
0x6d: {  	_ = 	snop  }
0x6e: {  	_ = 	snop  }
.LBB2_8:
0x6f: {  	_ =	sfence.sel $0x180000  }
0x70: {  	[bflag:$0x0] =	sbarrier.arrive $0xFFFF  }
0x71: {  	_ =	strace $0x90000050  }
0x72: {  	s0 =	stileid.u32;
	[bflag:$0x2] =	sbarrier.arrive $0xFFFF  }
0x73: {  	p0 =	sne.s32 s0, $0x0;
	s0 =	rddreg [dreg:$0x2]  }
0x74: {  	s0 =	sadd.s32 @!p0 $0x100000, s0  }
0x75: {  	[sflag:s0] =	ssyncadd.tile.s32 @!p0 $0x1;
	_ =	shalt  }
.Lfunc_end2:
_tile_overlayer_lowered:
.L_overlay_start_2:
0x76: {  	(tag) =	ssettag $0x2  }
0x77: {  	s0 =	rddreg [dreg:$0x0];
	s2 =	stileid.u32  }
0x78: {  	s1 =	rddreg [dreg:$0x1];
	p0 =	sne.s32 s2, $0x0  }
0x79: {  	s3 =	rddreg [dreg:$0x2];
	[bflag:$0x3] =	sbarrier.arrive $0xFFFF;
	s2 =	simm.s32 @!p0 $0x1C0B  }
0x7a: {  	[timem:s3], [sflag:s2] =	dma.local @!p0 [hbm:s0], s1  }
0x7b: {  	s0 =	simm.s32 @!p0 $0xB  }
0x7c: {  	_ =	swait.ge @!p0 [sflag:s0], s1  }
0x7d: {  	s1 =	ssub.s32 @!p0 $0x0, s1;
	[sflag:s0] =	ssyncset.done @!p0 $0x0  }
0x7e: {  	[sflag:s0] =	ssyncadd.s32 @!p0 s1  }
0x7f: {  	[bflag:$0x3] =	sbarrier.arrive $0xFFFF  }
0x80: {  	_ =	shalt  }

// kernel: kernel.24.cloned.1.call-start
scs
__scs_entry_jumppad:
0x0: {  	(pc) =	sbr.rel $0x88, $3  }
0x1: {  	(tag) =	ssettag $0x0;
	lr =	simm.s32 $0x1  }
0x2: {  	[smem:$0x3F90] =	sst lr;
	_ =	strace $0xD0000000  }
0x3: {  	_ = 	snop  }
0x4: {  	_ = 	snop  }
0x5: {  	_ = 	snop  }
0x6: {  	_ = 	snop  }
0x7: {  	_ = 	snop  }
__scs_overlays_trampoline_lowered:
0x8: {  	[smem:$0x3F9F] =	sst s0  }
0x9: {  	[smem:$0x3FA0] =	sst s1  }
0xa: {  	[smem:$0x3FA1] =	sst s2  }
0xb: {  	[smem:$0x3FA2] =	sst s3  }
0xc: {  	[smem:$0x3FA3] =	sst s4  }
0xd: {  	[smem:$0x3FA4] =	sst s5  }
0xe: {  	[smem:$0x3FA5] =	sst s6  }
0xf: {  	[smem:$0x3FA6] =	sst s7  }
0x10: {  	[smem:$0x3FA7] =	sst s8  }
0x11: {  	[smem:$0x3FA8] =	sst s9;
	s0 =	simm.s32 @!p0 $0x0  }
0x12: {  	s1 =	sld [smem:$0x3F8E];
	s0 =	simm.s32 @p0 $0x1  }
0x13: {  	[smem:$0x3FA9] =	sst s0;
	s0 =	simm.s32 @!p1 $0x0  }
0x14: {  	s2 =	sld [smem:$0x3F8D];
	s0 =	simm.s32 @p1 $0x1  }
0x15: {  	[smem:$0x3FAA] =	sst s0;
	s0 =	simm.s32 @!p2 $0x0  }
0x16: {  	s3 =	sld [smem:$0x3FDB];
	s0 =	simm.s32 @p2 $0x1  }
0x17: {  	s4 =	simm.s32 $0x1BF5;
	[smem:$0x3FAC] =	sst s0  }
0x18: {  	s0 =	sld [smem:$0x3F8F];
	_ =	swait.ge [sflag:s4], $0x0  }
0x19: {  	s7 =	sld [smem:$0x3F90]  }
0x1a: {  	s8 =	sadd.s32 $0xFFFFE003, lr  }
0x1b: {  	s9 =	sadd.s32 $0xFFFFFEF7, lr;
	s5 =	simm.s32 $0xFFFFFFFF;
	p2 =	slt.u32 s8, $0xFFFFF086  }
0x1c: {  	p1 =	slt.u32 s9, $0xF7A;
	s5 =	simm.s32 @!p2 $0x0  }
0x1d: {  	s5 =	simm.s32 @p1 $0x1;
	p0 =	seq.s32 s7, s2  }
0x1e: {  	s7 =	smul.u32 @!p0 $0xF7A, s2;
	p2 =	seq.s32 @!p0 s5, $0x0  }
0x1f: {  	s9 =	smul.u32 $0xF7A, s1;
	s8 =	simm.s32 @!p0 $0x1BF5;
	p2 =	por !p2, p0  }
0x20: {  	[sflag:s8] =	ssyncset.s32 @!p0 $0xFFFFF086;
	s6 =	sadd.s32 @!p0 s3, s7;
	s7 =	simm.s32 @!p0 $0x108  }
0x21: {  	s3 =	sadd.s32 s3, s9;
	s6 =	sadd.s32 @!p0 $0x88, s6;
	s7 =	simm.s32 @p2 $0x1082  }
0x22: {  	[simem:s7], [sflag:s8] =	dma.local @!p0 [hbm:s6], $0xF7A  }
0x23: {  	s9 =	sor.u32 $0xD0000000, s2;
	s6 =	simm.s32 $0x108;
	_ =	swait.ge @!p0 [sflag:s8], $0x0  }
0x24: {  	s3 =	sadd.s32 $0x88, s3;
	s6 =	simm.s32 @!p1 $0x1082;
	[sflag:s4] =	ssyncset.s32 $0xFFFFF086  }
0x25: {  	[simem:s6], [sflag:s4] =	dma.local [hbm:s3], $0xF7A  }
0x26: {  	[smem:$0x3F90] =	sst s1;
	(tag) =	ssettag s2;
	_ =	strace s9  }
0x27: {  	s1 =	sld [smem:$0x3FA0]  }
0x28: {  	s2 =	sld [smem:$0x3FA1]  }
0x29: {  	s4 =	sld [smem:$0x3FA3]  }
0x2a: {  	p0 =	seq.s32 s5, $0x0;
	s5 =	sld [smem:$0x3FA4]  }
0x2b: {  	s6 =	sld [smem:$0x3FA5]  }
0x2c: {  	s7 =	sld [smem:$0x3FA6]  }
0x2d: {  	s3 =	simm.s32 $0x108;
	s8 =	sld [smem:$0x3FA7]  }
0x2e: {  	s3 =	simm.s32 @!p0 $0x1082;
	s9 =	sld [smem:$0x3FA8]  }
0x2f: {  	lr =	sadd.s32 s0, s3;
	s0 =	sld [smem:$0x3F9F]  }
0x30: {  	s3 =	sld [smem:$0x3FA2]  }
0x31: {  	[smem:$0x3FAB] =	sst s10  }
0x32: {  	s10 =	sld [smem:$0x3FA9];
	_ =	sdelay $0x3  }
0x33: {  	p0 =	seq.s32 s10, $0x1;
	s10 =	sld [smem:$0x3FAB];
	_ =	sdelay $0x3  }
0x34: {  	[smem:$0x3FAB] =	sst s10  }
0x35: {  	s10 =	sld [smem:$0x3FAA];
	_ =	sdelay $0x3  }
0x36: {  	p1 =	seq.s32 s10, $0x1;
	s10 =	sld [smem:$0x3FAB];
	_ =	sdelay $0x3  }
0x37: {  	[smem:$0x3FAB] =	sst s10  }
0x38: {  	s10 =	sld [smem:$0x3FAC]  }
0x39: {  	_ = 	snop;
	(pc) =	sbr.ind lr, $3  }
0x3a: {  	_ = 	snop  }
0x3b: {  	_ = 	snop  }
0x3c: {  	p2 =	seq.s32 s10, $0x1;
	s10 =	sld [smem:$0x3FAB]  }
0x3d: {  	_ =	shalt  }
0x3e: {  	_ =	shalt  }
0x3f: {  	_ =	shalt  }
0x40: {  	_ =	shalt  }
0x41: {  	_ =	shalt  }
0x42: {  	_ =	shalt  }
0x43: {  	_ =	shalt  }
0x44: {  	_ =	shalt  }
0x45: {  	_ =	shalt  }
0x46: {  	_ =	shalt  }
0x47: {  	_ =	shalt  }
0x48: {  	_ =	shalt  }
0x49: {  	_ =	shalt  }
0x4a: {  	_ =	shalt  }
0x4b: {  	_ =	shalt  }
0x4c: {  	_ =	shalt  }
0x4d: {  	_ =	shalt  }
0x4e: {  	_ =	shalt  }
0x4f: {  	_ =	shalt  }
0x50: {  	_ =	shalt  }
0x51: {  	_ =	shalt  }
0x52: {  	_ =	shalt  }
0x53: {  	_ =	shalt  }
0x54: {  	_ =	shalt  }
0x55: {  	_ =	shalt  }
0x56: {  	_ =	shalt  }
0x57: {  	_ =	shalt  }
0x58: {  	_ =	shalt  }
0x59: {  	_ =	shalt  }
0x5a: {  	_ =	shalt  }
0x5b: {  	_ =	shalt  }
0x5c: {  	_ =	shalt  }
0x5d: {  	_ =	shalt  }
0x5e: {  	_ =	shalt  }
0x5f: {  	_ =	shalt  }
0x60: {  	_ =	shalt  }
0x61: {  	_ =	shalt  }
0x62: {  	_ =	shalt  }
0x63: {  	_ =	shalt  }
0x64: {  	_ =	shalt  }
0x65: {  	_ =	shalt  }
0x66: {  	_ =	shalt  }
0x67: {  	_ =	shalt  }
0x68: {  	_ =	shalt  }
0x69: {  	_ =	shalt  }
0x6a: {  	_ =	shalt  }
0x6b: {  	_ =	shalt  }
0x6c: {  	_ =	shalt  }
0x6d: {  	_ =	shalt  }
0x6e: {  	_ =	shalt  }
0x6f: {  	_ =	shalt  }
0x70: {  	_ =	shalt  }
0x71: {  	_ =	shalt  }
0x72: {  	_ =	shalt  }
0x73: {  	_ =	shalt  }
0x74: {  	_ =	shalt  }
0x75: {  	_ =	shalt  }
0x76: {  	_ =	shalt  }
0x77: {  	_ =	shalt  }
0x78: {  	_ =	shalt  }
0x79: {  	_ =	shalt  }
0x7a: {  	_ =	shalt  }
0x7b: {  	_ =	shalt  }
0x7c: {  	_ =	shalt  }
0x7d: {  	_ =	shalt  }
0x7e: {  	_ =	shalt  }
0x7f: {  	_ =	shalt  }
0x80: {  	_ =	shalt  }
0x81: {  	_ =	shalt  }
0x82: {  	_ =	shalt  }
0x83: {  	_ =	shalt  }
0x84: {  	_ =	shalt  }
0x85: {  	_ =	shalt  }
0x86: {  	_ =	shalt  }
0x87: {  	_ =	shalt  }
.Lfunc_end0:
.L_simem_size_0:
called_computation.4_lowered:
.L_overlay_start_0:
0x88: {  	s2 =	sld [smem:$0x3FD9]  }
0x89: {  	s3 =	sld [smem:$0x3FFE];
	_ =	sdelay $0x1  }
0x8a: {  	s1 =	srdreg.scid  }
0x8b: {  	s0 =	sand.u32 $0x1, s1  }
0x8c: {  	s16 =	sshll.u32 s0, $0xA;
	s2 =	sadd.s32 s3, s2  }
0x8d: {  	s2 =	sadd.s32 s2, s16  }
0x8e: {  	[smem:$0x3FB7] =	sst s2  }
0x8f: {  	_ = 	snop  }
0x90: {  	(tm) =	ssettm $0x1  }
0x91: {  	s17 =	sld [smem:$0x3FFB];
	_ =	sdelay $0x3  }
0x92: {  	_ =	strace s17  }
0x93: {  	s2 =	sld [smem:$0x3FFC];
	_ =	sdelay $0x3  }
0x94: {  	_ =	strace s2  }
0x95: {  	s2 =	sld [smem:$0x3FFD];
	_ =	sdelay $0x3  }
0x96: {  	_ =	strace s2  }
0x97: {  	_ =	strace $0x8FFFFFFF  }
0x98: {  	s18 =	sld [smem:$0x3FDB];
	_ =	sdelay $0x1  }
0x99: {  	s19 =	simm.s32 $_scs_section_size  }
0x9a: {  	s4 =	simm.s32 $_size__tile_overlayer_lowered;
	s5 =	simm.s32 $_tile_overlayer_lowered  }
0x9b: {  	s22 =	simm.s32 $0x1BFF;
	s21 =	sshll.u32 s5, $0x1;
	s2 =	sadd.s32 s19, s18  }
0x9c: {  	s6 =	simm.s32 $0x0;
	s20 =	sshll.u32 s4, $0x1;
	s4 =	sadd.s32 s21, s2  }
0x9d: {  	[timem:s6], [sflag:s22] =	dma.local [hbm:s4], s20  }
0x9e: {  	_ =	swait.ge [sflag:s22], s20  }
0x9f: {  	s3 =	ssub.s32 $0x0, s20;
	[sflag:s22] =	ssyncset.done $0x0  }
0xa0: {  	[sflag:s22] =	ssyncadd.s32 s3;
	_ =	sdelay $0x1  }
0xa1: {  	s23 =	simm.s32 $0x1B8B  }
0xa2: {  	_ =	swait.ge [sflag:s23], $0x1  }
0xa3: {  	[sflag:s23] =	ssyncset.done $0x0  }
0xa4: {  	s25 =	simm.s32 $0x1B8E;
	s24 =	sld [smem:$0x3FFE];
	[sflag:s23] =	ssyncadd.s32 $0xFFFFFFFF  }
0xa5: {  	s26 =	simm.s32 $execute0_lowered;
	[smem:$0x3FD2] =	sst s25  }
0xa6: {  	s4 =	sshll.u32 s26, $0x1;
	_ =	strace $0x80000052;
	[dreg:$0x1] =	wrdreg $0xFFFFFFFF  }
0xa7: {  	s28 =	simm.s32 $_size_execute0_lowered;
	s2 =	sadd.s32 s2, s4;
	[dreg:$0x0] =	wrdreg $0x0  }
0xa8: {  	s4 =	sshll.u32 s28, $0x1;
	[dreg:$0x2] =	wrdreg s2  }
0xa9: {  	[dreg:$0x3] =	wrdreg s4  }
0xaa: {  	[dreg:$0x4] =	wrdreg $0xC0  }
0xab: {  	_ =	task [dreg:s6], $0x5FFFF  }
0xac: {  	[dreg:$0x1] =	wrdreg $0xFFFFFFFF  }
0xad: {  	[dreg:$0x0] =	wrdreg $0x60  }
0xae: {  	[dreg:$0x2] =	wrdreg s24  }
0xaf: {  	[dreg:$0x3] =	wrdreg $0x0  }
0xb0: {  	[dreg:$0x4] =	wrdreg $0x9  }
0xb1: {  	_ =	task.clear_ibuf [dreg:s6], $0x5FFFF;
	_ =	strace $0x90000052  }
0xb2: {  	s29 =	simm.s32 $0x9;
	_ =	strace $0x80000054  }
0xb3: {  	_ =	swait.ge [sflag:s29], $0x1  }
0xb4: {  	[sflag:s29] =	ssyncadd.s32 $0xFFFFFFFF  }
0xb5: {  	_ =	strace $0x90000054  }
0xb6: {  	_ =	sfence  }
0xb7: {  	s30 =	sld [smem:$0x0];
	_ =	sdelay $0x2  }
0xb8: {  	s31 =	sshll.u32 s1, $0xD;
	s1 =	sshrl.u32 s1, $0x2  }
0xb9: {  	s3 =	sand.u32 $0x4000, s31;
	s1 =	sadd.s32 s1, s30  }
0xba: {  	s0 =	sor.u32 s3, s0;
	s1 =	sshll.u32 s1, $0x11  }
0xbb: {  	s0 =	sor.u32 s1, s0  }
0xbc: {  	s0 =	sadd.s32 $0x8F2B, s0  }
0xbd: {  	[sflag:s0] =	ssyncadd.remote.s32 $0x1  }
0xbe: {  	_ =	sfence.sel $0xFFFF  }
0xbf: {  	[dreg:$0x0] =	wrdreg $0xFFFFFFFF;
	(pc) =	sbr.abs _section_cstart, $3  }
0xc0: {  	[dreg:$0x1] =	wrdreg $0xFFFFFFFF  }
0xc1: {  	_ =	task.clear_ibuf [dreg:s6], $0x2FFFF;
	_ =	strace $0x9FFFFFFF  }
0xc2: {  	(tm) =	ssettm $0x7FFFFFFF  }
0xc3: {  	_ =	shalt  }
tec
execute0_lowered:
.L_overlay_start_1:
0x0: {  	(tag) =	ssettag $0x1  }
0x1: {  	s7 =	rddreg [dreg:$0x0]  }
0x2: {  	s0 =	srdreg.scid;
	s2 =	rddreg [dreg:$0x1]  }
0x3: {  	s3 =	simm.s32 $0x0;
	s16 =	simm.s32 $0x2A98;
	s17 =	simm.s32 $0x400  }
0x4: {  	s18 =	simm.s32 $0x5298;
	s19 =	simm.s32 $0x4;
	s22 =	simm.s32 $0x0  }
0x5: {  	s6 =	sand.u32 $0x1, s0;
	s0 =	stileid.u32;
	[smem:$0x7FF] =	sst s3  }
0x6: {  	s5 =	sadd.s32 $0x19000, s7;
	s14 =	sadd.s32 $0x19800, s7;
	s9 =	smul.u32 $0x270, s0  }
0x7: {  	s20 =	sadd.s32 $0x2490, s2;
	s1 =	sshll.u32 s6, $0x4;
	s11 =	smul.u32 $0xA40, s0  }
0x8: {  	s10 =	ssub.s32 $0x2, s6;
	s13 =	smul.u32 $0x2710, s6;
	p0 =	seq.s32 s0, $0xF  }
0x9: {  	s4 =	sor.u32 s0, s1;
	s1 =	rddreg [dreg:$0x2];
	_ =	strace $0x80000053  }
0xa: {  	s12 =	sshrl.u32 s10, $0x1;
	s20 =	sshrl.u32 @p0 s20, $0x3;
	s4 =	smul.u32 $0x500, s4  }
0xb: {  	s10 =	ssub.s32 s10, s12;
	s28 =	sshrl.u32 s11, $0x2;
	s11 =	sadd.s32 $0x2670, s2  }
0xc: {  	s29 =	sadd.s32 s9, s13;
	s13 =	sshrl.u32 s13, $0x3;
	s21 =	sadd.s32 s9, s2  }
0xd: {  	s12 =	sshll.u32 @!p0 s0, $0x6;
	s15 =	sadd.s32 s28, s2;
	s30 =	sshrl.u32 s29, $0x3  }
.Ltmp0:
0xe: {  	s31 =	sadd.s32 s14, s13;
	s10 =	smax.u32 s10, $0x1;
	(pc) =	sbr.rel .LBB2_1-.Ltmp0, $4  }
0xf: {  	s11 =	sshrl.u32 @p0 s11, $0x3;
	s12 =	sor.u32 @!p0 $0x1C05, s12;
	s21 =	sshrl.u32 @!p0 s21, $0x3  }
0x10: {  	s8 =	sadd.s32 s4, s7;
	s4 =	sadd.s32 $0x19200, s7;
	s9 =	sadd.s32 $0x492, s31  }
0x11: {  	s13 =	sshrl.u32 @!p0 s15, $0x3;
	s15 =	simm.s32 $0x5;
	s6 =	sadd.s32 $0xF000, s8  }
0x12: {  	s7 =	sadd.s32 $0x5000, s8;
	s8 =	sadd.s32 s14, s30;
	s14 =	simm.s32 $0x298  }
.LBB2_5:
0x13: {  	_ =	swait.ge [sflag:s19], $0x400  }
0x14: {  	[sflag:s19] =	ssyncset.done $0x0  }
0x15: {  	[sflag:s19] =	ssyncadd.s32 $0xFFFFFC00  }
0x16: {  	s23 =	simm.s32 @p0 $0x1FC5;
	[bflag:$0x0] =	sbarrier.arrive $0xFFFF  }
0x17: {  	[hbm:s9], [sflag:s23] =	dma.local @p0 [spmem:s20], $0x50  }
0x18: {  	s23 =	simm.s32 @p0 $0x5  }
0x19: {  	s22 =	sadd.s32 $0x1, s22;
	_ =	swait.ge @p0 [sflag:s23], $0x50  }
0x1a: {  	p1 =	sne.s32 s22, s10;
	[sflag:s23] =	ssyncset.done @p0 $0x0  }
.Ltmp1:
0x1b: {  	[sflag:s23] =	ssyncadd.s32 @p0 $0xFFFFFFB0;
	s23 =	simm.s32 @!p0 $0x5;
	(pc) =	sbr.rel @!p1 .LBB2_6-.Ltmp1, $4  }
0x1c: {  	[hbm:s8], [sflag:s12] =	dma.local @!p0 [spmem:s21], $0x4E  }
0x1d: {  	_ =	swait.ge @!p0 [sflag:s23], $0x4E  }
0x1e: {  	[sflag:s23] =	ssyncset.done @!p0 $0x0  }
0x1f: {  	[sflag:s23] =	ssyncadd.s32 @!p0 $0xFFFFFFB2  }
.LBB2_1:
0x20: {  	s23 =	simm.s32 @p0 $0x1FC5  }
0x21: {  	[spmem:s11], [sflag:s23] =	dma.local @p0 [hbm:s5], $0x54  }
0x22: {  	s23 =	simm.s32 @p0 $0x5  }
0x23: {  	_ =	swait.ge @p0 [sflag:s23], $0x54  }
0x24: {  	[sflag:s23] =	ssyncset.done @p0 $0x0  }
0x25: {  	[sflag:s23] =	ssyncadd.s32 @p0 $0xFFFFFFAC;
	s23 =	simm.s32 @!p0 $0x5  }
0x26: {  	[spmem:s13], [sflag:s12] =	dma.local @!p0 [hbm:s5], $0x52  }
0x27: {  	_ =	swait.ge @!p0 [sflag:s23], $0x52  }
0x28: {  	[sflag:s23] =	ssyncset.done @!p0 $0x0  }
0x29: {  	[sflag:s23] =	ssyncadd.s32 @!p0 $0xFFFFFFAE  }
0x2a: {  	[tilespmem:s14], [sflag:$0x5] =	stream.linear.gather [hbm4b:s6+s3], $0x2800, $0x38;
	[tilespmem:$0x5A98] =	vst v63  }
0x2b: {  	_ =	swait.ge [sflag:s15], $0x2800  }
0x2c: {  	[sflag:s15] =	ssyncset.done $0x0  }
0x2d: {  	[sflag:s15] =	ssyncadd.s32 $0xFFFFD800  }
0x2e: {  	[tilespmem:s16], [sflag:$0x5] =	stream.linear.gather [hbm4b:s7+s3], $0x2800, $0x38;
	[tilespmem:$0x5A98] =	vst v63  }
.Ltmp2:
0x2f: {  	_ =	swait.ge [sflag:s15], $0x2800;
	(pc) =	sbr.rel .LBB2_2-.Ltmp2, $4  }
0x30: {  	[sflag:s15] =	ssyncset.done $0x0  }
0x31: {  	[sflag:s15] =	ssyncadd.s32 $0xFFFFD800  }
0x32: {  	s24 =	simm.s32 $0x0;
	[bflag:$0x0] =	sbarrier.arrive $0xFFFF  }
0x33: {  	[tilespmem:s18], [sflag:$0x1] =	stream.indirect.gather [hbm4b:s4+s17], $0x1, s14, s17, $0xb8;
	[tilespmem:$0x5A98] =	vst v63  }
.LBB2_4:
0x34: {  	s26 =	sadd.s32 $0x1, s23;
	s28 =	sshll.u32 s23, $0xA;
	p1 =	slt.u32 s25, $0xA  }
.Ltmp3:
0x35: {  	s24 =	sshll.u32 s24, $0xA;
	_ =	swait.ge [sflag:s26], $0x400;
	(pc) =	sbr.rel @!p1 .LBB2_5-.Ltmp3, $4  }
0x36: {  	s31 =	sadd.s32 $0x3, s23;
	s24 =	sand.u32 $0x3FFFFC00, s24;
	[sflag:s26] =	ssyncset.done $0x0  }
0x37: {  	s28 =	sor.u32 $0x5298, s28;
	s24 =	sadd.s32 $0x2A98, s24;
	[sflag:s26] =	ssyncadd.s32 $0xFFFFFC00  }
0x38: {  	[spmem:s2] =	stream.indirect.scatter.add.f32 [tilespmem:s28], [sflag:s31], $0x1, s24, s17, $0xb8;
	[tilespmem:$0x5A98] =	vst v63  }
0x39: {  	s24 =	smov.u32 s25  }
.LBB2_2:
0x3a: {  	p1 =	seq.s32 s24, $0x0  }
0x3b: {  	p2 =	seq.s32 @!p1 s24, $0x9  }
0x3c: {  	s23 =	sand.u32 $0x1, s24;
	p2 =	por p1, !p2  }
.Ltmp4:
0x3d: {  	s26 =	sxor.u32 $0x1, s23;
	(pc) =	sbr.rel @!p2 .LBB2_4-.Ltmp4, $4  }
0x3e: {  	s25 =	sadd.s32 @!p1 $0x3, s26  }
0x3f: {  	_ =	swait.ge @!p1 [sflag:s25], $0x400  }
0x40: {  	[sflag:s25] =	ssyncset.done @!p1 $0x0  }
0x41: {  	[sflag:s25] =	ssyncadd.s32 @!p1 $0xFFFFFC00;
	s25 =	simm.s32 @!p1 $0xA  }
0x42: {  	s25 =	sadd.s32 @!p1 $0x1, s24  }
.Ltmp5:
0x43: {  	s25 =	simm.s32 @p1 $0x1;
	(pc) =	sbr.rel .LBB2_4-.Ltmp5, $4  }
0x44: {  	s28 =	sshll.u32 s25, $0xA  }
0x45: {  	s29 =	sshll.u32 s26, $0xA;
	s28 =	sand.u32 $0x3FFFFC00, s28  }
0x46: {  	s31 =	sadd.s32 $0x1, s26;
	s29 =	sor.u32 $0x5298, s29;
	s28 =	sor.u32 $0x298, s28  }
0x47: {  	[tilespmem:s29], [sflag:s31] =	stream.indirect.gather [hbm4b:s4+s17], $0x1, s28, s17, $0xb8;
	[tilespmem:$0x5A98] =	vst v63  }
.LBB2_6:
0x48: {  	_ =	sfence.sel $0x180000  }
0x49: {  	[bflag:$0x0] =	sbarrier.arrive $0xFFFF  }
0x4a: {  	p0 =	sne.s32 s0, $0x0;
	_ =	strace $0x90000053  }
0x4b: {  	s0 =	sadd.s32 @!p0 $0x100000, s1;
	[bflag:$0x2] =	sbarrier.arrive $0xFFFF  }
0x4c: {  	[sflag:s0] =	ssyncadd.tile.s32 @!p0 $0x1;
	_ =	shalt  }
.Lfunc_end2:
_tile_overlayer_lowered:
.L_overlay_start_2:
0x4d: {  	(tag) =	ssettag $0x2  }
0x4e: {  	s0 =	rddreg [dreg:$0x0];
	s2 =	stileid.u32  }
0x4f: {  	s1 =	rddreg [dreg:$0x1];
	p0 =	sne.s32 s2, $0x0  }
0x50: {  	s3 =	rddreg [dreg:$0x2];
	[bflag:$0x3] =	sbarrier.arrive $0xFFFF;
	s2 =	simm.s32 @!p0 $0x1C05  }
0x51: {  	[timem:s3], [sflag:s2] =	dma.local @!p0 [hbm:s0], s1  }
0x52: {  	s0 =	simm.s32 @!p0 $0x5  }
0x53: {  	_ =	swait.ge @!p0 [sflag:s0], s1  }
0x54: {  	s1 =	ssub.s32 @!p0 $0x0, s1;
	[sflag:s0] =	ssyncset.done @!p0 $0x0  }
0x55: {  	[sflag:s0] =	ssyncadd.s32 @!p0 s1  }
0x56: {  	[bflag:$0x3] =	sbarrier.arrive $0xFFFF  }
0x57: {  	_ =	shalt  }

</sc_bundles>
